<compile_context>
chip_gen: v7x
topology: tpu7x:2x2x1
jax: 0.10.2.dev20260603
libtpu: 0.0.44.dev20260713+nightly
codegen_flags: <defaults>
</compile_context>

<pallas_src>
import functools

import jax
import jax.numpy as jnp
from jax import lax
from jax.experimental import pallas as pl
from jax.experimental.pallas import tpu as pltpu
from jax.experimental.pallas import tpu_sc as plsc

_R, _C = 512, 128
_K = 5
_TOL = 1e-4
_N = 2048 * 32
_NC, _NS, _L = 2, 16, 16
_NW = _NC * _NS
_CHUNK = _N // _NW
_PADR = 8
_PAD = _PADR * _C
_NP = _N + 2 * _PAD
_BIG = 3.4028235e38


def _bitonic_sort_body(x_ref, m_ref, o_ref):
    A = jnp.where(m_ref[...] > 0, x_ref[...], jnp.float32(_BIG))
    cols = lax.broadcasted_iota(jnp.int32, (1, _C), 1)
    rows = lax.broadcasted_iota(jnp.int32, (_R, 1), 0)
    for kk in range(1, 17):
        for j in range(kk - 1, -1, -1):
            s = 1 << j
            if s < _C:
                low = (cols & s) == 0
                Pm, Pp = jnp.roll(A, -s, axis=1), jnp.roll(A, s, axis=1)
            else:
                t = s // _C
                low = (rows & t) == 0
                Pm, Pp = jnp.roll(A, -t, axis=0), jnp.roll(A, t, axis=0)
            if kk < 7:
                take_min = low == ((cols & (1 << kk)) == 0)
            elif kk < 16:
                take_min = low == ((rows & (1 << (kk - 7))) == 0)
            else:
                take_min = low
            P = jnp.where(low, Pm, Pp)
            A = jnp.where(take_min, jnp.minimum(A, P), jnp.maximum(A, P))
    o_ref[pl.ds(0, _PADR), :] = jnp.full((_PADR, _C), -_BIG, jnp.float32)
    o_ref[pl.ds(_PADR, _R), :] = A
    o_ref[pl.ds(_PADR + _R, _PADR), :] = jnp.full((_PADR, _C), _BIG, jnp.float32)


_sort_pool = pl.pallas_call(
    _bitonic_sort_body,
    out_shape=jax.ShapeDtypeStruct((_R + 2 * _PADR, _C), jnp.float32),
)


def _knn_mean(s_ref, q):
    pos = jnp.zeros((_L,), jnp.int32)
    for k in range(16, -1, -1):
        step = 1 << k
        cand = jnp.minimum(pos + step, _N)
        sv = plsc.load_gather(s_ref, [cand + (_PAD - 1)])
        pos = jnp.where(sv < q, cand, pos)
    lidx = pos + (_PAD - 1)
    ridx = pos + _PAD
    acc = jnp.zeros((_L,), jnp.float32)
    for _ in range(_K):
        sl = plsc.load_gather(s_ref, [lidx])
        sr = plsc.load_gather(s_ref, [ridx])
        take_l = (q - sl) <= (sr - q)
        acc = acc + jnp.where(take_l, sl, sr)
        lidx = jnp.where(take_l, lidx - 1, lidx)
        ridx = jnp.where(take_l, ridx, ridx + 1)
    return acc / jnp.float32(_K)


@functools.partial(
    pl.kernel,
    mesh=plsc.VectorSubcoreMesh(
        core_axis_name="c", subcore_axis_name="s", num_cores=_NC, num_subcores=_NS
    ),
    out_type=(
        jax.ShapeDtypeStruct((_N,), jnp.float32),
        jax.ShapeDtypeStruct((_N,), jnp.float32),
        jax.ShapeDtypeStruct((_NW, _L), jnp.float32),
    ),
    scratch_types=[
        pltpu.VMEM((_NP,), jnp.float32),
        pltpu.VMEM((_CHUNK,), jnp.float32),
        pltpu.VMEM((_CHUNK,), jnp.int32),
        pltpu.VMEM((_CHUNK + _L,), jnp.float32),
        pltpu.VMEM((_CHUNK + _L,), jnp.int32),
        pltpu.VMEM((_L,), jnp.float32),
        pltpu.SemaphoreType.DMA,
    ],
    compiler_params=pltpu.CompilerParams(needs_layout_passes=False),
)
def _sc_impute(s_hbm, x_hbm, m_hbm, o1_hbm, o2_hbm, d_hbm,
               s_v, x_v, m_v, mq_v, mi_v, d_v, s_sem):
    wid = lax.axis_index("s") * _NC + lax.axis_index("c")
    base = wid * _CHUNK
    s_cp = pltpu.make_async_copy(s_hbm, s_v, s_sem)
    s_cp.start()
    pltpu.sync_copy(x_hbm.at[pl.ds(base, _CHUNK)], x_v)
    pltpu.sync_copy(m_hbm.at[pl.ds(base, _CHUNK)], m_v)

    lane = lax.iota(jnp.int32, _L)

    def compact(i, cur):
        x = x_v[pl.ds(i * _L, _L)]
        m = m_v[pl.ds(i * _L, _L)]
        miss = m == 0
        plsc.store_compressed(mq_v.at[pl.ds(cur, _L)], x, mask=miss)
        plsc.store_compressed(mi_v.at[pl.ds(cur, _L)], lane + i * _L, mask=miss)
        return cur + jnp.sum(miss.astype(jnp.int32))

    n_miss = lax.fori_loop(0, _CHUNK // _L, compact, jnp.int32(0))
    mq_v[pl.ds(n_miss, _L)] = jnp.zeros((_L,), jnp.float32)
    mi_v[pl.ds(n_miss, _L)] = jnp.zeros((_L,), jnp.int32)
    n_vec = (n_miss + (_L - 1)) // _L
    s_cp.wait()

    def iter1(v, dacc):
        q = mq_v[pl.ds(v * _L, _L)]
        li = mi_v[pl.ds(v * _L, _L)]
        valid = (v * _L + lane) < n_miss
        imp = _knn_mean(s_v, q)
        plsc.store_scatter(x_v, [li], imp, mask=valid)
        return dacc + jnp.where(valid, jnp.abs(imp - q), jnp.float32(0.0))

    d1 = lax.fori_loop(0, n_vec, iter1, jnp.zeros((_L,), jnp.float32))
    d_v[...] = d1
    pltpu.sync_copy(x_v, o1_hbm.at[pl.ds(base, _CHUNK)])

    def iter2(v, c):
        li = mi_v[pl.ds(v * _L, _L)]
        q = plsc.load_gather(x_v, [li])
        valid = (v * _L + lane) < n_miss
        imp = _knn_mean(s_v, q)
        plsc.store_scatter(x_v, [li], imp, mask=valid)
        return c

    lax.fori_loop(0, n_vec, iter2, jnp.int32(0))
    pltpu.sync_copy(x_v, o2_hbm.at[pl.ds(base, _CHUNK)])
    pltpu.sync_copy(d_v, d_hbm.at[wid])


def kernel(X, mask_raw):
    pool_padded = _sort_pool(
        X.reshape(_R, _C), mask_raw.reshape(_R, _C)
    ).reshape(-1)
    xn1, xn2, dparts = _sc_impute(
        pool_padded, X.reshape(-1), mask_raw.reshape(-1)
    )
    diff1 = jnp.sum(dparts)
    out = jnp.where(diff1 < _TOL, xn1, xn2)
    return out.reshape(X.shape)

# --- scband reference (transcript-rebuilt; emitter-appended) ---
"""Pipeline reference for scband-knnimputer-44770739093702 (READ-ONLY COPY).

The authoritative reference and input builder live on the scoring server;
editing this copy changes nothing except your own understanding.
"""

import jax, jax.numpy as jnp
import numpy as np

K_NEIGHBORS = 5
MAX_ITER = 2
TOL = 1e-4
CHUNK = 256


def setup_inputs(seed: int = 0) -> dict:
    key = jax.random.key(seed)
    k1, k2 = jax.random.split(key)
    X = jax.random.normal(k1, (2048, 32), dtype=jnp.float32)
    mask_raw = jax.random.randint(k2, (2048, 32), 0, 10, dtype=jnp.int32)
    return {"X": X, "mask_raw": mask_raw}


def _impute_once(X, mask):
    # observed (known) values never change; missing cells are re-imputed
    flat = X.reshape(-1)
    obs_flat = mask.reshape(-1)
    chunks = flat.reshape(-1, CHUNK)

    def one(v):
        # squared distance from the current cell value to every observed value
        d = (flat - v) ** 2
        d = jnp.where(obs_flat, d, jnp.inf)
        # k smallest distances (torch.topk(..., largest=False))
        _, idx = jax.lax.top_k(-d, K_NEIGHBORS)
        # mean of the k nearest observed values
        return jnp.mean(flat[idx])

    imputed = jax.lax.map(jax.vmap(one), chunks).reshape(X.shape)
    return jnp.where(mask, X, imputed)


def reference(X, mask_raw):
    # fit(): mask of observed entries
    mask = mask_raw > 0

    # forward(): iterative kNN imputation with convergence check
    def cond_fn(carry):
        i, _, diff = carry
        return jnp.logical_and(i < MAX_ITER, diff >= TOL)

    def body_fn(carry):
        i, Xc, _ = carry
        Xn = _impute_once(Xc, mask)
        diff = jnp.sum(jnp.abs(Xn - Xc))
        return i + 1, Xn, diff

    _, X, _ = jax.lax.while_loop(
        cond_fn, body_fn, (jnp.int32(0), X, jnp.float32(jnp.inf))
    )
    return X

if __name__ == "__main__":
    import jax
    _d = setup_inputs()
    print(jax.jit(kernel)(*tuple(_d.values())))

</pallas_src>

<mosaic_0001>
#map = affine_map<(d0, d1) -> (0)>
#map1 = affine_map<(d0, d1) -> (0, 0)>
module attributes {stable_mosaic.version = 14 : i64} {
  func.func @_sc_impute(%arg0: i32, %arg1: i32, %arg2: memref<67584xf32, #tpu.memory_space<hbm>>, %arg3: memref<65536xf32, #tpu.memory_space<hbm>>, %arg4: memref<65536xi32, #tpu.memory_space<hbm>>, %arg5: memref<65536xf32, #tpu.memory_space<hbm>>, %arg6: memref<65536xf32, #tpu.memory_space<hbm>>, %arg7: memref<32x16xf32, #tpu.memory_space<hbm>>, %arg8: memref<67584xf32, #tpu.memory_space<vmem>>, %arg9: memref<2048xf32, #tpu.memory_space<vmem>>, %arg10: memref<2048xi32, #tpu.memory_space<vmem>>, %arg11: memref<2064xf32, #tpu.memory_space<vmem>>, %arg12: memref<2064xi32, #tpu.memory_space<vmem>>, %arg13: memref<16xf32, #tpu.memory_space<vmem>>, %arg14: memref<!tpu.dma_semaphore, #tpu.memory_space<semaphore_mem>>) attributes {dimension_semantics = [#tpu.dimension_semantics<core_parallel>, #tpu.dimension_semantics<subcore_parallel>], iteration_bounds = array<i64: 2, 16>, scalar_prefetch = 0 : i64, scratch_operands = 7 : i64, tpu.core_type = #tpu.core_type<sc_vector_subcore>, window_params = [{transform_indices = #map}, {transform_indices = #map}, {transform_indices = #map}, {transform_indices = #map}, {transform_indices = #map}, {transform_indices = #map1}]} {
    %mul3A = arith.constant 2 : i32
    %mul3A_0 = arith.muli %arg1, %mul3A : i32
    %add3A = arith.addi %mul3A_0, %arg0 : i32
    %mul3A_1 = arith.constant 2048 : i32
    %mul3A_2 = arith.muli %add3A, %mul3A_1 : i32
    tpu.enqueue_dma source(%arg2 : memref<67584xf32, #tpu.memory_space<hbm>>) target(%arg8 : memref<67584xf32, #tpu.memory_space<vmem>>) target_semaphore(%arg14 : memref<!tpu.dma_semaphore, #tpu.memory_space<semaphore_mem>>)
    "tpu.region"() ({
      %run_scoped3A = tpu.sem_alloc : memref<!tpu.dma_semaphore, #tpu.memory_space<semaphore_mem>>
      %dma_start3A = tpu.memref_slice %arg3[%mul3A_2] : memref<65536xf32, #tpu.memory_space<hbm>> -> memref<2048xf32, #tpu.memory_space<hbm>>
      %dma_start3A_57 = tpu.memref_slice %arg3[%mul3A_2] : memref<65536xf32, #tpu.memory_space<hbm>> -> memref<2048xf32, #tpu.memory_space<hbm>>
      tpu.enqueue_dma source(%dma_start3A_57 : memref<2048xf32, #tpu.memory_space<hbm>>) target(%arg9 : memref<2048xf32, #tpu.memory_space<vmem>>) target_semaphore(%run_scoped3A : memref<!tpu.dma_semaphore, #tpu.memory_space<semaphore_mem>>)
      %dma_wait3A = tpu.memref_slice %arg3[%mul3A_2] : memref<65536xf32, #tpu.memory_space<hbm>> -> memref<2048xf32, #tpu.memory_space<hbm>>
      %dma_wait3A_58 = tpu.memref_slice %arg3[%mul3A_2] : memref<65536xf32, #tpu.memory_space<hbm>> -> memref<2048xf32, #tpu.memory_space<hbm>>
      tpu.wait_dma2 semaphore(%run_scoped3A : memref<!tpu.dma_semaphore, #tpu.memory_space<semaphore_mem>>) src(%dma_wait3A_58 : memref<2048xf32, #tpu.memory_space<hbm>>) dst(%arg9 : memref<2048xf32, #tpu.memory_space<vmem>>)
      tpu.yield
    }) : () -> ()
    "tpu.region"() ({
      %run_scoped3A = tpu.sem_alloc : memref<!tpu.dma_semaphore, #tpu.memory_space<semaphore_mem>>
      %dma_start3A = tpu.memref_slice %arg4[%mul3A_2] : memref<65536xi32, #tpu.memory_space<hbm>> -> memref<2048xi32, #tpu.memory_space<hbm>>
      %dma_start3A_57 = tpu.memref_slice %arg4[%mul3A_2] : memref<65536xi32, #tpu.memory_space<hbm>> -> memref<2048xi32, #tpu.memory_space<hbm>>
      tpu.enqueue_dma source(%dma_start3A_57 : memref<2048xi32, #tpu.memory_space<hbm>>) target(%arg10 : memref<2048xi32, #tpu.memory_space<vmem>>) target_semaphore(%run_scoped3A : memref<!tpu.dma_semaphore, #tpu.memory_space<semaphore_mem>>)
      %dma_wait3A = tpu.memref_slice %arg4[%mul3A_2] : memref<65536xi32, #tpu.memory_space<hbm>> -> memref<2048xi32, #tpu.memory_space<hbm>>
      %dma_wait3A_58 = tpu.memref_slice %arg4[%mul3A_2] : memref<65536xi32, #tpu.memory_space<hbm>> -> memref<2048xi32, #tpu.memory_space<hbm>>
      tpu.wait_dma2 semaphore(%run_scoped3A : memref<!tpu.dma_semaphore, #tpu.memory_space<semaphore_mem>>) src(%dma_wait3A_58 : memref<2048xi32, #tpu.memory_space<hbm>>) dst(%arg10 : memref<2048xi32, #tpu.memory_space<vmem>>)
      tpu.yield
    }) : () -> ()
    %iota3A = tpu.iota {dimensions = array<i32: 0>} : vector<16xi32>
    %scan3A = arith.constant 0 : i32
    %scan3A_3 = arith.constant 0 : i32
    %scan3A_4 = arith.constant 128 : i32
    %scan3A_5 = arith.addi %scan3A_3, %scan3A_4 : i32
    %scan3A_6 = arith.constant 1 : i32
    %scan3A_7 = scf.for %scan3A_57 = %scan3A_3 to %scan3A_5 step %scan3A_6 iter_args(%scan3A_58 = %scan3A) -> (i32)  : i32 {
      %mul3A_59 = arith.constant 16 : i32
      %mul3A_60 = arith.muli %scan3A_57, %mul3A_59 : i32
      %get3A = arith.index_cast %mul3A_60 : i32 to index
      %get3A_61 = tpu.vector_load %arg9[%get3A] {strides = array<i32>} : memref<2048xf32, #tpu.memory_space<vmem>>, vector<16xf32>,
      %mul3A_62 = arith.constant 16 : i32
      %mul3A_63 = arith.muli %scan3A_57, %mul3A_62 : i32
      %get3A_64 = arith.index_cast %mul3A_63 : i32 to index
      %get3A_65 = tpu.vector_load %arg10[%get3A_64] {strides = array<i32>} : memref<2048xi32, #tpu.memory_space<vmem>>, vector<16xi32>,
      %eq3A = arith.constant 0 : i32
      %eq3A_66 = vector.broadcast %eq3A : i32 to vector<16xi32>
      %eq3A_67 = arith.cmpi eq, %get3A_65, %eq3A_66 : vector<16xi32>
      %swap3A_68 = arith.index_cast %scan3A_58 : i32 to index
      %swap3A_69 = tpu.vector_load %arg11[%swap3A_68] masked %eq3A_67 {strides = array<i32>} : memref<2064xf32, #tpu.memory_space<vmem>>, vector<16xf32>, vector<16xi1>
      tpu.vector_store %arg11[%swap3A_68], %get3A_61 masked %eq3A_67 {strides = array<i32>} : memref<2064xf32, #tpu.memory_space<vmem>>, vector<16xf32>, vector<16xi1>
      %mul3A_70 = arith.constant 16 : i32
      %mul3A_71 = arith.muli %scan3A_57, %mul3A_70 : i32
      %add3A_72 = vector.broadcast %mul3A_71 : i32 to vector<16xi32>
      %add3A_73 = arith.addi %iota3A, %add3A_72 : vector<16xi32>
      %swap3A_74 = arith.index_cast %scan3A_58 : i32 to index
      %swap3A_75 = tpu.vector_load %arg12[%swap3A_74] masked %eq3A_67 {strides = array<i32>} : memref<2064xi32, #tpu.memory_space<vmem>>, vector<16xi32>, vector<16xi1>
      tpu.vector_store %arg12[%swap3A_74], %add3A_73 masked %eq3A_67 {strides = array<i32>} : memref<2064xi32, #tpu.memory_space<vmem>>, vector<16xi32>, vector<16xi1>
      %convert_element_type3A = arith.extui %eq3A_67 : vector<16xi1> to vector<16xi32>
      %reduce_sum3A = arith.constant true
      %reduce_sum3A_76 = vector.broadcast %reduce_sum3A : i1 to vector<16xi1>
      %reduce_sum3A_77 = tpu.scan <sum>, %convert_element_type3A masked %reduce_sum3A_76 : vector<16xi32>, vector<16xi1> -> vector<16xi32>
      %reduce_sum3A_78 = vector.extract %reduce_sum3A_77[15] : i32 from vector<16xi32>
      %add3A_79 = arith.addi %scan3A_58, %reduce_sum3A_78 : i32
      scf.yield %add3A_79 : i32
    }
    %scan3A_8 = arith.constant 128 : i32
    %broadcast_in_dim3A = arith.constant 0.000000e+00 : f32
    %broadcast_in_dim3A_9 = vector.broadcast %broadcast_in_dim3A : f32 to vector<16xf32>
    %swap3A = arith.index_cast %scan3A_7 : i32 to index
    %swap3A_10 = tpu.vector_load %arg11[%swap3A] {strides = array<i32>} : memref<2064xf32, #tpu.memory_space<vmem>>, vector<16xf32>,
    tpu.vector_store %arg11[%swap3A], %broadcast_in_dim3A_9 {strides = array<i32>} : memref<2064xf32, #tpu.memory_space<vmem>>, vector<16xf32>,
    %broadcast_in_dim3A_11 = arith.constant 0 : i32
    %broadcast_in_dim3A_12 = vector.broadcast %broadcast_in_dim3A_11 : i32 to vector<16xi32>
    %swap3A_13 = arith.index_cast %scan3A_7 : i32 to index
    %swap3A_14 = tpu.vector_load %arg12[%swap3A_13] {strides = array<i32>} : memref<2064xi32, #tpu.memory_space<vmem>>, vector<16xi32>,
    tpu.vector_store %arg12[%swap3A_13], %broadcast_in_dim3A_12 {strides = array<i32>} : memref<2064xi32, #tpu.memory_space<vmem>>, vector<16xi32>,
    %add3A_15 = arith.constant 15 : i32
    %add3A_16 = arith.addi %scan3A_7, %add3A_15 : i32
    %jit3A = arith.constant 16 : i32
    %div3A = arith.divsi %add3A_16, %jit3A : i32
    %sign3A = arith.constant 0 : i32
    %sign3A_17 = arith.cmpi sgt, %add3A_16, %sign3A : i32
    %sign3A_18 = arith.extui %sign3A_17 : i1 to i32
    %sign3A_19 = arith.constant 0 : i32
    %sign3A_20 = arith.cmpi slt, %add3A_16, %sign3A_19 : i32
    %sign3A_21 = arith.extui %sign3A_20 : i1 to i32
    %sign3A_22 = arith.subi %sign3A_18, %sign3A_21 : i32
    %sign3A_23 = arith.constant 0 : i32
    %sign3A_24 = arith.cmpi sgt, %jit3A, %sign3A_23 : i32
    %sign3A_25 = arith.extui %sign3A_24 : i1 to i32
    %sign3A_26 = arith.constant 0 : i32
    %sign3A_27 = arith.cmpi slt, %jit3A, %sign3A_26 : i32
    %sign3A_28 = arith.extui %sign3A_27 : i1 to i32
    %sign3A_29 = arith.subi %sign3A_25, %sign3A_28 : i32
    %ne3A = arith.cmpi ne, %sign3A_22, %sign3A_29 : i32
    %rem3A = arith.remsi %add3A_16, %jit3A : i32
    %ne3A_30 = arith.constant 0 : i32
    %ne3A_31 = arith.cmpi ne, %rem3A, %ne3A_30 : i32
    %and3A = arith.andi %ne3A, %ne3A_31 : i1
    %sub3A = arith.constant 1 : i32
    %sub3A_32 = arith.subi %div3A, %sub3A : i32
    %select_n3A = arith.select %and3A, %sub3A_32, %div3A : i32
    tpu.wait_dma2 semaphore(%arg14 : memref<!tpu.dma_semaphore, #tpu.memory_space<semaphore_mem>>) src(%arg2 : memref<67584xf32, #tpu.memory_space<hbm>>) dst(%arg8 : memref<67584xf32, #tpu.memory_space<vmem>>)
    %broadcast_in_dim3A_33 = arith.constant 0.000000e+00 : f32
    %broadcast_in_dim3A_34 = vector.broadcast %broadcast_in_dim3A_33 : f32 to vector<16xf32>
    %while3A = arith.constant 0 : i32
    %while3A_35 = arith.subi %select_n3A, %while3A : i32
    %while3A_36 = arith.addi %while3A, %while3A_35 : i32
    %while3A_37 = arith.constant 1 : i32
    %while3A_38 = arith.divsi %while3A_35, %while3A_37 : i32
    %while3A_39 = arith.muli %while3A_38, %while3A_37 : i32
    %while3A_40 = arith.addi %while3A, %while3A_39 : i32
    %while3A_41 = arith.constant 1 : i32
    %while3A_42 = scf.for %while3A_57 = %while3A to %while3A_40 step %while3A_41 iter_args(%while3A_58 = %broadcast_in_dim3A_34) -> (vector<16xf32>)  : i32 {
      %mul3A_59 = arith.constant 16 : i32
      %mul3A_60 = arith.muli %while3A_57, %mul3A_59 : i32
      %get3A = arith.index_cast %mul3A_60 : i32 to index
      %get3A_61 = tpu.vector_load %arg11[%get3A] {strides = array<i32>} : memref<2064xf32, #tpu.memory_space<vmem>>, vector<16xf32>,
      %mul3A_62 = arith.constant 16 : i32
      %mul3A_63 = arith.muli %while3A_57, %mul3A_62 : i32
      %get3A_64 = arith.index_cast %mul3A_63 : i32 to index
      %get3A_65 = tpu.vector_load %arg12[%get3A_64] {strides = array<i32>} : memref<2064xi32, #tpu.memory_space<vmem>>, vector<16xi32>,
      %mul3A_66 = arith.constant 16 : i32
      %mul3A_67 = arith.muli %while3A_57, %mul3A_66 : i32
      %add3A_68 = vector.broadcast %mul3A_67 : i32 to vector<16xi32>
      %add3A_69 = arith.addi %add3A_68, %iota3A : vector<16xi32>
      %lt3A = vector.broadcast %scan3A_7 : i32 to vector<16xi32>
      %lt3A_70 = arith.cmpi slt, %add3A_69, %lt3A : vector<16xi32>
      %broadcast_in_dim3A_71 = arith.constant 0 : i32
      %broadcast_in_dim3A_72 = vector.broadcast %broadcast_in_dim3A_71 : i32 to vector<16xi32>
      %add3A_73 = arith.constant 65536 : i32
      %add3A_74 = vector.broadcast %add3A_73 : i32 to vector<16xi32>
      %add3A_75 = arith.addi %broadcast_in_dim3A_72, %add3A_74 : vector<16xi32>
      %min3A = arith.constant 65536 : i32
      %min3A_76 = vector.broadcast %min3A : i32 to vector<16xi32>
      %min3A_77 = arith.minsi %add3A_75, %min3A_76 : vector<16xi32>
      %add3A_78 = arith.constant 1023 : i32
      %add3A_79 = vector.broadcast %add3A_78 : i32 to vector<16xi32>
      %add3A_80 = arith.addi %min3A_77, %add3A_79 : vector<16xi32>
      %gather3A = tpu.vector_load_idx %arg8[%add3A_80] : memref<67584xf32, #tpu.memory_space<vmem>>[vector<16xi32>], vector<16xf32>,
      %lt3A_81 = arith.cmpf olt, %gather3A, %get3A_61 : vector<16xf32>
      %select_n3A_82 = arith.select %lt3A_81, %min3A_77, %broadcast_in_dim3A_72 : vector<16xi1>, vector<16xi32>
      %add3A_83 = arith.constant 32768 : i32
      %add3A_84 = vector.broadcast %add3A_83 : i32 to vector<16xi32>
      %add3A_85 = arith.addi %select_n3A_82, %add3A_84 : vector<16xi32>
      %min3A_86 = arith.constant 65536 : i32
      %min3A_87 = vector.broadcast %min3A_86 : i32 to vector<16xi32>
      %min3A_88 = arith.minsi %add3A_85, %min3A_87 : vector<16xi32>
      %add3A_89 = arith.constant 1023 : i32
      %add3A_90 = vector.broadcast %add3A_89 : i32 to vector<16xi32>
      %add3A_91 = arith.addi %min3A_88, %add3A_90 : vector<16xi32>
      %gather3A_92 = tpu.vector_load_idx %arg8[%add3A_91] : memref<67584xf32, #tpu.memory_space<vmem>>[vector<16xi32>], vector<16xf32>,
      %lt3A_93 = arith.cmpf olt, %gather3A_92, %get3A_61 : vector<16xf32>
      %select_n3A_94 = arith.select %lt3A_93, %min3A_88, %select_n3A_82 : vector<16xi1>, vector<16xi32>
      %add3A_95 = arith.constant 16384 : i32
      %add3A_96 = vector.broadcast %add3A_95 : i32 to vector<16xi32>
      %add3A_97 = arith.addi %select_n3A_94, %add3A_96 : vector<16xi32>
      %min3A_98 = arith.constant 65536 : i32
      %min3A_99 = vector.broadcast %min3A_98 : i32 to vector<16xi32>
      %min3A_100 = arith.minsi %add3A_97, %min3A_99 : vector<16xi32>
      %add3A_101 = arith.constant 1023 : i32
      %add3A_102 = vector.broadcast %add3A_101 : i32 to vector<16xi32>
      %add3A_103 = arith.addi %min3A_100, %add3A_102 : vector<16xi32>
      %gather3A_104 = tpu.vector_load_idx %arg8[%add3A_103] : memref<67584xf32, #tpu.memory_space<vmem>>[vector<16xi32>], vector<16xf32>,
      %lt3A_105 = arith.cmpf olt, %gather3A_104, %get3A_61 : vector<16xf32>
      %select_n3A_106 = arith.select %lt3A_105, %min3A_100, %select_n3A_94 : vector<16xi1>, vector<16xi32>
      %add3A_107 = arith.constant 8192 : i32
      %add3A_108 = vector.broadcast %add3A_107 : i32 to vector<16xi32>
      %add3A_109 = arith.addi %select_n3A_106, %add3A_108 : vector<16xi32>
      %min3A_110 = arith.constant 65536 : i32
      %min3A_111 = vector.broadcast %min3A_110 : i32 to vector<16xi32>
      %min3A_112 = arith.minsi %add3A_109, %min3A_111 : vector<16xi32>
      %add3A_113 = arith.constant 1023 : i32
      %add3A_114 = vector.broadcast %add3A_113 : i32 to vector<16xi32>
      %add3A_115 = arith.addi %min3A_112, %add3A_114 : vector<16xi32>
      %gather3A_116 = tpu.vector_load_idx %arg8[%add3A_115] : memref<67584xf32, #tpu.memory_space<vmem>>[vector<16xi32>], vector<16xf32>,
      %lt3A_117 = arith.cmpf olt, %gather3A_116, %get3A_61 : vector<16xf32>
      %select_n3A_118 = arith.select %lt3A_117, %min3A_112, %select_n3A_106 : vector<16xi1>, vector<16xi32>
      %add3A_119 = arith.constant 4096 : i32
      %add3A_120 = vector.broadcast %add3A_119 : i32 to vector<16xi32>
      %add3A_121 = arith.addi %select_n3A_118, %add3A_120 : vector<16xi32>
      %min3A_122 = arith.constant 65536 : i32
      %min3A_123 = vector.broadcast %min3A_122 : i32 to vector<16xi32>
      %min3A_124 = arith.minsi %add3A_121, %min3A_123 : vector<16xi32>
      %add3A_125 = arith.constant 1023 : i32
      %add3A_126 = vector.broadcast %add3A_125 : i32 to vector<16xi32>
      %add3A_127 = arith.addi %min3A_124, %add3A_126 : vector<16xi32>
      %gather3A_128 = tpu.vector_load_idx %arg8[%add3A_127] : memref<67584xf32, #tpu.memory_space<vmem>>[vector<16xi32>], vector<16xf32>,
      %lt3A_129 = arith.cmpf olt, %gather3A_128, %get3A_61 : vector<16xf32>
      %select_n3A_130 = arith.select %lt3A_129, %min3A_124, %select_n3A_118 : vector<16xi1>, vector<16xi32>
      %add3A_131 = arith.constant 2048 : i32
      %add3A_132 = vector.broadcast %add3A_131 : i32 to vector<16xi32>
      %add3A_133 = arith.addi %select_n3A_130, %add3A_132 : vector<16xi32>
      %min3A_134 = arith.constant 65536 : i32
      %min3A_135 = vector.broadcast %min3A_134 : i32 to vector<16xi32>
      %min3A_136 = arith.minsi %add3A_133, %min3A_135 : vector<16xi32>
      %add3A_137 = arith.constant 1023 : i32
      %add3A_138 = vector.broadcast %add3A_137 : i32 to vector<16xi32>
      %add3A_139 = arith.addi %min3A_136, %add3A_138 : vector<16xi32>
      %gather3A_140 = tpu.vector_load_idx %arg8[%add3A_139] : memref<67584xf32, #tpu.memory_space<vmem>>[vector<16xi32>], vector<16xf32>,
      %lt3A_141 = arith.cmpf olt, %gather3A_140, %get3A_61 : vector<16xf32>
      %select_n3A_142 = arith.select %lt3A_141, %min3A_136, %select_n3A_130 : vector<16xi1>, vector<16xi32>
      %add3A_143 = arith.constant 1024 : i32
      %add3A_144 = vector.broadcast %add3A_143 : i32 to vector<16xi32>
      %add3A_145 = arith.addi %select_n3A_142, %add3A_144 : vector<16xi32>
      %min3A_146 = arith.constant 65536 : i32
      %min3A_147 = vector.broadcast %min3A_146 : i32 to vector<16xi32>
      %min3A_148 = arith.minsi %add3A_145, %min3A_147 : vector<16xi32>
      %add3A_149 = arith.constant 1023 : i32
      %add3A_150 = vector.broadcast %add3A_149 : i32 to vector<16xi32>
      %add3A_151 = arith.addi %min3A_148, %add3A_150 : vector<16xi32>
      %gather3A_152 = tpu.vector_load_idx %arg8[%add3A_151] : memref<67584xf32, #tpu.memory_space<vmem>>[vector<16xi32>], vector<16xf32>,
      %lt3A_153 = arith.cmpf olt, %gather3A_152, %get3A_61 : vector<16xf32>
      %select_n3A_154 = arith.select %lt3A_153, %min3A_148, %select_n3A_142 : vector<16xi1>, vector<16xi32>
      %add3A_155 = arith.constant 512 : i32
      %add3A_156 = vector.broadcast %add3A_155 : i32 to vector<16xi32>
      %add3A_157 = arith.addi %select_n3A_154, %add3A_156 : vector<16xi32>
      %min3A_158 = arith.constant 65536 : i32
      %min3A_159 = vector.broadcast %min3A_158 : i32 to vector<16xi32>
      %min3A_160 = arith.minsi %add3A_157, %min3A_159 : vector<16xi32>
      %add3A_161 = arith.constant 1023 : i32
      %add3A_162 = vector.broadcast %add3A_161 : i32 to vector<16xi32>
      %add3A_163 = arith.addi %min3A_160, %add3A_162 : vector<16xi32>
      %gather3A_164 = tpu.vector_load_idx %arg8[%add3A_163] : memref<67584xf32, #tpu.memory_space<vmem>>[vector<16xi32>], vector<16xf32>,
      %lt3A_165 = arith.cmpf olt, %gather3A_164, %get3A_61 : vector<16xf32>
      %select_n3A_166 = arith.select %lt3A_165, %min3A_160, %select_n3A_154 : vector<16xi1>, vector<16xi32>
      %add3A_167 = arith.constant 256 : i32
      %add3A_168 = vector.broadcast %add3A_167 : i32 to vector<16xi32>
      %add3A_169 = arith.addi %select_n3A_166, %add3A_168 : vector<16xi32>
      %min3A_170 = arith.constant 65536 : i32
      %min3A_171 = vector.broadcast %min3A_170 : i32 to vector<16xi32>
      %min3A_172 = arith.minsi %add3A_169, %min3A_171 : vector<16xi32>
      %add3A_173 = arith.constant 1023 : i32
      %add3A_174 = vector.broadcast %add3A_173 : i32 to vector<16xi32>
      %add3A_175 = arith.addi %min3A_172, %add3A_174 : vector<16xi32>
      %gather3A_176 = tpu.vector_load_idx %arg8[%add3A_175] : memref<67584xf32, #tpu.memory_space<vmem>>[vector<16xi32>], vector<16xf32>,
      %lt3A_177 = arith.cmpf olt, %gather3A_176, %get3A_61 : vector<16xf32>
      %select_n3A_178 = arith.select %lt3A_177, %min3A_172, %select_n3A_166 : vector<16xi1>, vector<16xi32>
      %add3A_179 = arith.constant 128 : i32
      %add3A_180 = vector.broadcast %add3A_179 : i32 to vector<16xi32>
      %add3A_181 = arith.addi %select_n3A_178, %add3A_180 : vector<16xi32>
      %min3A_182 = arith.constant 65536 : i32
      %min3A_183 = vector.broadcast %min3A_182 : i32 to vector<16xi32>
      %min3A_184 = arith.minsi %add3A_181, %min3A_183 : vector<16xi32>
      %add3A_185 = arith.constant 1023 : i32
      %add3A_186 = vector.broadcast %add3A_185 : i32 to vector<16xi32>
      %add3A_187 = arith.addi %min3A_184, %add3A_186 : vector<16xi32>
      %gather3A_188 = tpu.vector_load_idx %arg8[%add3A_187] : memref<67584xf32, #tpu.memory_space<vmem>>[vector<16xi32>], vector<16xf32>,
      %lt3A_189 = arith.cmpf olt, %gather3A_188, %get3A_61 : vector<16xf32>
      %select_n3A_190 = arith.select %lt3A_189, %min3A_184, %select_n3A_178 : vector<16xi1>, vector<16xi32>
      %add3A_191 = arith.constant 64 : i32
      %add3A_192 = vector.broadcast %add3A_191 : i32 to vector<16xi32>
      %add3A_193 = arith.addi %select_n3A_190, %add3A_192 : vector<16xi32>
      %min3A_194 = arith.constant 65536 : i32
      %min3A_195 = vector.broadcast %min3A_194 : i32 to vector<16xi32>
      %min3A_196 = arith.minsi %add3A_193, %min3A_195 : vector<16xi32>
      %add3A_197 = arith.constant 1023 : i32
      %add3A_198 = vector.broadcast %add3A_197 : i32 to vector<16xi32>
      %add3A_199 = arith.addi %min3A_196, %add3A_198 : vector<16xi32>
      %gather3A_200 = tpu.vector_load_idx %arg8[%add3A_199] : memref<67584xf32, #tpu.memory_space<vmem>>[vector<16xi32>], vector<16xf32>,
      %lt3A_201 = arith.cmpf olt, %gather3A_200, %get3A_61 : vector<16xf32>
      %select_n3A_202 = arith.select %lt3A_201, %min3A_196, %select_n3A_190 : vector<16xi1>, vector<16xi32>
      %add3A_203 = arith.constant 32 : i32
      %add3A_204 = vector.broadcast %add3A_203 : i32 to vector<16xi32>
      %add3A_205 = arith.addi %select_n3A_202, %add3A_204 : vector<16xi32>
      %min3A_206 = arith.constant 65536 : i32
      %min3A_207 = vector.broadcast %min3A_206 : i32 to vector<16xi32>
      %min3A_208 = arith.minsi %add3A_205, %min3A_207 : vector<16xi32>
      %add3A_209 = arith.constant 1023 : i32
      %add3A_210 = vector.broadcast %add3A_209 : i32 to vector<16xi32>
      %add3A_211 = arith.addi %min3A_208, %add3A_210 : vector<16xi32>
      %gather3A_212 = tpu.vector_load_idx %arg8[%add3A_211] : memref<67584xf32, #tpu.memory_space<vmem>>[vector<16xi32>], vector<16xf32>,
      %lt3A_213 = arith.cmpf olt, %gather3A_212, %get3A_61 : vector<16xf32>
      %select_n3A_214 = arith.select %lt3A_213, %min3A_208, %select_n3A_202 : vector<16xi1>, vector<16xi32>
      %add3A_215 = arith.constant 16 : i32
      %add3A_216 = vector.broadcast %add3A_215 : i32 to vector<16xi32>
      %add3A_217 = arith.addi %select_n3A_214, %add3A_216 : vector<16xi32>
      %min3A_218 = arith.constant 65536 : i32
      %min3A_219 = vector.broadcast %min3A_218 : i32 to vector<16xi32>
      %min3A_220 = arith.minsi %add3A_217, %min3A_219 : vector<16xi32>
      %add3A_221 = arith.constant 1023 : i32
      %add3A_222 = vector.broadcast %add3A_221 : i32 to vector<16xi32>
      %add3A_223 = arith.addi %min3A_220, %add3A_222 : vector<16xi32>
      %gather3A_224 = tpu.vector_load_idx %arg8[%add3A_223] : memref<67584xf32, #tpu.memory_space<vmem>>[vector<16xi32>], vector<16xf32>,
      %lt3A_225 = arith.cmpf olt, %gather3A_224, %get3A_61 : vector<16xf32>
      %select_n3A_226 = arith.select %lt3A_225, %min3A_220, %select_n3A_214 : vector<16xi1>, vector<16xi32>
      %add3A_227 = arith.constant 8 : i32
      %add3A_228 = vector.broadcast %add3A_227 : i32 to vector<16xi32>
      %add3A_229 = arith.addi %select_n3A_226, %add3A_228 : vector<16xi32>
      %min3A_230 = arith.constant 65536 : i32
      %min3A_231 = vector.broadcast %min3A_230 : i32 to vector<16xi32>
      %min3A_232 = arith.minsi %add3A_229, %min3A_231 : vector<16xi32>
      %add3A_233 = arith.constant 1023 : i32
      %add3A_234 = vector.broadcast %add3A_233 : i32 to vector<16xi32>
      %add3A_235 = arith.addi %min3A_232, %add3A_234 : vector<16xi32>
      %gather3A_236 = tpu.vector_load_idx %arg8[%add3A_235] : memref<67584xf32, #tpu.memory_space<vmem>>[vector<16xi32>], vector<16xf32>,
      %lt3A_237 = arith.cmpf olt, %gather3A_236, %get3A_61 : vector<16xf32>
      %select_n3A_238 = arith.select %lt3A_237, %min3A_232, %select_n3A_226 : vector<16xi1>, vector<16xi32>
      %add3A_239 = arith.constant 4 : i32
      %add3A_240 = vector.broadcast %add3A_239 : i32 to vector<16xi32>
      %add3A_241 = arith.addi %select_n3A_238, %add3A_240 : vector<16xi32>
      %min3A_242 = arith.constant 65536 : i32
      %min3A_243 = vector.broadcast %min3A_242 : i32 to vector<16xi32>
      %min3A_244 = arith.minsi %add3A_241, %min3A_243 : vector<16xi32>
      %add3A_245 = arith.constant 1023 : i32
      %add3A_246 = vector.broadcast %add3A_245 : i32 to vector<16xi32>
      %add3A_247 = arith.addi %min3A_244, %add3A_246 : vector<16xi32>
      %gather3A_248 = tpu.vector_load_idx %arg8[%add3A_247] : memref<67584xf32, #tpu.memory_space<vmem>>[vector<16xi32>], vector<16xf32>,
      %lt3A_249 = arith.cmpf olt, %gather3A_248, %get3A_61 : vector<16xf32>
      %select_n3A_250 = arith.select %lt3A_249, %min3A_244, %select_n3A_238 : vector<16xi1>, vector<16xi32>
      %add3A_251 = arith.constant 2 : i32
      %add3A_252 = vector.broadcast %add3A_251 : i32 to vector<16xi32>
      %add3A_253 = arith.addi %select_n3A_250, %add3A_252 : vector<16xi32>
      %min3A_254 = arith.constant 65536 : i32
      %min3A_255 = vector.broadcast %min3A_254 : i32 to vector<16xi32>
      %min3A_256 = arith.minsi %add3A_253, %min3A_255 : vector<16xi32>
      %add3A_257 = arith.constant 1023 : i32
      %add3A_258 = vector.broadcast %add3A_257 : i32 to vector<16xi32>
      %add3A_259 = arith.addi %min3A_256, %add3A_258 : vector<16xi32>
      %gather3A_260 = tpu.vector_load_idx %arg8[%add3A_259] : memref<67584xf32, #tpu.memory_space<vmem>>[vector<16xi32>], vector<16xf32>,
      %lt3A_261 = arith.cmpf olt, %gather3A_260, %get3A_61 : vector<16xf32>
      %select_n3A_262 = arith.select %lt3A_261, %min3A_256, %select_n3A_250 : vector<16xi1>, vector<16xi32>
      %add3A_263 = arith.constant 1 : i32
      %add3A_264 = vector.broadcast %add3A_263 : i32 to vector<16xi32>
      %add3A_265 = arith.addi %select_n3A_262, %add3A_264 : vector<16xi32>
      %min3A_266 = arith.constant 65536 : i32
      %min3A_267 = vector.broadcast %min3A_266 : i32 to vector<16xi32>
      %min3A_268 = arith.minsi %add3A_265, %min3A_267 : vector<16xi32>
      %add3A_269 = arith.constant 1023 : i32
      %add3A_270 = vector.broadcast %add3A_269 : i32 to vector<16xi32>
      %add3A_271 = arith.addi %min3A_268, %add3A_270 : vector<16xi32>
      %gather3A_272 = tpu.vector_load_idx %arg8[%add3A_271] : memref<67584xf32, #tpu.memory_space<vmem>>[vector<16xi32>], vector<16xf32>,
      %lt3A_273 = arith.cmpf olt, %gather3A_272, %get3A_61 : vector<16xf32>
      %select_n3A_274 = arith.select %lt3A_273, %min3A_268, %select_n3A_262 : vector<16xi1>, vector<16xi32>
      %add3A_275 = arith.constant 1023 : i32
      %add3A_276 = vector.broadcast %add3A_275 : i32 to vector<16xi32>
      %add3A_277 = arith.addi %select_n3A_274, %add3A_276 : vector<16xi32>
      %add3A_278 = arith.constant 1024 : i32
      %add3A_279 = vector.broadcast %add3A_278 : i32 to vector<16xi32>
      %add3A_280 = arith.addi %select_n3A_274, %add3A_279 : vector<16xi32>
      %broadcast_in_dim3A_281 = arith.constant 0.000000e+00 : f32
      %broadcast_in_dim3A_282 = vector.broadcast %broadcast_in_dim3A_281 : f32 to vector<16xf32>
      %gather3A_283 = tpu.vector_load_idx %arg8[%add3A_277] : memref<67584xf32, #tpu.memory_space<vmem>>[vector<16xi32>], vector<16xf32>,
      %gather3A_284 = tpu.vector_load_idx %arg8[%add3A_280] : memref<67584xf32, #tpu.memory_space<vmem>>[vector<16xi32>], vector<16xf32>,
      %sub3A_285 = arith.subf %get3A_61, %gather3A_283 : vector<16xf32>
      %sub3A_286 = arith.subf %gather3A_284, %get3A_61 : vector<16xf32>
      %le3A = arith.cmpf ole, %sub3A_285, %sub3A_286 : vector<16xf32>
      %select_n3A_287 = arith.select %le3A, %gather3A_283, %gather3A_284 : vector<16xi1>, vector<16xf32>
      %add3A_288 = arith.addf %broadcast_in_dim3A_282, %select_n3A_287 : vector<16xf32>
      %sub3A_289 = arith.constant 1 : i32
      %sub3A_290 = vector.broadcast %sub3A_289 : i32 to vector<16xi32>
      %sub3A_291 = arith.subi %add3A_277, %sub3A_290 : vector<16xi32>
      %select_n3A_292 = arith.select %le3A, %sub3A_291, %add3A_277 : vector<16xi1>, vector<16xi32>
      %add3A_293 = arith.constant 1 : i32
      %add3A_294 = vector.broadcast %add3A_293 : i32 to vector<16xi32>
      %add3A_295 = arith.addi %add3A_280, %add3A_294 : vector<16xi32>
      %select_n3A_296 = arith.select %le3A, %add3A_280, %add3A_295 : vector<16xi1>, vector<16xi32>
      %gather3A_297 = tpu.vector_load_idx %arg8[%select_n3A_292] : memref<67584xf32, #tpu.memory_space<vmem>>[vector<16xi32>], vector<16xf32>,
      %gather3A_298 = tpu.vector_load_idx %arg8[%select_n3A_296] : memref<67584xf32, #tpu.memory_space<vmem>>[vector<16xi32>], vector<16xf32>,
      %sub3A_299 = arith.subf %get3A_61, %gather3A_297 : vector<16xf32>
      %sub3A_300 = arith.subf %gather3A_298, %get3A_61 : vector<16xf32>
      %le3A_301 = arith.cmpf ole, %sub3A_299, %sub3A_300 : vector<16xf32>
      %select_n3A_302 = arith.select %le3A_301, %gather3A_297, %gather3A_298 : vector<16xi1>, vector<16xf32>
      %add3A_303 = arith.addf %add3A_288, %select_n3A_302 : vector<16xf32>
      %sub3A_304 = arith.constant 1 : i32
      %sub3A_305 = vector.broadcast %sub3A_304 : i32 to vector<16xi32>
      %sub3A_306 = arith.subi %select_n3A_292, %sub3A_305 : vector<16xi32>
      %select_n3A_307 = arith.select %le3A_301, %sub3A_306, %select_n3A_292 : vector<16xi1>, vector<16xi32>
      %add3A_308 = arith.constant 1 : i32
      %add3A_309 = vector.broadcast %add3A_308 : i32 to vector<16xi32>
      %add3A_310 = arith.addi %select_n3A_296, %add3A_309 : vector<16xi32>
      %select_n3A_311 = arith.select %le3A_301, %select_n3A_296, %add3A_310 : vector<16xi1>, vector<16xi32>
      %gather3A_312 = tpu.vector_load_idx %arg8[%select_n3A_307] : memref<67584xf32, #tpu.memory_space<vmem>>[vector<16xi32>], vector<16xf32>,
      %gather3A_313 = tpu.vector_load_idx %arg8[%select_n3A_311] : memref<67584xf32, #tpu.memory_space<vmem>>[vector<16xi32>], vector<16xf32>,
      %sub3A_314 = arith.subf %get3A_61, %gather3A_312 : vector<16xf32>
      %sub3A_315 = arith.subf %gather3A_313, %get3A_61 : vector<16xf32>
      %le3A_316 = arith.cmpf ole, %sub3A_314, %sub3A_315 : vector<16xf32>
      %select_n3A_317 = arith.select %le3A_316, %gather3A_312, %gather3A_313 : vector<16xi1>, vector<16xf32>
      %add3A_318 = arith.addf %add3A_303, %select_n3A_317 : vector<16xf32>
      %sub3A_319 = arith.constant 1 : i32
      %sub3A_320 = vector.broadcast %sub3A_319 : i32 to vector<16xi32>
      %sub3A_321 = arith.subi %select_n3A_307, %sub3A_320 : vector<16xi32>
      %select_n3A_322 = arith.select %le3A_316, %sub3A_321, %select_n3A_307 : vector<16xi1>, vector<16xi32>
      %add3A_323 = arith.constant 1 : i32
      %add3A_324 = vector.broadcast %add3A_323 : i32 to vector<16xi32>
      %add3A_325 = arith.addi %select_n3A_311, %add3A_324 : vector<16xi32>
      %select_n3A_326 = arith.select %le3A_316, %select_n3A_311, %add3A_325 : vector<16xi1>, vector<16xi32>
      %gather3A_327 = tpu.vector_load_idx %arg8[%select_n3A_322] : memref<67584xf32, #tpu.memory_space<vmem>>[vector<16xi32>], vector<16xf32>,
      %gather3A_328 = tpu.vector_load_idx %arg8[%select_n3A_326] : memref<67584xf32, #tpu.memory_space<vmem>>[vector<16xi32>], vector<16xf32>,
      %sub3A_329 = arith.subf %get3A_61, %gather3A_327 : vector<16xf32>
      %sub3A_330 = arith.subf %gather3A_328, %get3A_61 : vector<16xf32>
      %le3A_331 = arith.cmpf ole, %sub3A_329, %sub3A_330 : vector<16xf32>
      %select_n3A_332 = arith.select %le3A_331, %gather3A_327, %gather3A_328 : vector<16xi1>, vector<16xf32>
      %add3A_333 = arith.addf %add3A_318, %select_n3A_332 : vector<16xf32>
      %sub3A_334 = arith.constant 1 : i32
      %sub3A_335 = vector.broadcast %sub3A_334 : i32 to vector<16xi32>
      %sub3A_336 = arith.subi %select_n3A_322, %sub3A_335 : vector<16xi32>
      %select_n3A_337 = arith.select %le3A_331, %sub3A_336, %select_n3A_322 : vector<16xi1>, vector<16xi32>
      %add3A_338 = arith.constant 1 : i32
      %add3A_339 = vector.broadcast %add3A_338 : i32 to vector<16xi32>
      %add3A_340 = arith.addi %select_n3A_326, %add3A_339 : vector<16xi32>
      %select_n3A_341 = arith.select %le3A_331, %select_n3A_326, %add3A_340 : vector<16xi1>, vector<16xi32>
      %gather3A_342 = tpu.vector_load_idx %arg8[%select_n3A_337] : memref<67584xf32, #tpu.memory_space<vmem>>[vector<16xi32>], vector<16xf32>,
      %gather3A_343 = tpu.vector_load_idx %arg8[%select_n3A_341] : memref<67584xf32, #tpu.memory_space<vmem>>[vector<16xi32>], vector<16xf32>,
      %sub3A_344 = arith.subf %get3A_61, %gather3A_342 : vector<16xf32>
      %sub3A_345 = arith.subf %gather3A_343, %get3A_61 : vector<16xf32>
      %le3A_346 = arith.cmpf ole, %sub3A_344, %sub3A_345 : vector<16xf32>
      %select_n3A_347 = arith.select %le3A_346, %gather3A_342, %gather3A_343 : vector<16xi1>, vector<16xf32>
      %add3A_348 = arith.addf %add3A_333, %select_n3A_347 : vector<16xf32>
      %sub3A_349 = arith.constant 1 : i32
      %sub3A_350 = vector.broadcast %sub3A_349 : i32 to vector<16xi32>
      %sub3A_351 = arith.subi %select_n3A_337, %sub3A_350 : vector<16xi32>
      %select_n3A_352 = arith.select %le3A_346, %sub3A_351, %select_n3A_337 : vector<16xi1>, vector<16xi32>
      %add3A_353 = arith.constant 1 : i32
      %add3A_354 = vector.broadcast %add3A_353 : i32 to vector<16xi32>
      %add3A_355 = arith.addi %select_n3A_341, %add3A_354 : vector<16xi32>
      %select_n3A_356 = arith.select %le3A_346, %select_n3A_341, %add3A_355 : vector<16xi1>, vector<16xi32>
      %div3A_357 = arith.constant 5.000000e+00 : f32
      %div3A_358 = vector.broadcast %div3A_357 : f32 to vector<16xf32>
      %div3A_359 = arith.divf %add3A_348, %div3A_358 : vector<16xf32>
      tpu.vector_store_idx %arg9[%get3A_65], %div3A_359 masked %lt3A_70 : memref<2048xf32, #tpu.memory_space<vmem>>[vector<16xi32>], vector<16xf32>, vector<16xi1>
      %sub3A_360 = arith.subf %div3A_359, %get3A_61 : vector<16xf32>
      %abs3A = math.absf %sub3A_360 : vector<16xf32>
      %jit3A_361 = arith.constant 0.000000e+00 : f32
      %broadcast_in_dim3A_362 = vector.broadcast %jit3A_361 : f32 to vector<16xf32>
      %select_n3A_363 = arith.select %lt3A_70, %abs3A, %broadcast_in_dim3A_362 : vector<16xi1>, vector<16xf32>
      %add3A_364 = arith.addf %while3A_58, %select_n3A_363 : vector<16xf32>
      scf.yield %add3A_364 : vector<16xf32>
    }
    %while3A_43 = arith.constant 1 : i32
    %while3A_44 = scf.for %while3A_57 = %while3A_40 to %while3A_36 step %while3A_43 iter_args(%while3A_58 = %while3A_42) -> (vector<16xf32>)  : i32 {
      %mul3A_59 = arith.constant 16 : i32
      %mul3A_60 = arith.muli %while3A_57, %mul3A_59 : i32
      %get3A = arith.index_cast %mul3A_60 : i32 to index
      %get3A_61 = tpu.vector_load %arg11[%get3A] {strides = array<i32>} : memref<2064xf32, #tpu.memory_space<vmem>>, vector<16xf32>,
      %mul3A_62 = arith.constant 16 : i32
      %mul3A_63 = arith.muli %while3A_57, %mul3A_62 : i32
      %get3A_64 = arith.index_cast %mul3A_63 : i32 to index
      %get3A_65 = tpu.vector_load %arg12[%get3A_64] {strides = array<i32>} : memref<2064xi32, #tpu.memory_space<vmem>>, vector<16xi32>,
      %mul3A_66 = arith.constant 16 : i32
      %mul3A_67 = arith.muli %while3A_57, %mul3A_66 : i32
      %add3A_68 = vector.broadcast %mul3A_67 : i32 to vector<16xi32>
      %add3A_69 = arith.addi %add3A_68, %iota3A : vector<16xi32>
      %lt3A = vector.broadcast %scan3A_7 : i32 to vector<16xi32>
      %lt3A_70 = arith.cmpi slt, %add3A_69, %lt3A : vector<16xi32>
      %broadcast_in_dim3A_71 = arith.constant 0 : i32
      %broadcast_in_dim3A_72 = vector.broadcast %broadcast_in_dim3A_71 : i32 to vector<16xi32>
      %add3A_73 = arith.constant 65536 : i32
      %add3A_74 = vector.broadcast %add3A_73 : i32 to vector<16xi32>
      %add3A_75 = arith.addi %broadcast_in_dim3A_72, %add3A_74 : vector<16xi32>
      %min3A = arith.constant 65536 : i32
      %min3A_76 = vector.broadcast %min3A : i32 to vector<16xi32>
      %min3A_77 = arith.minsi %add3A_75, %min3A_76 : vector<16xi32>
      %add3A_78 = arith.constant 1023 : i32
      %add3A_79 = vector.broadcast %add3A_78 : i32 to vector<16xi32>
      %add3A_80 = arith.addi %min3A_77, %add3A_79 : vector<16xi32>
      %gather3A = tpu.vector_load_idx %arg8[%add3A_80] : memref<67584xf32, #tpu.memory_space<vmem>>[vector<16xi32>], vector<16xf32>,
      %lt3A_81 = arith.cmpf olt, %gather3A, %get3A_61 : vector<16xf32>
      %select_n3A_82 = arith.select %lt3A_81, %min3A_77, %broadcast_in_dim3A_72 : vector<16xi1>, vector<16xi32>
      %add3A_83 = arith.constant 32768 : i32
      %add3A_84 = vector.broadcast %add3A_83 : i32 to vector<16xi32>
      %add3A_85 = arith.addi %select_n3A_82, %add3A_84 : vector<16xi32>
      %min3A_86 = arith.constant 65536 : i32
      %min3A_87 = vector.broadcast %min3A_86 : i32 to vector<16xi32>
      %min3A_88 = arith.minsi %add3A_85, %min3A_87 : vector<16xi32>
      %add3A_89 = arith.constant 1023 : i32
      %add3A_90 = vector.broadcast %add3A_89 : i32 to vector<16xi32>
      %add3A_91 = arith.addi %min3A_88, %add3A_90 : vector<16xi32>
      %gather3A_92 = tpu.vector_load_idx %arg8[%add3A_91] : memref<67584xf32, #tpu.memory_space<vmem>>[vector<16xi32>], vector<16xf32>,
      %lt3A_93 = arith.cmpf olt, %gather3A_92, %get3A_61 : vector<16xf32>
      %select_n3A_94 = arith.select %lt3A_93, %min3A_88, %select_n3A_82 : vector<16xi1>, vector<16xi32>
      %add3A_95 = arith.constant 16384 : i32
      %add3A_96 = vector.broadcast %add3A_95 : i32 to vector<16xi32>
      %add3A_97 = arith.addi %select_n3A_94, %add3A_96 : vector<16xi32>
      %min3A_98 = arith.constant 65536 : i32
      %min3A_99 = vector.broadcast %min3A_98 : i32 to vector<16xi32>
      %min3A_100 = arith.minsi %add3A_97, %min3A_99 : vector<16xi32>
      %add3A_101 = arith.constant 1023 : i32
      %add3A_102 = vector.broadcast %add3A_101 : i32 to vector<16xi32>
      %add3A_103 = arith.addi %min3A_100, %add3A_102 : vector<16xi32>
      %gather3A_104 = tpu.vector_load_idx %arg8[%add3A_103] : memref<67584xf32, #tpu.memory_space<vmem>>[vector<16xi32>], vector<16xf32>,
      %lt3A_105 = arith.cmpf olt, %gather3A_104, %get3A_61 : vector<16xf32>
      %select_n3A_106 = arith.select %lt3A_105, %min3A_100, %select_n3A_94 : vector<16xi1>, vector<16xi32>
      %add3A_107 = arith.constant 8192 : i32
      %add3A_108 = vector.broadcast %add3A_107 : i32 to vector<16xi32>
      %add3A_109 = arith.addi %select_n3A_106, %add3A_108 : vector<16xi32>
      %min3A_110 = arith.constant 65536 : i32
      %min3A_111 = vector.broadcast %min3A_110 : i32 to vector<16xi32>
      %min3A_112 = arith.minsi %add3A_109, %min3A_111 : vector<16xi32>
      %add3A_113 = arith.constant 1023 : i32
      %add3A_114 = vector.broadcast %add3A_113 : i32 to vector<16xi32>
      %add3A_115 = arith.addi %min3A_112, %add3A_114 : vector<16xi32>
      %gather3A_116 = tpu.vector_load_idx %arg8[%add3A_115] : memref<67584xf32, #tpu.memory_space<vmem>>[vector<16xi32>], vector<16xf32>,
      %lt3A_117 = arith.cmpf olt, %gather3A_116, %get3A_61 : vector<16xf32>
      %select_n3A_118 = arith.select %lt3A_117, %min3A_112, %select_n3A_106 : vector<16xi1>, vector<16xi32>
      %add3A_119 = arith.constant 4096 : i32
      %add3A_120 = vector.broadcast %add3A_119 : i32 to vector<16xi32>
      %add3A_121 = arith.addi %select_n3A_118, %add3A_120 : vector<16xi32>
      %min3A_122 = arith.constant 65536 : i32
      %min3A_123 = vector.broadcast %min3A_122 : i32 to vector<16xi32>
      %min3A_124 = arith.minsi %add3A_121, %min3A_123 : vector<16xi32>
      %add3A_125 = arith.constant 1023 : i32
      %add3A_126 = vector.broadcast %add3A_125 : i32 to vector<16xi32>
      %add3A_127 = arith.addi %min3A_124, %add3A_126 : vector<16xi32>
      %gather3A_128 = tpu.vector_load_idx %arg8[%add3A_127] : memref<67584xf32, #tpu.memory_space<vmem>>[vector<16xi32>], vector<16xf32>,
      %lt3A_129 = arith.cmpf olt, %gather3A_128, %get3A_61 : vector<16xf32>
      %select_n3A_130 = arith.select %lt3A_129, %min3A_124, %select_n3A_118 : vector<16xi1>, vector<16xi32>
      %add3A_131 = arith.constant 2048 : i32
      %add3A_132 = vector.broadcast %add3A_131 : i32 to vector<16xi32>
      %add3A_133 = arith.addi %select_n3A_130, %add3A_132 : vector<16xi32>
      %min3A_134 = arith.constant 65536 : i32
      %min3A_135 = vector.broadcast %min3A_134 : i32 to vector<16xi32>
      %min3A_136 = arith.minsi %add3A_133, %min3A_135 : vector<16xi32>
      %add3A_137 = arith.constant 1023 : i32
      %add3A_138 = vector.broadcast %add3A_137 : i32 to vector<16xi32>
      %add3A_139 = arith.addi %min3A_136, %add3A_138 : vector<16xi32>
      %gather3A_140 = tpu.vector_load_idx %arg8[%add3A_139] : memref<67584xf32, #tpu.memory_space<vmem>>[vector<16xi32>], vector<16xf32>,
      %lt3A_141 = arith.cmpf olt, %gather3A_140, %get3A_61 : vector<16xf32>
      %select_n3A_142 = arith.select %lt3A_141, %min3A_136, %select_n3A_130 : vector<16xi1>, vector<16xi32>
      %add3A_143 = arith.constant 1024 : i32
      %add3A_144 = vector.broadcast %add3A_143 : i32 to vector<16xi32>
      %add3A_145 = arith.addi %select_n3A_142, %add3A_144 : vector<16xi32>
      %min3A_146 = arith.constant 65536 : i32
      %min3A_147 = vector.broadcast %min3A_146 : i32 to vector<16xi32>
      %min3A_148 = arith.minsi %add3A_145, %min3A_147 : vector<16xi32>
      %add3A_149 = arith.constant 1023 : i32
      %add3A_150 = vector.broadcast %add3A_149 : i32 to vector<16xi32>
      %add3A_151 = arith.addi %min3A_148, %add3A_150 : vector<16xi32>
      %gather3A_152 = tpu.vector_load_idx %arg8[%add3A_151] : memref<67584xf32, #tpu.memory_space<vmem>>[vector<16xi32>], vector<16xf32>,
      %lt3A_153 = arith.cmpf olt, %gather3A_152, %get3A_61 : vector<16xf32>
      %select_n3A_154 = arith.select %lt3A_153, %min3A_148, %select_n3A_142 : vector<16xi1>, vector<16xi32>
      %add3A_155 = arith.constant 512 : i32
      %add3A_156 = vector.broadcast %add3A_155 : i32 to vector<16xi32>
      %add3A_157 = arith.addi %select_n3A_154, %add3A_156 : vector<16xi32>
      %min3A_158 = arith.constant 65536 : i32
      %min3A_159 = vector.broadcast %min3A_158 : i32 to vector<16xi32>
      %min3A_160 = arith.minsi %add3A_157, %min3A_159 : vector<16xi32>
      %add3A_161 = arith.constant 1023 : i32
      %add3A_162 = vector.broadcast %add3A_161 : i32 to vector<16xi32>
      %add3A_163 = arith.addi %min3A_160, %add3A_162 : vector<16xi32>
      %gather3A_164 = tpu.vector_load_idx %arg8[%add3A_163] : memref<67584xf32, #tpu.memory_space<vmem>>[vector<16xi32>], vector<16xf32>,
      %lt3A_165 = arith.cmpf olt, %gather3A_164, %get3A_61 : vector<16xf32>
      %select_n3A_166 = arith.select %lt3A_165, %min3A_160, %select_n3A_154 : vector<16xi1>, vector<16xi32>
      %add3A_167 = arith.constant 256 : i32
      %add3A_168 = vector.broadcast %add3A_167 : i32 to vector<16xi32>
      %add3A_169 = arith.addi %select_n3A_166, %add3A_168 : vector<16xi32>
      %min3A_170 = arith.constant 65536 : i32
      %min3A_171 = vector.broadcast %min3A_170 : i32 to vector<16xi32>
      %min3A_172 = arith.minsi %add3A_169, %min3A_171 : vector<16xi32>
      %add3A_173 = arith.constant 1023 : i32
      %add3A_174 = vector.broadcast %add3A_173 : i32 to vector<16xi32>
      %add3A_175 = arith.addi %min3A_172, %add3A_174 : vector<16xi32>
      %gather3A_176 = tpu.vector_load_idx %arg8[%add3A_175] : memref<67584xf32, #tpu.memory_space<vmem>>[vector<16xi32>], vector<16xf32>,
      %lt3A_177 = arith.cmpf olt, %gather3A_176, %get3A_61 : vector<16xf32>
      %select_n3A_178 = arith.select %lt3A_177, %min3A_172, %select_n3A_166 : vector<16xi1>, vector<16xi32>
      %add3A_179 = arith.constant 128 : i32
      %add3A_180 = vector.broadcast %add3A_179 : i32 to vector<16xi32>
      %add3A_181 = arith.addi %select_n3A_178, %add3A_180 : vector<16xi32>
      %min3A_182 = arith.constant 65536 : i32
      %min3A_183 = vector.broadcast %min3A_182 : i32 to vector<16xi32>
      %min3A_184 = arith.minsi %add3A_181, %min3A_183 : vector<16xi32>
      %add3A_185 = arith.constant 1023 : i32
      %add3A_186 = vector.broadcast %add3A_185 : i32 to vector<16xi32>
      %add3A_187 = arith.addi %min3A_184, %add3A_186 : vector<16xi32>
      %gather3A_188 = tpu.vector_load_idx %arg8[%add3A_187] : memref<67584xf32, #tpu.memory_space<vmem>>[vector<16xi32>], vector<16xf32>,
      %lt3A_189 = arith.cmpf olt, %gather3A_188, %get3A_61 : vector<16xf32>
      %select_n3A_190 = arith.select %lt3A_189, %min3A_184, %select_n3A_178 : vector<16xi1>, vector<16xi32>
      %add3A_191 = arith.constant 64 : i32
      %add3A_192 = vector.broadcast %add3A_191 : i32 to vector<16xi32>
      %add3A_193 = arith.addi %select_n3A_190, %add3A_192 : vector<16xi32>
      %min3A_194 = arith.constant 65536 : i32
      %min3A_195 = vector.broadcast %min3A_194 : i32 to vector<16xi32>
      %min3A_196 = arith.minsi %add3A_193, %min3A_195 : vector<16xi32>
      %add3A_197 = arith.constant 1023 : i32
      %add3A_198 = vector.broadcast %add3A_197 : i32 to vector<16xi32>
      %add3A_199 = arith.addi %min3A_196, %add3A_198 : vector<16xi32>
      %gather3A_200 = tpu.vector_load_idx %arg8[%add3A_199] : memref<67584xf32, #tpu.memory_space<vmem>>[vector<16xi32>], vector<16xf32>,
      %lt3A_201 = arith.cmpf olt, %gather3A_200, %get3A_61 : vector<16xf32>
      %select_n3A_202 = arith.select %lt3A_201, %min3A_196, %select_n3A_190 : vector<16xi1>, vector<16xi32>
      %add3A_203 = arith.constant 32 : i32
      %add3A_204 = vector.broadcast %add3A_203 : i32 to vector<16xi32>
      %add3A_205 = arith.addi %select_n3A_202, %add3A_204 : vector<16xi32>
      %min3A_206 = arith.constant 65536 : i32
      %min3A_207 = vector.broadcast %min3A_206 : i32 to vector<16xi32>
      %min3A_208 = arith.minsi %add3A_205, %min3A_207 : vector<16xi32>
      %add3A_209 = arith.constant 1023 : i32
      %add3A_210 = vector.broadcast %add3A_209 : i32 to vector<16xi32>
      %add3A_211 = arith.addi %min3A_208, %add3A_210 : vector<16xi32>
      %gather3A_212 = tpu.vector_load_idx %arg8[%add3A_211] : memref<67584xf32, #tpu.memory_space<vmem>>[vector<16xi32>], vector<16xf32>,
      %lt3A_213 = arith.cmpf olt, %gather3A_212, %get3A_61 : vector<16xf32>
      %select_n3A_214 = arith.select %lt3A_213, %min3A_208, %select_n3A_202 : vector<16xi1>, vector<16xi32>
      %add3A_215 = arith.constant 16 : i32
      %add3A_216 = vector.broadcast %add3A_215 : i32 to vector<16xi32>
      %add3A_217 = arith.addi %select_n3A_214, %add3A_216 : vector<16xi32>
      %min3A_218 = arith.constant 65536 : i32
      %min3A_219 = vector.broadcast %min3A_218 : i32 to vector<16xi32>
      %min3A_220 = arith.minsi %add3A_217, %min3A_219 : vector<16xi32>
      %add3A_221 = arith.constant 1023 : i32
      %add3A_222 = vector.broadcast %add3A_221 : i32 to vector<16xi32>
      %add3A_223 = arith.addi %min3A_220, %add3A_222 : vector<16xi32>
      %gather3A_224 = tpu.vector_load_idx %arg8[%add3A_223] : memref<67584xf32, #tpu.memory_space<vmem>>[vector<16xi32>], vector<16xf32>,
      %lt3A_225 = arith.cmpf olt, %gather3A_224, %get3A_61 : vector<16xf32>
      %select_n3A_226 = arith.select %lt3A_225, %min3A_220, %select_n3A_214 : vector<16xi1>, vector<16xi32>
      %add3A_227 = arith.constant 8 : i32
      %add3A_228 = vector.broadcast %add3A_227 : i32 to vector<16xi32>
      %add3A_229 = arith.addi %select_n3A_226, %add3A_228 : vector<16xi32>
      %min3A_230 = arith.constant 65536 : i32
      %min3A_231 = vector.broadcast %min3A_230 : i32 to vector<16xi32>
      %min3A_232 = arith.minsi %add3A_229, %min3A_231 : vector<16xi32>
      %add3A_233 = arith.constant 1023 : i32
      %add3A_234 = vector.broadcast %add3A_233 : i32 to vector<16xi32>
      %add3A_235 = arith.addi %min3A_232, %add3A_234 : vector<16xi32>
      %gather3A_236 = tpu.vector_load_idx %arg8[%add3A_235] : memref<67584xf32, #tpu.memory_space<vmem>>[vector<16xi32>], vector<16xf32>,
      %lt3A_237 = arith.cmpf olt, %gather3A_236, %get3A_61 : vector<16xf32>
      %select_n3A_238 = arith.select %lt3A_237, %min3A_232, %select_n3A_226 : vector<16xi1>, vector<16xi32>
      %add3A_239 = arith.constant 4 : i32
      %add3A_240 = vector.broadcast %add3A_239 : i32 to vector<16xi32>
      %add3A_241 = arith.addi %select_n3A_238, %add3A_240 : vector<16xi32>
      %min3A_242 = arith.constant 65536 : i32
      %min3A_243 = vector.broadcast %min3A_242 : i32 to vector<16xi32>
      %min3A_244 = arith.minsi %add3A_241, %min3A_243 : vector<16xi32>
      %add3A_245 = arith.constant 1023 : i32
      %add3A_246 = vector.broadcast %add3A_245 : i32 to vector<16xi32>
      %add3A_247 = arith.addi %min3A_244, %add3A_246 : vector<16xi32>
      %gather3A_248 = tpu.vector_load_idx %arg8[%add3A_247] : memref<67584xf32, #tpu.memory_space<vmem>>[vector<16xi32>], vector<16xf32>,
      %lt3A_249 = arith.cmpf olt, %gather3A_248, %get3A_61 : vector<16xf32>
      %select_n3A_250 = arith.select %lt3A_249, %min3A_244, %select_n3A_238 : vector<16xi1>, vector<16xi32>
      %add3A_251 = arith.constant 2 : i32
      %add3A_252 = vector.broadcast %add3A_251 : i32 to vector<16xi32>
      %add3A_253 = arith.addi %select_n3A_250, %add3A_252 : vector<16xi32>
      %min3A_254 = arith.constant 65536 : i32
      %min3A_255 = vector.broadcast %min3A_254 : i32 to vector<16xi32>
      %min3A_256 = arith.minsi %add3A_253, %min3A_255 : vector<16xi32>
      %add3A_257 = arith.constant 1023 : i32
      %add3A_258 = vector.broadcast %add3A_257 : i32 to vector<16xi32>
      %add3A_259 = arith.addi %min3A_256, %add3A_258 : vector<16xi32>
      %gather3A_260 = tpu.vector_load_idx %arg8[%add3A_259] : memref<67584xf32, #tpu.memory_space<vmem>>[vector<16xi32>], vector<16xf32>,
      %lt3A_261 = arith.cmpf olt, %gather3A_260, %get3A_61 : vector<16xf32>
      %select_n3A_262 = arith.select %lt3A_261, %min3A_256, %select_n3A_250 : vector<16xi1>, vector<16xi32>
      %add3A_263 = arith.constant 1 : i32
      %add3A_264 = vector.broadcast %add3A_263 : i32 to vector<16xi32>
      %add3A_265 = arith.addi %select_n3A_262, %add3A_264 : vector<16xi32>
      %min3A_266 = arith.constant 65536 : i32
      %min3A_267 = vector.broadcast %min3A_266 : i32 to vector<16xi32>
      %min3A_268 = arith.minsi %add3A_265, %min3A_267 : vector<16xi32>
      %add3A_269 = arith.constant 1023 : i32
      %add3A_270 = vector.broadcast %add3A_269 : i32 to vector<16xi32>
      %add3A_271 = arith.addi %min3A_268, %add3A_270 : vector<16xi32>
      %gather3A_272 = tpu.vector_load_idx %arg8[%add3A_271] : memref<67584xf32, #tpu.memory_space<vmem>>[vector<16xi32>], vector<16xf32>,
      %lt3A_273 = arith.cmpf olt, %gather3A_272, %get3A_61 : vector<16xf32>
      %select_n3A_274 = arith.select %lt3A_273, %min3A_268, %select_n3A_262 : vector<16xi1>, vector<16xi32>
      %add3A_275 = arith.constant 1023 : i32
      %add3A_276 = vector.broadcast %add3A_275 : i32 to vector<16xi32>
      %add3A_277 = arith.addi %select_n3A_274, %add3A_276 : vector<16xi32>
      %add3A_278 = arith.constant 1024 : i32
      %add3A_279 = vector.broadcast %add3A_278 : i32 to vector<16xi32>
      %add3A_280 = arith.addi %select_n3A_274, %add3A_279 : vector<16xi32>
      %broadcast_in_dim3A_281 = arith.constant 0.000000e+00 : f32
      %broadcast_in_dim3A_282 = vector.broadcast %broadcast_in_dim3A_281 : f32 to vector<16xf32>
      %gather3A_283 = tpu.vector_load_idx %arg8[%add3A_277] : memref<67584xf32, #tpu.memory_space<vmem>>[vector<16xi32>], vector<16xf32>,
      %gather3A_284 = tpu.vector_load_idx %arg8[%add3A_280] : memref<67584xf32, #tpu.memory_space<vmem>>[vector<16xi32>], vector<16xf32>,
      %sub3A_285 = arith.subf %get3A_61, %gather3A_283 : vector<16xf32>
      %sub3A_286 = arith.subf %gather3A_284, %get3A_61 : vector<16xf32>
      %le3A = arith.cmpf ole, %sub3A_285, %sub3A_286 : vector<16xf32>
      %select_n3A_287 = arith.select %le3A, %gather3A_283, %gather3A_284 : vector<16xi1>, vector<16xf32>
      %add3A_288 = arith.addf %broadcast_in_dim3A_282, %select_n3A_287 : vector<16xf32>
      %sub3A_289 = arith.constant 1 : i32
      %sub3A_290 = vector.broadcast %sub3A_289 : i32 to vector<16xi32>
      %sub3A_291 = arith.subi %add3A_277, %sub3A_290 : vector<16xi32>
      %select_n3A_292 = arith.select %le3A, %sub3A_291, %add3A_277 : vector<16xi1>, vector<16xi32>
      %add3A_293 = arith.constant 1 : i32
      %add3A_294 = vector.broadcast %add3A_293 : i32 to vector<16xi32>
      %add3A_295 = arith.addi %add3A_280, %add3A_294 : vector<16xi32>
      %select_n3A_296 = arith.select %le3A, %add3A_280, %add3A_295 : vector<16xi1>, vector<16xi32>
      %gather3A_297 = tpu.vector_load_idx %arg8[%select_n3A_292] : memref<67584xf32, #tpu.memory_space<vmem>>[vector<16xi32>], vector<16xf32>,
      %gather3A_298 = tpu.vector_load_idx %arg8[%select_n3A_296] : memref<67584xf32, #tpu.memory_space<vmem>>[vector<16xi32>], vector<16xf32>,
      %sub3A_299 = arith.subf %get3A_61, %gather3A_297 : vector<16xf32>
      %sub3A_300 = arith.subf %gather3A_298, %get3A_61 : vector<16xf32>
      %le3A_301 = arith.cmpf ole, %sub3A_299, %sub3A_300 : vector<16xf32>
      %select_n3A_302 = arith.select %le3A_301, %gather3A_297, %gather3A_298 : vector<16xi1>, vector<16xf32>
      %add3A_303 = arith.addf %add3A_288, %select_n3A_302 : vector<16xf32>
      %sub3A_304 = arith.constant 1 : i32
      %sub3A_305 = vector.broadcast %sub3A_304 : i32 to vector<16xi32>
      %sub3A_306 = arith.subi %select_n3A_292, %sub3A_305 : vector<16xi32>
      %select_n3A_307 = arith.select %le3A_301, %sub3A_306, %select_n3A_292 : vector<16xi1>, vector<16xi32>
      %add3A_308 = arith.constant 1 : i32
      %add3A_309 = vector.broadcast %add3A_308 : i32 to vector<16xi32>
      %add3A_310 = arith.addi %select_n3A_296, %add3A_309 : vector<16xi32>
      %select_n3A_311 = arith.select %le3A_301, %select_n3A_296, %add3A_310 : vector<16xi1>, vector<16xi32>
      %gather3A_312 = tpu.vector_load_idx %arg8[%select_n3A_307] : memref<67584xf32, #tpu.memory_space<vmem>>[vector<16xi32>], vector<16xf32>,
      %gather3A_313 = tpu.vector_load_idx %arg8[%select_n3A_311] : memref<67584xf32, #tpu.memory_space<vmem>>[vector<16xi32>], vector<16xf32>,
      %sub3A_314 = arith.subf %get3A_61, %gather3A_312 : vector<16xf32>
      %sub3A_315 = arith.subf %gather3A_313, %get3A_61 : vector<16xf32>
      %le3A_316 = arith.cmpf ole, %sub3A_314, %sub3A_315 : vector<16xf32>
      %select_n3A_317 = arith.select %le3A_316, %gather3A_312, %gather3A_313 : vector<16xi1>, vector<16xf32>
      %add3A_318 = arith.addf %add3A_303, %select_n3A_317 : vector<16xf32>
      %sub3A_319 = arith.constant 1 : i32
      %sub3A_320 = vector.broadcast %sub3A_319 : i32 to vector<16xi32>
      %sub3A_321 = arith.subi %select_n3A_307, %sub3A_320 : vector<16xi32>
      %select_n3A_322 = arith.select %le3A_316, %sub3A_321, %select_n3A_307 : vector<16xi1>, vector<16xi32>
      %add3A_323 = arith.constant 1 : i32
      %add3A_324 = vector.broadcast %add3A_323 : i32 to vector<16xi32>
      %add3A_325 = arith.addi %select_n3A_311, %add3A_324 : vector<16xi32>
      %select_n3A_326 = arith.select %le3A_316, %select_n3A_311, %add3A_325 : vector<16xi1>, vector<16xi32>
      %gather3A_327 = tpu.vector_load_idx %arg8[%select_n3A_322] : memref<67584xf32, #tpu.memory_space<vmem>>[vector<16xi32>], vector<16xf32>,
      %gather3A_328 = tpu.vector_load_idx %arg8[%select_n3A_326] : memref<67584xf32, #tpu.memory_space<vmem>>[vector<16xi32>], vector<16xf32>,
      %sub3A_329 = arith.subf %get3A_61, %gather3A_327 : vector<16xf32>
      %sub3A_330 = arith.subf %gather3A_328, %get3A_61 : vector<16xf32>
      %le3A_331 = arith.cmpf ole, %sub3A_329, %sub3A_330 : vector<16xf32>
      %select_n3A_332 = arith.select %le3A_331, %gather3A_327, %gather3A_328 : vector<16xi1>, vector<16xf32>
      %add3A_333 = arith.addf %add3A_318, %select_n3A_332 : vector<16xf32>
      %sub3A_334 = arith.constant 1 : i32
      %sub3A_335 = vector.broadcast %sub3A_334 : i32 to vector<16xi32>
      %sub3A_336 = arith.subi %select_n3A_322, %sub3A_335 : vector<16xi32>
      %select_n3A_337 = arith.select %le3A_331, %sub3A_336, %select_n3A_322 : vector<16xi1>, vector<16xi32>
      %add3A_338 = arith.constant 1 : i32
      %add3A_339 = vector.broadcast %add3A_338 : i32 to vector<16xi32>
      %add3A_340 = arith.addi %select_n3A_326, %add3A_339 : vector<16xi32>
      %select_n3A_341 = arith.select %le3A_331, %select_n3A_326, %add3A_340 : vector<16xi1>, vector<16xi32>
      %gather3A_342 = tpu.vector_load_idx %arg8[%select_n3A_337] : memref<67584xf32, #tpu.memory_space<vmem>>[vector<16xi32>], vector<16xf32>,
      %gather3A_343 = tpu.vector_load_idx %arg8[%select_n3A_341] : memref<67584xf32, #tpu.memory_space<vmem>>[vector<16xi32>], vector<16xf32>,
      %sub3A_344 = arith.subf %get3A_61, %gather3A_342 : vector<16xf32>
      %sub3A_345 = arith.subf %gather3A_343, %get3A_61 : vector<16xf32>
      %le3A_346 = arith.cmpf ole, %sub3A_344, %sub3A_345 : vector<16xf32>
      %select_n3A_347 = arith.select %le3A_346, %gather3A_342, %gather3A_343 : vector<16xi1>, vector<16xf32>
      %add3A_348 = arith.addf %add3A_333, %select_n3A_347 : vector<16xf32>
      %sub3A_349 = arith.constant 1 : i32
      %sub3A_350 = vector.broadcast %sub3A_349 : i32 to vector<16xi32>
      %sub3A_351 = arith.subi %select_n3A_337, %sub3A_350 : vector<16xi32>
      %select_n3A_352 = arith.select %le3A_346, %sub3A_351, %select_n3A_337 : vector<16xi1>, vector<16xi32>
      %add3A_353 = arith.constant 1 : i32
      %add3A_354 = vector.broadcast %add3A_353 : i32 to vector<16xi32>
      %add3A_355 = arith.addi %select_n3A_341, %add3A_354 : vector<16xi32>
      %select_n3A_356 = arith.select %le3A_346, %select_n3A_341, %add3A_355 : vector<16xi1>, vector<16xi32>
      %div3A_357 = arith.constant 5.000000e+00 : f32
      %div3A_358 = vector.broadcast %div3A_357 : f32 to vector<16xf32>
      %div3A_359 = arith.divf %add3A_348, %div3A_358 : vector<16xf32>
      tpu.vector_store_idx %arg9[%get3A_65], %div3A_359 masked %lt3A_70 : memref<2048xf32, #tpu.memory_space<vmem>>[vector<16xi32>], vector<16xf32>, vector<16xi1>
      %sub3A_360 = arith.subf %div3A_359, %get3A_61 : vector<16xf32>
      %abs3A = math.absf %sub3A_360 : vector<16xf32>
      %jit3A_361 = arith.constant 0.000000e+00 : f32
      %broadcast_in_dim3A_362 = vector.broadcast %jit3A_361 : f32 to vector<16xf32>
      %select_n3A_363 = arith.select %lt3A_70, %abs3A, %broadcast_in_dim3A_362 : vector<16xi1>, vector<16xf32>
      %add3A_364 = arith.addf %while3A_58, %select_n3A_363 : vector<16xf32>
      scf.yield %add3A_364 : vector<16xf32>
    }
    %swap3A_45 = arith.constant 0 : index
    %swap3A_46 = tpu.vector_load %arg13[%swap3A_45] {strides = array<i32>} : memref<16xf32, #tpu.memory_space<vmem>>, vector<16xf32>,
    tpu.vector_store %arg13[%swap3A_45], %while3A_44 {strides = array<i32>} : memref<16xf32, #tpu.memory_space<vmem>>, vector<16xf32>,
    "tpu.region"() ({
      %run_scoped3A = tpu.sem_alloc : memref<!tpu.dma_semaphore, #tpu.memory_space<semaphore_mem>>
      %dma_start3A = tpu.memref_slice %arg5[%mul3A_2] : memref<65536xf32, #tpu.memory_space<hbm>> -> memref<2048xf32, #tpu.memory_space<hbm>>
      %dma_start3A_57 = tpu.memref_slice %arg5[%mul3A_2] : memref<65536xf32, #tpu.memory_space<hbm>> -> memref<2048xf32, #tpu.memory_space<hbm>>
      tpu.enqueue_dma source(%arg9 : memref<2048xf32, #tpu.memory_space<vmem>>) target(%dma_start3A_57 : memref<2048xf32, #tpu.memory_space<hbm>>) target_semaphore(%run_scoped3A : memref<!tpu.dma_semaphore, #tpu.memory_space<semaphore_mem>>)
      %dma_wait3A = tpu.memref_slice %arg5[%mul3A_2] : memref<65536xf32, #tpu.memory_space<hbm>> -> memref<2048xf32, #tpu.memory_space<hbm>>
      %dma_wait3A_58 = tpu.memref_slice %arg5[%mul3A_2] : memref<65536xf32, #tpu.memory_space<hbm>> -> memref<2048xf32, #tpu.memory_space<hbm>>
      tpu.wait_dma2 semaphore(%run_scoped3A : memref<!tpu.dma_semaphore, #tpu.memory_space<semaphore_mem>>) src(%arg9 : memref<2048xf32, #tpu.memory_space<vmem>>) dst(%dma_wait3A_58 : memref<2048xf32, #tpu.memory_space<hbm>>)
      tpu.yield
    }) : () -> ()
    %while3A_47 = arith.constant 0 : i32
    %while3A_48 = arith.constant 0 : i32
    %while3A_49 = arith.subi %select_n3A, %while3A_48 : i32
    %while3A_50 = arith.addi %while3A_48, %while3A_49 : i32
    %while3A_51 = arith.constant 1 : i32
    %while3A_52 = arith.divsi %while3A_49, %while3A_51 : i32
    %while3A_53 = arith.muli %while3A_52, %while3A_51 : i32
    %while3A_54 = arith.addi %while3A_48, %while3A_53 : i32
    %while3A_55 = arith.constant 1 : i32
    scf.for %while3A_57 = %while3A_48 to %while3A_54 step %while3A_55  : i32 {
      %mul3A_58 = arith.constant 16 : i32
      %mul3A_59 = arith.muli %while3A_57, %mul3A_58 : i32
      %get3A = arith.index_cast %mul3A_59 : i32 to index
      %get3A_60 = tpu.vector_load %arg12[%get3A] {strides = array<i32>} : memref<2064xi32, #tpu.memory_space<vmem>>, vector<16xi32>,
      %gather3A = tpu.vector_load_idx %arg9[%get3A_60] : memref<2048xf32, #tpu.memory_space<vmem>>[vector<16xi32>], vector<16xf32>,
      %mul3A_61 = arith.constant 16 : i32
      %mul3A_62 = arith.muli %while3A_57, %mul3A_61 : i32
      %add3A_63 = vector.broadcast %mul3A_62 : i32 to vector<16xi32>
      %add3A_64 = arith.addi %add3A_63, %iota3A : vector<16xi32>
      %lt3A = vector.broadcast %scan3A_7 : i32 to vector<16xi32>
      %lt3A_65 = arith.cmpi slt, %add3A_64, %lt3A : vector<16xi32>
      %broadcast_in_dim3A_66 = arith.constant 0 : i32
      %broadcast_in_dim3A_67 = vector.broadcast %broadcast_in_dim3A_66 : i32 to vector<16xi32>
      %add3A_68 = arith.constant 65536 : i32
      %add3A_69 = vector.broadcast %add3A_68 : i32 to vector<16xi32>
      %add3A_70 = arith.addi %broadcast_in_dim3A_67, %add3A_69 : vector<16xi32>
      %min3A = arith.constant 65536 : i32
      %min3A_71 = vector.broadcast %min3A : i32 to vector<16xi32>
      %min3A_72 = arith.minsi %add3A_70, %min3A_71 : vector<16xi32>
      %add3A_73 = arith.constant 1023 : i32
      %add3A_74 = vector.broadcast %add3A_73 : i32 to vector<16xi32>
      %add3A_75 = arith.addi %min3A_72, %add3A_74 : vector<16xi32>
      %gather3A_76 = tpu.vector_load_idx %arg8[%add3A_75] : memref<67584xf32, #tpu.memory_space<vmem>>[vector<16xi32>], vector<16xf32>,
      %lt3A_77 = arith.cmpf olt, %gather3A_76, %gather3A : vector<16xf32>
      %select_n3A_78 = arith.select %lt3A_77, %min3A_72, %broadcast_in_dim3A_67 : vector<16xi1>, vector<16xi32>
      %add3A_79 = arith.constant 32768 : i32
      %add3A_80 = vector.broadcast %add3A_79 : i32 to vector<16xi32>
      %add3A_81 = arith.addi %select_n3A_78, %add3A_80 : vector<16xi32>
      %min3A_82 = arith.constant 65536 : i32
      %min3A_83 = vector.broadcast %min3A_82 : i32 to vector<16xi32>
      %min3A_84 = arith.minsi %add3A_81, %min3A_83 : vector<16xi32>
      %add3A_85 = arith.constant 1023 : i32
      %add3A_86 = vector.broadcast %add3A_85 : i32 to vector<16xi32>
      %add3A_87 = arith.addi %min3A_84, %add3A_86 : vector<16xi32>
      %gather3A_88 = tpu.vector_load_idx %arg8[%add3A_87] : memref<67584xf32, #tpu.memory_space<vmem>>[vector<16xi32>], vector<16xf32>,
      %lt3A_89 = arith.cmpf olt, %gather3A_88, %gather3A : vector<16xf32>
      %select_n3A_90 = arith.select %lt3A_89, %min3A_84, %select_n3A_78 : vector<16xi1>, vector<16xi32>
      %add3A_91 = arith.constant 16384 : i32
      %add3A_92 = vector.broadcast %add3A_91 : i32 to vector<16xi32>
      %add3A_93 = arith.addi %select_n3A_90, %add3A_92 : vector<16xi32>
      %min3A_94 = arith.constant 65536 : i32
      %min3A_95 = vector.broadcast %min3A_94 : i32 to vector<16xi32>
      %min3A_96 = arith.minsi %add3A_93, %min3A_95 : vector<16xi32>
      %add3A_97 = arith.constant 1023 : i32
      %add3A_98 = vector.broadcast %add3A_97 : i32 to vector<16xi32>
      %add3A_99 = arith.addi %min3A_96, %add3A_98 : vector<16xi32>
      %gather3A_100 = tpu.vector_load_idx %arg8[%add3A_99] : memref<67584xf32, #tpu.memory_space<vmem>>[vector<16xi32>], vector<16xf32>,
      %lt3A_101 = arith.cmpf olt, %gather3A_100, %gather3A : vector<16xf32>
      %select_n3A_102 = arith.select %lt3A_101, %min3A_96, %select_n3A_90 : vector<16xi1>, vector<16xi32>
      %add3A_103 = arith.constant 8192 : i32
      %add3A_104 = vector.broadcast %add3A_103 : i32 to vector<16xi32>
      %add3A_105 = arith.addi %select_n3A_102, %add3A_104 : vector<16xi32>
      %min3A_106 = arith.constant 65536 : i32
      %min3A_107 = vector.broadcast %min3A_106 : i32 to vector<16xi32>
      %min3A_108 = arith.minsi %add3A_105, %min3A_107 : vector<16xi32>
      %add3A_109 = arith.constant 1023 : i32
      %add3A_110 = vector.broadcast %add3A_109 : i32 to vector<16xi32>
      %add3A_111 = arith.addi %min3A_108, %add3A_110 : vector<16xi32>
      %gather3A_112 = tpu.vector_load_idx %arg8[%add3A_111] : memref<67584xf32, #tpu.memory_space<vmem>>[vector<16xi32>], vector<16xf32>,
      %lt3A_113 = arith.cmpf olt, %gather3A_112, %gather3A : vector<16xf32>
      %select_n3A_114 = arith.select %lt3A_113, %min3A_108, %select_n3A_102 : vector<16xi1>, vector<16xi32>
      %add3A_115 = arith.constant 4096 : i32
      %add3A_116 = vector.broadcast %add3A_115 : i32 to vector<16xi32>
      %add3A_117 = arith.addi %select_n3A_114, %add3A_116 : vector<16xi32>
      %min3A_118 = arith.constant 65536 : i32
      %min3A_119 = vector.broadcast %min3A_118 : i32 to vector<16xi32>
      %min3A_120 = arith.minsi %add3A_117, %min3A_119 : vector<16xi32>
      %add3A_121 = arith.constant 1023 : i32
      %add3A_122 = vector.broadcast %add3A_121 : i32 to vector<16xi32>
      %add3A_123 = arith.addi %min3A_120, %add3A_122 : vector<16xi32>
      %gather3A_124 = tpu.vector_load_idx %arg8[%add3A_123] : memref<67584xf32, #tpu.memory_space<vmem>>[vector<16xi32>], vector<16xf32>,
      %lt3A_125 = arith.cmpf olt, %gather3A_124, %gather3A : vector<16xf32>
      %select_n3A_126 = arith.select %lt3A_125, %min3A_120, %select_n3A_114 : vector<16xi1>, vector<16xi32>
      %add3A_127 = arith.constant 2048 : i32
      %add3A_128 = vector.broadcast %add3A_127 : i32 to vector<16xi32>
      %add3A_129 = arith.addi %select_n3A_126, %add3A_128 : vector<16xi32>
      %min3A_130 = arith.constant 65536 : i32
      %min3A_131 = vector.broadcast %min3A_130 : i32 to vector<16xi32>
      %min3A_132 = arith.minsi %add3A_129, %min3A_131 : vector<16xi32>
      %add3A_133 = arith.constant 1023 : i32
      %add3A_134 = vector.broadcast %add3A_133 : i32 to vector<16xi32>
      %add3A_135 = arith.addi %min3A_132, %add3A_134 : vector<16xi32>
      %gather3A_136 = tpu.vector_load_idx %arg8[%add3A_135] : memref<67584xf32, #tpu.memory_space<vmem>>[vector<16xi32>], vector<16xf32>,
      %lt3A_137 = arith.cmpf olt, %gather3A_136, %gather3A : vector<16xf32>
      %select_n3A_138 = arith.select %lt3A_137, %min3A_132, %select_n3A_126 : vector<16xi1>, vector<16xi32>
      %add3A_139 = arith.constant 1024 : i32
      %add3A_140 = vector.broadcast %add3A_139 : i32 to vector<16xi32>
      %add3A_141 = arith.addi %select_n3A_138, %add3A_140 : vector<16xi32>
      %min3A_142 = arith.constant 65536 : i32
      %min3A_143 = vector.broadcast %min3A_142 : i32 to vector<16xi32>
      %min3A_144 = arith.minsi %add3A_141, %min3A_143 : vector<16xi32>
      %add3A_145 = arith.constant 1023 : i32
      %add3A_146 = vector.broadcast %add3A_145 : i32 to vector<16xi32>
      %add3A_147 = arith.addi %min3A_144, %add3A_146 : vector<16xi32>
      %gather3A_148 = tpu.vector_load_idx %arg8[%add3A_147] : memref<67584xf32, #tpu.memory_space<vmem>>[vector<16xi32>], vector<16xf32>,
      %lt3A_149 = arith.cmpf olt, %gather3A_148, %gather3A : vector<16xf32>
      %select_n3A_150 = arith.select %lt3A_149, %min3A_144, %select_n3A_138 : vector<16xi1>, vector<16xi32>
      %add3A_151 = arith.constant 512 : i32
      %add3A_152 = vector.broadcast %add3A_151 : i32 to vector<16xi32>
      %add3A_153 = arith.addi %select_n3A_150, %add3A_152 : vector<16xi32>
      %min3A_154 = arith.constant 65536 : i32
      %min3A_155 = vector.broadcast %min3A_154 : i32 to vector<16xi32>
      %min3A_156 = arith.minsi %add3A_153, %min3A_155 : vector<16xi32>
      %add3A_157 = arith.constant 1023 : i32
      %add3A_158 = vector.broadcast %add3A_157 : i32 to vector<16xi32>
      %add3A_159 = arith.addi %min3A_156, %add3A_158 : vector<16xi32>
      %gather3A_160 = tpu.vector_load_idx %arg8[%add3A_159] : memref<67584xf32, #tpu.memory_space<vmem>>[vector<16xi32>], vector<16xf32>,
      %lt3A_161 = arith.cmpf olt, %gather3A_160, %gather3A : vector<16xf32>
      %select_n3A_162 = arith.select %lt3A_161, %min3A_156, %select_n3A_150 : vector<16xi1>, vector<16xi32>
      %add3A_163 = arith.constant 256 : i32
      %add3A_164 = vector.broadcast %add3A_163 : i32 to vector<16xi32>
      %add3A_165 = arith.addi %select_n3A_162, %add3A_164 : vector<16xi32>
      %min3A_166 = arith.constant 65536 : i32
      %min3A_167 = vector.broadcast %min3A_166 : i32 to vector<16xi32>
      %min3A_168 = arith.minsi %add3A_165, %min3A_167 : vector<16xi32>
      %add3A_169 = arith.constant 1023 : i32
      %add3A_170 = vector.broadcast %add3A_169 : i32 to vector<16xi32>
      %add3A_171 = arith.addi %min3A_168, %add3A_170 : vector<16xi32>
      %gather3A_172 = tpu.vector_load_idx %arg8[%add3A_171] : memref<67584xf32, #tpu.memory_space<vmem>>[vector<16xi32>], vector<16xf32>,
      %lt3A_173 = arith.cmpf olt, %gather3A_172, %gather3A : vector<16xf32>
      %select_n3A_174 = arith.select %lt3A_173, %min3A_168, %select_n3A_162 : vector<16xi1>, vector<16xi32>
      %add3A_175 = arith.constant 128 : i32
      %add3A_176 = vector.broadcast %add3A_175 : i32 to vector<16xi32>
      %add3A_177 = arith.addi %select_n3A_174, %add3A_176 : vector<16xi32>
      %min3A_178 = arith.constant 65536 : i32
      %min3A_179 = vector.broadcast %min3A_178 : i32 to vector<16xi32>
      %min3A_180 = arith.minsi %add3A_177, %min3A_179 : vector<16xi32>
      %add3A_181 = arith.constant 1023 : i32
      %add3A_182 = vector.broadcast %add3A_181 : i32 to vector<16xi32>
      %add3A_183 = arith.addi %min3A_180, %add3A_182 : vector<16xi32>
      %gather3A_184 = tpu.vector_load_idx %arg8[%add3A_183] : memref<67584xf32, #tpu.memory_space<vmem>>[vector<16xi32>], vector<16xf32>,
      %lt3A_185 = arith.cmpf olt, %gather3A_184, %gather3A : vector<16xf32>
      %select_n3A_186 = arith.select %lt3A_185, %min3A_180, %select_n3A_174 : vector<16xi1>, vector<16xi32>
      %add3A_187 = arith.constant 64 : i32
      %add3A_188 = vector.broadcast %add3A_187 : i32 to vector<16xi32>
      %add3A_189 = arith.addi %select_n3A_186, %add3A_188 : vector<16xi32>
      %min3A_190 = arith.constant 65536 : i32
      %min3A_191 = vector.broadcast %min3A_190 : i32 to vector<16xi32>
      %min3A_192 = arith.minsi %add3A_189, %min3A_191 : vector<16xi32>
      %add3A_193 = arith.constant 1023 : i32
      %add3A_194 = vector.broadcast %add3A_193 : i32 to vector<16xi32>
      %add3A_195 = arith.addi %min3A_192, %add3A_194 : vector<16xi32>
      %gather3A_196 = tpu.vector_load_idx %arg8[%add3A_195] : memref<67584xf32, #tpu.memory_space<vmem>>[vector<16xi32>], vector<16xf32>,
      %lt3A_197 = arith.cmpf olt, %gather3A_196, %gather3A : vector<16xf32>
      %select_n3A_198 = arith.select %lt3A_197, %min3A_192, %select_n3A_186 : vector<16xi1>, vector<16xi32>
      %add3A_199 = arith.constant 32 : i32
      %add3A_200 = vector.broadcast %add3A_199 : i32 to vector<16xi32>
      %add3A_201 = arith.addi %select_n3A_198, %add3A_200 : vector<16xi32>
      %min3A_202 = arith.constant 65536 : i32
      %min3A_203 = vector.broadcast %min3A_202 : i32 to vector<16xi32>
      %min3A_204 = arith.minsi %add3A_201, %min3A_203 : vector<16xi32>
      %add3A_205 = arith.constant 1023 : i32
      %add3A_206 = vector.broadcast %add3A_205 : i32 to vector<16xi32>
      %add3A_207 = arith.addi %min3A_204, %add3A_206 : vector<16xi32>
      %gather3A_208 = tpu.vector_load_idx %arg8[%add3A_207] : memref<67584xf32, #tpu.memory_space<vmem>>[vector<16xi32>], vector<16xf32>,
      %lt3A_209 = arith.cmpf olt, %gather3A_208, %gather3A : vector<16xf32>
      %select_n3A_210 = arith.select %lt3A_209, %min3A_204, %select_n3A_198 : vector<16xi1>, vector<16xi32>
      %add3A_211 = arith.constant 16 : i32
      %add3A_212 = vector.broadcast %add3A_211 : i32 to vector<16xi32>
      %add3A_213 = arith.addi %select_n3A_210, %add3A_212 : vector<16xi32>
      %min3A_214 = arith.constant 65536 : i32
      %min3A_215 = vector.broadcast %min3A_214 : i32 to vector<16xi32>
      %min3A_216 = arith.minsi %add3A_213, %min3A_215 : vector<16xi32>
      %add3A_217 = arith.constant 1023 : i32
      %add3A_218 = vector.broadcast %add3A_217 : i32 to vector<16xi32>
      %add3A_219 = arith.addi %min3A_216, %add3A_218 : vector<16xi32>
      %gather3A_220 = tpu.vector_load_idx %arg8[%add3A_219] : memref<67584xf32, #tpu.memory_space<vmem>>[vector<16xi32>], vector<16xf32>,
      %lt3A_221 = arith.cmpf olt, %gather3A_220, %gather3A : vector<16xf32>
      %select_n3A_222 = arith.select %lt3A_221, %min3A_216, %select_n3A_210 : vector<16xi1>, vector<16xi32>
      %add3A_223 = arith.constant 8 : i32
      %add3A_224 = vector.broadcast %add3A_223 : i32 to vector<16xi32>
      %add3A_225 = arith.addi %select_n3A_222, %add3A_224 : vector<16xi32>
      %min3A_226 = arith.constant 65536 : i32
      %min3A_227 = vector.broadcast %min3A_226 : i32 to vector<16xi32>
      %min3A_228 = arith.minsi %add3A_225, %min3A_227 : vector<16xi32>
      %add3A_229 = arith.constant 1023 : i32
      %add3A_230 = vector.broadcast %add3A_229 : i32 to vector<16xi32>
      %add3A_231 = arith.addi %min3A_228, %add3A_230 : vector<16xi32>
      %gather3A_232 = tpu.vector_load_idx %arg8[%add3A_231] : memref<67584xf32, #tpu.memory_space<vmem>>[vector<16xi32>], vector<16xf32>,
      %lt3A_233 = arith.cmpf olt, %gather3A_232, %gather3A : vector<16xf32>
      %select_n3A_234 = arith.select %lt3A_233, %min3A_228, %select_n3A_222 : vector<16xi1>, vector<16xi32>
      %add3A_235 = arith.constant 4 : i32
      %add3A_236 = vector.broadcast %add3A_235 : i32 to vector<16xi32>
      %add3A_237 = arith.addi %select_n3A_234, %add3A_236 : vector<16xi32>
      %min3A_238 = arith.constant 65536 : i32
      %min3A_239 = vector.broadcast %min3A_238 : i32 to vector<16xi32>
      %min3A_240 = arith.minsi %add3A_237, %min3A_239 : vector<16xi32>
      %add3A_241 = arith.constant 1023 : i32
      %add3A_242 = vector.broadcast %add3A_241 : i32 to vector<16xi32>
      %add3A_243 = arith.addi %min3A_240, %add3A_242 : vector<16xi32>
      %gather3A_244 = tpu.vector_load_idx %arg8[%add3A_243] : memref<67584xf32, #tpu.memory_space<vmem>>[vector<16xi32>], vector<16xf32>,
      %lt3A_245 = arith.cmpf olt, %gather3A_244, %gather3A : vector<16xf32>
      %select_n3A_246 = arith.select %lt3A_245, %min3A_240, %select_n3A_234 : vector<16xi1>, vector<16xi32>
      %add3A_247 = arith.constant 2 : i32
      %add3A_248 = vector.broadcast %add3A_247 : i32 to vector<16xi32>
      %add3A_249 = arith.addi %select_n3A_246, %add3A_248 : vector<16xi32>
      %min3A_250 = arith.constant 65536 : i32
      %min3A_251 = vector.broadcast %min3A_250 : i32 to vector<16xi32>
      %min3A_252 = arith.minsi %add3A_249, %min3A_251 : vector<16xi32>
      %add3A_253 = arith.constant 1023 : i32
      %add3A_254 = vector.broadcast %add3A_253 : i32 to vector<16xi32>
      %add3A_255 = arith.addi %min3A_252, %add3A_254 : vector<16xi32>
      %gather3A_256 = tpu.vector_load_idx %arg8[%add3A_255] : memref<67584xf32, #tpu.memory_space<vmem>>[vector<16xi32>], vector<16xf32>,
      %lt3A_257 = arith.cmpf olt, %gather3A_256, %gather3A : vector<16xf32>
      %select_n3A_258 = arith.select %lt3A_257, %min3A_252, %select_n3A_246 : vector<16xi1>, vector<16xi32>
      %add3A_259 = arith.constant 1 : i32
      %add3A_260 = vector.broadcast %add3A_259 : i32 to vector<16xi32>
      %add3A_261 = arith.addi %select_n3A_258, %add3A_260 : vector<16xi32>
      %min3A_262 = arith.constant 65536 : i32
      %min3A_263 = vector.broadcast %min3A_262 : i32 to vector<16xi32>
      %min3A_264 = arith.minsi %add3A_261, %min3A_263 : vector<16xi32>
      %add3A_265 = arith.constant 1023 : i32
      %add3A_266 = vector.broadcast %add3A_265 : i32 to vector<16xi32>
      %add3A_267 = arith.addi %min3A_264, %add3A_266 : vector<16xi32>
      %gather3A_268 = tpu.vector_load_idx %arg8[%add3A_267] : memref<67584xf32, #tpu.memory_space<vmem>>[vector<16xi32>], vector<16xf32>,
      %lt3A_269 = arith.cmpf olt, %gather3A_268, %gather3A : vector<16xf32>
      %select_n3A_270 = arith.select %lt3A_269, %min3A_264, %select_n3A_258 : vector<16xi1>, vector<16xi32>
      %add3A_271 = arith.constant 1023 : i32
      %add3A_272 = vector.broadcast %add3A_271 : i32 to vector<16xi32>
      %add3A_273 = arith.addi %select_n3A_270, %add3A_272 : vector<16xi32>
      %add3A_274 = arith.constant 1024 : i32
      %add3A_275 = vector.broadcast %add3A_274 : i32 to vector<16xi32>
      %add3A_276 = arith.addi %select_n3A_270, %add3A_275 : vector<16xi32>
      %broadcast_in_dim3A_277 = arith.constant 0.000000e+00 : f32
      %broadcast_in_dim3A_278 = vector.broadcast %broadcast_in_dim3A_277 : f32 to vector<16xf32>
      %gather3A_279 = tpu.vector_load_idx %arg8[%add3A_273] : memref<67584xf32, #tpu.memory_space<vmem>>[vector<16xi32>], vector<16xf32>,
      %gather3A_280 = tpu.vector_load_idx %arg8[%add3A_276] : memref<67584xf32, #tpu.memory_space<vmem>>[vector<16xi32>], vector<16xf32>,
      %sub3A_281 = arith.subf %gather3A, %gather3A_279 : vector<16xf32>
      %sub3A_282 = arith.subf %gather3A_280, %gather3A : vector<16xf32>
      %le3A = arith.cmpf ole, %sub3A_281, %sub3A_282 : vector<16xf32>
      %select_n3A_283 = arith.select %le3A, %gather3A_279, %gather3A_280 : vector<16xi1>, vector<16xf32>
      %add3A_284 = arith.addf %broadcast_in_dim3A_278, %select_n3A_283 : vector<16xf32>
      %sub3A_285 = arith.constant 1 : i32
      %sub3A_286 = vector.broadcast %sub3A_285 : i32 to vector<16xi32>
      %sub3A_287 = arith.subi %add3A_273, %sub3A_286 : vector<16xi32>
      %select_n3A_288 = arith.select %le3A, %sub3A_287, %add3A_273 : vector<16xi1>, vector<16xi32>
      %add3A_289 = arith.constant 1 : i32
      %add3A_290 = vector.broadcast %add3A_289 : i32 to vector<16xi32>
      %add3A_291 = arith.addi %add3A_276, %add3A_290 : vector<16xi32>
      %select_n3A_292 = arith.select %le3A, %add3A_276, %add3A_291 : vector<16xi1>, vector<16xi32>
      %gather3A_293 = tpu.vector_load_idx %arg8[%select_n3A_288] : memref<67584xf32, #tpu.memory_space<vmem>>[vector<16xi32>], vector<16xf32>,
      %gather3A_294 = tpu.vector_load_idx %arg8[%select_n3A_292] : memref<67584xf32, #tpu.memory_space<vmem>>[vector<16xi32>], vector<16xf32>,
      %sub3A_295 = arith.subf %gather3A, %gather3A_293 : vector<16xf32>
      %sub3A_296 = arith.subf %gather3A_294, %gather3A : vector<16xf32>
      %le3A_297 = arith.cmpf ole, %sub3A_295, %sub3A_296 : vector<16xf32>
      %select_n3A_298 = arith.select %le3A_297, %gather3A_293, %gather3A_294 : vector<16xi1>, vector<16xf32>
      %add3A_299 = arith.addf %add3A_284, %select_n3A_298 : vector<16xf32>
      %sub3A_300 = arith.constant 1 : i32
      %sub3A_301 = vector.broadcast %sub3A_300 : i32 to vector<16xi32>
      %sub3A_302 = arith.subi %select_n3A_288, %sub3A_301 : vector<16xi32>
      %select_n3A_303 = arith.select %le3A_297, %sub3A_302, %select_n3A_288 : vector<16xi1>, vector<16xi32>
      %add3A_304 = arith.constant 1 : i32
      %add3A_305 = vector.broadcast %add3A_304 : i32 to vector<16xi32>
      %add3A_306 = arith.addi %select_n3A_292, %add3A_305 : vector<16xi32>
      %select_n3A_307 = arith.select %le3A_297, %select_n3A_292, %add3A_306 : vector<16xi1>, vector<16xi32>
      %gather3A_308 = tpu.vector_load_idx %arg8[%select_n3A_303] : memref<67584xf32, #tpu.memory_space<vmem>>[vector<16xi32>], vector<16xf32>,
      %gather3A_309 = tpu.vector_load_idx %arg8[%select_n3A_307] : memref<67584xf32, #tpu.memory_space<vmem>>[vector<16xi32>], vector<16xf32>,
      %sub3A_310 = arith.subf %gather3A, %gather3A_308 : vector<16xf32>
      %sub3A_311 = arith.subf %gather3A_309, %gather3A : vector<16xf32>
      %le3A_312 = arith.cmpf ole, %sub3A_310, %sub3A_311 : vector<16xf32>
      %select_n3A_313 = arith.select %le3A_312, %gather3A_308, %gather3A_309 : vector<16xi1>, vector<16xf32>
      %add3A_314 = arith.addf %add3A_299, %select_n3A_313 : vector<16xf32>
      %sub3A_315 = arith.constant 1 : i32
      %sub3A_316 = vector.broadcast %sub3A_315 : i32 to vector<16xi32>
      %sub3A_317 = arith.subi %select_n3A_303, %sub3A_316 : vector<16xi32>
      %select_n3A_318 = arith.select %le3A_312, %sub3A_317, %select_n3A_303 : vector<16xi1>, vector<16xi32>
      %add3A_319 = arith.constant 1 : i32
      %add3A_320 = vector.broadcast %add3A_319 : i32 to vector<16xi32>
      %add3A_321 = arith.addi %select_n3A_307, %add3A_320 : vector<16xi32>
      %select_n3A_322 = arith.select %le3A_312, %select_n3A_307, %add3A_321 : vector<16xi1>, vector<16xi32>
      %gather3A_323 = tpu.vector_load_idx %arg8[%select_n3A_318] : memref<67584xf32, #tpu.memory_space<vmem>>[vector<16xi32>], vector<16xf32>,
      %gather3A_324 = tpu.vector_load_idx %arg8[%select_n3A_322] : memref<67584xf32, #tpu.memory_space<vmem>>[vector<16xi32>], vector<16xf32>,
      %sub3A_325 = arith.subf %gather3A, %gather3A_323 : vector<16xf32>
      %sub3A_326 = arith.subf %gather3A_324, %gather3A : vector<16xf32>
      %le3A_327 = arith.cmpf ole, %sub3A_325, %sub3A_326 : vector<16xf32>
      %select_n3A_328 = arith.select %le3A_327, %gather3A_323, %gather3A_324 : vector<16xi1>, vector<16xf32>
      %add3A_329 = arith.addf %add3A_314, %select_n3A_328 : vector<16xf32>
      %sub3A_330 = arith.constant 1 : i32
      %sub3A_331 = vector.broadcast %sub3A_330 : i32 to vector<16xi32>
      %sub3A_332 = arith.subi %select_n3A_318, %sub3A_331 : vector<16xi32>
      %select_n3A_333 = arith.select %le3A_327, %sub3A_332, %select_n3A_318 : vector<16xi1>, vector<16xi32>
      %add3A_334 = arith.constant 1 : i32
      %add3A_335 = vector.broadcast %add3A_334 : i32 to vector<16xi32>
      %add3A_336 = arith.addi %select_n3A_322, %add3A_335 : vector<16xi32>
      %select_n3A_337 = arith.select %le3A_327, %select_n3A_322, %add3A_336 : vector<16xi1>, vector<16xi32>
      %gather3A_338 = tpu.vector_load_idx %arg8[%select_n3A_333] : memref<67584xf32, #tpu.memory_space<vmem>>[vector<16xi32>], vector<16xf32>,
      %gather3A_339 = tpu.vector_load_idx %arg8[%select_n3A_337] : memref<67584xf32, #tpu.memory_space<vmem>>[vector<16xi32>], vector<16xf32>,
      %sub3A_340 = arith.subf %gather3A, %gather3A_338 : vector<16xf32>
      %sub3A_341 = arith.subf %gather3A_339, %gather3A : vector<16xf32>
      %le3A_342 = arith.cmpf ole, %sub3A_340, %sub3A_341 : vector<16xf32>
      %select_n3A_343 = arith.select %le3A_342, %gather3A_338, %gather3A_339 : vector<16xi1>, vector<16xf32>
      %add3A_344 = arith.addf %add3A_329, %select_n3A_343 : vector<16xf32>
      %sub3A_345 = arith.constant 1 : i32
      %sub3A_346 = vector.broadcast %sub3A_345 : i32 to vector<16xi32>
      %sub3A_347 = arith.subi %select_n3A_333, %sub3A_346 : vector<16xi32>
      %select_n3A_348 = arith.select %le3A_342, %sub3A_347, %select_n3A_333 : vector<16xi1>, vector<16xi32>
      %add3A_349 = arith.constant 1 : i32
      %add3A_350 = vector.broadcast %add3A_349 : i32 to vector<16xi32>
      %add3A_351 = arith.addi %select_n3A_337, %add3A_350 : vector<16xi32>
      %select_n3A_352 = arith.select %le3A_342, %select_n3A_337, %add3A_351 : vector<16xi1>, vector<16xi32>
      %div3A_353 = arith.constant 5.000000e+00 : f32
      %div3A_354 = vector.broadcast %div3A_353 : f32 to vector<16xf32>
      %div3A_355 = arith.divf %add3A_344, %div3A_354 : vector<16xf32>
      tpu.vector_store_idx %arg9[%get3A_60], %div3A_355 masked %lt3A_65 : memref<2048xf32, #tpu.memory_space<vmem>>[vector<16xi32>], vector<16xf32>, vector<16xi1>
    }
    %while3A_56 = arith.constant 1 : i32
    scf.for %while3A_57 = %while3A_54 to %while3A_50 step %while3A_56  : i32 {
      %mul3A_58 = arith.constant 16 : i32
      %mul3A_59 = arith.muli %while3A_57, %mul3A_58 : i32
      %get3A = arith.index_cast %mul3A_59 : i32 to index
      %get3A_60 = tpu.vector_load %arg12[%get3A] {strides = array<i32>} : memref<2064xi32, #tpu.memory_space<vmem>>, vector<16xi32>,
      %gather3A = tpu.vector_load_idx %arg9[%get3A_60] : memref<2048xf32, #tpu.memory_space<vmem>>[vector<16xi32>], vector<16xf32>,
      %mul3A_61 = arith.constant 16 : i32
      %mul3A_62 = arith.muli %while3A_57, %mul3A_61 : i32
      %add3A_63 = vector.broadcast %mul3A_62 : i32 to vector<16xi32>
      %add3A_64 = arith.addi %add3A_63, %iota3A : vector<16xi32>
      %lt3A = vector.broadcast %scan3A_7 : i32 to vector<16xi32>
      %lt3A_65 = arith.cmpi slt, %add3A_64, %lt3A : vector<16xi32>
      %broadcast_in_dim3A_66 = arith.constant 0 : i32
      %broadcast_in_dim3A_67 = vector.broadcast %broadcast_in_dim3A_66 : i32 to vector<16xi32>
      %add3A_68 = arith.constant 65536 : i32
      %add3A_69 = vector.broadcast %add3A_68 : i32 to vector<16xi32>
      %add3A_70 = arith.addi %broadcast_in_dim3A_67, %add3A_69 : vector<16xi32>
      %min3A = arith.constant 65536 : i32
      %min3A_71 = vector.broadcast %min3A : i32 to vector<16xi32>
      %min3A_72 = arith.minsi %add3A_70, %min3A_71 : vector<16xi32>
      %add3A_73 = arith.constant 1023 : i32
      %add3A_74 = vector.broadcast %add3A_73 : i32 to vector<16xi32>
      %add3A_75 = arith.addi %min3A_72, %add3A_74 : vector<16xi32>
      %gather3A_76 = tpu.vector_load_idx %arg8[%add3A_75] : memref<67584xf32, #tpu.memory_space<vmem>>[vector<16xi32>], vector<16xf32>,
      %lt3A_77 = arith.cmpf olt, %gather3A_76, %gather3A : vector<16xf32>
      %select_n3A_78 = arith.select %lt3A_77, %min3A_72, %broadcast_in_dim3A_67 : vector<16xi1>, vector<16xi32>
      %add3A_79 = arith.constant 32768 : i32
      %add3A_80 = vector.broadcast %add3A_79 : i32 to vector<16xi32>
      %add3A_81 = arith.addi %select_n3A_78, %add3A_80 : vector<16xi32>
      %min3A_82 = arith.constant 65536 : i32
      %min3A_83 = vector.broadcast %min3A_82 : i32 to vector<16xi32>
      %min3A_84 = arith.minsi %add3A_81, %min3A_83 : vector<16xi32>
      %add3A_85 = arith.constant 1023 : i32
      %add3A_86 = vector.broadcast %add3A_85 : i32 to vector<16xi32>
      %add3A_87 = arith.addi %min3A_84, %add3A_86 : vector<16xi32>
      %gather3A_88 = tpu.vector_load_idx %arg8[%add3A_87] : memref<67584xf32, #tpu.memory_space<vmem>>[vector<16xi32>], vector<16xf32>,
      %lt3A_89 = arith.cmpf olt, %gather3A_88, %gather3A : vector<16xf32>
      %select_n3A_90 = arith.select %lt3A_89, %min3A_84, %select_n3A_78 : vector<16xi1>, vector<16xi32>
      %add3A_91 = arith.constant 16384 : i32
      %add3A_92 = vector.broadcast %add3A_91 : i32 to vector<16xi32>
      %add3A_93 = arith.addi %select_n3A_90, %add3A_92 : vector<16xi32>
      %min3A_94 = arith.constant 65536 : i32
      %min3A_95 = vector.broadcast %min3A_94 : i32 to vector<16xi32>
      %min3A_96 = arith.minsi %add3A_93, %min3A_95 : vector<16xi32>
      %add3A_97 = arith.constant 1023 : i32
      %add3A_98 = vector.broadcast %add3A_97 : i32 to vector<16xi32>
      %add3A_99 = arith.addi %min3A_96, %add3A_98 : vector<16xi32>
      %gather3A_100 = tpu.vector_load_idx %arg8[%add3A_99] : memref<67584xf32, #tpu.memory_space<vmem>>[vector<16xi32>], vector<16xf32>,
      %lt3A_101 = arith.cmpf olt, %gather3A_100, %gather3A : vector<16xf32>
      %select_n3A_102 = arith.select %lt3A_101, %min3A_96, %select_n3A_90 : vector<16xi1>, vector<16xi32>
      %add3A_103 = arith.constant 8192 : i32
      %add3A_104 = vector.broadcast %add3A_103 : i32 to vector<16xi32>
      %add3A_105 = arith.addi %select_n3A_102, %add3A_104 : vector<16xi32>
      %min3A_106 = arith.constant 65536 : i32
      %min3A_107 = vector.broadcast %min3A_106 : i32 to vector<16xi32>
      %min3A_108 = arith.minsi %add3A_105, %min3A_107 : vector<16xi32>
      %add3A_109 = arith.constant 1023 : i32
      %add3A_110 = vector.broadcast %add3A_109 : i32 to vector<16xi32>
      %add3A_111 = arith.addi %min3A_108, %add3A_110 : vector<16xi32>
      %gather3A_112 = tpu.vector_load_idx %arg8[%add3A_111] : memref<67584xf32, #tpu.memory_space<vmem>>[vector<16xi32>], vector<16xf32>,
      %lt3A_113 = arith.cmpf olt, %gather3A_112, %gather3A : vector<16xf32>
      %select_n3A_114 = arith.select %lt3A_113, %min3A_108, %select_n3A_102 : vector<16xi1>, vector<16xi32>
      %add3A_115 = arith.constant 4096 : i32
      %add3A_116 = vector.broadcast %add3A_115 : i32 to vector<16xi32>
      %add3A_117 = arith.addi %select_n3A_114, %add3A_116 : vector<16xi32>
      %min3A_118 = arith.constant 65536 : i32
      %min3A_119 = vector.broadcast %min3A_118 : i32 to vector<16xi32>
      %min3A_120 = arith.minsi %add3A_117, %min3A_119 : vector<16xi32>
      %add3A_121 = arith.constant 1023 : i32
      %add3A_122 = vector.broadcast %add3A_121 : i32 to vector<16xi32>
      %add3A_123 = arith.addi %min3A_120, %add3A_122 : vector<16xi32>
      %gather3A_124 = tpu.vector_load_idx %arg8[%add3A_123] : memref<67584xf32, #tpu.memory_space<vmem>>[vector<16xi32>], vector<16xf32>,
      %lt3A_125 = arith.cmpf olt, %gather3A_124, %gather3A : vector<16xf32>
      %select_n3A_126 = arith.select %lt3A_125, %min3A_120, %select_n3A_114 : vector<16xi1>, vector<16xi32>
      %add3A_127 = arith.constant 2048 : i32
      %add3A_128 = vector.broadcast %add3A_127 : i32 to vector<16xi32>
      %add3A_129 = arith.addi %select_n3A_126, %add3A_128 : vector<16xi32>
      %min3A_130 = arith.constant 65536 : i32
      %min3A_131 = vector.broadcast %min3A_130 : i32 to vector<16xi32>
      %min3A_132 = arith.minsi %add3A_129, %min3A_131 : vector<16xi32>
      %add3A_133 = arith.constant 1023 : i32
      %add3A_134 = vector.broadcast %add3A_133 : i32 to vector<16xi32>
      %add3A_135 = arith.addi %min3A_132, %add3A_134 : vector<16xi32>
      %gather3A_136 = tpu.vector_load_idx %arg8[%add3A_135] : memref<67584xf32, #tpu.memory_space<vmem>>[vector<16xi32>], vector<16xf32>,
      %lt3A_137 = arith.cmpf olt, %gather3A_136, %gather3A : vector<16xf32>
      %select_n3A_138 = arith.select %lt3A_137, %min3A_132, %select_n3A_126 : vector<16xi1>, vector<16xi32>
      %add3A_139 = arith.constant 1024 : i32
      %add3A_140 = vector.broadcast %add3A_139 : i32 to vector<16xi32>
      %add3A_141 = arith.addi %select_n3A_138, %add3A_140 : vector<16xi32>
      %min3A_142 = arith.constant 65536 : i32
      %min3A_143 = vector.broadcast %min3A_142 : i32 to vector<16xi32>
      %min3A_144 = arith.minsi %add3A_141, %min3A_143 : vector<16xi32>
      %add3A_145 = arith.constant 1023 : i32
      %add3A_146 = vector.broadcast %add3A_145 : i32 to vector<16xi32>
      %add3A_147 = arith.addi %min3A_144, %add3A_146 : vector<16xi32>
      %gather3A_148 = tpu.vector_load_idx %arg8[%add3A_147] : memref<67584xf32, #tpu.memory_space<vmem>>[vector<16xi32>], vector<16xf32>,
      %lt3A_149 = arith.cmpf olt, %gather3A_148, %gather3A : vector<16xf32>
      %select_n3A_150 = arith.select %lt3A_149, %min3A_144, %select_n3A_138 : vector<16xi1>, vector<16xi32>
      %add3A_151 = arith.constant 512 : i32
      %add3A_152 = vector.broadcast %add3A_151 : i32 to vector<16xi32>
      %add3A_153 = arith.addi %select_n3A_150, %add3A_152 : vector<16xi32>
      %min3A_154 = arith.constant 65536 : i32
      %min3A_155 = vector.broadcast %min3A_154 : i32 to vector<16xi32>
      %min3A_156 = arith.minsi %add3A_153, %min3A_155 : vector<16xi32>
      %add3A_157 = arith.constant 1023 : i32
      %add3A_158 = vector.broadcast %add3A_157 : i32 to vector<16xi32>
      %add3A_159 = arith.addi %min3A_156, %add3A_158 : vector<16xi32>
      %gather3A_160 = tpu.vector_load_idx %arg8[%add3A_159] : memref<67584xf32, #tpu.memory_space<vmem>>[vector<16xi32>], vector<16xf32>,
      %lt3A_161 = arith.cmpf olt, %gather3A_160, %gather3A : vector<16xf32>
      %select_n3A_162 = arith.select %lt3A_161, %min3A_156, %select_n3A_150 : vector<16xi1>, vector<16xi32>
      %add3A_163 = arith.constant 256 : i32
      %add3A_164 = vector.broadcast %add3A_163 : i32 to vector<16xi32>
      %add3A_165 = arith.addi %select_n3A_162, %add3A_164 : vector<16xi32>
      %min3A_166 = arith.constant 65536 : i32
      %min3A_167 = vector.broadcast %min3A_166 : i32 to vector<16xi32>
      %min3A_168 = arith.minsi %add3A_165, %min3A_167 : vector<16xi32>
      %add3A_169 = arith.constant 1023 : i32
      %add3A_170 = vector.broadcast %add3A_169 : i32 to vector<16xi32>
      %add3A_171 = arith.addi %min3A_168, %add3A_170 : vector<16xi32>
      %gather3A_172 = tpu.vector_load_idx %arg8[%add3A_171] : memref<67584xf32, #tpu.memory_space<vmem>>[vector<16xi32>], vector<16xf32>,
      %lt3A_173 = arith.cmpf olt, %gather3A_172, %gather3A : vector<16xf32>
      %select_n3A_174 = arith.select %lt3A_173, %min3A_168, %select_n3A_162 : vector<16xi1>, vector<16xi32>
      %add3A_175 = arith.constant 128 : i32
      %add3A_176 = vector.broadcast %add3A_175 : i32 to vector<16xi32>
      %add3A_177 = arith.addi %select_n3A_174, %add3A_176 : vector<16xi32>
      %min3A_178 = arith.constant 65536 : i32
      %min3A_179 = vector.broadcast %min3A_178 : i32 to vector<16xi32>
      %min3A_180 = arith.minsi %add3A_177, %min3A_179 : vector<16xi32>
      %add3A_181 = arith.constant 1023 : i32
      %add3A_182 = vector.broadcast %add3A_181 : i32 to vector<16xi32>
      %add3A_183 = arith.addi %min3A_180, %add3A_182 : vector<16xi32>
      %gather3A_184 = tpu.vector_load_idx %arg8[%add3A_183] : memref<67584xf32, #tpu.memory_space<vmem>>[vector<16xi32>], vector<16xf32>,
      %lt3A_185 = arith.cmpf olt, %gather3A_184, %gather3A : vector<16xf32>
      %select_n3A_186 = arith.select %lt3A_185, %min3A_180, %select_n3A_174 : vector<16xi1>, vector<16xi32>
      %add3A_187 = arith.constant 64 : i32
      %add3A_188 = vector.broadcast %add3A_187 : i32 to vector<16xi32>
      %add3A_189 = arith.addi %select_n3A_186, %add3A_188 : vector<16xi32>
      %min3A_190 = arith.constant 65536 : i32
      %min3A_191 = vector.broadcast %min3A_190 : i32 to vector<16xi32>
      %min3A_192 = arith.minsi %add3A_189, %min3A_191 : vector<16xi32>
      %add3A_193 = arith.constant 1023 : i32
      %add3A_194 = vector.broadcast %add3A_193 : i32 to vector<16xi32>
      %add3A_195 = arith.addi %min3A_192, %add3A_194 : vector<16xi32>
      %gather3A_196 = tpu.vector_load_idx %arg8[%add3A_195] : memref<67584xf32, #tpu.memory_space<vmem>>[vector<16xi32>], vector<16xf32>,
      %lt3A_197 = arith.cmpf olt, %gather3A_196, %gather3A : vector<16xf32>
      %select_n3A_198 = arith.select %lt3A_197, %min3A_192, %select_n3A_186 : vector<16xi1>, vector<16xi32>
      %add3A_199 = arith.constant 32 : i32
      %add3A_200 = vector.broadcast %add3A_199 : i32 to vector<16xi32>
      %add3A_201 = arith.addi %select_n3A_198, %add3A_200 : vector<16xi32>
      %min3A_202 = arith.constant 65536 : i32
      %min3A_203 = vector.broadcast %min3A_202 : i32 to vector<16xi32>
      %min3A_204 = arith.minsi %add3A_201, %min3A_203 : vector<16xi32>
      %add3A_205 = arith.constant 1023 : i32
      %add3A_206 = vector.broadcast %add3A_205 : i32 to vector<16xi32>
      %add3A_207 = arith.addi %min3A_204, %add3A_206 : vector<16xi32>
      %gather3A_208 = tpu.vector_load_idx %arg8[%add3A_207] : memref<67584xf32, #tpu.memory_space<vmem>>[vector<16xi32>], vector<16xf32>,
      %lt3A_209 = arith.cmpf olt, %gather3A_208, %gather3A : vector<16xf32>
      %select_n3A_210 = arith.select %lt3A_209, %min3A_204, %select_n3A_198 : vector<16xi1>, vector<16xi32>
      %add3A_211 = arith.constant 16 : i32
      %add3A_212 = vector.broadcast %add3A_211 : i32 to vector<16xi32>
      %add3A_213 = arith.addi %select_n3A_210, %add3A_212 : vector<16xi32>
      %min3A_214 = arith.constant 65536 : i32
      %min3A_215 = vector.broadcast %min3A_214 : i32 to vector<16xi32>
      %min3A_216 = arith.minsi %add3A_213, %min3A_215 : vector<16xi32>
      %add3A_217 = arith.constant 1023 : i32
      %add3A_218 = vector.broadcast %add3A_217 : i32 to vector<16xi32>
      %add3A_219 = arith.addi %min3A_216, %add3A_218 : vector<16xi32>
      %gather3A_220 = tpu.vector_load_idx %arg8[%add3A_219] : memref<67584xf32, #tpu.memory_space<vmem>>[vector<16xi32>], vector<16xf32>,
      %lt3A_221 = arith.cmpf olt, %gather3A_220, %gather3A : vector<16xf32>
      %select_n3A_222 = arith.select %lt3A_221, %min3A_216, %select_n3A_210 : vector<16xi1>, vector<16xi32>
      %add3A_223 = arith.constant 8 : i32
      %add3A_224 = vector.broadcast %add3A_223 : i32 to vector<16xi32>
      %add3A_225 = arith.addi %select_n3A_222, %add3A_224 : vector<16xi32>
      %min3A_226 = arith.constant 65536 : i32
      %min3A_227 = vector.broadcast %min3A_226 : i32 to vector<16xi32>
      %min3A_228 = arith.minsi %add3A_225, %min3A_227 : vector<16xi32>
      %add3A_229 = arith.constant 1023 : i32
      %add3A_230 = vector.broadcast %add3A_229 : i32 to vector<16xi32>
      %add3A_231 = arith.addi %min3A_228, %add3A_230 : vector<16xi32>
      %gather3A_232 = tpu.vector_load_idx %arg8[%add3A_231] : memref<67584xf32, #tpu.memory_space<vmem>>[vector<16xi32>], vector<16xf32>,
      %lt3A_233 = arith.cmpf olt, %gather3A_232, %gather3A : vector<16xf32>
      %select_n3A_234 = arith.select %lt3A_233, %min3A_228, %select_n3A_222 : vector<16xi1>, vector<16xi32>
      %add3A_235 = arith.constant 4 : i32
      %add3A_236 = vector.broadcast %add3A_235 : i32 to vector<16xi32>
      %add3A_237 = arith.addi %select_n3A_234, %add3A_236 : vector<16xi32>
      %min3A_238 = arith.constant 65536 : i32
      %min3A_239 = vector.broadcast %min3A_238 : i32 to vector<16xi32>
      %min3A_240 = arith.minsi %add3A_237, %min3A_239 : vector<16xi32>
      %add3A_241 = arith.constant 1023 : i32
      %add3A_242 = vector.broadcast %add3A_241 : i32 to vector<16xi32>
      %add3A_243 = arith.addi %min3A_240, %add3A_242 : vector<16xi32>
      %gather3A_244 = tpu.vector_load_idx %arg8[%add3A_243] : memref<67584xf32, #tpu.memory_space<vmem>>[vector<16xi32>], vector<16xf32>,
      %lt3A_245 = arith.cmpf olt, %gather3A_244, %gather3A : vector<16xf32>
      %select_n3A_246 = arith.select %lt3A_245, %min3A_240, %select_n3A_234 : vector<16xi1>, vector<16xi32>
      %add3A_247 = arith.constant 2 : i32
      %add3A_248 = vector.broadcast %add3A_247 : i32 to vector<16xi32>
      %add3A_249 = arith.addi %select_n3A_246, %add3A_248 : vector<16xi32>
      %min3A_250 = arith.constant 65536 : i32
      %min3A_251 = vector.broadcast %min3A_250 : i32 to vector<16xi32>
      %min3A_252 = arith.minsi %add3A_249, %min3A_251 : vector<16xi32>
      %add3A_253 = arith.constant 1023 : i32
      %add3A_254 = vector.broadcast %add3A_253 : i32 to vector<16xi32>
      %add3A_255 = arith.addi %min3A_252, %add3A_254 : vector<16xi32>
      %gather3A_256 = tpu.vector_load_idx %arg8[%add3A_255] : memref<67584xf32, #tpu.memory_space<vmem>>[vector<16xi32>], vector<16xf32>,
      %lt3A_257 = arith.cmpf olt, %gather3A_256, %gather3A : vector<16xf32>
      %select_n3A_258 = arith.select %lt3A_257, %min3A_252, %select_n3A_246 : vector<16xi1>, vector<16xi32>
      %add3A_259 = arith.constant 1 : i32
      %add3A_260 = vector.broadcast %add3A_259 : i32 to vector<16xi32>
      %add3A_261 = arith.addi %select_n3A_258, %add3A_260 : vector<16xi32>
      %min3A_262 = arith.constant 65536 : i32
      %min3A_263 = vector.broadcast %min3A_262 : i32 to vector<16xi32>
      %min3A_264 = arith.minsi %add3A_261, %min3A_263 : vector<16xi32>
      %add3A_265 = arith.constant 1023 : i32
      %add3A_266 = vector.broadcast %add3A_265 : i32 to vector<16xi32>
      %add3A_267 = arith.addi %min3A_264, %add3A_266 : vector<16xi32>
      %gather3A_268 = tpu.vector_load_idx %arg8[%add3A_267] : memref<67584xf32, #tpu.memory_space<vmem>>[vector<16xi32>], vector<16xf32>,
      %lt3A_269 = arith.cmpf olt, %gather3A_268, %gather3A : vector<16xf32>
      %select_n3A_270 = arith.select %lt3A_269, %min3A_264, %select_n3A_258 : vector<16xi1>, vector<16xi32>
      %add3A_271 = arith.constant 1023 : i32
      %add3A_272 = vector.broadcast %add3A_271 : i32 to vector<16xi32>
      %add3A_273 = arith.addi %select_n3A_270, %add3A_272 : vector<16xi32>
      %add3A_274 = arith.constant 1024 : i32
      %add3A_275 = vector.broadcast %add3A_274 : i32 to vector<16xi32>
      %add3A_276 = arith.addi %select_n3A_270, %add3A_275 : vector<16xi32>
      %broadcast_in_dim3A_277 = arith.constant 0.000000e+00 : f32
      %broadcast_in_dim3A_278 = vector.broadcast %broadcast_in_dim3A_277 : f32 to vector<16xf32>
      %gather3A_279 = tpu.vector_load_idx %arg8[%add3A_273] : memref<67584xf32, #tpu.memory_space<vmem>>[vector<16xi32>], vector<16xf32>,
      %gather3A_280 = tpu.vector_load_idx %arg8[%add3A_276] : memref<67584xf32, #tpu.memory_space<vmem>>[vector<16xi32>], vector<16xf32>,
      %sub3A_281 = arith.subf %gather3A, %gather3A_279 : vector<16xf32>
      %sub3A_282 = arith.subf %gather3A_280, %gather3A : vector<16xf32>
      %le3A = arith.cmpf ole, %sub3A_281, %sub3A_282 : vector<16xf32>
      %select_n3A_283 = arith.select %le3A, %gather3A_279, %gather3A_280 : vector<16xi1>, vector<16xf32>
      %add3A_284 = arith.addf %broadcast_in_dim3A_278, %select_n3A_283 : vector<16xf32>
      %sub3A_285 = arith.constant 1 : i32
      %sub3A_286 = vector.broadcast %sub3A_285 : i32 to vector<16xi32>
      %sub3A_287 = arith.subi %add3A_273, %sub3A_286 : vector<16xi32>
      %select_n3A_288 = arith.select %le3A, %sub3A_287, %add3A_273 : vector<16xi1>, vector<16xi32>
      %add3A_289 = arith.constant 1 : i32
      %add3A_290 = vector.broadcast %add3A_289 : i32 to vector<16xi32>
      %add3A_291 = arith.addi %add3A_276, %add3A_290 : vector<16xi32>
      %select_n3A_292 = arith.select %le3A, %add3A_276, %add3A_291 : vector<16xi1>, vector<16xi32>
      %gather3A_293 = tpu.vector_load_idx %arg8[%select_n3A_288] : memref<67584xf32, #tpu.memory_space<vmem>>[vector<16xi32>], vector<16xf32>,
      %gather3A_294 = tpu.vector_load_idx %arg8[%select_n3A_292] : memref<67584xf32, #tpu.memory_space<vmem>>[vector<16xi32>], vector<16xf32>,
      %sub3A_295 = arith.subf %gather3A, %gather3A_293 : vector<16xf32>
      %sub3A_296 = arith.subf %gather3A_294, %gather3A : vector<16xf32>
      %le3A_297 = arith.cmpf ole, %sub3A_295, %sub3A_296 : vector<16xf32>
      %select_n3A_298 = arith.select %le3A_297, %gather3A_293, %gather3A_294 : vector<16xi1>, vector<16xf32>
      %add3A_299 = arith.addf %add3A_284, %select_n3A_298 : vector<16xf32>
      %sub3A_300 = arith.constant 1 : i32
      %sub3A_301 = vector.broadcast %sub3A_300 : i32 to vector<16xi32>
      %sub3A_302 = arith.subi %select_n3A_288, %sub3A_301 : vector<16xi32>
      %select_n3A_303 = arith.select %le3A_297, %sub3A_302, %select_n3A_288 : vector<16xi1>, vector<16xi32>
      %add3A_304 = arith.constant 1 : i32
      %add3A_305 = vector.broadcast %add3A_304 : i32 to vector<16xi32>
      %add3A_306 = arith.addi %select_n3A_292, %add3A_305 : vector<16xi32>
      %select_n3A_307 = arith.select %le3A_297, %select_n3A_292, %add3A_306 : vector<16xi1>, vector<16xi32>
      %gather3A_308 = tpu.vector_load_idx %arg8[%select_n3A_303] : memref<67584xf32, #tpu.memory_space<vmem>>[vector<16xi32>], vector<16xf32>,
      %gather3A_309 = tpu.vector_load_idx %arg8[%select_n3A_307] : memref<67584xf32, #tpu.memory_space<vmem>>[vector<16xi32>], vector<16xf32>,
      %sub3A_310 = arith.subf %gather3A, %gather3A_308 : vector<16xf32>
      %sub3A_311 = arith.subf %gather3A_309, %gather3A : vector<16xf32>
      %le3A_312 = arith.cmpf ole, %sub3A_310, %sub3A_311 : vector<16xf32>
      %select_n3A_313 = arith.select %le3A_312, %gather3A_308, %gather3A_309 : vector<16xi1>, vector<16xf32>
      %add3A_314 = arith.addf %add3A_299, %select_n3A_313 : vector<16xf32>
      %sub3A_315 = arith.constant 1 : i32
      %sub3A_316 = vector.broadcast %sub3A_315 : i32 to vector<16xi32>
      %sub3A_317 = arith.subi %select_n3A_303, %sub3A_316 : vector<16xi32>
      %select_n3A_318 = arith.select %le3A_312, %sub3A_317, %select_n3A_303 : vector<16xi1>, vector<16xi32>
      %add3A_319 = arith.constant 1 : i32
      %add3A_320 = vector.broadcast %add3A_319 : i32 to vector<16xi32>
      %add3A_321 = arith.addi %select_n3A_307, %add3A_320 : vector<16xi32>
      %select_n3A_322 = arith.select %le3A_312, %select_n3A_307, %add3A_321 : vector<16xi1>, vector<16xi32>
      %gather3A_323 = tpu.vector_load_idx %arg8[%select_n3A_318] : memref<67584xf32, #tpu.memory_space<vmem>>[vector<16xi32>], vector<16xf32>,
      %gather3A_324 = tpu.vector_load_idx %arg8[%select_n3A_322] : memref<67584xf32, #tpu.memory_space<vmem>>[vector<16xi32>], vector<16xf32>,
      %sub3A_325 = arith.subf %gather3A, %gather3A_323 : vector<16xf32>
      %sub3A_326 = arith.subf %gather3A_324, %gather3A : vector<16xf32>
      %le3A_327 = arith.cmpf ole, %sub3A_325, %sub3A_326 : vector<16xf32>
      %select_n3A_328 = arith.select %le3A_327, %gather3A_323, %gather3A_324 : vector<16xi1>, vector<16xf32>
      %add3A_329 = arith.addf %add3A_314, %select_n3A_328 : vector<16xf32>
      %sub3A_330 = arith.constant 1 : i32
      %sub3A_331 = vector.broadcast %sub3A_330 : i32 to vector<16xi32>
      %sub3A_332 = arith.subi %select_n3A_318, %sub3A_331 : vector<16xi32>
      %select_n3A_333 = arith.select %le3A_327, %sub3A_332, %select_n3A_318 : vector<16xi1>, vector<16xi32>
      %add3A_334 = arith.constant 1 : i32
      %add3A_335 = vector.broadcast %add3A_334 : i32 to vector<16xi32>
      %add3A_336 = arith.addi %select_n3A_322, %add3A_335 : vector<16xi32>
      %select_n3A_337 = arith.select %le3A_327, %select_n3A_322, %add3A_336 : vector<16xi1>, vector<16xi32>
      %gather3A_338 = tpu.vector_load_idx %arg8[%select_n3A_333] : memref<67584xf32, #tpu.memory_space<vmem>>[vector<16xi32>], vector<16xf32>,
      %gather3A_339 = tpu.vector_load_idx %arg8[%select_n3A_337] : memref<67584xf32, #tpu.memory_space<vmem>>[vector<16xi32>], vector<16xf32>,
      %sub3A_340 = arith.subf %gather3A, %gather3A_338 : vector<16xf32>
      %sub3A_341 = arith.subf %gather3A_339, %gather3A : vector<16xf32>
      %le3A_342 = arith.cmpf ole, %sub3A_340, %sub3A_341 : vector<16xf32>
      %select_n3A_343 = arith.select %le3A_342, %gather3A_338, %gather3A_339 : vector<16xi1>, vector<16xf32>
      %add3A_344 = arith.addf %add3A_329, %select_n3A_343 : vector<16xf32>
      %sub3A_345 = arith.constant 1 : i32
      %sub3A_346 = vector.broadcast %sub3A_345 : i32 to vector<16xi32>
      %sub3A_347 = arith.subi %select_n3A_333, %sub3A_346 : vector<16xi32>
      %select_n3A_348 = arith.select %le3A_342, %sub3A_347, %select_n3A_333 : vector<16xi1>, vector<16xi32>
      %add3A_349 = arith.constant 1 : i32
      %add3A_350 = vector.broadcast %add3A_349 : i32 to vector<16xi32>
      %add3A_351 = arith.addi %select_n3A_337, %add3A_350 : vector<16xi32>
      %select_n3A_352 = arith.select %le3A_342, %select_n3A_337, %add3A_351 : vector<16xi1>, vector<16xi32>
      %div3A_353 = arith.constant 5.000000e+00 : f32
      %div3A_354 = vector.broadcast %div3A_353 : f32 to vector<16xf32>
      %div3A_355 = arith.divf %add3A_344, %div3A_354 : vector<16xf32>
      tpu.vector_store_idx %arg9[%get3A_60], %div3A_355 masked %lt3A_65 : memref<2048xf32, #tpu.memory_space<vmem>>[vector<16xi32>], vector<16xf32>, vector<16xi1>
    }
    "tpu.region"() ({
      %run_scoped3A = tpu.sem_alloc : memref<!tpu.dma_semaphore, #tpu.memory_space<semaphore_mem>>
      %dma_start3A = tpu.memref_slice %arg6[%mul3A_2] : memref<65536xf32, #tpu.memory_space<hbm>> -> memref<2048xf32, #tpu.memory_space<hbm>>
      %dma_start3A_57 = tpu.memref_slice %arg6[%mul3A_2] : memref<65536xf32, #tpu.memory_space<hbm>> -> memref<2048xf32, #tpu.memory_space<hbm>>
      tpu.enqueue_dma source(%arg9 : memref<2048xf32, #tpu.memory_space<vmem>>) target(%dma_start3A_57 : memref<2048xf32, #tpu.memory_space<hbm>>) target_semaphore(%run_scoped3A : memref<!tpu.dma_semaphore, #tpu.memory_space<semaphore_mem>>)
      %dma_wait3A = tpu.memref_slice %arg6[%mul3A_2] : memref<65536xf32, #tpu.memory_space<hbm>> -> memref<2048xf32, #tpu.memory_space<hbm>>
      %dma_wait3A_58 = tpu.memref_slice %arg6[%mul3A_2] : memref<65536xf32, #tpu.memory_space<hbm>> -> memref<2048xf32, #tpu.memory_space<hbm>>
      tpu.wait_dma2 semaphore(%run_scoped3A : memref<!tpu.dma_semaphore, #tpu.memory_space<semaphore_mem>>) src(%arg9 : memref<2048xf32, #tpu.memory_space<vmem>>) dst(%dma_wait3A_58 : memref<2048xf32, #tpu.memory_space<hbm>>)
      tpu.yield
    }) : () -> ()
    "tpu.region"() ({
      %run_scoped3A = tpu.sem_alloc : memref<!tpu.dma_semaphore, #tpu.memory_space<semaphore_mem>>
      %dma_start3A = arith.constant 0 : i32
      %dma_start3A_57 = tpu.memref_slice %arg7[%add3A, %dma_start3A] : memref<32x16xf32, #tpu.memory_space<hbm>> -> memref<1x16xf32, #tpu.memory_space<hbm>>
      %dma_start3A_58 = tpu.memref_squeeze %dma_start3A_57 : memref<1x16xf32, #tpu.memory_space<hbm>> -> memref<16xf32, #tpu.memory_space<hbm>>
      %dma_start3A_59 = arith.constant 0 : i32
      %dma_start3A_60 = tpu.memref_slice %arg7[%add3A, %dma_start3A_59] : memref<32x16xf32, #tpu.memory_space<hbm>> -> memref<1x16xf32, #tpu.memory_space<hbm>>
      %dma_start3A_61 = tpu.memref_squeeze %dma_start3A_60 : memref<1x16xf32, #tpu.memory_space<hbm>> -> memref<16xf32, #tpu.memory_space<hbm>>
      tpu.enqueue_dma source(%arg13 : memref<16xf32, #tpu.memory_space<vmem>>) target(%dma_start3A_61 : memref<16xf32, #tpu.memory_space<hbm>>) target_semaphore(%run_scoped3A : memref<!tpu.dma_semaphore, #tpu.memory_space<semaphore_mem>>)
      %dma_wait3A = arith.constant 0 : i32
      %dma_wait3A_62 = tpu.memref_slice %arg7[%add3A, %dma_wait3A] : memref<32x16xf32, #tpu.memory_space<hbm>> -> memref<1x16xf32, #tpu.memory_space<hbm>>
      %dma_wait3A_63 = tpu.memref_squeeze %dma_wait3A_62 : memref<1x16xf32, #tpu.memory_space<hbm>> -> memref<16xf32, #tpu.memory_space<hbm>>
      %dma_wait3A_64 = arith.constant 0 : i32
      %dma_wait3A_65 = tpu.memref_slice %arg7[%add3A, %dma_wait3A_64] : memref<32x16xf32, #tpu.memory_space<hbm>> -> memref<1x16xf32, #tpu.memory_space<hbm>>
      %dma_wait3A_66 = tpu.memref_squeeze %dma_wait3A_65 : memref<1x16xf32, #tpu.memory_space<hbm>> -> memref<16xf32, #tpu.memory_space<hbm>>
      tpu.wait_dma2 semaphore(%run_scoped3A : memref<!tpu.dma_semaphore, #tpu.memory_space<semaphore_mem>>) src(%arg13 : memref<16xf32, #tpu.memory_space<vmem>>) dst(%dma_wait3A_66 : memref<16xf32, #tpu.memory_space<hbm>>)
      tpu.yield
    }) : () -> ()
    return
  }
}

module attributes {stable_mosaic.version = 14 : i64} {
  func.func @_bitonic_sort_body(%arg0: memref<512x128xf32, #tpu.memory_space<vmem>>, %arg1: memref<512x128xi32, #tpu.memory_space<vmem>>, %arg2: memref<528x128xf32, #tpu.memory_space<vmem>>) attributes {dimension_semantics = [], scalar_prefetch = 0 : i64, scratch_operands = 0 : i64, tpu.core_type = #tpu.core_type<tc>} {
    %get3A = arith.constant 0 : index
    %get3A_0 = arith.constant 0 : index
    %get3A_1 = vector.load %arg1[%get3A, %get3A_0] : memref<512x128xi32, #tpu.memory_space<vmem>>, vector<512x128xi32>
    %gt3A = arith.constant 0 : i32
    %gt3A_2 = vector.broadcast %gt3A : i32 to vector<512x128xi32>
    %gt3A_3 = arith.cmpi sgt, %get3A_1, %gt3A_2 : vector<512x128xi32>
    %get3A_4 = arith.constant 0 : index
    %get3A_5 = arith.constant 0 : index
    %get3A_6 = vector.load %arg0[%get3A_4, %get3A_5] : memref<512x128xf32, #tpu.memory_space<vmem>>, vector<512x128xf32>
    %jit3A = arith.constant 3.40282347E+38 : f32
    %broadcast_in_dim3A = vector.broadcast %jit3A : f32 to vector<512x128xf32>
    %select_n3A = arith.select %gt3A_3, %get3A_6, %broadcast_in_dim3A : vector<512x128xi1>, vector<512x128xf32>
    %iota3A = tpu.iota {dimensions = array<i32: 1>} : vector<1x128xi32>
    %iota3A_7 = tpu.iota {dimensions = array<i32: 0>} : vector<512x1xi32>
    %and3A = arith.constant 1 : i32
    %and3A_8 = vector.broadcast %and3A : i32 to vector<1x128xi32>
    %and3A_9 = arith.andi %iota3A, %and3A_8 : vector<1x128xi32>
    %eq3A = arith.constant 0 : i32
    %eq3A_10 = vector.broadcast %eq3A : i32 to vector<1x128xi32>
    %eq3A_11 = arith.cmpi eq, %and3A_9, %eq3A_10 : vector<1x128xi32>
    %slice3A = vector.extract_strided_slice %select_n3A {offsets = [0, 1], sizes = [512, 127], strides = [1, 1]} : vector<512x128xf32> to vector<512x127xf32>
    %slice3A_12 = vector.extract_strided_slice %select_n3A {offsets = [0, 0], sizes = [512, 1], strides = [1, 1]} : vector<512x128xf32> to vector<512x1xf32>
    %concatenate3A = tpu.concatenate %slice3A, %slice3A_12 in 1 : vector<512x127xf32>, vector<512x1xf32> -> vector<512x128xf32>
    %slice3A_13 = vector.extract_strided_slice %select_n3A {offsets = [0, 127], sizes = [512, 1], strides = [1, 1]} : vector<512x128xf32> to vector<512x1xf32>
    %slice3A_14 = vector.extract_strided_slice %select_n3A {offsets = [0, 0], sizes = [512, 127], strides = [1, 1]} : vector<512x128xf32> to vector<512x127xf32>
    %concatenate3A_15 = tpu.concatenate %slice3A_13, %slice3A_14 in 1 : vector<512x1xf32>, vector<512x127xf32> -> vector<512x128xf32>
    %and3A_16 = arith.constant 2 : i32
    %and3A_17 = vector.broadcast %and3A_16 : i32 to vector<1x128xi32>
    %and3A_18 = arith.andi %iota3A, %and3A_17 : vector<1x128xi32>
    %eq3A_19 = arith.constant 0 : i32
    %eq3A_20 = vector.broadcast %eq3A_19 : i32 to vector<1x128xi32>
    %eq3A_21 = arith.cmpi eq, %and3A_18, %eq3A_20 : vector<1x128xi32>
    %eq3A_22 = arith.xori %eq3A_11, %eq3A_21 : vector<1x128xi1>
    %eq3A_23 = arith.constant dense<true> : vector<1x128xi1>
    %eq3A_24 = arith.xori %eq3A_22, %eq3A_23 : vector<1x128xi1>
    %broadcast_in_dim3A_25 = vector.shape_cast %eq3A_11 : vector<1x128xi1> to vector<1x128xi1>
    %broadcast_in_dim3A_26 = vector.broadcast %broadcast_in_dim3A_25 : vector<1x128xi1> to vector<512x128xi1>
    %select_n3A_27 = arith.select %broadcast_in_dim3A_26, %concatenate3A, %concatenate3A_15 : vector<512x128xi1>, vector<512x128xf32>
    %min3A = arith.minimumf %select_n3A, %select_n3A_27 : vector<512x128xf32>
    %max3A = arith.maximumf %select_n3A, %select_n3A_27 : vector<512x128xf32>
    %broadcast_in_dim3A_28 = vector.shape_cast %eq3A_24 : vector<1x128xi1> to vector<1x128xi1>
    %broadcast_in_dim3A_29 = vector.broadcast %broadcast_in_dim3A_28 : vector<1x128xi1> to vector<512x128xi1>
    %select_n3A_30 = arith.select %broadcast_in_dim3A_29, %min3A, %max3A : vector<512x128xi1>, vector<512x128xf32>
    %and3A_31 = arith.constant 2 : i32
    %and3A_32 = vector.broadcast %and3A_31 : i32 to vector<1x128xi32>
    %and3A_33 = arith.andi %iota3A, %and3A_32 : vector<1x128xi32>
    %eq3A_34 = arith.constant 0 : i32
    %eq3A_35 = vector.broadcast %eq3A_34 : i32 to vector<1x128xi32>
    %eq3A_36 = arith.cmpi eq, %and3A_33, %eq3A_35 : vector<1x128xi32>
    %slice3A_37 = vector.extract_strided_slice %select_n3A_30 {offsets = [0, 2], sizes = [512, 126], strides = [1, 1]} : vector<512x128xf32> to vector<512x126xf32>
    %slice3A_38 = vector.extract_strided_slice %select_n3A_30 {offsets = [0, 0], sizes = [512, 2], strides = [1, 1]} : vector<512x128xf32> to vector<512x2xf32>
    %concatenate3A_39 = tpu.concatenate %slice3A_37, %slice3A_38 in 1 : vector<512x126xf32>, vector<512x2xf32> -> vector<512x128xf32>
    %slice3A_40 = vector.extract_strided_slice %select_n3A_30 {offsets = [0, 126], sizes = [512, 2], strides = [1, 1]} : vector<512x128xf32> to vector<512x2xf32>
    %slice3A_41 = vector.extract_strided_slice %select_n3A_30 {offsets = [0, 0], sizes = [512, 126], strides = [1, 1]} : vector<512x128xf32> to vector<512x126xf32>
    %concatenate3A_42 = tpu.concatenate %slice3A_40, %slice3A_41 in 1 : vector<512x2xf32>, vector<512x126xf32> -> vector<512x128xf32>
    %and3A_43 = arith.constant 4 : i32
    %and3A_44 = vector.broadcast %and3A_43 : i32 to vector<1x128xi32>
    %and3A_45 = arith.andi %iota3A, %and3A_44 : vector<1x128xi32>
    %eq3A_46 = arith.constant 0 : i32
    %eq3A_47 = vector.broadcast %eq3A_46 : i32 to vector<1x128xi32>
    %eq3A_48 = arith.cmpi eq, %and3A_45, %eq3A_47 : vector<1x128xi32>
    %eq3A_49 = arith.xori %eq3A_36, %eq3A_48 : vector<1x128xi1>
    %eq3A_50 = arith.constant dense<true> : vector<1x128xi1>
    %eq3A_51 = arith.xori %eq3A_49, %eq3A_50 : vector<1x128xi1>
    %broadcast_in_dim3A_52 = vector.shape_cast %eq3A_36 : vector<1x128xi1> to vector<1x128xi1>
    %broadcast_in_dim3A_53 = vector.broadcast %broadcast_in_dim3A_52 : vector<1x128xi1> to vector<512x128xi1>
    %select_n3A_54 = arith.select %broadcast_in_dim3A_53, %concatenate3A_39, %concatenate3A_42 : vector<512x128xi1>, vector<512x128xf32>
    %min3A_55 = arith.minimumf %select_n3A_30, %select_n3A_54 : vector<512x128xf32>
    %max3A_56 = arith.maximumf %select_n3A_30, %select_n3A_54 : vector<512x128xf32>
    %broadcast_in_dim3A_57 = vector.shape_cast %eq3A_51 : vector<1x128xi1> to vector<1x128xi1>
    %broadcast_in_dim3A_58 = vector.broadcast %broadcast_in_dim3A_57 : vector<1x128xi1> to vector<512x128xi1>
    %select_n3A_59 = arith.select %broadcast_in_dim3A_58, %min3A_55, %max3A_56 : vector<512x128xi1>, vector<512x128xf32>
    %and3A_60 = arith.constant 1 : i32
    %and3A_61 = vector.broadcast %and3A_60 : i32 to vector<1x128xi32>
    %and3A_62 = arith.andi %iota3A, %and3A_61 : vector<1x128xi32>
    %eq3A_63 = arith.constant 0 : i32
    %eq3A_64 = vector.broadcast %eq3A_63 : i32 to vector<1x128xi32>
    %eq3A_65 = arith.cmpi eq, %and3A_62, %eq3A_64 : vector<1x128xi32>
    %slice3A_66 = vector.extract_strided_slice %select_n3A_59 {offsets = [0, 1], sizes = [512, 127], strides = [1, 1]} : vector<512x128xf32> to vector<512x127xf32>
    %slice3A_67 = vector.extract_strided_slice %select_n3A_59 {offsets = [0, 0], sizes = [512, 1], strides = [1, 1]} : vector<512x128xf32> to vector<512x1xf32>
    %concatenate3A_68 = tpu.concatenate %slice3A_66, %slice3A_67 in 1 : vector<512x127xf32>, vector<512x1xf32> -> vector<512x128xf32>
    %slice3A_69 = vector.extract_strided_slice %select_n3A_59 {offsets = [0, 127], sizes = [512, 1], strides = [1, 1]} : vector<512x128xf32> to vector<512x1xf32>
    %slice3A_70 = vector.extract_strided_slice %select_n3A_59 {offsets = [0, 0], sizes = [512, 127], strides = [1, 1]} : vector<512x128xf32> to vector<512x127xf32>
    %concatenate3A_71 = tpu.concatenate %slice3A_69, %slice3A_70 in 1 : vector<512x1xf32>, vector<512x127xf32> -> vector<512x128xf32>
    %and3A_72 = arith.constant 4 : i32
    %and3A_73 = vector.broadcast %and3A_72 : i32 to vector<1x128xi32>
    %and3A_74 = arith.andi %iota3A, %and3A_73 : vector<1x128xi32>
    %eq3A_75 = arith.constant 0 : i32
    %eq3A_76 = vector.broadcast %eq3A_75 : i32 to vector<1x128xi32>
    %eq3A_77 = arith.cmpi eq, %and3A_74, %eq3A_76 : vector<1x128xi32>
    %eq3A_78 = arith.xori %eq3A_65, %eq3A_77 : vector<1x128xi1>
    %eq3A_79 = arith.constant dense<true> : vector<1x128xi1>
    %eq3A_80 = arith.xori %eq3A_78, %eq3A_79 : vector<1x128xi1>
    %broadcast_in_dim3A_81 = vector.shape_cast %eq3A_65 : vector<1x128xi1> to vector<1x128xi1>
    %broadcast_in_dim3A_82 = vector.broadcast %broadcast_in_dim3A_81 : vector<1x128xi1> to vector<512x128xi1>
    %select_n3A_83 = arith.select %broadcast_in_dim3A_82, %concatenate3A_68, %concatenate3A_71 : vector<512x128xi1>, vector<512x128xf32>
    %min3A_84 = arith.minimumf %select_n3A_59, %select_n3A_83 : vector<512x128xf32>
    %max3A_85 = arith.maximumf %select_n3A_59, %select_n3A_83 : vector<512x128xf32>
    %broadcast_in_dim3A_86 = vector.shape_cast %eq3A_80 : vector<1x128xi1> to vector<1x128xi1>
    %broadcast_in_dim3A_87 = vector.broadcast %broadcast_in_dim3A_86 : vector<1x128xi1> to vector<512x128xi1>
    %select_n3A_88 = arith.select %broadcast_in_dim3A_87, %min3A_84, %max3A_85 : vector<512x128xi1>, vector<512x128xf32>
    %and3A_89 = arith.constant 4 : i32
    %and3A_90 = vector.broadcast %and3A_89 : i32 to vector<1x128xi32>
    %and3A_91 = arith.andi %iota3A, %and3A_90 : vector<1x128xi32>
    %eq3A_92 = arith.constant 0 : i32
    %eq3A_93 = vector.broadcast %eq3A_92 : i32 to vector<1x128xi32>
    %eq3A_94 = arith.cmpi eq, %and3A_91, %eq3A_93 : vector<1x128xi32>
    %slice3A_95 = vector.extract_strided_slice %select_n3A_88 {offsets = [0, 4], sizes = [512, 124], strides = [1, 1]} : vector<512x128xf32> to vector<512x124xf32>
    %slice3A_96 = vector.extract_strided_slice %select_n3A_88 {offsets = [0, 0], sizes = [512, 4], strides = [1, 1]} : vector<512x128xf32> to vector<512x4xf32>
    %concatenate3A_97 = tpu.concatenate %slice3A_95, %slice3A_96 in 1 : vector<512x124xf32>, vector<512x4xf32> -> vector<512x128xf32>
    %slice3A_98 = vector.extract_strided_slice %select_n3A_88 {offsets = [0, 124], sizes = [512, 4], strides = [1, 1]} : vector<512x128xf32> to vector<512x4xf32>
    %slice3A_99 = vector.extract_strided_slice %select_n3A_88 {offsets = [0, 0], sizes = [512, 124], strides = [1, 1]} : vector<512x128xf32> to vector<512x124xf32>
    %concatenate3A_100 = tpu.concatenate %slice3A_98, %slice3A_99 in 1 : vector<512x4xf32>, vector<512x124xf32> -> vector<512x128xf32>
    %and3A_101 = arith.constant 8 : i32
    %and3A_102 = vector.broadcast %and3A_101 : i32 to vector<1x128xi32>
    %and3A_103 = arith.andi %iota3A, %and3A_102 : vector<1x128xi32>
    %eq3A_104 = arith.constant 0 : i32
    %eq3A_105 = vector.broadcast %eq3A_104 : i32 to vector<1x128xi32>
    %eq3A_106 = arith.cmpi eq, %and3A_103, %eq3A_105 : vector<1x128xi32>
    %eq3A_107 = arith.xori %eq3A_94, %eq3A_106 : vector<1x128xi1>
    %eq3A_108 = arith.constant dense<true> : vector<1x128xi1>
    %eq3A_109 = arith.xori %eq3A_107, %eq3A_108 : vector<1x128xi1>
    %broadcast_in_dim3A_110 = vector.shape_cast %eq3A_94 : vector<1x128xi1> to vector<1x128xi1>
    %broadcast_in_dim3A_111 = vector.broadcast %broadcast_in_dim3A_110 : vector<1x128xi1> to vector<512x128xi1>
    %select_n3A_112 = arith.select %broadcast_in_dim3A_111, %concatenate3A_97, %concatenate3A_100 : vector<512x128xi1>, vector<512x128xf32>
    %min3A_113 = arith.minimumf %select_n3A_88, %select_n3A_112 : vector<512x128xf32>
    %max3A_114 = arith.maximumf %select_n3A_88, %select_n3A_112 : vector<512x128xf32>
    %broadcast_in_dim3A_115 = vector.shape_cast %eq3A_109 : vector<1x128xi1> to vector<1x128xi1>
    %broadcast_in_dim3A_116 = vector.broadcast %broadcast_in_dim3A_115 : vector<1x128xi1> to vector<512x128xi1>
    %select_n3A_117 = arith.select %broadcast_in_dim3A_116, %min3A_113, %max3A_114 : vector<512x128xi1>, vector<512x128xf32>
    %and3A_118 = arith.constant 2 : i32
    %and3A_119 = vector.broadcast %and3A_118 : i32 to vector<1x128xi32>
    %and3A_120 = arith.andi %iota3A, %and3A_119 : vector<1x128xi32>
    %eq3A_121 = arith.constant 0 : i32
    %eq3A_122 = vector.broadcast %eq3A_121 : i32 to vector<1x128xi32>
    %eq3A_123 = arith.cmpi eq, %and3A_120, %eq3A_122 : vector<1x128xi32>
    %slice3A_124 = vector.extract_strided_slice %select_n3A_117 {offsets = [0, 2], sizes = [512, 126], strides = [1, 1]} : vector<512x128xf32> to vector<512x126xf32>
    %slice3A_125 = vector.extract_strided_slice %select_n3A_117 {offsets = [0, 0], sizes = [512, 2], strides = [1, 1]} : vector<512x128xf32> to vector<512x2xf32>
    %concatenate3A_126 = tpu.concatenate %slice3A_124, %slice3A_125 in 1 : vector<512x126xf32>, vector<512x2xf32> -> vector<512x128xf32>
    %slice3A_127 = vector.extract_strided_slice %select_n3A_117 {offsets = [0, 126], sizes = [512, 2], strides = [1, 1]} : vector<512x128xf32> to vector<512x2xf32>
    %slice3A_128 = vector.extract_strided_slice %select_n3A_117 {offsets = [0, 0], sizes = [512, 126], strides = [1, 1]} : vector<512x128xf32> to vector<512x126xf32>
    %concatenate3A_129 = tpu.concatenate %slice3A_127, %slice3A_128 in 1 : vector<512x2xf32>, vector<512x126xf32> -> vector<512x128xf32>
    %and3A_130 = arith.constant 8 : i32
    %and3A_131 = vector.broadcast %and3A_130 : i32 to vector<1x128xi32>
    %and3A_132 = arith.andi %iota3A, %and3A_131 : vector<1x128xi32>
    %eq3A_133 = arith.constant 0 : i32
    %eq3A_134 = vector.broadcast %eq3A_133 : i32 to vector<1x128xi32>
    %eq3A_135 = arith.cmpi eq, %and3A_132, %eq3A_134 : vector<1x128xi32>
    %eq3A_136 = arith.xori %eq3A_123, %eq3A_135 : vector<1x128xi1>
    %eq3A_137 = arith.constant dense<true> : vector<1x128xi1>
    %eq3A_138 = arith.xori %eq3A_136, %eq3A_137 : vector<1x128xi1>
    %broadcast_in_dim3A_139 = vector.shape_cast %eq3A_123 : vector<1x128xi1> to vector<1x128xi1>
    %broadcast_in_dim3A_140 = vector.broadcast %broadcast_in_dim3A_139 : vector<1x128xi1> to vector<512x128xi1>
    %select_n3A_141 = arith.select %broadcast_in_dim3A_140, %concatenate3A_126, %concatenate3A_129 : vector<512x128xi1>, vector<512x128xf32>
    %min3A_142 = arith.minimumf %select_n3A_117, %select_n3A_141 : vector<512x128xf32>
    %max3A_143 = arith.maximumf %select_n3A_117, %select_n3A_141 : vector<512x128xf32>
    %broadcast_in_dim3A_144 = vector.shape_cast %eq3A_138 : vector<1x128xi1> to vector<1x128xi1>
    %broadcast_in_dim3A_145 = vector.broadcast %broadcast_in_dim3A_144 : vector<1x128xi1> to vector<512x128xi1>
    %select_n3A_146 = arith.select %broadcast_in_dim3A_145, %min3A_142, %max3A_143 : vector<512x128xi1>, vector<512x128xf32>
    %and3A_147 = arith.constant 1 : i32
    %and3A_148 = vector.broadcast %and3A_147 : i32 to vector<1x128xi32>
    %and3A_149 = arith.andi %iota3A, %and3A_148 : vector<1x128xi32>
    %eq3A_150 = arith.constant 0 : i32
    %eq3A_151 = vector.broadcast %eq3A_150 : i32 to vector<1x128xi32>
    %eq3A_152 = arith.cmpi eq, %and3A_149, %eq3A_151 : vector<1x128xi32>
    %slice3A_153 = vector.extract_strided_slice %select_n3A_146 {offsets = [0, 1], sizes = [512, 127], strides = [1, 1]} : vector<512x128xf32> to vector<512x127xf32>
    %slice3A_154 = vector.extract_strided_slice %select_n3A_146 {offsets = [0, 0], sizes = [512, 1], strides = [1, 1]} : vector<512x128xf32> to vector<512x1xf32>
    %concatenate3A_155 = tpu.concatenate %slice3A_153, %slice3A_154 in 1 : vector<512x127xf32>, vector<512x1xf32> -> vector<512x128xf32>
    %slice3A_156 = vector.extract_strided_slice %select_n3A_146 {offsets = [0, 127], sizes = [512, 1], strides = [1, 1]} : vector<512x128xf32> to vector<512x1xf32>
    %slice3A_157 = vector.extract_strided_slice %select_n3A_146 {offsets = [0, 0], sizes = [512, 127], strides = [1, 1]} : vector<512x128xf32> to vector<512x127xf32>
    %concatenate3A_158 = tpu.concatenate %slice3A_156, %slice3A_157 in 1 : vector<512x1xf32>, vector<512x127xf32> -> vector<512x128xf32>
    %and3A_159 = arith.constant 8 : i32
    %and3A_160 = vector.broadcast %and3A_159 : i32 to vector<1x128xi32>
    %and3A_161 = arith.andi %iota3A, %and3A_160 : vector<1x128xi32>
    %eq3A_162 = arith.constant 0 : i32
    %eq3A_163 = vector.broadcast %eq3A_162 : i32 to vector<1x128xi32>
    %eq3A_164 = arith.cmpi eq, %and3A_161, %eq3A_163 : vector<1x128xi32>
    %eq3A_165 = arith.xori %eq3A_152, %eq3A_164 : vector<1x128xi1>
    %eq3A_166 = arith.constant dense<true> : vector<1x128xi1>
    %eq3A_167 = arith.xori %eq3A_165, %eq3A_166 : vector<1x128xi1>
    %broadcast_in_dim3A_168 = vector.shape_cast %eq3A_152 : vector<1x128xi1> to vector<1x128xi1>
    %broadcast_in_dim3A_169 = vector.broadcast %broadcast_in_dim3A_168 : vector<1x128xi1> to vector<512x128xi1>
    %select_n3A_170 = arith.select %broadcast_in_dim3A_169, %concatenate3A_155, %concatenate3A_158 : vector<512x128xi1>, vector<512x128xf32>
    %min3A_171 = arith.minimumf %select_n3A_146, %select_n3A_170 : vector<512x128xf32>
    %max3A_172 = arith.maximumf %select_n3A_146, %select_n3A_170 : vector<512x128xf32>
    %broadcast_in_dim3A_173 = vector.shape_cast %eq3A_167 : vector<1x128xi1> to vector<1x128xi1>
    %broadcast_in_dim3A_174 = vector.broadcast %broadcast_in_dim3A_173 : vector<1x128xi1> to vector<512x128xi1>
    %select_n3A_175 = arith.select %broadcast_in_dim3A_174, %min3A_171, %max3A_172 : vector<512x128xi1>, vector<512x128xf32>
    %and3A_176 = arith.constant 8 : i32
    %and3A_177 = vector.broadcast %and3A_176 : i32 to vector<1x128xi32>
    %and3A_178 = arith.andi %iota3A, %and3A_177 : vector<1x128xi32>
    %eq3A_179 = arith.constant 0 : i32
    %eq3A_180 = vector.broadcast %eq3A_179 : i32 to vector<1x128xi32>
    %eq3A_181 = arith.cmpi eq, %and3A_178, %eq3A_180 : vector<1x128xi32>
    %slice3A_182 = vector.extract_strided_slice %select_n3A_175 {offsets = [0, 8], sizes = [512, 120], strides = [1, 1]} : vector<512x128xf32> to vector<512x120xf32>
    %slice3A_183 = vector.extract_strided_slice %select_n3A_175 {offsets = [0, 0], sizes = [512, 8], strides = [1, 1]} : vector<512x128xf32> to vector<512x8xf32>
    %concatenate3A_184 = tpu.concatenate %slice3A_182, %slice3A_183 in 1 : vector<512x120xf32>, vector<512x8xf32> -> vector<512x128xf32>
    %slice3A_185 = vector.extract_strided_slice %select_n3A_175 {offsets = [0, 120], sizes = [512, 8], strides = [1, 1]} : vector<512x128xf32> to vector<512x8xf32>
    %slice3A_186 = vector.extract_strided_slice %select_n3A_175 {offsets = [0, 0], sizes = [512, 120], strides = [1, 1]} : vector<512x128xf32> to vector<512x120xf32>
    %concatenate3A_187 = tpu.concatenate %slice3A_185, %slice3A_186 in 1 : vector<512x8xf32>, vector<512x120xf32> -> vector<512x128xf32>
    %and3A_188 = arith.constant 16 : i32
    %and3A_189 = vector.broadcast %and3A_188 : i32 to vector<1x128xi32>
    %and3A_190 = arith.andi %iota3A, %and3A_189 : vector<1x128xi32>
    %eq3A_191 = arith.constant 0 : i32
    %eq3A_192 = vector.broadcast %eq3A_191 : i32 to vector<1x128xi32>
    %eq3A_193 = arith.cmpi eq, %and3A_190, %eq3A_192 : vector<1x128xi32>
    %eq3A_194 = arith.xori %eq3A_181, %eq3A_193 : vector<1x128xi1>
    %eq3A_195 = arith.constant dense<true> : vector<1x128xi1>
    %eq3A_196 = arith.xori %eq3A_194, %eq3A_195 : vector<1x128xi1>
    %broadcast_in_dim3A_197 = vector.shape_cast %eq3A_181 : vector<1x128xi1> to vector<1x128xi1>
    %broadcast_in_dim3A_198 = vector.broadcast %broadcast_in_dim3A_197 : vector<1x128xi1> to vector<512x128xi1>
    %select_n3A_199 = arith.select %broadcast_in_dim3A_198, %concatenate3A_184, %concatenate3A_187 : vector<512x128xi1>, vector<512x128xf32>
    %min3A_200 = arith.minimumf %select_n3A_175, %select_n3A_199 : vector<512x128xf32>
    %max3A_201 = arith.maximumf %select_n3A_175, %select_n3A_199 : vector<512x128xf32>
    %broadcast_in_dim3A_202 = vector.shape_cast %eq3A_196 : vector<1x128xi1> to vector<1x128xi1>
    %broadcast_in_dim3A_203 = vector.broadcast %broadcast_in_dim3A_202 : vector<1x128xi1> to vector<512x128xi1>
    %select_n3A_204 = arith.select %broadcast_in_dim3A_203, %min3A_200, %max3A_201 : vector<512x128xi1>, vector<512x128xf32>
    %and3A_205 = arith.constant 4 : i32
    %and3A_206 = vector.broadcast %and3A_205 : i32 to vector<1x128xi32>
    %and3A_207 = arith.andi %iota3A, %and3A_206 : vector<1x128xi32>
    %eq3A_208 = arith.constant 0 : i32
    %eq3A_209 = vector.broadcast %eq3A_208 : i32 to vector<1x128xi32>
    %eq3A_210 = arith.cmpi eq, %and3A_207, %eq3A_209 : vector<1x128xi32>
    %slice3A_211 = vector.extract_strided_slice %select_n3A_204 {offsets = [0, 4], sizes = [512, 124], strides = [1, 1]} : vector<512x128xf32> to vector<512x124xf32>
    %slice3A_212 = vector.extract_strided_slice %select_n3A_204 {offsets = [0, 0], sizes = [512, 4], strides = [1, 1]} : vector<512x128xf32> to vector<512x4xf32>
    %concatenate3A_213 = tpu.concatenate %slice3A_211, %slice3A_212 in 1 : vector<512x124xf32>, vector<512x4xf32> -> vector<512x128xf32>
    %slice3A_214 = vector.extract_strided_slice %select_n3A_204 {offsets = [0, 124], sizes = [512, 4], strides = [1, 1]} : vector<512x128xf32> to vector<512x4xf32>
    %slice3A_215 = vector.extract_strided_slice %select_n3A_204 {offsets = [0, 0], sizes = [512, 124], strides = [1, 1]} : vector<512x128xf32> to vector<512x124xf32>
    %concatenate3A_216 = tpu.concatenate %slice3A_214, %slice3A_215 in 1 : vector<512x4xf32>, vector<512x124xf32> -> vector<512x128xf32>
    %and3A_217 = arith.constant 16 : i32
    %and3A_218 = vector.broadcast %and3A_217 : i32 to vector<1x128xi32>
    %and3A_219 = arith.andi %iota3A, %and3A_218 : vector<1x128xi32>
    %eq3A_220 = arith.constant 0 : i32
    %eq3A_221 = vector.broadcast %eq3A_220 : i32 to vector<1x128xi32>
    %eq3A_222 = arith.cmpi eq, %and3A_219, %eq3A_221 : vector<1x128xi32>
    %eq3A_223 = arith.xori %eq3A_210, %eq3A_222 : vector<1x128xi1>
    %eq3A_224 = arith.constant dense<true> : vector<1x128xi1>
    %eq3A_225 = arith.xori %eq3A_223, %eq3A_224 : vector<1x128xi1>
    %broadcast_in_dim3A_226 = vector.shape_cast %eq3A_210 : vector<1x128xi1> to vector<1x128xi1>
    %broadcast_in_dim3A_227 = vector.broadcast %broadcast_in_dim3A_226 : vector<1x128xi1> to vector<512x128xi1>
    %select_n3A_228 = arith.select %broadcast_in_dim3A_227, %concatenate3A_213, %concatenate3A_216 : vector<512x128xi1>, vector<512x128xf32>
    %min3A_229 = arith.minimumf %select_n3A_204, %select_n3A_228 : vector<512x128xf32>
    %max3A_230 = arith.maximumf %select_n3A_204, %select_n3A_228 : vector<512x128xf32>
    %broadcast_in_dim3A_231 = vector.shape_cast %eq3A_225 : vector<1x128xi1> to vector<1x128xi1>
    %broadcast_in_dim3A_232 = vector.broadcast %broadcast_in_dim3A_231 : vector<1x128xi1> to vector<512x128xi1>
    %select_n3A_233 = arith.select %broadcast_in_dim3A_232, %min3A_229, %max3A_230 : vector<512x128xi1>, vector<512x128xf32>
    %and3A_234 = arith.constant 2 : i32
    %and3A_235 = vector.broadcast %and3A_234 : i32 to vector<1x128xi32>
    %and3A_236 = arith.andi %iota3A, %and3A_235 : vector<1x128xi32>
    %eq3A_237 = arith.constant 0 : i32
    %eq3A_238 = vector.broadcast %eq3A_237 : i32 to vector<1x128xi32>
    %eq3A_239 = arith.cmpi eq, %and3A_236, %eq3A_238 : vector<1x128xi32>
    %slice3A_240 = vector.extract_strided_slice %select_n3A_233 {offsets = [0, 2], sizes = [512, 126], strides = [1, 1]} : vector<512x128xf32> to vector<512x126xf32>
    %slice3A_241 = vector.extract_strided_slice %select_n3A_233 {offsets = [0, 0], sizes = [512, 2], strides = [1, 1]} : vector<512x128xf32> to vector<512x2xf32>
    %concatenate3A_242 = tpu.concatenate %slice3A_240, %slice3A_241 in 1 : vector<512x126xf32>, vector<512x2xf32> -> vector<512x128xf32>
    %slice3A_243 = vector.extract_strided_slice %select_n3A_233 {offsets = [0, 126], sizes = [512, 2], strides = [1, 1]} : vector<512x128xf32> to vector<512x2xf32>
    %slice3A_244 = vector.extract_strided_slice %select_n3A_233 {offsets = [0, 0], sizes = [512, 126], strides = [1, 1]} : vector<512x128xf32> to vector<512x126xf32>
    %concatenate3A_245 = tpu.concatenate %slice3A_243, %slice3A_244 in 1 : vector<512x2xf32>, vector<512x126xf32> -> vector<512x128xf32>
    %and3A_246 = arith.constant 16 : i32
    %and3A_247 = vector.broadcast %and3A_246 : i32 to vector<1x128xi32>
    %and3A_248 = arith.andi %iota3A, %and3A_247 : vector<1x128xi32>
    %eq3A_249 = arith.constant 0 : i32
    %eq3A_250 = vector.broadcast %eq3A_249 : i32 to vector<1x128xi32>
    %eq3A_251 = arith.cmpi eq, %and3A_248, %eq3A_250 : vector<1x128xi32>
    %eq3A_252 = arith.xori %eq3A_239, %eq3A_251 : vector<1x128xi1>
    %eq3A_253 = arith.constant dense<true> : vector<1x128xi1>
    %eq3A_254 = arith.xori %eq3A_252, %eq3A_253 : vector<1x128xi1>
    %broadcast_in_dim3A_255 = vector.shape_cast %eq3A_239 : vector<1x128xi1> to vector<1x128xi1>
    %broadcast_in_dim3A_256 = vector.broadcast %broadcast_in_dim3A_255 : vector<1x128xi1> to vector<512x128xi1>
    %select_n3A_257 = arith.select %broadcast_in_dim3A_256, %concatenate3A_242, %concatenate3A_245 : vector<512x128xi1>, vector<512x128xf32>
    %min3A_258 = arith.minimumf %select_n3A_233, %select_n3A_257 : vector<512x128xf32>
    %max3A_259 = arith.maximumf %select_n3A_233, %select_n3A_257 : vector<512x128xf32>
    %broadcast_in_dim3A_260 = vector.shape_cast %eq3A_254 : vector<1x128xi1> to vector<1x128xi1>
    %broadcast_in_dim3A_261 = vector.broadcast %broadcast_in_dim3A_260 : vector<1x128xi1> to vector<512x128xi1>
    %select_n3A_262 = arith.select %broadcast_in_dim3A_261, %min3A_258, %max3A_259 : vector<512x128xi1>, vector<512x128xf32>
    %and3A_263 = arith.constant 1 : i32
    %and3A_264 = vector.broadcast %and3A_263 : i32 to vector<1x128xi32>
    %and3A_265 = arith.andi %iota3A, %and3A_264 : vector<1x128xi32>
    %eq3A_266 = arith.constant 0 : i32
    %eq3A_267 = vector.broadcast %eq3A_266 : i32 to vector<1x128xi32>
    %eq3A_268 = arith.cmpi eq, %and3A_265, %eq3A_267 : vector<1x128xi32>
    %slice3A_269 = vector.extract_strided_slice %select_n3A_262 {offsets = [0, 1], sizes = [512, 127], strides = [1, 1]} : vector<512x128xf32> to vector<512x127xf32>
    %slice3A_270 = vector.extract_strided_slice %select_n3A_262 {offsets = [0, 0], sizes = [512, 1], strides = [1, 1]} : vector<512x128xf32> to vector<512x1xf32>
    %concatenate3A_271 = tpu.concatenate %slice3A_269, %slice3A_270 in 1 : vector<512x127xf32>, vector<512x1xf32> -> vector<512x128xf32>
    %slice3A_272 = vector.extract_strided_slice %select_n3A_262 {offsets = [0, 127], sizes = [512, 1], strides = [1, 1]} : vector<512x128xf32> to vector<512x1xf32>
    %slice3A_273 = vector.extract_strided_slice %select_n3A_262 {offsets = [0, 0], sizes = [512, 127], strides = [1, 1]} : vector<512x128xf32> to vector<512x127xf32>
    %concatenate3A_274 = tpu.concatenate %slice3A_272, %slice3A_273 in 1 : vector<512x1xf32>, vector<512x127xf32> -> vector<512x128xf32>
    %and3A_275 = arith.constant 16 : i32
    %and3A_276 = vector.broadcast %and3A_275 : i32 to vector<1x128xi32>
    %and3A_277 = arith.andi %iota3A, %and3A_276 : vector<1x128xi32>
    %eq3A_278 = arith.constant 0 : i32
    %eq3A_279 = vector.broadcast %eq3A_278 : i32 to vector<1x128xi32>
    %eq3A_280 = arith.cmpi eq, %and3A_277, %eq3A_279 : vector<1x128xi32>
    %eq3A_281 = arith.xori %eq3A_268, %eq3A_280 : vector<1x128xi1>
    %eq3A_282 = arith.constant dense<true> : vector<1x128xi1>
    %eq3A_283 = arith.xori %eq3A_281, %eq3A_282 : vector<1x128xi1>
    %broadcast_in_dim3A_284 = vector.shape_cast %eq3A_268 : vector<1x128xi1> to vector<1x128xi1>
    %broadcast_in_dim3A_285 = vector.broadcast %broadcast_in_dim3A_284 : vector<1x128xi1> to vector<512x128xi1>
    %select_n3A_286 = arith.select %broadcast_in_dim3A_285, %concatenate3A_271, %concatenate3A_274 : vector<512x128xi1>, vector<512x128xf32>
    %min3A_287 = arith.minimumf %select_n3A_262, %select_n3A_286 : vector<512x128xf32>
    %max3A_288 = arith.maximumf %select_n3A_262, %select_n3A_286 : vector<512x128xf32>
    %broadcast_in_dim3A_289 = vector.shape_cast %eq3A_283 : vector<1x128xi1> to vector<1x128xi1>
    %broadcast_in_dim3A_290 = vector.broadcast %broadcast_in_dim3A_289 : vector<1x128xi1> to vector<512x128xi1>
    %select_n3A_291 = arith.select %broadcast_in_dim3A_290, %min3A_287, %max3A_288 : vector<512x128xi1>, vector<512x128xf32>
    %and3A_292 = arith.constant 16 : i32
    %and3A_293 = vector.broadcast %and3A_292 : i32 to vector<1x128xi32>
    %and3A_294 = arith.andi %iota3A, %and3A_293 : vector<1x128xi32>
    %eq3A_295 = arith.constant 0 : i32
    %eq3A_296 = vector.broadcast %eq3A_295 : i32 to vector<1x128xi32>
    %eq3A_297 = arith.cmpi eq, %and3A_294, %eq3A_296 : vector<1x128xi32>
    %slice3A_298 = vector.extract_strided_slice %select_n3A_291 {offsets = [0, 16], sizes = [512, 112], strides = [1, 1]} : vector<512x128xf32> to vector<512x112xf32>
    %slice3A_299 = vector.extract_strided_slice %select_n3A_291 {offsets = [0, 0], sizes = [512, 16], strides = [1, 1]} : vector<512x128xf32> to vector<512x16xf32>
    %concatenate3A_300 = tpu.concatenate %slice3A_298, %slice3A_299 in 1 : vector<512x112xf32>, vector<512x16xf32> -> vector<512x128xf32>
    %slice3A_301 = vector.extract_strided_slice %select_n3A_291 {offsets = [0, 112], sizes = [512, 16], strides = [1, 1]} : vector<512x128xf32> to vector<512x16xf32>
    %slice3A_302 = vector.extract_strided_slice %select_n3A_291 {offsets = [0, 0], sizes = [512, 112], strides = [1, 1]} : vector<512x128xf32> to vector<512x112xf32>
    %concatenate3A_303 = tpu.concatenate %slice3A_301, %slice3A_302 in 1 : vector<512x16xf32>, vector<512x112xf32> -> vector<512x128xf32>
    %and3A_304 = arith.constant 32 : i32
    %and3A_305 = vector.broadcast %and3A_304 : i32 to vector<1x128xi32>
    %and3A_306 = arith.andi %iota3A, %and3A_305 : vector<1x128xi32>
    %eq3A_307 = arith.constant 0 : i32
    %eq3A_308 = vector.broadcast %eq3A_307 : i32 to vector<1x128xi32>
    %eq3A_309 = arith.cmpi eq, %and3A_306, %eq3A_308 : vector<1x128xi32>
    %eq3A_310 = arith.xori %eq3A_297, %eq3A_309 : vector<1x128xi1>
    %eq3A_311 = arith.constant dense<true> : vector<1x128xi1>
    %eq3A_312 = arith.xori %eq3A_310, %eq3A_311 : vector<1x128xi1>
    %broadcast_in_dim3A_313 = vector.shape_cast %eq3A_297 : vector<1x128xi1> to vector<1x128xi1>
    %broadcast_in_dim3A_314 = vector.broadcast %broadcast_in_dim3A_313 : vector<1x128xi1> to vector<512x128xi1>
    %select_n3A_315 = arith.select %broadcast_in_dim3A_314, %concatenate3A_300, %concatenate3A_303 : vector<512x128xi1>, vector<512x128xf32>
    %min3A_316 = arith.minimumf %select_n3A_291, %select_n3A_315 : vector<512x128xf32>
    %max3A_317 = arith.maximumf %select_n3A_291, %select_n3A_315 : vector<512x128xf32>
    %broadcast_in_dim3A_318 = vector.shape_cast %eq3A_312 : vector<1x128xi1> to vector<1x128xi1>
    %broadcast_in_dim3A_319 = vector.broadcast %broadcast_in_dim3A_318 : vector<1x128xi1> to vector<512x128xi1>
    %select_n3A_320 = arith.select %broadcast_in_dim3A_319, %min3A_316, %max3A_317 : vector<512x128xi1>, vector<512x128xf32>
    %and3A_321 = arith.constant 8 : i32
    %and3A_322 = vector.broadcast %and3A_321 : i32 to vector<1x128xi32>
    %and3A_323 = arith.andi %iota3A, %and3A_322 : vector<1x128xi32>
    %eq3A_324 = arith.constant 0 : i32
    %eq3A_325 = vector.broadcast %eq3A_324 : i32 to vector<1x128xi32>
    %eq3A_326 = arith.cmpi eq, %and3A_323, %eq3A_325 : vector<1x128xi32>
    %slice3A_327 = vector.extract_strided_slice %select_n3A_320 {offsets = [0, 8], sizes = [512, 120], strides = [1, 1]} : vector<512x128xf32> to vector<512x120xf32>
    %slice3A_328 = vector.extract_strided_slice %select_n3A_320 {offsets = [0, 0], sizes = [512, 8], strides = [1, 1]} : vector<512x128xf32> to vector<512x8xf32>
    %concatenate3A_329 = tpu.concatenate %slice3A_327, %slice3A_328 in 1 : vector<512x120xf32>, vector<512x8xf32> -> vector<512x128xf32>
    %slice3A_330 = vector.extract_strided_slice %select_n3A_320 {offsets = [0, 120], sizes = [512, 8], strides = [1, 1]} : vector<512x128xf32> to vector<512x8xf32>
    %slice3A_331 = vector.extract_strided_slice %select_n3A_320 {offsets = [0, 0], sizes = [512, 120], strides = [1, 1]} : vector<512x128xf32> to vector<512x120xf32>
    %concatenate3A_332 = tpu.concatenate %slice3A_330, %slice3A_331 in 1 : vector<512x8xf32>, vector<512x120xf32> -> vector<512x128xf32>
    %and3A_333 = arith.constant 32 : i32
    %and3A_334 = vector.broadcast %and3A_333 : i32 to vector<1x128xi32>
    %and3A_335 = arith.andi %iota3A, %and3A_334 : vector<1x128xi32>
    %eq3A_336 = arith.constant 0 : i32
    %eq3A_337 = vector.broadcast %eq3A_336 : i32 to vector<1x128xi32>
    %eq3A_338 = arith.cmpi eq, %and3A_335, %eq3A_337 : vector<1x128xi32>
    %eq3A_339 = arith.xori %eq3A_326, %eq3A_338 : vector<1x128xi1>
    %eq3A_340 = arith.constant dense<true> : vector<1x128xi1>
    %eq3A_341 = arith.xori %eq3A_339, %eq3A_340 : vector<1x128xi1>
    %broadcast_in_dim3A_342 = vector.shape_cast %eq3A_326 : vector<1x128xi1> to vector<1x128xi1>
    %broadcast_in_dim3A_343 = vector.broadcast %broadcast_in_dim3A_342 : vector<1x128xi1> to vector<512x128xi1>
    %select_n3A_344 = arith.select %broadcast_in_dim3A_343, %concatenate3A_329, %concatenate3A_332 : vector<512x128xi1>, vector<512x128xf32>
    %min3A_345 = arith.minimumf %select_n3A_320, %select_n3A_344 : vector<512x128xf32>
    %max3A_346 = arith.maximumf %select_n3A_320, %select_n3A_344 : vector<512x128xf32>
    %broadcast_in_dim3A_347 = vector.shape_cast %eq3A_341 : vector<1x128xi1> to vector<1x128xi1>
    %broadcast_in_dim3A_348 = vector.broadcast %broadcast_in_dim3A_347 : vector<1x128xi1> to vector<512x128xi1>
    %select_n3A_349 = arith.select %broadcast_in_dim3A_348, %min3A_345, %max3A_346 : vector<512x128xi1>, vector<512x128xf32>
    %and3A_350 = arith.constant 4 : i32
    %and3A_351 = vector.broadcast %and3A_350 : i32 to vector<1x128xi32>
    %and3A_352 = arith.andi %iota3A, %and3A_351 : vector<1x128xi32>
    %eq3A_353 = arith.constant 0 : i32
    %eq3A_354 = vector.broadcast %eq3A_353 : i32 to vector<1x128xi32>
    %eq3A_355 = arith.cmpi eq, %and3A_352, %eq3A_354 : vector<1x128xi32>
    %slice3A_356 = vector.extract_strided_slice %select_n3A_349 {offsets = [0, 4], sizes = [512, 124], strides = [1, 1]} : vector<512x128xf32> to vector<512x124xf32>
    %slice3A_357 = vector.extract_strided_slice %select_n3A_349 {offsets = [0, 0], sizes = [512, 4], strides = [1, 1]} : vector<512x128xf32> to vector<512x4xf32>
    %concatenate3A_358 = tpu.concatenate %slice3A_356, %slice3A_357 in 1 : vector<512x124xf32>, vector<512x4xf32> -> vector<512x128xf32>
    %slice3A_359 = vector.extract_strided_slice %select_n3A_349 {offsets = [0, 124], sizes = [512, 4], strides = [1, 1]} : vector<512x128xf32> to vector<512x4xf32>
    %slice3A_360 = vector.extract_strided_slice %select_n3A_349 {offsets = [0, 0], sizes = [512, 124], strides = [1, 1]} : vector<512x128xf32> to vector<512x124xf32>
    %concatenate3A_361 = tpu.concatenate %slice3A_359, %slice3A_360 in 1 : vector<512x4xf32>, vector<512x124xf32> -> vector<512x128xf32>
    %and3A_362 = arith.constant 32 : i32
    %and3A_363 = vector.broadcast %and3A_362 : i32 to vector<1x128xi32>
    %and3A_364 = arith.andi %iota3A, %and3A_363 : vector<1x128xi32>
    %eq3A_365 = arith.constant 0 : i32
    %eq3A_366 = vector.broadcast %eq3A_365 : i32 to vector<1x128xi32>
    %eq3A_367 = arith.cmpi eq, %and3A_364, %eq3A_366 : vector<1x128xi32>
    %eq3A_368 = arith.xori %eq3A_355, %eq3A_367 : vector<1x128xi1>
    %eq3A_369 = arith.constant dense<true> : vector<1x128xi1>
    %eq3A_370 = arith.xori %eq3A_368, %eq3A_369 : vector<1x128xi1>
    %broadcast_in_dim3A_371 = vector.shape_cast %eq3A_355 : vector<1x128xi1> to vector<1x128xi1>
    %broadcast_in_dim3A_372 = vector.broadcast %broadcast_in_dim3A_371 : vector<1x128xi1> to vector<512x128xi1>
    %select_n3A_373 = arith.select %broadcast_in_dim3A_372, %concatenate3A_358, %concatenate3A_361 : vector<512x128xi1>, vector<512x128xf32>
    %min3A_374 = arith.minimumf %select_n3A_349, %select_n3A_373 : vector<512x128xf32>
    %max3A_375 = arith.maximumf %select_n3A_349, %select_n3A_373 : vector<512x128xf32>
    %broadcast_in_dim3A_376 = vector.shape_cast %eq3A_370 : vector<1x128xi1> to vector<1x128xi1>
    %broadcast_in_dim3A_377 = vector.broadcast %broadcast_in_dim3A_376 : vector<1x128xi1> to vector<512x128xi1>
    %select_n3A_378 = arith.select %broadcast_in_dim3A_377, %min3A_374, %max3A_375 : vector<512x128xi1>, vector<512x128xf32>
    %and3A_379 = arith.constant 2 : i32
    %and3A_380 = vector.broadcast %and3A_379 : i32 to vector<1x128xi32>
    %and3A_381 = arith.andi %iota3A, %and3A_380 : vector<1x128xi32>
    %eq3A_382 = arith.constant 0 : i32
    %eq3A_383 = vector.broadcast %eq3A_382 : i32 to vector<1x128xi32>
    %eq3A_384 = arith.cmpi eq, %and3A_381, %eq3A_383 : vector<1x128xi32>
    %slice3A_385 = vector.extract_strided_slice %select_n3A_378 {offsets = [0, 2], sizes = [512, 126], strides = [1, 1]} : vector<512x128xf32> to vector<512x126xf32>
    %slice3A_386 = vector.extract_strided_slice %select_n3A_378 {offsets = [0, 0], sizes = [512, 2], strides = [1, 1]} : vector<512x128xf32> to vector<512x2xf32>
    %concatenate3A_387 = tpu.concatenate %slice3A_385, %slice3A_386 in 1 : vector<512x126xf32>, vector<512x2xf32> -> vector<512x128xf32>
    %slice3A_388 = vector.extract_strided_slice %select_n3A_378 {offsets = [0, 126], sizes = [512, 2], strides = [1, 1]} : vector<512x128xf32> to vector<512x2xf32>
    %slice3A_389 = vector.extract_strided_slice %select_n3A_378 {offsets = [0, 0], sizes = [512, 126], strides = [1, 1]} : vector<512x128xf32> to vector<512x126xf32>
    %concatenate3A_390 = tpu.concatenate %slice3A_388, %slice3A_389 in 1 : vector<512x2xf32>, vector<512x126xf32> -> vector<512x128xf32>
    %and3A_391 = arith.constant 32 : i32
    %and3A_392 = vector.broadcast %and3A_391 : i32 to vector<1x128xi32>
    %and3A_393 = arith.andi %iota3A, %and3A_392 : vector<1x128xi32>
    %eq3A_394 = arith.constant 0 : i32
    %eq3A_395 = vector.broadcast %eq3A_394 : i32 to vector<1x128xi32>
    %eq3A_396 = arith.cmpi eq, %and3A_393, %eq3A_395 : vector<1x128xi32>
    %eq3A_397 = arith.xori %eq3A_384, %eq3A_396 : vector<1x128xi1>
    %eq3A_398 = arith.constant dense<true> : vector<1x128xi1>
    %eq3A_399 = arith.xori %eq3A_397, %eq3A_398 : vector<1x128xi1>
    %broadcast_in_dim3A_400 = vector.shape_cast %eq3A_384 : vector<1x128xi1> to vector<1x128xi1>
    %broadcast_in_dim3A_401 = vector.broadcast %broadcast_in_dim3A_400 : vector<1x128xi1> to vector<512x128xi1>
    %select_n3A_402 = arith.select %broadcast_in_dim3A_401, %concatenate3A_387, %concatenate3A_390 : vector<512x128xi1>, vector<512x128xf32>
    %min3A_403 = arith.minimumf %select_n3A_378, %select_n3A_402 : vector<512x128xf32>
    %max3A_404 = arith.maximumf %select_n3A_378, %select_n3A_402 : vector<512x128xf32>
    %broadcast_in_dim3A_405 = vector.shape_cast %eq3A_399 : vector<1x128xi1> to vector<1x128xi1>
    %broadcast_in_dim3A_406 = vector.broadcast %broadcast_in_dim3A_405 : vector<1x128xi1> to vector<512x128xi1>
    %select_n3A_407 = arith.select %broadcast_in_dim3A_406, %min3A_403, %max3A_404 : vector<512x128xi1>, vector<512x128xf32>
    %and3A_408 = arith.constant 1 : i32
    %and3A_409 = vector.broadcast %and3A_408 : i32 to vector<1x128xi32>
    %and3A_410 = arith.andi %iota3A, %and3A_409 : vector<1x128xi32>
    %eq3A_411 = arith.constant 0 : i32
    %eq3A_412 = vector.broadcast %eq3A_411 : i32 to vector<1x128xi32>
    %eq3A_413 = arith.cmpi eq, %and3A_410, %eq3A_412 : vector<1x128xi32>
    %slice3A_414 = vector.extract_strided_slice %select_n3A_407 {offsets = [0, 1], sizes = [512, 127], strides = [1, 1]} : vector<512x128xf32> to vector<512x127xf32>
    %slice3A_415 = vector.extract_strided_slice %select_n3A_407 {offsets = [0, 0], sizes = [512, 1], strides = [1, 1]} : vector<512x128xf32> to vector<512x1xf32>
    %concatenate3A_416 = tpu.concatenate %slice3A_414, %slice3A_415 in 1 : vector<512x127xf32>, vector<512x1xf32> -> vector<512x128xf32>
    %slice3A_417 = vector.extract_strided_slice %select_n3A_407 {offsets = [0, 127], sizes = [512, 1], strides = [1, 1]} : vector<512x128xf32> to vector<512x1xf32>
    %slice3A_418 = vector.extract_strided_slice %select_n3A_407 {offsets = [0, 0], sizes = [512, 127], strides = [1, 1]} : vector<512x128xf32> to vector<512x127xf32>
    %concatenate3A_419 = tpu.concatenate %slice3A_417, %slice3A_418 in 1 : vector<512x1xf32>, vector<512x127xf32> -> vector<512x128xf32>
    %and3A_420 = arith.constant 32 : i32
    %and3A_421 = vector.broadcast %and3A_420 : i32 to vector<1x128xi32>
    %and3A_422 = arith.andi %iota3A, %and3A_421 : vector<1x128xi32>
    %eq3A_423 = arith.constant 0 : i32
    %eq3A_424 = vector.broadcast %eq3A_423 : i32 to vector<1x128xi32>
    %eq3A_425 = arith.cmpi eq, %and3A_422, %eq3A_424 : vector<1x128xi32>
    %eq3A_426 = arith.xori %eq3A_413, %eq3A_425 : vector<1x128xi1>
    %eq3A_427 = arith.constant dense<true> : vector<1x128xi1>
    %eq3A_428 = arith.xori %eq3A_426, %eq3A_427 : vector<1x128xi1>
    %broadcast_in_dim3A_429 = vector.shape_cast %eq3A_413 : vector<1x128xi1> to vector<1x128xi1>
    %broadcast_in_dim3A_430 = vector.broadcast %broadcast_in_dim3A_429 : vector<1x128xi1> to vector<512x128xi1>
    %select_n3A_431 = arith.select %broadcast_in_dim3A_430, %concatenate3A_416, %concatenate3A_419 : vector<512x128xi1>, vector<512x128xf32>
    %min3A_432 = arith.minimumf %select_n3A_407, %select_n3A_431 : vector<512x128xf32>
    %max3A_433 = arith.maximumf %select_n3A_407, %select_n3A_431 : vector<512x128xf32>
    %broadcast_in_dim3A_434 = vector.shape_cast %eq3A_428 : vector<1x128xi1> to vector<1x128xi1>
    %broadcast_in_dim3A_435 = vector.broadcast %broadcast_in_dim3A_434 : vector<1x128xi1> to vector<512x128xi1>
    %select_n3A_436 = arith.select %broadcast_in_dim3A_435, %min3A_432, %max3A_433 : vector<512x128xi1>, vector<512x128xf32>
    %and3A_437 = arith.constant 32 : i32
    %and3A_438 = vector.broadcast %and3A_437 : i32 to vector<1x128xi32>
    %and3A_439 = arith.andi %iota3A, %and3A_438 : vector<1x128xi32>
    %eq3A_440 = arith.constant 0 : i32
    %eq3A_441 = vector.broadcast %eq3A_440 : i32 to vector<1x128xi32>
    %eq3A_442 = arith.cmpi eq, %and3A_439, %eq3A_441 : vector<1x128xi32>
    %slice3A_443 = vector.extract_strided_slice %select_n3A_436 {offsets = [0, 32], sizes = [512, 96], strides = [1, 1]} : vector<512x128xf32> to vector<512x96xf32>
    %slice3A_444 = vector.extract_strided_slice %select_n3A_436 {offsets = [0, 0], sizes = [512, 32], strides = [1, 1]} : vector<512x128xf32> to vector<512x32xf32>
    %concatenate3A_445 = tpu.concatenate %slice3A_443, %slice3A_444 in 1 : vector<512x96xf32>, vector<512x32xf32> -> vector<512x128xf32>
    %slice3A_446 = vector.extract_strided_slice %select_n3A_436 {offsets = [0, 96], sizes = [512, 32], strides = [1, 1]} : vector<512x128xf32> to vector<512x32xf32>
    %slice3A_447 = vector.extract_strided_slice %select_n3A_436 {offsets = [0, 0], sizes = [512, 96], strides = [1, 1]} : vector<512x128xf32> to vector<512x96xf32>
    %concatenate3A_448 = tpu.concatenate %slice3A_446, %slice3A_447 in 1 : vector<512x32xf32>, vector<512x96xf32> -> vector<512x128xf32>
    %and3A_449 = arith.constant 64 : i32
    %and3A_450 = vector.broadcast %and3A_449 : i32 to vector<1x128xi32>
    %and3A_451 = arith.andi %iota3A, %and3A_450 : vector<1x128xi32>
    %eq3A_452 = arith.constant 0 : i32
    %eq3A_453 = vector.broadcast %eq3A_452 : i32 to vector<1x128xi32>
    %eq3A_454 = arith.cmpi eq, %and3A_451, %eq3A_453 : vector<1x128xi32>
    %eq3A_455 = arith.xori %eq3A_442, %eq3A_454 : vector<1x128xi1>
    %eq3A_456 = arith.constant dense<true> : vector<1x128xi1>
    %eq3A_457 = arith.xori %eq3A_455, %eq3A_456 : vector<1x128xi1>
    %broadcast_in_dim3A_458 = vector.shape_cast %eq3A_442 : vector<1x128xi1> to vector<1x128xi1>
    %broadcast_in_dim3A_459 = vector.broadcast %broadcast_in_dim3A_458 : vector<1x128xi1> to vector<512x128xi1>
    %select_n3A_460 = arith.select %broadcast_in_dim3A_459, %concatenate3A_445, %concatenate3A_448 : vector<512x128xi1>, vector<512x128xf32>
    %min3A_461 = arith.minimumf %select_n3A_436, %select_n3A_460 : vector<512x128xf32>
    %max3A_462 = arith.maximumf %select_n3A_436, %select_n3A_460 : vector<512x128xf32>
    %broadcast_in_dim3A_463 = vector.shape_cast %eq3A_457 : vector<1x128xi1> to vector<1x128xi1>
    %broadcast_in_dim3A_464 = vector.broadcast %broadcast_in_dim3A_463 : vector<1x128xi1> to vector<512x128xi1>
    %select_n3A_465 = arith.select %broadcast_in_dim3A_464, %min3A_461, %max3A_462 : vector<512x128xi1>, vector<512x128xf32>
    %and3A_466 = arith.constant 16 : i32
    %and3A_467 = vector.broadcast %and3A_466 : i32 to vector<1x128xi32>
    %and3A_468 = arith.andi %iota3A, %and3A_467 : vector<1x128xi32>
    %eq3A_469 = arith.constant 0 : i32
    %eq3A_470 = vector.broadcast %eq3A_469 : i32 to vector<1x128xi32>
    %eq3A_471 = arith.cmpi eq, %and3A_468, %eq3A_470 : vector<1x128xi32>
    %slice3A_472 = vector.extract_strided_slice %select_n3A_465 {offsets = [0, 16], sizes = [512, 112], strides = [1, 1]} : vector<512x128xf32> to vector<512x112xf32>
    %slice3A_473 = vector.extract_strided_slice %select_n3A_465 {offsets = [0, 0], sizes = [512, 16], strides = [1, 1]} : vector<512x128xf32> to vector<512x16xf32>
    %concatenate3A_474 = tpu.concatenate %slice3A_472, %slice3A_473 in 1 : vector<512x112xf32>, vector<512x16xf32> -> vector<512x128xf32>
    %slice3A_475 = vector.extract_strided_slice %select_n3A_465 {offsets = [0, 112], sizes = [512, 16], strides = [1, 1]} : vector<512x128xf32> to vector<512x16xf32>
    %slice3A_476 = vector.extract_strided_slice %select_n3A_465 {offsets = [0, 0], sizes = [512, 112], strides = [1, 1]} : vector<512x128xf32> to vector<512x112xf32>
    %concatenate3A_477 = tpu.concatenate %slice3A_475, %slice3A_476 in 1 : vector<512x16xf32>, vector<512x112xf32> -> vector<512x128xf32>
    %and3A_478 = arith.constant 64 : i32
    %and3A_479 = vector.broadcast %and3A_478 : i32 to vector<1x128xi32>
    %and3A_480 = arith.andi %iota3A, %and3A_479 : vector<1x128xi32>
    %eq3A_481 = arith.constant 0 : i32
    %eq3A_482 = vector.broadcast %eq3A_481 : i32 to vector<1x128xi32>
    %eq3A_483 = arith.cmpi eq, %and3A_480, %eq3A_482 : vector<1x128xi32>
    %eq3A_484 = arith.xori %eq3A_471, %eq3A_483 : vector<1x128xi1>
    %eq3A_485 = arith.constant dense<true> : vector<1x128xi1>
    %eq3A_486 = arith.xori %eq3A_484, %eq3A_485 : vector<1x128xi1>
    %broadcast_in_dim3A_487 = vector.shape_cast %eq3A_471 : vector<1x128xi1> to vector<1x128xi1>
    %broadcast_in_dim3A_488 = vector.broadcast %broadcast_in_dim3A_487 : vector<1x128xi1> to vector<512x128xi1>
    %select_n3A_489 = arith.select %broadcast_in_dim3A_488, %concatenate3A_474, %concatenate3A_477 : vector<512x128xi1>, vector<512x128xf32>
    %min3A_490 = arith.minimumf %select_n3A_465, %select_n3A_489 : vector<512x128xf32>
    %max3A_491 = arith.maximumf %select_n3A_465, %select_n3A_489 : vector<512x128xf32>
    %broadcast_in_dim3A_492 = vector.shape_cast %eq3A_486 : vector<1x128xi1> to vector<1x128xi1>
    %broadcast_in_dim3A_493 = vector.broadcast %broadcast_in_dim3A_492 : vector<1x128xi1> to vector<512x128xi1>
    %select_n3A_494 = arith.select %broadcast_in_dim3A_493, %min3A_490, %max3A_491 : vector<512x128xi1>, vector<512x128xf32>
    %and3A_495 = arith.constant 8 : i32
    %and3A_496 = vector.broadcast %and3A_495 : i32 to vector<1x128xi32>
    %and3A_497 = arith.andi %iota3A, %and3A_496 : vector<1x128xi32>
    %eq3A_498 = arith.constant 0 : i32
    %eq3A_499 = vector.broadcast %eq3A_498 : i32 to vector<1x128xi32>
    %eq3A_500 = arith.cmpi eq, %and3A_497, %eq3A_499 : vector<1x128xi32>
    %slice3A_501 = vector.extract_strided_slice %select_n3A_494 {offsets = [0, 8], sizes = [512, 120], strides = [1, 1]} : vector<512x128xf32> to vector<512x120xf32>
    %slice3A_502 = vector.extract_strided_slice %select_n3A_494 {offsets = [0, 0], sizes = [512, 8], strides = [1, 1]} : vector<512x128xf32> to vector<512x8xf32>
    %concatenate3A_503 = tpu.concatenate %slice3A_501, %slice3A_502 in 1 : vector<512x120xf32>, vector<512x8xf32> -> vector<512x128xf32>
    %slice3A_504 = vector.extract_strided_slice %select_n3A_494 {offsets = [0, 120], sizes = [512, 8], strides = [1, 1]} : vector<512x128xf32> to vector<512x8xf32>
    %slice3A_505 = vector.extract_strided_slice %select_n3A_494 {offsets = [0, 0], sizes = [512, 120], strides = [1, 1]} : vector<512x128xf32> to vector<512x120xf32>
    %concatenate3A_506 = tpu.concatenate %slice3A_504, %slice3A_505 in 1 : vector<512x8xf32>, vector<512x120xf32> -> vector<512x128xf32>
    %and3A_507 = arith.constant 64 : i32
    %and3A_508 = vector.broadcast %and3A_507 : i32 to vector<1x128xi32>
    %and3A_509 = arith.andi %iota3A, %and3A_508 : vector<1x128xi32>
    %eq3A_510 = arith.constant 0 : i32
    %eq3A_511 = vector.broadcast %eq3A_510 : i32 to vector<1x128xi32>
    %eq3A_512 = arith.cmpi eq, %and3A_509, %eq3A_511 : vector<1x128xi32>
    %eq3A_513 = arith.xori %eq3A_500, %eq3A_512 : vector<1x128xi1>
    %eq3A_514 = arith.constant dense<true> : vector<1x128xi1>
    %eq3A_515 = arith.xori %eq3A_513, %eq3A_514 : vector<1x128xi1>
    %broadcast_in_dim3A_516 = vector.shape_cast %eq3A_500 : vector<1x128xi1> to vector<1x128xi1>
    %broadcast_in_dim3A_517 = vector.broadcast %broadcast_in_dim3A_516 : vector<1x128xi1> to vector<512x128xi1>
    %select_n3A_518 = arith.select %broadcast_in_dim3A_517, %concatenate3A_503, %concatenate3A_506 : vector<512x128xi1>, vector<512x128xf32>
    %min3A_519 = arith.minimumf %select_n3A_494, %select_n3A_518 : vector<512x128xf32>
    %max3A_520 = arith.maximumf %select_n3A_494, %select_n3A_518 : vector<512x128xf32>
    %broadcast_in_dim3A_521 = vector.shape_cast %eq3A_515 : vector<1x128xi1> to vector<1x128xi1>
    %broadcast_in_dim3A_522 = vector.broadcast %broadcast_in_dim3A_521 : vector<1x128xi1> to vector<512x128xi1>
    %select_n3A_523 = arith.select %broadcast_in_dim3A_522, %min3A_519, %max3A_520 : vector<512x128xi1>, vector<512x128xf32>
    %and3A_524 = arith.constant 4 : i32
    %and3A_525 = vector.broadcast %and3A_524 : i32 to vector<1x128xi32>
    %and3A_526 = arith.andi %iota3A, %and3A_525 : vector<1x128xi32>
    %eq3A_527 = arith.constant 0 : i32
    %eq3A_528 = vector.broadcast %eq3A_527 : i32 to vector<1x128xi32>
    %eq3A_529 = arith.cmpi eq, %and3A_526, %eq3A_528 : vector<1x128xi32>
    %slice3A_530 = vector.extract_strided_slice %select_n3A_523 {offsets = [0, 4], sizes = [512, 124], strides = [1, 1]} : vector<512x128xf32> to vector<512x124xf32>
    %slice3A_531 = vector.extract_strided_slice %select_n3A_523 {offsets = [0, 0], sizes = [512, 4], strides = [1, 1]} : vector<512x128xf32> to vector<512x4xf32>
    %concatenate3A_532 = tpu.concatenate %slice3A_530, %slice3A_531 in 1 : vector<512x124xf32>, vector<512x4xf32> -> vector<512x128xf32>
    %slice3A_533 = vector.extract_strided_slice %select_n3A_523 {offsets = [0, 124], sizes = [512, 4], strides = [1, 1]} : vector<512x128xf32> to vector<512x4xf32>
    %slice3A_534 = vector.extract_strided_slice %select_n3A_523 {offsets = [0, 0], sizes = [512, 124], strides = [1, 1]} : vector<512x128xf32> to vector<512x124xf32>
    %concatenate3A_535 = tpu.concatenate %slice3A_533, %slice3A_534 in 1 : vector<512x4xf32>, vector<512x124xf32> -> vector<512x128xf32>
    %and3A_536 = arith.constant 64 : i32
    %and3A_537 = vector.broadcast %and3A_536 : i32 to vector<1x128xi32>
    %and3A_538 = arith.andi %iota3A, %and3A_537 : vector<1x128xi32>
    %eq3A_539 = arith.constant 0 : i32
    %eq3A_540 = vector.broadcast %eq3A_539 : i32 to vector<1x128xi32>
    %eq3A_541 = arith.cmpi eq, %and3A_538, %eq3A_540 : vector<1x128xi32>
    %eq3A_542 = arith.xori %eq3A_529, %eq3A_541 : vector<1x128xi1>
    %eq3A_543 = arith.constant dense<true> : vector<1x128xi1>
    %eq3A_544 = arith.xori %eq3A_542, %eq3A_543 : vector<1x128xi1>
    %broadcast_in_dim3A_545 = vector.shape_cast %eq3A_529 : vector<1x128xi1> to vector<1x128xi1>
    %broadcast_in_dim3A_546 = vector.broadcast %broadcast_in_dim3A_545 : vector<1x128xi1> to vector<512x128xi1>
    %select_n3A_547 = arith.select %broadcast_in_dim3A_546, %concatenate3A_532, %concatenate3A_535 : vector<512x128xi1>, vector<512x128xf32>
    %min3A_548 = arith.minimumf %select_n3A_523, %select_n3A_547 : vector<512x128xf32>
    %max3A_549 = arith.maximumf %select_n3A_523, %select_n3A_547 : vector<512x128xf32>
    %broadcast_in_dim3A_550 = vector.shape_cast %eq3A_544 : vector<1x128xi1> to vector<1x128xi1>
    %broadcast_in_dim3A_551 = vector.broadcast %broadcast_in_dim3A_550 : vector<1x128xi1> to vector<512x128xi1>
    %select_n3A_552 = arith.select %broadcast_in_dim3A_551, %min3A_548, %max3A_549 : vector<512x128xi1>, vector<512x128xf32>
    %and3A_553 = arith.constant 2 : i32
    %and3A_554 = vector.broadcast %and3A_553 : i32 to vector<1x128xi32>
    %and3A_555 = arith.andi %iota3A, %and3A_554 : vector<1x128xi32>
    %eq3A_556 = arith.constant 0 : i32
    %eq3A_557 = vector.broadcast %eq3A_556 : i32 to vector<1x128xi32>
    %eq3A_558 = arith.cmpi eq, %and3A_555, %eq3A_557 : vector<1x128xi32>
    %slice3A_559 = vector.extract_strided_slice %select_n3A_552 {offsets = [0, 2], sizes = [512, 126], strides = [1, 1]} : vector<512x128xf32> to vector<512x126xf32>
    %slice3A_560 = vector.extract_strided_slice %select_n3A_552 {offsets = [0, 0], sizes = [512, 2], strides = [1, 1]} : vector<512x128xf32> to vector<512x2xf32>
    %concatenate3A_561 = tpu.concatenate %slice3A_559, %slice3A_560 in 1 : vector<512x126xf32>, vector<512x2xf32> -> vector<512x128xf32>
    %slice3A_562 = vector.extract_strided_slice %select_n3A_552 {offsets = [0, 126], sizes = [512, 2], strides = [1, 1]} : vector<512x128xf32> to vector<512x2xf32>
    %slice3A_563 = vector.extract_strided_slice %select_n3A_552 {offsets = [0, 0], sizes = [512, 126], strides = [1, 1]} : vector<512x128xf32> to vector<512x126xf32>
    %concatenate3A_564 = tpu.concatenate %slice3A_562, %slice3A_563 in 1 : vector<512x2xf32>, vector<512x126xf32> -> vector<512x128xf32>
    %and3A_565 = arith.constant 64 : i32
    %and3A_566 = vector.broadcast %and3A_565 : i32 to vector<1x128xi32>
    %and3A_567 = arith.andi %iota3A, %and3A_566 : vector<1x128xi32>
    %eq3A_568 = arith.constant 0 : i32
    %eq3A_569 = vector.broadcast %eq3A_568 : i32 to vector<1x128xi32>
    %eq3A_570 = arith.cmpi eq, %and3A_567, %eq3A_569 : vector<1x128xi32>
    %eq3A_571 = arith.xori %eq3A_558, %eq3A_570 : vector<1x128xi1>
    %eq3A_572 = arith.constant dense<true> : vector<1x128xi1>
    %eq3A_573 = arith.xori %eq3A_571, %eq3A_572 : vector<1x128xi1>
    %broadcast_in_dim3A_574 = vector.shape_cast %eq3A_558 : vector<1x128xi1> to vector<1x128xi1>
    %broadcast_in_dim3A_575 = vector.broadcast %broadcast_in_dim3A_574 : vector<1x128xi1> to vector<512x128xi1>
    %select_n3A_576 = arith.select %broadcast_in_dim3A_575, %concatenate3A_561, %concatenate3A_564 : vector<512x128xi1>, vector<512x128xf32>
    %min3A_577 = arith.minimumf %select_n3A_552, %select_n3A_576 : vector<512x128xf32>
    %max3A_578 = arith.maximumf %select_n3A_552, %select_n3A_576 : vector<512x128xf32>
    %broadcast_in_dim3A_579 = vector.shape_cast %eq3A_573 : vector<1x128xi1> to vector<1x128xi1>
    %broadcast_in_dim3A_580 = vector.broadcast %broadcast_in_dim3A_579 : vector<1x128xi1> to vector<512x128xi1>
    %select_n3A_581 = arith.select %broadcast_in_dim3A_580, %min3A_577, %max3A_578 : vector<512x128xi1>, vector<512x128xf32>
    %and3A_582 = arith.constant 1 : i32
    %and3A_583 = vector.broadcast %and3A_582 : i32 to vector<1x128xi32>
    %and3A_584 = arith.andi %iota3A, %and3A_583 : vector<1x128xi32>
    %eq3A_585 = arith.constant 0 : i32
    %eq3A_586 = vector.broadcast %eq3A_585 : i32 to vector<1x128xi32>
    %eq3A_587 = arith.cmpi eq, %and3A_584, %eq3A_586 : vector<1x128xi32>
    %slice3A_588 = vector.extract_strided_slice %select_n3A_581 {offsets = [0, 1], sizes = [512, 127], strides = [1, 1]} : vector<512x128xf32> to vector<512x127xf32>
    %slice3A_589 = vector.extract_strided_slice %select_n3A_581 {offsets = [0, 0], sizes = [512, 1], strides = [1, 1]} : vector<512x128xf32> to vector<512x1xf32>
    %concatenate3A_590 = tpu.concatenate %slice3A_588, %slice3A_589 in 1 : vector<512x127xf32>, vector<512x1xf32> -> vector<512x128xf32>
    %slice3A_591 = vector.extract_strided_slice %select_n3A_581 {offsets = [0, 127], sizes = [512, 1], strides = [1, 1]} : vector<512x128xf32> to vector<512x1xf32>
    %slice3A_592 = vector.extract_strided_slice %select_n3A_581 {offsets = [0, 0], sizes = [512, 127], strides = [1, 1]} : vector<512x128xf32> to vector<512x127xf32>
    %concatenate3A_593 = tpu.concatenate %slice3A_591, %slice3A_592 in 1 : vector<512x1xf32>, vector<512x127xf32> -> vector<512x128xf32>
    %and3A_594 = arith.constant 64 : i32
    %and3A_595 = vector.broadcast %and3A_594 : i32 to vector<1x128xi32>
    %and3A_596 = arith.andi %iota3A, %and3A_595 : vector<1x128xi32>
    %eq3A_597 = arith.constant 0 : i32
    %eq3A_598 = vector.broadcast %eq3A_597 : i32 to vector<1x128xi32>
    %eq3A_599 = arith.cmpi eq, %and3A_596, %eq3A_598 : vector<1x128xi32>
    %eq3A_600 = arith.xori %eq3A_587, %eq3A_599 : vector<1x128xi1>
    %eq3A_601 = arith.constant dense<true> : vector<1x128xi1>
    %eq3A_602 = arith.xori %eq3A_600, %eq3A_601 : vector<1x128xi1>
    %broadcast_in_dim3A_603 = vector.shape_cast %eq3A_587 : vector<1x128xi1> to vector<1x128xi1>
    %broadcast_in_dim3A_604 = vector.broadcast %broadcast_in_dim3A_603 : vector<1x128xi1> to vector<512x128xi1>
    %select_n3A_605 = arith.select %broadcast_in_dim3A_604, %concatenate3A_590, %concatenate3A_593 : vector<512x128xi1>, vector<512x128xf32>
    %min3A_606 = arith.minimumf %select_n3A_581, %select_n3A_605 : vector<512x128xf32>
    %max3A_607 = arith.maximumf %select_n3A_581, %select_n3A_605 : vector<512x128xf32>
    %broadcast_in_dim3A_608 = vector.shape_cast %eq3A_602 : vector<1x128xi1> to vector<1x128xi1>
    %broadcast_in_dim3A_609 = vector.broadcast %broadcast_in_dim3A_608 : vector<1x128xi1> to vector<512x128xi1>
    %select_n3A_610 = arith.select %broadcast_in_dim3A_609, %min3A_606, %max3A_607 : vector<512x128xi1>, vector<512x128xf32>
    %and3A_611 = arith.constant 64 : i32
    %and3A_612 = vector.broadcast %and3A_611 : i32 to vector<1x128xi32>
    %and3A_613 = arith.andi %iota3A, %and3A_612 : vector<1x128xi32>
    %eq3A_614 = arith.constant 0 : i32
    %eq3A_615 = vector.broadcast %eq3A_614 : i32 to vector<1x128xi32>
    %eq3A_616 = arith.cmpi eq, %and3A_613, %eq3A_615 : vector<1x128xi32>
    %slice3A_617 = vector.extract_strided_slice %select_n3A_610 {offsets = [0, 64], sizes = [512, 64], strides = [1, 1]} : vector<512x128xf32> to vector<512x64xf32>
    %slice3A_618 = vector.extract_strided_slice %select_n3A_610 {offsets = [0, 0], sizes = [512, 64], strides = [1, 1]} : vector<512x128xf32> to vector<512x64xf32>
    %concatenate3A_619 = tpu.concatenate %slice3A_617, %slice3A_618 in 1 : vector<512x64xf32>, vector<512x64xf32> -> vector<512x128xf32>
    %slice3A_620 = vector.extract_strided_slice %select_n3A_610 {offsets = [0, 64], sizes = [512, 64], strides = [1, 1]} : vector<512x128xf32> to vector<512x64xf32>
    %slice3A_621 = vector.extract_strided_slice %select_n3A_610 {offsets = [0, 0], sizes = [512, 64], strides = [1, 1]} : vector<512x128xf32> to vector<512x64xf32>
    %concatenate3A_622 = tpu.concatenate %slice3A_620, %slice3A_621 in 1 : vector<512x64xf32>, vector<512x64xf32> -> vector<512x128xf32>
    %and3A_623 = arith.constant 1 : i32
    %and3A_624 = vector.broadcast %and3A_623 : i32 to vector<512x1xi32>
    %and3A_625 = arith.andi %iota3A_7, %and3A_624 : vector<512x1xi32>
    %eq3A_626 = arith.constant 0 : i32
    %eq3A_627 = vector.broadcast %eq3A_626 : i32 to vector<512x1xi32>
    %eq3A_628 = arith.cmpi eq, %and3A_625, %eq3A_627 : vector<512x1xi32>
    %eq3A_629 = vector.broadcast %eq3A_616 : vector<1x128xi1> to vector<512x128xi1>
    %eq3A_630 = vector.broadcast %eq3A_628 : vector<512x1xi1> to vector<512x128xi1>
    %eq3A_631 = vector.broadcast %eq3A_629 : vector<512x128xi1> to vector<512x128xi1>
    %eq3A_632 = vector.broadcast %eq3A_630 : vector<512x128xi1> to vector<512x128xi1>
    %eq3A_633 = arith.xori %eq3A_631, %eq3A_632 : vector<512x128xi1>
    %eq3A_634 = arith.constant dense<true> : vector<512x128xi1>
    %eq3A_635 = arith.xori %eq3A_633, %eq3A_634 : vector<512x128xi1>
    %broadcast_in_dim3A_636 = vector.shape_cast %eq3A_616 : vector<1x128xi1> to vector<1x128xi1>
    %broadcast_in_dim3A_637 = vector.broadcast %broadcast_in_dim3A_636 : vector<1x128xi1> to vector<512x128xi1>
    %select_n3A_638 = arith.select %broadcast_in_dim3A_637, %concatenate3A_619, %concatenate3A_622 : vector<512x128xi1>, vector<512x128xf32>
    %min3A_639 = arith.minimumf %select_n3A_610, %select_n3A_638 : vector<512x128xf32>
    %max3A_640 = arith.maximumf %select_n3A_610, %select_n3A_638 : vector<512x128xf32>
    %select_n3A_641 = arith.select %eq3A_635, %min3A_639, %max3A_640 : vector<512x128xi1>, vector<512x128xf32>
    %and3A_642 = arith.constant 32 : i32
    %and3A_643 = vector.broadcast %and3A_642 : i32 to vector<1x128xi32>
    %and3A_644 = arith.andi %iota3A, %and3A_643 : vector<1x128xi32>
    %eq3A_645 = arith.constant 0 : i32
    %eq3A_646 = vector.broadcast %eq3A_645 : i32 to vector<1x128xi32>
    %eq3A_647 = arith.cmpi eq, %and3A_644, %eq3A_646 : vector<1x128xi32>
    %slice3A_648 = vector.extract_strided_slice %select_n3A_641 {offsets = [0, 32], sizes = [512, 96], strides = [1, 1]} : vector<512x128xf32> to vector<512x96xf32>
    %slice3A_649 = vector.extract_strided_slice %select_n3A_641 {offsets = [0, 0], sizes = [512, 32], strides = [1, 1]} : vector<512x128xf32> to vector<512x32xf32>
    %concatenate3A_650 = tpu.concatenate %slice3A_648, %slice3A_649 in 1 : vector<512x96xf32>, vector<512x32xf32> -> vector<512x128xf32>
    %slice3A_651 = vector.extract_strided_slice %select_n3A_641 {offsets = [0, 96], sizes = [512, 32], strides = [1, 1]} : vector<512x128xf32> to vector<512x32xf32>
    %slice3A_652 = vector.extract_strided_slice %select_n3A_641 {offsets = [0, 0], sizes = [512, 96], strides = [1, 1]} : vector<512x128xf32> to vector<512x96xf32>
    %concatenate3A_653 = tpu.concatenate %slice3A_651, %slice3A_652 in 1 : vector<512x32xf32>, vector<512x96xf32> -> vector<512x128xf32>
    %and3A_654 = arith.constant 1 : i32
    %and3A_655 = vector.broadcast %and3A_654 : i32 to vector<512x1xi32>
    %and3A_656 = arith.andi %iota3A_7, %and3A_655 : vector<512x1xi32>
    %eq3A_657 = arith.constant 0 : i32
    %eq3A_658 = vector.broadcast %eq3A_657 : i32 to vector<512x1xi32>
    %eq3A_659 = arith.cmpi eq, %and3A_656, %eq3A_658 : vector<512x1xi32>
    %eq3A_660 = vector.broadcast %eq3A_647 : vector<1x128xi1> to vector<512x128xi1>
    %eq3A_661 = vector.broadcast %eq3A_659 : vector<512x1xi1> to vector<512x128xi1>
    %eq3A_662 = vector.broadcast %eq3A_660 : vector<512x128xi1> to vector<512x128xi1>
    %eq3A_663 = vector.broadcast %eq3A_661 : vector<512x128xi1> to vector<512x128xi1>
    %eq3A_664 = arith.xori %eq3A_662, %eq3A_663 : vector<512x128xi1>
    %eq3A_665 = arith.constant dense<true> : vector<512x128xi1>
    %eq3A_666 = arith.xori %eq3A_664, %eq3A_665 : vector<512x128xi1>
    %broadcast_in_dim3A_667 = vector.shape_cast %eq3A_647 : vector<1x128xi1> to vector<1x128xi1>
    %broadcast_in_dim3A_668 = vector.broadcast %broadcast_in_dim3A_667 : vector<1x128xi1> to vector<512x128xi1>
    %select_n3A_669 = arith.select %broadcast_in_dim3A_668, %concatenate3A_650, %concatenate3A_653 : vector<512x128xi1>, vector<512x128xf32>
    %min3A_670 = arith.minimumf %select_n3A_641, %select_n3A_669 : vector<512x128xf32>
    %max3A_671 = arith.maximumf %select_n3A_641, %select_n3A_669 : vector<512x128xf32>
    %select_n3A_672 = arith.select %eq3A_666, %min3A_670, %max3A_671 : vector<512x128xi1>, vector<512x128xf32>
    %and3A_673 = arith.constant 16 : i32
    %and3A_674 = vector.broadcast %and3A_673 : i32 to vector<1x128xi32>
    %and3A_675 = arith.andi %iota3A, %and3A_674 : vector<1x128xi32>
    %eq3A_676 = arith.constant 0 : i32
    %eq3A_677 = vector.broadcast %eq3A_676 : i32 to vector<1x128xi32>
    %eq3A_678 = arith.cmpi eq, %and3A_675, %eq3A_677 : vector<1x128xi32>
    %slice3A_679 = vector.extract_strided_slice %select_n3A_672 {offsets = [0, 16], sizes = [512, 112], strides = [1, 1]} : vector<512x128xf32> to vector<512x112xf32>
    %slice3A_680 = vector.extract_strided_slice %select_n3A_672 {offsets = [0, 0], sizes = [512, 16], strides = [1, 1]} : vector<512x128xf32> to vector<512x16xf32>
    %concatenate3A_681 = tpu.concatenate %slice3A_679, %slice3A_680 in 1 : vector<512x112xf32>, vector<512x16xf32> -> vector<512x128xf32>
    %slice3A_682 = vector.extract_strided_slice %select_n3A_672 {offsets = [0, 112], sizes = [512, 16], strides = [1, 1]} : vector<512x128xf32> to vector<512x16xf32>
    %slice3A_683 = vector.extract_strided_slice %select_n3A_672 {offsets = [0, 0], sizes = [512, 112], strides = [1, 1]} : vector<512x128xf32> to vector<512x112xf32>
    %concatenate3A_684 = tpu.concatenate %slice3A_682, %slice3A_683 in 1 : vector<512x16xf32>, vector<512x112xf32> -> vector<512x128xf32>
    %and3A_685 = arith.constant 1 : i32
    %and3A_686 = vector.broadcast %and3A_685 : i32 to vector<512x1xi32>
    %and3A_687 = arith.andi %iota3A_7, %and3A_686 : vector<512x1xi32>
    %eq3A_688 = arith.constant 0 : i32
    %eq3A_689 = vector.broadcast %eq3A_688 : i32 to vector<512x1xi32>
    %eq3A_690 = arith.cmpi eq, %and3A_687, %eq3A_689 : vector<512x1xi32>
    %eq3A_691 = vector.broadcast %eq3A_678 : vector<1x128xi1> to vector<512x128xi1>
    %eq3A_692 = vector.broadcast %eq3A_690 : vector<512x1xi1> to vector<512x128xi1>
    %eq3A_693 = vector.broadcast %eq3A_691 : vector<512x128xi1> to vector<512x128xi1>
    %eq3A_694 = vector.broadcast %eq3A_692 : vector<512x128xi1> to vector<512x128xi1>
    %eq3A_695 = arith.xori %eq3A_693, %eq3A_694 : vector<512x128xi1>
    %eq3A_696 = arith.constant dense<true> : vector<512x128xi1>
    %eq3A_697 = arith.xori %eq3A_695, %eq3A_696 : vector<512x128xi1>
    %broadcast_in_dim3A_698 = vector.shape_cast %eq3A_678 : vector<1x128xi1> to vector<1x128xi1>
    %broadcast_in_dim3A_699 = vector.broadcast %broadcast_in_dim3A_698 : vector<1x128xi1> to vector<512x128xi1>
    %select_n3A_700 = arith.select %broadcast_in_dim3A_699, %concatenate3A_681, %concatenate3A_684 : vector<512x128xi1>, vector<512x128xf32>
    %min3A_701 = arith.minimumf %select_n3A_672, %select_n3A_700 : vector<512x128xf32>
    %max3A_702 = arith.maximumf %select_n3A_672, %select_n3A_700 : vector<512x128xf32>
    %select_n3A_703 = arith.select %eq3A_697, %min3A_701, %max3A_702 : vector<512x128xi1>, vector<512x128xf32>
    %and3A_704 = arith.constant 8 : i32
    %and3A_705 = vector.broadcast %and3A_704 : i32 to vector<1x128xi32>
    %and3A_706 = arith.andi %iota3A, %and3A_705 : vector<1x128xi32>
    %eq3A_707 = arith.constant 0 : i32
    %eq3A_708 = vector.broadcast %eq3A_707 : i32 to vector<1x128xi32>
    %eq3A_709 = arith.cmpi eq, %and3A_706, %eq3A_708 : vector<1x128xi32>
    %slice3A_710 = vector.extract_strided_slice %select_n3A_703 {offsets = [0, 8], sizes = [512, 120], strides = [1, 1]} : vector<512x128xf32> to vector<512x120xf32>
    %slice3A_711 = vector.extract_strided_slice %select_n3A_703 {offsets = [0, 0], sizes = [512, 8], strides = [1, 1]} : vector<512x128xf32> to vector<512x8xf32>
    %concatenate3A_712 = tpu.concatenate %slice3A_710, %slice3A_711 in 1 : vector<512x120xf32>, vector<512x8xf32> -> vector<512x128xf32>
    %slice3A_713 = vector.extract_strided_slice %select_n3A_703 {offsets = [0, 120], sizes = [512, 8], strides = [1, 1]} : vector<512x128xf32> to vector<512x8xf32>
    %slice3A_714 = vector.extract_strided_slice %select_n3A_703 {offsets = [0, 0], sizes = [512, 120], strides = [1, 1]} : vector<512x128xf32> to vector<512x120xf32>
    %concatenate3A_715 = tpu.concatenate %slice3A_713, %slice3A_714 in 1 : vector<512x8xf32>, vector<512x120xf32> -> vector<512x128xf32>
    %and3A_716 = arith.constant 1 : i32
    %and3A_717 = vector.broadcast %and3A_716 : i32 to vector<512x1xi32>
    %and3A_718 = arith.andi %iota3A_7, %and3A_717 : vector<512x1xi32>
    %eq3A_719 = arith.constant 0 : i32
    %eq3A_720 = vector.broadcast %eq3A_719 : i32 to vector<512x1xi32>
    %eq3A_721 = arith.cmpi eq, %and3A_718, %eq3A_720 : vector<512x1xi32>
    %eq3A_722 = vector.broadcast %eq3A_709 : vector<1x128xi1> to vector<512x128xi1>
    %eq3A_723 = vector.broadcast %eq3A_721 : vector<512x1xi1> to vector<512x128xi1>
    %eq3A_724 = vector.broadcast %eq3A_722 : vector<512x128xi1> to vector<512x128xi1>
    %eq3A_725 = vector.broadcast %eq3A_723 : vector<512x128xi1> to vector<512x128xi1>
    %eq3A_726 = arith.xori %eq3A_724, %eq3A_725 : vector<512x128xi1>
    %eq3A_727 = arith.constant dense<true> : vector<512x128xi1>
    %eq3A_728 = arith.xori %eq3A_726, %eq3A_727 : vector<512x128xi1>
    %broadcast_in_dim3A_729 = vector.shape_cast %eq3A_709 : vector<1x128xi1> to vector<1x128xi1>
    %broadcast_in_dim3A_730 = vector.broadcast %broadcast_in_dim3A_729 : vector<1x128xi1> to vector<512x128xi1>
    %select_n3A_731 = arith.select %broadcast_in_dim3A_730, %concatenate3A_712, %concatenate3A_715 : vector<512x128xi1>, vector<512x128xf32>
    %min3A_732 = arith.minimumf %select_n3A_703, %select_n3A_731 : vector<512x128xf32>
    %max3A_733 = arith.maximumf %select_n3A_703, %select_n3A_731 : vector<512x128xf32>
    %select_n3A_734 = arith.select %eq3A_728, %min3A_732, %max3A_733 : vector<512x128xi1>, vector<512x128xf32>
    %and3A_735 = arith.constant 4 : i32
    %and3A_736 = vector.broadcast %and3A_735 : i32 to vector<1x128xi32>
    %and3A_737 = arith.andi %iota3A, %and3A_736 : vector<1x128xi32>
    %eq3A_738 = arith.constant 0 : i32
    %eq3A_739 = vector.broadcast %eq3A_738 : i32 to vector<1x128xi32>
    %eq3A_740 = arith.cmpi eq, %and3A_737, %eq3A_739 : vector<1x128xi32>
    %slice3A_741 = vector.extract_strided_slice %select_n3A_734 {offsets = [0, 4], sizes = [512, 124], strides = [1, 1]} : vector<512x128xf32> to vector<512x124xf32>
    %slice3A_742 = vector.extract_strided_slice %select_n3A_734 {offsets = [0, 0], sizes = [512, 4], strides = [1, 1]} : vector<512x128xf32> to vector<512x4xf32>
    %concatenate3A_743 = tpu.concatenate %slice3A_741, %slice3A_742 in 1 : vector<512x124xf32>, vector<512x4xf32> -> vector<512x128xf32>
    %slice3A_744 = vector.extract_strided_slice %select_n3A_734 {offsets = [0, 124], sizes = [512, 4], strides = [1, 1]} : vector<512x128xf32> to vector<512x4xf32>
    %slice3A_745 = vector.extract_strided_slice %select_n3A_734 {offsets = [0, 0], sizes = [512, 124], strides = [1, 1]} : vector<512x128xf32> to vector<512x124xf32>
    %concatenate3A_746 = tpu.concatenate %slice3A_744, %slice3A_745 in 1 : vector<512x4xf32>, vector<512x124xf32> -> vector<512x128xf32>
    %and3A_747 = arith.constant 1 : i32
    %and3A_748 = vector.broadcast %and3A_747 : i32 to vector<512x1xi32>
    %and3A_749 = arith.andi %iota3A_7, %and3A_748 : vector<512x1xi32>
    %eq3A_750 = arith.constant 0 : i32
    %eq3A_751 = vector.broadcast %eq3A_750 : i32 to vector<512x1xi32>
    %eq3A_752 = arith.cmpi eq, %and3A_749, %eq3A_751 : vector<512x1xi32>
    %eq3A_753 = vector.broadcast %eq3A_740 : vector<1x128xi1> to vector<512x128xi1>
    %eq3A_754 = vector.broadcast %eq3A_752 : vector<512x1xi1> to vector<512x128xi1>
    %eq3A_755 = vector.broadcast %eq3A_753 : vector<512x128xi1> to vector<512x128xi1>
    %eq3A_756 = vector.broadcast %eq3A_754 : vector<512x128xi1> to vector<512x128xi1>
    %eq3A_757 = arith.xori %eq3A_755, %eq3A_756 : vector<512x128xi1>
    %eq3A_758 = arith.constant dense<true> : vector<512x128xi1>
    %eq3A_759 = arith.xori %eq3A_757, %eq3A_758 : vector<512x128xi1>
    %broadcast_in_dim3A_760 = vector.shape_cast %eq3A_740 : vector<1x128xi1> to vector<1x128xi1>
    %broadcast_in_dim3A_761 = vector.broadcast %broadcast_in_dim3A_760 : vector<1x128xi1> to vector<512x128xi1>
    %select_n3A_762 = arith.select %broadcast_in_dim3A_761, %concatenate3A_743, %concatenate3A_746 : vector<512x128xi1>, vector<512x128xf32>
    %min3A_763 = arith.minimumf %select_n3A_734, %select_n3A_762 : vector<512x128xf32>
    %max3A_764 = arith.maximumf %select_n3A_734, %select_n3A_762 : vector<512x128xf32>
    %select_n3A_765 = arith.select %eq3A_759, %min3A_763, %max3A_764 : vector<512x128xi1>, vector<512x128xf32>
    %and3A_766 = arith.constant 2 : i32
    %and3A_767 = vector.broadcast %and3A_766 : i32 to vector<1x128xi32>
    %and3A_768 = arith.andi %iota3A, %and3A_767 : vector<1x128xi32>
    %eq3A_769 = arith.constant 0 : i32
    %eq3A_770 = vector.broadcast %eq3A_769 : i32 to vector<1x128xi32>
    %eq3A_771 = arith.cmpi eq, %and3A_768, %eq3A_770 : vector<1x128xi32>
    %slice3A_772 = vector.extract_strided_slice %select_n3A_765 {offsets = [0, 2], sizes = [512, 126], strides = [1, 1]} : vector<512x128xf32> to vector<512x126xf32>
    %slice3A_773 = vector.extract_strided_slice %select_n3A_765 {offsets = [0, 0], sizes = [512, 2], strides = [1, 1]} : vector<512x128xf32> to vector<512x2xf32>
    %concatenate3A_774 = tpu.concatenate %slice3A_772, %slice3A_773 in 1 : vector<512x126xf32>, vector<512x2xf32> -> vector<512x128xf32>
    %slice3A_775 = vector.extract_strided_slice %select_n3A_765 {offsets = [0, 126], sizes = [512, 2], strides = [1, 1]} : vector<512x128xf32> to vector<512x2xf32>
    %slice3A_776 = vector.extract_strided_slice %select_n3A_765 {offsets = [0, 0], sizes = [512, 126], strides = [1, 1]} : vector<512x128xf32> to vector<512x126xf32>
    %concatenate3A_777 = tpu.concatenate %slice3A_775, %slice3A_776 in 1 : vector<512x2xf32>, vector<512x126xf32> -> vector<512x128xf32>
    %and3A_778 = arith.constant 1 : i32
    %and3A_779 = vector.broadcast %and3A_778 : i32 to vector<512x1xi32>
    %and3A_780 = arith.andi %iota3A_7, %and3A_779 : vector<512x1xi32>
    %eq3A_781 = arith.constant 0 : i32
    %eq3A_782 = vector.broadcast %eq3A_781 : i32 to vector<512x1xi32>
    %eq3A_783 = arith.cmpi eq, %and3A_780, %eq3A_782 : vector<512x1xi32>
    %eq3A_784 = vector.broadcast %eq3A_771 : vector<1x128xi1> to vector<512x128xi1>
    %eq3A_785 = vector.broadcast %eq3A_783 : vector<512x1xi1> to vector<512x128xi1>
    %eq3A_786 = vector.broadcast %eq3A_784 : vector<512x128xi1> to vector<512x128xi1>
    %eq3A_787 = vector.broadcast %eq3A_785 : vector<512x128xi1> to vector<512x128xi1>
    %eq3A_788 = arith.xori %eq3A_786, %eq3A_787 : vector<512x128xi1>
    %eq3A_789 = arith.constant dense<true> : vector<512x128xi1>
    %eq3A_790 = arith.xori %eq3A_788, %eq3A_789 : vector<512x128xi1>
    %broadcast_in_dim3A_791 = vector.shape_cast %eq3A_771 : vector<1x128xi1> to vector<1x128xi1>
    %broadcast_in_dim3A_792 = vector.broadcast %broadcast_in_dim3A_791 : vector<1x128xi1> to vector<512x128xi1>
    %select_n3A_793 = arith.select %broadcast_in_dim3A_792, %concatenate3A_774, %concatenate3A_777 : vector<512x128xi1>, vector<512x128xf32>
    %min3A_794 = arith.minimumf %select_n3A_765, %select_n3A_793 : vector<512x128xf32>
    %max3A_795 = arith.maximumf %select_n3A_765, %select_n3A_793 : vector<512x128xf32>
    %select_n3A_796 = arith.select %eq3A_790, %min3A_794, %max3A_795 : vector<512x128xi1>, vector<512x128xf32>
    %and3A_797 = arith.constant 1 : i32
    %and3A_798 = vector.broadcast %and3A_797 : i32 to vector<1x128xi32>
    %and3A_799 = arith.andi %iota3A, %and3A_798 : vector<1x128xi32>
    %eq3A_800 = arith.constant 0 : i32
    %eq3A_801 = vector.broadcast %eq3A_800 : i32 to vector<1x128xi32>
    %eq3A_802 = arith.cmpi eq, %and3A_799, %eq3A_801 : vector<1x128xi32>
    %slice3A_803 = vector.extract_strided_slice %select_n3A_796 {offsets = [0, 1], sizes = [512, 127], strides = [1, 1]} : vector<512x128xf32> to vector<512x127xf32>
    %slice3A_804 = vector.extract_strided_slice %select_n3A_796 {offsets = [0, 0], sizes = [512, 1], strides = [1, 1]} : vector<512x128xf32> to vector<512x1xf32>
    %concatenate3A_805 = tpu.concatenate %slice3A_803, %slice3A_804 in 1 : vector<512x127xf32>, vector<512x1xf32> -> vector<512x128xf32>
    %slice3A_806 = vector.extract_strided_slice %select_n3A_796 {offsets = [0, 127], sizes = [512, 1], strides = [1, 1]} : vector<512x128xf32> to vector<512x1xf32>
    %slice3A_807 = vector.extract_strided_slice %select_n3A_796 {offsets = [0, 0], sizes = [512, 127], strides = [1, 1]} : vector<512x128xf32> to vector<512x127xf32>
    %concatenate3A_808 = tpu.concatenate %slice3A_806, %slice3A_807 in 1 : vector<512x1xf32>, vector<512x127xf32> -> vector<512x128xf32>
    %and3A_809 = arith.constant 1 : i32
    %and3A_810 = vector.broadcast %and3A_809 : i32 to vector<512x1xi32>
    %and3A_811 = arith.andi %iota3A_7, %and3A_810 : vector<512x1xi32>
    %eq3A_812 = arith.constant 0 : i32
    %eq3A_813 = vector.broadcast %eq3A_812 : i32 to vector<512x1xi32>
    %eq3A_814 = arith.cmpi eq, %and3A_811, %eq3A_813 : vector<512x1xi32>
    %eq3A_815 = vector.broadcast %eq3A_802 : vector<1x128xi1> to vector<512x128xi1>
    %eq3A_816 = vector.broadcast %eq3A_814 : vector<512x1xi1> to vector<512x128xi1>
    %eq3A_817 = vector.broadcast %eq3A_815 : vector<512x128xi1> to vector<512x128xi1>
    %eq3A_818 = vector.broadcast %eq3A_816 : vector<512x128xi1> to vector<512x128xi1>
    %eq3A_819 = arith.xori %eq3A_817, %eq3A_818 : vector<512x128xi1>
    %eq3A_820 = arith.constant dense<true> : vector<512x128xi1>
    %eq3A_821 = arith.xori %eq3A_819, %eq3A_820 : vector<512x128xi1>
    %broadcast_in_dim3A_822 = vector.shape_cast %eq3A_802 : vector<1x128xi1> to vector<1x128xi1>
    %broadcast_in_dim3A_823 = vector.broadcast %broadcast_in_dim3A_822 : vector<1x128xi1> to vector<512x128xi1>
    %select_n3A_824 = arith.select %broadcast_in_dim3A_823, %concatenate3A_805, %concatenate3A_808 : vector<512x128xi1>, vector<512x128xf32>
    %min3A_825 = arith.minimumf %select_n3A_796, %select_n3A_824 : vector<512x128xf32>
    %max3A_826 = arith.maximumf %select_n3A_796, %select_n3A_824 : vector<512x128xf32>
    %select_n3A_827 = arith.select %eq3A_821, %min3A_825, %max3A_826 : vector<512x128xi1>, vector<512x128xf32>
    %and3A_828 = arith.constant 1 : i32
    %and3A_829 = vector.broadcast %and3A_828 : i32 to vector<512x1xi32>
    %and3A_830 = arith.andi %iota3A_7, %and3A_829 : vector<512x1xi32>
    %eq3A_831 = arith.constant 0 : i32
    %eq3A_832 = vector.broadcast %eq3A_831 : i32 to vector<512x1xi32>
    %eq3A_833 = arith.cmpi eq, %and3A_830, %eq3A_832 : vector<512x1xi32>
    %slice3A_834 = vector.extract_strided_slice %select_n3A_827 {offsets = [1, 0], sizes = [511, 128], strides = [1, 1]} : vector<512x128xf32> to vector<511x128xf32>
    %slice3A_835 = vector.extract_strided_slice %select_n3A_827 {offsets = [0, 0], sizes = [1, 128], strides = [1, 1]} : vector<512x128xf32> to vector<1x128xf32>
    %concatenate3A_836 = tpu.concatenate %slice3A_834, %slice3A_835 in 0 : vector<511x128xf32>, vector<1x128xf32> -> vector<512x128xf32>
    %slice3A_837 = vector.extract_strided_slice %select_n3A_827 {offsets = [511, 0], sizes = [1, 128], strides = [1, 1]} : vector<512x128xf32> to vector<1x128xf32>
    %slice3A_838 = vector.extract_strided_slice %select_n3A_827 {offsets = [0, 0], sizes = [511, 128], strides = [1, 1]} : vector<512x128xf32> to vector<511x128xf32>
    %concatenate3A_839 = tpu.concatenate %slice3A_837, %slice3A_838 in 0 : vector<1x128xf32>, vector<511x128xf32> -> vector<512x128xf32>
    %and3A_840 = arith.constant 2 : i32
    %and3A_841 = vector.broadcast %and3A_840 : i32 to vector<512x1xi32>
    %and3A_842 = arith.andi %iota3A_7, %and3A_841 : vector<512x1xi32>
    %eq3A_843 = arith.constant 0 : i32
    %eq3A_844 = vector.broadcast %eq3A_843 : i32 to vector<512x1xi32>
    %eq3A_845 = arith.cmpi eq, %and3A_842, %eq3A_844 : vector<512x1xi32>
    %eq3A_846 = arith.xori %eq3A_833, %eq3A_845 : vector<512x1xi1>
    %eq3A_847 = arith.constant dense<true> : vector<512x1xi1>
    %eq3A_848 = arith.xori %eq3A_846, %eq3A_847 : vector<512x1xi1>
    %broadcast_in_dim3A_849 = vector.shape_cast %eq3A_833 : vector<512x1xi1> to vector<512x1xi1>
    %broadcast_in_dim3A_850 = vector.broadcast %broadcast_in_dim3A_849 : vector<512x1xi1> to vector<512x128xi1>
    %select_n3A_851 = arith.select %broadcast_in_dim3A_850, %concatenate3A_836, %concatenate3A_839 : vector<512x128xi1>, vector<512x128xf32>
    %min3A_852 = arith.minimumf %select_n3A_827, %select_n3A_851 : vector<512x128xf32>
    %max3A_853 = arith.maximumf %select_n3A_827, %select_n3A_851 : vector<512x128xf32>
    %broadcast_in_dim3A_854 = vector.shape_cast %eq3A_848 : vector<512x1xi1> to vector<512x1xi1>
    %broadcast_in_dim3A_855 = vector.broadcast %broadcast_in_dim3A_854 : vector<512x1xi1> to vector<512x128xi1>
    %select_n3A_856 = arith.select %broadcast_in_dim3A_855, %min3A_852, %max3A_853 : vector<512x128xi1>, vector<512x128xf32>
    %and3A_857 = arith.constant 64 : i32
    %and3A_858 = vector.broadcast %and3A_857 : i32 to vector<1x128xi32>
    %and3A_859 = arith.andi %iota3A, %and3A_858 : vector<1x128xi32>
    %eq3A_860 = arith.constant 0 : i32
    %eq3A_861 = vector.broadcast %eq3A_860 : i32 to vector<1x128xi32>
    %eq3A_862 = arith.cmpi eq, %and3A_859, %eq3A_861 : vector<1x128xi32>
    %slice3A_863 = vector.extract_strided_slice %select_n3A_856 {offsets = [0, 64], sizes = [512, 64], strides = [1, 1]} : vector<512x128xf32> to vector<512x64xf32>
    %slice3A_864 = vector.extract_strided_slice %select_n3A_856 {offsets = [0, 0], sizes = [512, 64], strides = [1, 1]} : vector<512x128xf32> to vector<512x64xf32>
    %concatenate3A_865 = tpu.concatenate %slice3A_863, %slice3A_864 in 1 : vector<512x64xf32>, vector<512x64xf32> -> vector<512x128xf32>
    %slice3A_866 = vector.extract_strided_slice %select_n3A_856 {offsets = [0, 64], sizes = [512, 64], strides = [1, 1]} : vector<512x128xf32> to vector<512x64xf32>
    %slice3A_867 = vector.extract_strided_slice %select_n3A_856 {offsets = [0, 0], sizes = [512, 64], strides = [1, 1]} : vector<512x128xf32> to vector<512x64xf32>
    %concatenate3A_868 = tpu.concatenate %slice3A_866, %slice3A_867 in 1 : vector<512x64xf32>, vector<512x64xf32> -> vector<512x128xf32>
    %and3A_869 = arith.constant 2 : i32
    %and3A_870 = vector.broadcast %and3A_869 : i32 to vector<512x1xi32>
    %and3A_871 = arith.andi %iota3A_7, %and3A_870 : vector<512x1xi32>
    %eq3A_872 = arith.constant 0 : i32
    %eq3A_873 = vector.broadcast %eq3A_872 : i32 to vector<512x1xi32>
    %eq3A_874 = arith.cmpi eq, %and3A_871, %eq3A_873 : vector<512x1xi32>
    %eq3A_875 = vector.broadcast %eq3A_862 : vector<1x128xi1> to vector<512x128xi1>
    %eq3A_876 = vector.broadcast %eq3A_874 : vector<512x1xi1> to vector<512x128xi1>
    %eq3A_877 = vector.broadcast %eq3A_875 : vector<512x128xi1> to vector<512x128xi1>
    %eq3A_878 = vector.broadcast %eq3A_876 : vector<512x128xi1> to vector<512x128xi1>
    %eq3A_879 = arith.xori %eq3A_877, %eq3A_878 : vector<512x128xi1>
    %eq3A_880 = arith.constant dense<true> : vector<512x128xi1>
    %eq3A_881 = arith.xori %eq3A_879, %eq3A_880 : vector<512x128xi1>
    %broadcast_in_dim3A_882 = vector.shape_cast %eq3A_862 : vector<1x128xi1> to vector<1x128xi1>
    %broadcast_in_dim3A_883 = vector.broadcast %broadcast_in_dim3A_882 : vector<1x128xi1> to vector<512x128xi1>
    %select_n3A_884 = arith.select %broadcast_in_dim3A_883, %concatenate3A_865, %concatenate3A_868 : vector<512x128xi1>, vector<512x128xf32>
    %min3A_885 = arith.minimumf %select_n3A_856, %select_n3A_884 : vector<512x128xf32>
    %max3A_886 = arith.maximumf %select_n3A_856, %select_n3A_884 : vector<512x128xf32>
    %select_n3A_887 = arith.select %eq3A_881, %min3A_885, %max3A_886 : vector<512x128xi1>, vector<512x128xf32>
    %and3A_888 = arith.constant 32 : i32
    %and3A_889 = vector.broadcast %and3A_888 : i32 to vector<1x128xi32>
    %and3A_890 = arith.andi %iota3A, %and3A_889 : vector<1x128xi32>
    %eq3A_891 = arith.constant 0 : i32
    %eq3A_892 = vector.broadcast %eq3A_891 : i32 to vector<1x128xi32>
    %eq3A_893 = arith.cmpi eq, %and3A_890, %eq3A_892 : vector<1x128xi32>
    %slice3A_894 = vector.extract_strided_slice %select_n3A_887 {offsets = [0, 32], sizes = [512, 96], strides = [1, 1]} : vector<512x128xf32> to vector<512x96xf32>
    %slice3A_895 = vector.extract_strided_slice %select_n3A_887 {offsets = [0, 0], sizes = [512, 32], strides = [1, 1]} : vector<512x128xf32> to vector<512x32xf32>
    %concatenate3A_896 = tpu.concatenate %slice3A_894, %slice3A_895 in 1 : vector<512x96xf32>, vector<512x32xf32> -> vector<512x128xf32>
    %slice3A_897 = vector.extract_strided_slice %select_n3A_887 {offsets = [0, 96], sizes = [512, 32], strides = [1, 1]} : vector<512x128xf32> to vector<512x32xf32>
    %slice3A_898 = vector.extract_strided_slice %select_n3A_887 {offsets = [0, 0], sizes = [512, 96], strides = [1, 1]} : vector<512x128xf32> to vector<512x96xf32>
    %concatenate3A_899 = tpu.concatenate %slice3A_897, %slice3A_898 in 1 : vector<512x32xf32>, vector<512x96xf32> -> vector<512x128xf32>
    %and3A_900 = arith.constant 2 : i32
    %and3A_901 = vector.broadcast %and3A_900 : i32 to vector<512x1xi32>
    %and3A_902 = arith.andi %iota3A_7, %and3A_901 : vector<512x1xi32>
    %eq3A_903 = arith.constant 0 : i32
    %eq3A_904 = vector.broadcast %eq3A_903 : i32 to vector<512x1xi32>
    %eq3A_905 = arith.cmpi eq, %and3A_902, %eq3A_904 : vector<512x1xi32>
    %eq3A_906 = vector.broadcast %eq3A_893 : vector<1x128xi1> to vector<512x128xi1>
    %eq3A_907 = vector.broadcast %eq3A_905 : vector<512x1xi1> to vector<512x128xi1>
    %eq3A_908 = vector.broadcast %eq3A_906 : vector<512x128xi1> to vector<512x128xi1>
    %eq3A_909 = vector.broadcast %eq3A_907 : vector<512x128xi1> to vector<512x128xi1>
    %eq3A_910 = arith.xori %eq3A_908, %eq3A_909 : vector<512x128xi1>
    %eq3A_911 = arith.constant dense<true> : vector<512x128xi1>
    %eq3A_912 = arith.xori %eq3A_910, %eq3A_911 : vector<512x128xi1>
    %broadcast_in_dim3A_913 = vector.shape_cast %eq3A_893 : vector<1x128xi1> to vector<1x128xi1>
    %broadcast_in_dim3A_914 = vector.broadcast %broadcast_in_dim3A_913 : vector<1x128xi1> to vector<512x128xi1>
    %select_n3A_915 = arith.select %broadcast_in_dim3A_914, %concatenate3A_896, %concatenate3A_899 : vector<512x128xi1>, vector<512x128xf32>
    %min3A_916 = arith.minimumf %select_n3A_887, %select_n3A_915 : vector<512x128xf32>
    %max3A_917 = arith.maximumf %select_n3A_887, %select_n3A_915 : vector<512x128xf32>
    %select_n3A_918 = arith.select %eq3A_912, %min3A_916, %max3A_917 : vector<512x128xi1>, vector<512x128xf32>
    %and3A_919 = arith.constant 16 : i32
    %and3A_920 = vector.broadcast %and3A_919 : i32 to vector<1x128xi32>
    %and3A_921 = arith.andi %iota3A, %and3A_920 : vector<1x128xi32>
    %eq3A_922 = arith.constant 0 : i32
    %eq3A_923 = vector.broadcast %eq3A_922 : i32 to vector<1x128xi32>
    %eq3A_924 = arith.cmpi eq, %and3A_921, %eq3A_923 : vector<1x128xi32>
    %slice3A_925 = vector.extract_strided_slice %select_n3A_918 {offsets = [0, 16], sizes = [512, 112], strides = [1, 1]} : vector<512x128xf32> to vector<512x112xf32>
    %slice3A_926 = vector.extract_strided_slice %select_n3A_918 {offsets = [0, 0], sizes = [512, 16], strides = [1, 1]} : vector<512x128xf32> to vector<512x16xf32>
    %concatenate3A_927 = tpu.concatenate %slice3A_925, %slice3A_926 in 1 : vector<512x112xf32>, vector<512x16xf32> -> vector<512x128xf32>
    %slice3A_928 = vector.extract_strided_slice %select_n3A_918 {offsets = [0, 112], sizes = [512, 16], strides = [1, 1]} : vector<512x128xf32> to vector<512x16xf32>
    %slice3A_929 = vector.extract_strided_slice %select_n3A_918 {offsets = [0, 0], sizes = [512, 112], strides = [1, 1]} : vector<512x128xf32> to vector<512x112xf32>
    %concatenate3A_930 = tpu.concatenate %slice3A_928, %slice3A_929 in 1 : vector<512x16xf32>, vector<512x112xf32> -> vector<512x128xf32>
    %and3A_931 = arith.constant 2 : i32
    %and3A_932 = vector.broadcast %and3A_931 : i32 to vector<512x1xi32>
    %and3A_933 = arith.andi %iota3A_7, %and3A_932 : vector<512x1xi32>
    %eq3A_934 = arith.constant 0 : i32
    %eq3A_935 = vector.broadcast %eq3A_934 : i32 to vector<512x1xi32>
    %eq3A_936 = arith.cmpi eq, %and3A_933, %eq3A_935 : vector<512x1xi32>
    %eq3A_937 = vector.broadcast %eq3A_924 : vector<1x128xi1> to vector<512x128xi1>
    %eq3A_938 = vector.broadcast %eq3A_936 : vector<512x1xi1> to vector<512x128xi1>
    %eq3A_939 = vector.broadcast %eq3A_937 : vector<512x128xi1> to vector<512x128xi1>
    %eq3A_940 = vector.broadcast %eq3A_938 : vector<512x128xi1> to vector<512x128xi1>
    %eq3A_941 = arith.xori %eq3A_939, %eq3A_940 : vector<512x128xi1>
    %eq3A_942 = arith.constant dense<true> : vector<512x128xi1>
    %eq3A_943 = arith.xori %eq3A_941, %eq3A_942 : vector<512x128xi1>
    %broadcast_in_dim3A_944 = vector.shape_cast %eq3A_924 : vector<1x128xi1> to vector<1x128xi1>
    %broadcast_in_dim3A_945 = vector.broadcast %broadcast_in_dim3A_944 : vector<1x128xi1> to vector<512x128xi1>
    %select_n3A_946 = arith.select %broadcast_in_dim3A_945, %concatenate3A_927, %concatenate3A_930 : vector<512x128xi1>, vector<512x128xf32>
    %min3A_947 = arith.minimumf %select_n3A_918, %select_n3A_946 : vector<512x128xf32>
    %max3A_948 = arith.maximumf %select_n3A_918, %select_n3A_946 : vector<512x128xf32>
    %select_n3A_949 = arith.select %eq3A_943, %min3A_947, %max3A_948 : vector<512x128xi1>, vector<512x128xf32>
    %and3A_950 = arith.constant 8 : i32
    %and3A_951 = vector.broadcast %and3A_950 : i32 to vector<1x128xi32>
    %and3A_952 = arith.andi %iota3A, %and3A_951 : vector<1x128xi32>
    %eq3A_953 = arith.constant 0 : i32
    %eq3A_954 = vector.broadcast %eq3A_953 : i32 to vector<1x128xi32>
    %eq3A_955 = arith.cmpi eq, %and3A_952, %eq3A_954 : vector<1x128xi32>
    %slice3A_956 = vector.extract_strided_slice %select_n3A_949 {offsets = [0, 8], sizes = [512, 120], strides = [1, 1]} : vector<512x128xf32> to vector<512x120xf32>
    %slice3A_957 = vector.extract_strided_slice %select_n3A_949 {offsets = [0, 0], sizes = [512, 8], strides = [1, 1]} : vector<512x128xf32> to vector<512x8xf32>
    %concatenate3A_958 = tpu.concatenate %slice3A_956, %slice3A_957 in 1 : vector<512x120xf32>, vector<512x8xf32> -> vector<512x128xf32>
    %slice3A_959 = vector.extract_strided_slice %select_n3A_949 {offsets = [0, 120], sizes = [512, 8], strides = [1, 1]} : vector<512x128xf32> to vector<512x8xf32>
    %slice3A_960 = vector.extract_strided_slice %select_n3A_949 {offsets = [0, 0], sizes = [512, 120], strides = [1, 1]} : vector<512x128xf32> to vector<512x120xf32>
    %concatenate3A_961 = tpu.concatenate %slice3A_959, %slice3A_960 in 1 : vector<512x8xf32>, vector<512x120xf32> -> vector<512x128xf32>
    %and3A_962 = arith.constant 2 : i32
    %and3A_963 = vector.broadcast %and3A_962 : i32 to vector<512x1xi32>
    %and3A_964 = arith.andi %iota3A_7, %and3A_963 : vector<512x1xi32>
    %eq3A_965 = arith.constant 0 : i32
    %eq3A_966 = vector.broadcast %eq3A_965 : i32 to vector<512x1xi32>
    %eq3A_967 = arith.cmpi eq, %and3A_964, %eq3A_966 : vector<512x1xi32>
    %eq3A_968 = vector.broadcast %eq3A_955 : vector<1x128xi1> to vector<512x128xi1>
    %eq3A_969 = vector.broadcast %eq3A_967 : vector<512x1xi1> to vector<512x128xi1>
    %eq3A_970 = vector.broadcast %eq3A_968 : vector<512x128xi1> to vector<512x128xi1>
    %eq3A_971 = vector.broadcast %eq3A_969 : vector<512x128xi1> to vector<512x128xi1>
    %eq3A_972 = arith.xori %eq3A_970, %eq3A_971 : vector<512x128xi1>
    %eq3A_973 = arith.constant dense<true> : vector<512x128xi1>
    %eq3A_974 = arith.xori %eq3A_972, %eq3A_973 : vector<512x128xi1>
    %broadcast_in_dim3A_975 = vector.shape_cast %eq3A_955 : vector<1x128xi1> to vector<1x128xi1>
    %broadcast_in_dim3A_976 = vector.broadcast %broadcast_in_dim3A_975 : vector<1x128xi1> to vector<512x128xi1>
    %select_n3A_977 = arith.select %broadcast_in_dim3A_976, %concatenate3A_958, %concatenate3A_961 : vector<512x128xi1>, vector<512x128xf32>
    %min3A_978 = arith.minimumf %select_n3A_949, %select_n3A_977 : vector<512x128xf32>
    %max3A_979 = arith.maximumf %select_n3A_949, %select_n3A_977 : vector<512x128xf32>
    %select_n3A_980 = arith.select %eq3A_974, %min3A_978, %max3A_979 : vector<512x128xi1>, vector<512x128xf32>
    %and3A_981 = arith.constant 4 : i32
    %and3A_982 = vector.broadcast %and3A_981 : i32 to vector<1x128xi32>
    %and3A_983 = arith.andi %iota3A, %and3A_982 : vector<1x128xi32>
    %eq3A_984 = arith.constant 0 : i32
    %eq3A_985 = vector.broadcast %eq3A_984 : i32 to vector<1x128xi32>
    %eq3A_986 = arith.cmpi eq, %and3A_983, %eq3A_985 : vector<1x128xi32>
    %slice3A_987 = vector.extract_strided_slice %select_n3A_980 {offsets = [0, 4], sizes = [512, 124], strides = [1, 1]} : vector<512x128xf32> to vector<512x124xf32>
    %slice3A_988 = vector.extract_strided_slice %select_n3A_980 {offsets = [0, 0], sizes = [512, 4], strides = [1, 1]} : vector<512x128xf32> to vector<512x4xf32>
    %concatenate3A_989 = tpu.concatenate %slice3A_987, %slice3A_988 in 1 : vector<512x124xf32>, vector<512x4xf32> -> vector<512x128xf32>
    %slice3A_990 = vector.extract_strided_slice %select_n3A_980 {offsets = [0, 124], sizes = [512, 4], strides = [1, 1]} : vector<512x128xf32> to vector<512x4xf32>
    %slice3A_991 = vector.extract_strided_slice %select_n3A_980 {offsets = [0, 0], sizes = [512, 124], strides = [1, 1]} : vector<512x128xf32> to vector<512x124xf32>
    %concatenate3A_992 = tpu.concatenate %slice3A_990, %slice3A_991 in 1 : vector<512x4xf32>, vector<512x124xf32> -> vector<512x128xf32>
    %and3A_993 = arith.constant 2 : i32
    %and3A_994 = vector.broadcast %and3A_993 : i32 to vector<512x1xi32>
    %and3A_995 = arith.andi %iota3A_7, %and3A_994 : vector<512x1xi32>
    %eq3A_996 = arith.constant 0 : i32
    %eq3A_997 = vector.broadcast %eq3A_996 : i32 to vector<512x1xi32>
    %eq3A_998 = arith.cmpi eq, %and3A_995, %eq3A_997 : vector<512x1xi32>
    %eq3A_999 = vector.broadcast %eq3A_986 : vector<1x128xi1> to vector<512x128xi1>
    %eq3A_1000 = vector.broadcast %eq3A_998 : vector<512x1xi1> to vector<512x128xi1>
    %eq3A_1001 = vector.broadcast %eq3A_999 : vector<512x128xi1> to vector<512x128xi1>
    %eq3A_1002 = vector.broadcast %eq3A_1000 : vector<512x128xi1> to vector<512x128xi1>
    %eq3A_1003 = arith.xori %eq3A_1001, %eq3A_1002 : vector<512x128xi1>
    %eq3A_1004 = arith.constant dense<true> : vector<512x128xi1>
    %eq3A_1005 = arith.xori %eq3A_1003, %eq3A_1004 : vector<512x128xi1>
    %broadcast_in_dim3A_1006 = vector.shape_cast %eq3A_986 : vector<1x128xi1> to vector<1x128xi1>
    %broadcast_in_dim3A_1007 = vector.broadcast %broadcast_in_dim3A_1006 : vector<1x128xi1> to vector<512x128xi1>
    %select_n3A_1008 = arith.select %broadcast_in_dim3A_1007, %concatenate3A_989, %concatenate3A_992 : vector<512x128xi1>, vector<512x128xf32>
    %min3A_1009 = arith.minimumf %select_n3A_980, %select_n3A_1008 : vector<512x128xf32>
    %max3A_1010 = arith.maximumf %select_n3A_980, %select_n3A_1008 : vector<512x128xf32>
    %select_n3A_1011 = arith.select %eq3A_1005, %min3A_1009, %max3A_1010 : vector<512x128xi1>, vector<512x128xf32>
    %and3A_1012 = arith.constant 2 : i32
    %and3A_1013 = vector.broadcast %and3A_1012 : i32 to vector<1x128xi32>
    %and3A_1014 = arith.andi %iota3A, %and3A_1013 : vector<1x128xi32>
    %eq3A_1015 = arith.constant 0 : i32
    %eq3A_1016 = vector.broadcast %eq3A_1015 : i32 to vector<1x128xi32>
    %eq3A_1017 = arith.cmpi eq, %and3A_1014, %eq3A_1016 : vector<1x128xi32>
    %slice3A_1018 = vector.extract_strided_slice %select_n3A_1011 {offsets = [0, 2], sizes = [512, 126], strides = [1, 1]} : vector<512x128xf32> to vector<512x126xf32>
    %slice3A_1019 = vector.extract_strided_slice %select_n3A_1011 {offsets = [0, 0], sizes = [512, 2], strides = [1, 1]} : vector<512x128xf32> to vector<512x2xf32>
    %concatenate3A_1020 = tpu.concatenate %slice3A_1018, %slice3A_1019 in 1 : vector<512x126xf32>, vector<512x2xf32> -> vector<512x128xf32>
    %slice3A_1021 = vector.extract_strided_slice %select_n3A_1011 {offsets = [0, 126], sizes = [512, 2], strides = [1, 1]} : vector<512x128xf32> to vector<512x2xf32>
    %slice3A_1022 = vector.extract_strided_slice %select_n3A_1011 {offsets = [0, 0], sizes = [512, 126], strides = [1, 1]} : vector<512x128xf32> to vector<512x126xf32>
    %concatenate3A_1023 = tpu.concatenate %slice3A_1021, %slice3A_1022 in 1 : vector<512x2xf32>, vector<512x126xf32> -> vector<512x128xf32>
    %and3A_1024 = arith.constant 2 : i32
    %and3A_1025 = vector.broadcast %and3A_1024 : i32 to vector<512x1xi32>
    %and3A_1026 = arith.andi %iota3A_7, %and3A_1025 : vector<512x1xi32>
    %eq3A_1027 = arith.constant 0 : i32
    %eq3A_1028 = vector.broadcast %eq3A_1027 : i32 to vector<512x1xi32>
    %eq3A_1029 = arith.cmpi eq, %and3A_1026, %eq3A_1028 : vector<512x1xi32>
    %eq3A_1030 = vector.broadcast %eq3A_1017 : vector<1x128xi1> to vector<512x128xi1>
    %eq3A_1031 = vector.broadcast %eq3A_1029 : vector<512x1xi1> to vector<512x128xi1>
    %eq3A_1032 = vector.broadcast %eq3A_1030 : vector<512x128xi1> to vector<512x128xi1>
    %eq3A_1033 = vector.broadcast %eq3A_1031 : vector<512x128xi1> to vector<512x128xi1>
    %eq3A_1034 = arith.xori %eq3A_1032, %eq3A_1033 : vector<512x128xi1>
    %eq3A_1035 = arith.constant dense<true> : vector<512x128xi1>
    %eq3A_1036 = arith.xori %eq3A_1034, %eq3A_1035 : vector<512x128xi1>
    %broadcast_in_dim3A_1037 = vector.shape_cast %eq3A_1017 : vector<1x128xi1> to vector<1x128xi1>
    %broadcast_in_dim3A_1038 = vector.broadcast %broadcast_in_dim3A_1037 : vector<1x128xi1> to vector<512x128xi1>
    %select_n3A_1039 = arith.select %broadcast_in_dim3A_1038, %concatenate3A_1020, %concatenate3A_1023 : vector<512x128xi1>, vector<512x128xf32>
    %min3A_1040 = arith.minimumf %select_n3A_1011, %select_n3A_1039 : vector<512x128xf32>
    %max3A_1041 = arith.maximumf %select_n3A_1011, %select_n3A_1039 : vector<512x128xf32>
    %select_n3A_1042 = arith.select %eq3A_1036, %min3A_1040, %max3A_1041 : vector<512x128xi1>, vector<512x128xf32>
    %and3A_1043 = arith.constant 1 : i32
    %and3A_1044 = vector.broadcast %and3A_1043 : i32 to vector<1x128xi32>
    %and3A_1045 = arith.andi %iota3A, %and3A_1044 : vector<1x128xi32>
    %eq3A_1046 = arith.constant 0 : i32
    %eq3A_1047 = vector.broadcast %eq3A_1046 : i32 to vector<1x128xi32>
    %eq3A_1048 = arith.cmpi eq, %and3A_1045, %eq3A_1047 : vector<1x128xi32>
    %slice3A_1049 = vector.extract_strided_slice %select_n3A_1042 {offsets = [0, 1], sizes = [512, 127], strides = [1, 1]} : vector<512x128xf32> to vector<512x127xf32>
    %slice3A_1050 = vector.extract_strided_slice %select_n3A_1042 {offsets = [0, 0], sizes = [512, 1], strides = [1, 1]} : vector<512x128xf32> to vector<512x1xf32>
    %concatenate3A_1051 = tpu.concatenate %slice3A_1049, %slice3A_1050 in 1 : vector<512x127xf32>, vector<512x1xf32> -> vector<512x128xf32>
    %slice3A_1052 = vector.extract_strided_slice %select_n3A_1042 {offsets = [0, 127], sizes = [512, 1], strides = [1, 1]} : vector<512x128xf32> to vector<512x1xf32>
    %slice3A_1053 = vector.extract_strided_slice %select_n3A_1042 {offsets = [0, 0], sizes = [512, 127], strides = [1, 1]} : vector<512x128xf32> to vector<512x127xf32>
    %concatenate3A_1054 = tpu.concatenate %slice3A_1052, %slice3A_1053 in 1 : vector<512x1xf32>, vector<512x127xf32> -> vector<512x128xf32>
    %and3A_1055 = arith.constant 2 : i32
    %and3A_1056 = vector.broadcast %and3A_1055 : i32 to vector<512x1xi32>
    %and3A_1057 = arith.andi %iota3A_7, %and3A_1056 : vector<512x1xi32>
    %eq3A_1058 = arith.constant 0 : i32
    %eq3A_1059 = vector.broadcast %eq3A_1058 : i32 to vector<512x1xi32>
    %eq3A_1060 = arith.cmpi eq, %and3A_1057, %eq3A_1059 : vector<512x1xi32>
    %eq3A_1061 = vector.broadcast %eq3A_1048 : vector<1x128xi1> to vector<512x128xi1>
    %eq3A_1062 = vector.broadcast %eq3A_1060 : vector<512x1xi1> to vector<512x128xi1>
    %eq3A_1063 = vector.broadcast %eq3A_1061 : vector<512x128xi1> to vector<512x128xi1>
    %eq3A_1064 = vector.broadcast %eq3A_1062 : vector<512x128xi1> to vector<512x128xi1>
    %eq3A_1065 = arith.xori %eq3A_1063, %eq3A_1064 : vector<512x128xi1>
    %eq3A_1066 = arith.constant dense<true> : vector<512x128xi1>
    %eq3A_1067 = arith.xori %eq3A_1065, %eq3A_1066 : vector<512x128xi1>
    %broadcast_in_dim3A_1068 = vector.shape_cast %eq3A_1048 : vector<1x128xi1> to vector<1x128xi1>
    %broadcast_in_dim3A_1069 = vector.broadcast %broadcast_in_dim3A_1068 : vector<1x128xi1> to vector<512x128xi1>
    %select_n3A_1070 = arith.select %broadcast_in_dim3A_1069, %concatenate3A_1051, %concatenate3A_1054 : vector<512x128xi1>, vector<512x128xf32>
    %min3A_1071 = arith.minimumf %select_n3A_1042, %select_n3A_1070 : vector<512x128xf32>
    %max3A_1072 = arith.maximumf %select_n3A_1042, %select_n3A_1070 : vector<512x128xf32>
    %select_n3A_1073 = arith.select %eq3A_1067, %min3A_1071, %max3A_1072 : vector<512x128xi1>, vector<512x128xf32>
    %and3A_1074 = arith.constant 2 : i32
    %and3A_1075 = vector.broadcast %and3A_1074 : i32 to vector<512x1xi32>
    %and3A_1076 = arith.andi %iota3A_7, %and3A_1075 : vector<512x1xi32>
    %eq3A_1077 = arith.constant 0 : i32
    %eq3A_1078 = vector.broadcast %eq3A_1077 : i32 to vector<512x1xi32>
    %eq3A_1079 = arith.cmpi eq, %and3A_1076, %eq3A_1078 : vector<512x1xi32>
    %slice3A_1080 = vector.extract_strided_slice %select_n3A_1073 {offsets = [2, 0], sizes = [510, 128], strides = [1, 1]} : vector<512x128xf32> to vector<510x128xf32>
    %slice3A_1081 = vector.extract_strided_slice %select_n3A_1073 {offsets = [0, 0], sizes = [2, 128], strides = [1, 1]} : vector<512x128xf32> to vector<2x128xf32>
    %concatenate3A_1082 = tpu.concatenate %slice3A_1080, %slice3A_1081 in 0 : vector<510x128xf32>, vector<2x128xf32> -> vector<512x128xf32>
    %slice3A_1083 = vector.extract_strided_slice %select_n3A_1073 {offsets = [510, 0], sizes = [2, 128], strides = [1, 1]} : vector<512x128xf32> to vector<2x128xf32>
    %slice3A_1084 = vector.extract_strided_slice %select_n3A_1073 {offsets = [0, 0], sizes = [510, 128], strides = [1, 1]} : vector<512x128xf32> to vector<510x128xf32>
    %concatenate3A_1085 = tpu.concatenate %slice3A_1083, %slice3A_1084 in 0 : vector<2x128xf32>, vector<510x128xf32> -> vector<512x128xf32>
    %and3A_1086 = arith.constant 4 : i32
    %and3A_1087 = vector.broadcast %and3A_1086 : i32 to vector<512x1xi32>
    %and3A_1088 = arith.andi %iota3A_7, %and3A_1087 : vector<512x1xi32>
    %eq3A_1089 = arith.constant 0 : i32
    %eq3A_1090 = vector.broadcast %eq3A_1089 : i32 to vector<512x1xi32>
    %eq3A_1091 = arith.cmpi eq, %and3A_1088, %eq3A_1090 : vector<512x1xi32>
    %eq3A_1092 = arith.xori %eq3A_1079, %eq3A_1091 : vector<512x1xi1>
    %eq3A_1093 = arith.constant dense<true> : vector<512x1xi1>
    %eq3A_1094 = arith.xori %eq3A_1092, %eq3A_1093 : vector<512x1xi1>
    %broadcast_in_dim3A_1095 = vector.shape_cast %eq3A_1079 : vector<512x1xi1> to vector<512x1xi1>
    %broadcast_in_dim3A_1096 = vector.broadcast %broadcast_in_dim3A_1095 : vector<512x1xi1> to vector<512x128xi1>
    %select_n3A_1097 = arith.select %broadcast_in_dim3A_1096, %concatenate3A_1082, %concatenate3A_1085 : vector<512x128xi1>, vector<512x128xf32>
    %min3A_1098 = arith.minimumf %select_n3A_1073, %select_n3A_1097 : vector<512x128xf32>
    %max3A_1099 = arith.maximumf %select_n3A_1073, %select_n3A_1097 : vector<512x128xf32>
    %broadcast_in_dim3A_1100 = vector.shape_cast %eq3A_1094 : vector<512x1xi1> to vector<512x1xi1>
    %broadcast_in_dim3A_1101 = vector.broadcast %broadcast_in_dim3A_1100 : vector<512x1xi1> to vector<512x128xi1>
    %select_n3A_1102 = arith.select %broadcast_in_dim3A_1101, %min3A_1098, %max3A_1099 : vector<512x128xi1>, vector<512x128xf32>
    %and3A_1103 = arith.constant 1 : i32
    %and3A_1104 = vector.broadcast %and3A_1103 : i32 to vector<512x1xi32>
    %and3A_1105 = arith.andi %iota3A_7, %and3A_1104 : vector<512x1xi32>
    %eq3A_1106 = arith.constant 0 : i32
    %eq3A_1107 = vector.broadcast %eq3A_1106 : i32 to vector<512x1xi32>
    %eq3A_1108 = arith.cmpi eq, %and3A_1105, %eq3A_1107 : vector<512x1xi32>
    %slice3A_1109 = vector.extract_strided_slice %select_n3A_1102 {offsets = [1, 0], sizes = [511, 128], strides = [1, 1]} : vector<512x128xf32> to vector<511x128xf32>
    %slice3A_1110 = vector.extract_strided_slice %select_n3A_1102 {offsets = [0, 0], sizes = [1, 128], strides = [1, 1]} : vector<512x128xf32> to vector<1x128xf32>
    %concatenate3A_1111 = tpu.concatenate %slice3A_1109, %slice3A_1110 in 0 : vector<511x128xf32>, vector<1x128xf32> -> vector<512x128xf32>
    %slice3A_1112 = vector.extract_strided_slice %select_n3A_1102 {offsets = [511, 0], sizes = [1, 128], strides = [1, 1]} : vector<512x128xf32> to vector<1x128xf32>
    %slice3A_1113 = vector.extract_strided_slice %select_n3A_1102 {offsets = [0, 0], sizes = [511, 128], strides = [1, 1]} : vector<512x128xf32> to vector<511x128xf32>
    %concatenate3A_1114 = tpu.concatenate %slice3A_1112, %slice3A_1113 in 0 : vector<1x128xf32>, vector<511x128xf32> -> vector<512x128xf32>
    %and3A_1115 = arith.constant 4 : i32
    %and3A_1116 = vector.broadcast %and3A_1115 : i32 to vector<512x1xi32>
    %and3A_1117 = arith.andi %iota3A_7, %and3A_1116 : vector<512x1xi32>
    %eq3A_1118 = arith.constant 0 : i32
    %eq3A_1119 = vector.broadcast %eq3A_1118 : i32 to vector<512x1xi32>
    %eq3A_1120 = arith.cmpi eq, %and3A_1117, %eq3A_1119 : vector<512x1xi32>
    %eq3A_1121 = arith.xori %eq3A_1108, %eq3A_1120 : vector<512x1xi1>
    %eq3A_1122 = arith.constant dense<true> : vector<512x1xi1>
    %eq3A_1123 = arith.xori %eq3A_1121, %eq3A_1122 : vector<512x1xi1>
    %broadcast_in_dim3A_1124 = vector.shape_cast %eq3A_1108 : vector<512x1xi1> to vector<512x1xi1>
    %broadcast_in_dim3A_1125 = vector.broadcast %broadcast_in_dim3A_1124 : vector<512x1xi1> to vector<512x128xi1>
    %select_n3A_1126 = arith.select %broadcast_in_dim3A_1125, %concatenate3A_1111, %concatenate3A_1114 : vector<512x128xi1>, vector<512x128xf32>
    %min3A_1127 = arith.minimumf %select_n3A_1102, %select_n3A_1126 : vector<512x128xf32>
    %max3A_1128 = arith.maximumf %select_n3A_1102, %select_n3A_1126 : vector<512x128xf32>
    %broadcast_in_dim3A_1129 = vector.shape_cast %eq3A_1123 : vector<512x1xi1> to vector<512x1xi1>
    %broadcast_in_dim3A_1130 = vector.broadcast %broadcast_in_dim3A_1129 : vector<512x1xi1> to vector<512x128xi1>
    %select_n3A_1131 = arith.select %broadcast_in_dim3A_1130, %min3A_1127, %max3A_1128 : vector<512x128xi1>, vector<512x128xf32>
    %and3A_1132 = arith.constant 64 : i32
    %and3A_1133 = vector.broadcast %and3A_1132 : i32 to vector<1x128xi32>
    %and3A_1134 = arith.andi %iota3A, %and3A_1133 : vector<1x128xi32>
    %eq3A_1135 = arith.constant 0 : i32
    %eq3A_1136 = vector.broadcast %eq3A_1135 : i32 to vector<1x128xi32>
    %eq3A_1137 = arith.cmpi eq, %and3A_1134, %eq3A_1136 : vector<1x128xi32>
    %slice3A_1138 = vector.extract_strided_slice %select_n3A_1131 {offsets = [0, 64], sizes = [512, 64], strides = [1, 1]} : vector<512x128xf32> to vector<512x64xf32>
    %slice3A_1139 = vector.extract_strided_slice %select_n3A_1131 {offsets = [0, 0], sizes = [512, 64], strides = [1, 1]} : vector<512x128xf32> to vector<512x64xf32>
    %concatenate3A_1140 = tpu.concatenate %slice3A_1138, %slice3A_1139 in 1 : vector<512x64xf32>, vector<512x64xf32> -> vector<512x128xf32>
    %slice3A_1141 = vector.extract_strided_slice %select_n3A_1131 {offsets = [0, 64], sizes = [512, 64], strides = [1, 1]} : vector<512x128xf32> to vector<512x64xf32>
    %slice3A_1142 = vector.extract_strided_slice %select_n3A_1131 {offsets = [0, 0], sizes = [512, 64], strides = [1, 1]} : vector<512x128xf32> to vector<512x64xf32>
    %concatenate3A_1143 = tpu.concatenate %slice3A_1141, %slice3A_1142 in 1 : vector<512x64xf32>, vector<512x64xf32> -> vector<512x128xf32>
    %and3A_1144 = arith.constant 4 : i32
    %and3A_1145 = vector.broadcast %and3A_1144 : i32 to vector<512x1xi32>
    %and3A_1146 = arith.andi %iota3A_7, %and3A_1145 : vector<512x1xi32>
    %eq3A_1147 = arith.constant 0 : i32
    %eq3A_1148 = vector.broadcast %eq3A_1147 : i32 to vector<512x1xi32>
    %eq3A_1149 = arith.cmpi eq, %and3A_1146, %eq3A_1148 : vector<512x1xi32>
    %eq3A_1150 = vector.broadcast %eq3A_1137 : vector<1x128xi1> to vector<512x128xi1>
    %eq3A_1151 = vector.broadcast %eq3A_1149 : vector<512x1xi1> to vector<512x128xi1>
    %eq3A_1152 = vector.broadcast %eq3A_1150 : vector<512x128xi1> to vector<512x128xi1>
    %eq3A_1153 = vector.broadcast %eq3A_1151 : vector<512x128xi1> to vector<512x128xi1>
    %eq3A_1154 = arith.xori %eq3A_1152, %eq3A_1153 : vector<512x128xi1>
    %eq3A_1155 = arith.constant dense<true> : vector<512x128xi1>
    %eq3A_1156 = arith.xori %eq3A_1154, %eq3A_1155 : vector<512x128xi1>
    %broadcast_in_dim3A_1157 = vector.shape_cast %eq3A_1137 : vector<1x128xi1> to vector<1x128xi1>
    %broadcast_in_dim3A_1158 = vector.broadcast %broadcast_in_dim3A_1157 : vector<1x128xi1> to vector<512x128xi1>
    %select_n3A_1159 = arith.select %broadcast_in_dim3A_1158, %concatenate3A_1140, %concatenate3A_1143 : vector<512x128xi1>, vector<512x128xf32>
    %min3A_1160 = arith.minimumf %select_n3A_1131, %select_n3A_1159 : vector<512x128xf32>
    %max3A_1161 = arith.maximumf %select_n3A_1131, %select_n3A_1159 : vector<512x128xf32>
    %select_n3A_1162 = arith.select %eq3A_1156, %min3A_1160, %max3A_1161 : vector<512x128xi1>, vector<512x128xf32>
    %and3A_1163 = arith.constant 32 : i32
    %and3A_1164 = vector.broadcast %and3A_1163 : i32 to vector<1x128xi32>
    %and3A_1165 = arith.andi %iota3A, %and3A_1164 : vector<1x128xi32>
    %eq3A_1166 = arith.constant 0 : i32
    %eq3A_1167 = vector.broadcast %eq3A_1166 : i32 to vector<1x128xi32>
    %eq3A_1168 = arith.cmpi eq, %and3A_1165, %eq3A_1167 : vector<1x128xi32>
    %slice3A_1169 = vector.extract_strided_slice %select_n3A_1162 {offsets = [0, 32], sizes = [512, 96], strides = [1, 1]} : vector<512x128xf32> to vector<512x96xf32>
    %slice3A_1170 = vector.extract_strided_slice %select_n3A_1162 {offsets = [0, 0], sizes = [512, 32], strides = [1, 1]} : vector<512x128xf32> to vector<512x32xf32>
    %concatenate3A_1171 = tpu.concatenate %slice3A_1169, %slice3A_1170 in 1 : vector<512x96xf32>, vector<512x32xf32> -> vector<512x128xf32>
    %slice3A_1172 = vector.extract_strided_slice %select_n3A_1162 {offsets = [0, 96], sizes = [512, 32], strides = [1, 1]} : vector<512x128xf32> to vector<512x32xf32>
    %slice3A_1173 = vector.extract_strided_slice %select_n3A_1162 {offsets = [0, 0], sizes = [512, 96], strides = [1, 1]} : vector<512x128xf32> to vector<512x96xf32>
    %concatenate3A_1174 = tpu.concatenate %slice3A_1172, %slice3A_1173 in 1 : vector<512x32xf32>, vector<512x96xf32> -> vector<512x128xf32>
    %and3A_1175 = arith.constant 4 : i32
    %and3A_1176 = vector.broadcast %and3A_1175 : i32 to vector<512x1xi32>
    %and3A_1177 = arith.andi %iota3A_7, %and3A_1176 : vector<512x1xi32>
    %eq3A_1178 = arith.constant 0 : i32
    %eq3A_1179 = vector.broadcast %eq3A_1178 : i32 to vector<512x1xi32>
    %eq3A_1180 = arith.cmpi eq, %and3A_1177, %eq3A_1179 : vector<512x1xi32>
    %eq3A_1181 = vector.broadcast %eq3A_1168 : vector<1x128xi1> to vector<512x128xi1>
    %eq3A_1182 = vector.broadcast %eq3A_1180 : vector<512x1xi1> to vector<512x128xi1>
    %eq3A_1183 = vector.broadcast %eq3A_1181 : vector<512x128xi1> to vector<512x128xi1>
    %eq3A_1184 = vector.broadcast %eq3A_1182 : vector<512x128xi1> to vector<512x128xi1>
    %eq3A_1185 = arith.xori %eq3A_1183, %eq3A_1184 : vector<512x128xi1>
    %eq3A_1186 = arith.constant dense<true> : vector<512x128xi1>
    %eq3A_1187 = arith.xori %eq3A_1185, %eq3A_1186 : vector<512x128xi1>
    %broadcast_in_dim3A_1188 = vector.shape_cast %eq3A_1168 : vector<1x128xi1> to vector<1x128xi1>
    %broadcast_in_dim3A_1189 = vector.broadcast %broadcast_in_dim3A_1188 : vector<1x128xi1> to vector<512x128xi1>
    %select_n3A_1190 = arith.select %broadcast_in_dim3A_1189, %concatenate3A_1171, %concatenate3A_1174 : vector<512x128xi1>, vector<512x128xf32>
    %min3A_1191 = arith.minimumf %select_n3A_1162, %select_n3A_1190 : vector<512x128xf32>
    %max3A_1192 = arith.maximumf %select_n3A_1162, %select_n3A_1190 : vector<512x128xf32>
    %select_n3A_1193 = arith.select %eq3A_1187, %min3A_1191, %max3A_1192 : vector<512x128xi1>, vector<512x128xf32>
    %and3A_1194 = arith.constant 16 : i32
    %and3A_1195 = vector.broadcast %and3A_1194 : i32 to vector<1x128xi32>
    %and3A_1196 = arith.andi %iota3A, %and3A_1195 : vector<1x128xi32>
    %eq3A_1197 = arith.constant 0 : i32
    %eq3A_1198 = vector.broadcast %eq3A_1197 : i32 to vector<1x128xi32>
    %eq3A_1199 = arith.cmpi eq, %and3A_1196, %eq3A_1198 : vector<1x128xi32>
    %slice3A_1200 = vector.extract_strided_slice %select_n3A_1193 {offsets = [0, 16], sizes = [512, 112], strides = [1, 1]} : vector<512x128xf32> to vector<512x112xf32>
    %slice3A_1201 = vector.extract_strided_slice %select_n3A_1193 {offsets = [0, 0], sizes = [512, 16], strides = [1, 1]} : vector<512x128xf32> to vector<512x16xf32>
    %concatenate3A_1202 = tpu.concatenate %slice3A_1200, %slice3A_1201 in 1 : vector<512x112xf32>, vector<512x16xf32> -> vector<512x128xf32>
    %slice3A_1203 = vector.extract_strided_slice %select_n3A_1193 {offsets = [0, 112], sizes = [512, 16], strides = [1, 1]} : vector<512x128xf32> to vector<512x16xf32>
    %slice3A_1204 = vector.extract_strided_slice %select_n3A_1193 {offsets = [0, 0], sizes = [512, 112], strides = [1, 1]} : vector<512x128xf32> to vector<512x112xf32>
    %concatenate3A_1205 = tpu.concatenate %slice3A_1203, %slice3A_1204 in 1 : vector<512x16xf32>, vector<512x112xf32> -> vector<512x128xf32>
    %and3A_1206 = arith.constant 4 : i32
    %and3A_1207 = vector.broadcast %and3A_1206 : i32 to vector<512x1xi32>
    %and3A_1208 = arith.andi %iota3A_7, %and3A_1207 : vector<512x1xi32>
    %eq3A_1209 = arith.constant 0 : i32
    %eq3A_1210 = vector.broadcast %eq3A_1209 : i32 to vector<512x1xi32>
    %eq3A_1211 = arith.cmpi eq, %and3A_1208, %eq3A_1210 : vector<512x1xi32>
    %eq3A_1212 = vector.broadcast %eq3A_1199 : vector<1x128xi1> to vector<512x128xi1>
    %eq3A_1213 = vector.broadcast %eq3A_1211 : vector<512x1xi1> to vector<512x128xi1>
    %eq3A_1214 = vector.broadcast %eq3A_1212 : vector<512x128xi1> to vector<512x128xi1>
    %eq3A_1215 = vector.broadcast %eq3A_1213 : vector<512x128xi1> to vector<512x128xi1>
    %eq3A_1216 = arith.xori %eq3A_1214, %eq3A_1215 : vector<512x128xi1>
    %eq3A_1217 = arith.constant dense<true> : vector<512x128xi1>
    %eq3A_1218 = arith.xori %eq3A_1216, %eq3A_1217 : vector<512x128xi1>
    %broadcast_in_dim3A_1219 = vector.shape_cast %eq3A_1199 : vector<1x128xi1> to vector<1x128xi1>
    %broadcast_in_dim3A_1220 = vector.broadcast %broadcast_in_dim3A_1219 : vector<1x128xi1> to vector<512x128xi1>
    %select_n3A_1221 = arith.select %broadcast_in_dim3A_1220, %concatenate3A_1202, %concatenate3A_1205 : vector<512x128xi1>, vector<512x128xf32>
    %min3A_1222 = arith.minimumf %select_n3A_1193, %select_n3A_1221 : vector<512x128xf32>
    %max3A_1223 = arith.maximumf %select_n3A_1193, %select_n3A_1221 : vector<512x128xf32>
    %select_n3A_1224 = arith.select %eq3A_1218, %min3A_1222, %max3A_1223 : vector<512x128xi1>, vector<512x128xf32>
    %and3A_1225 = arith.constant 8 : i32
    %and3A_1226 = vector.broadcast %and3A_1225 : i32 to vector<1x128xi32>
    %and3A_1227 = arith.andi %iota3A, %and3A_1226 : vector<1x128xi32>
    %eq3A_1228 = arith.constant 0 : i32
    %eq3A_1229 = vector.broadcast %eq3A_1228 : i32 to vector<1x128xi32>
    %eq3A_1230 = arith.cmpi eq, %and3A_1227, %eq3A_1229 : vector<1x128xi32>
    %slice3A_1231 = vector.extract_strided_slice %select_n3A_1224 {offsets = [0, 8], sizes = [512, 120], strides = [1, 1]} : vector<512x128xf32> to vector<512x120xf32>
    %slice3A_1232 = vector.extract_strided_slice %select_n3A_1224 {offsets = [0, 0], sizes = [512, 8], strides = [1, 1]} : vector<512x128xf32> to vector<512x8xf32>
    %concatenate3A_1233 = tpu.concatenate %slice3A_1231, %slice3A_1232 in 1 : vector<512x120xf32>, vector<512x8xf32> -> vector<512x128xf32>
    %slice3A_1234 = vector.extract_strided_slice %select_n3A_1224 {offsets = [0, 120], sizes = [512, 8], strides = [1, 1]} : vector<512x128xf32> to vector<512x8xf32>
    %slice3A_1235 = vector.extract_strided_slice %select_n3A_1224 {offsets = [0, 0], sizes = [512, 120], strides = [1, 1]} : vector<512x128xf32> to vector<512x120xf32>
    %concatenate3A_1236 = tpu.concatenate %slice3A_1234, %slice3A_1235 in 1 : vector<512x8xf32>, vector<512x120xf32> -> vector<512x128xf32>
    %and3A_1237 = arith.constant 4 : i32
    %and3A_1238 = vector.broadcast %and3A_1237 : i32 to vector<512x1xi32>
    %and3A_1239 = arith.andi %iota3A_7, %and3A_1238 : vector<512x1xi32>
    %eq3A_1240 = arith.constant 0 : i32
    %eq3A_1241 = vector.broadcast %eq3A_1240 : i32 to vector<512x1xi32>
    %eq3A_1242 = arith.cmpi eq, %and3A_1239, %eq3A_1241 : vector<512x1xi32>
    %eq3A_1243 = vector.broadcast %eq3A_1230 : vector<1x128xi1> to vector<512x128xi1>
    %eq3A_1244 = vector.broadcast %eq3A_1242 : vector<512x1xi1> to vector<512x128xi1>
    %eq3A_1245 = vector.broadcast %eq3A_1243 : vector<512x128xi1> to vector<512x128xi1>
    %eq3A_1246 = vector.broadcast %eq3A_1244 : vector<512x128xi1> to vector<512x128xi1>
    %eq3A_1247 = arith.xori %eq3A_1245, %eq3A_1246 : vector<512x128xi1>
    %eq3A_1248 = arith.constant dense<true> : vector<512x128xi1>
    %eq3A_1249 = arith.xori %eq3A_1247, %eq3A_1248 : vector<512x128xi1>
    %broadcast_in_dim3A_1250 = vector.shape_cast %eq3A_1230 : vector<1x128xi1> to vector<1x128xi1>
    %broadcast_in_dim3A_1251 = vector.broadcast %broadcast_in_dim3A_1250 : vector<1x128xi1> to vector<512x128xi1>
    %select_n3A_1252 = arith.select %broadcast_in_dim3A_1251, %concatenate3A_1233, %concatenate3A_1236 : vector<512x128xi1>, vector<512x128xf32>
    %min3A_1253 = arith.minimumf %select_n3A_1224, %select_n3A_1252 : vector<512x128xf32>
    %max3A_1254 = arith.maximumf %select_n3A_1224, %select_n3A_1252 : vector<512x128xf32>
    %select_n3A_1255 = arith.select %eq3A_1249, %min3A_1253, %max3A_1254 : vector<512x128xi1>, vector<512x128xf32>
    %and3A_1256 = arith.constant 4 : i32
    %and3A_1257 = vector.broadcast %and3A_1256 : i32 to vector<1x128xi32>
    %and3A_1258 = arith.andi %iota3A, %and3A_1257 : vector<1x128xi32>
    %eq3A_1259 = arith.constant 0 : i32
    %eq3A_1260 = vector.broadcast %eq3A_1259 : i32 to vector<1x128xi32>
    %eq3A_1261 = arith.cmpi eq, %and3A_1258, %eq3A_1260 : vector<1x128xi32>
    %slice3A_1262 = vector.extract_strided_slice %select_n3A_1255 {offsets = [0, 4], sizes = [512, 124], strides = [1, 1]} : vector<512x128xf32> to vector<512x124xf32>
    %slice3A_1263 = vector.extract_strided_slice %select_n3A_1255 {offsets = [0, 0], sizes = [512, 4], strides = [1, 1]} : vector<512x128xf32> to vector<512x4xf32>
    %concatenate3A_1264 = tpu.concatenate %slice3A_1262, %slice3A_1263 in 1 : vector<512x124xf32>, vector<512x4xf32> -> vector<512x128xf32>
    %slice3A_1265 = vector.extract_strided_slice %select_n3A_1255 {offsets = [0, 124], sizes = [512, 4], strides = [1, 1]} : vector<512x128xf32> to vector<512x4xf32>
    %slice3A_1266 = vector.extract_strided_slice %select_n3A_1255 {offsets = [0, 0], sizes = [512, 124], strides = [1, 1]} : vector<512x128xf32> to vector<512x124xf32>
    %concatenate3A_1267 = tpu.concatenate %slice3A_1265, %slice3A_1266 in 1 : vector<512x4xf32>, vector<512x124xf32> -> vector<512x128xf32>
    %and3A_1268 = arith.constant 4 : i32
    %and3A_1269 = vector.broadcast %and3A_1268 : i32 to vector<512x1xi32>
    %and3A_1270 = arith.andi %iota3A_7, %and3A_1269 : vector<512x1xi32>
    %eq3A_1271 = arith.constant 0 : i32
    %eq3A_1272 = vector.broadcast %eq3A_1271 : i32 to vector<512x1xi32>
    %eq3A_1273 = arith.cmpi eq, %and3A_1270, %eq3A_1272 : vector<512x1xi32>
    %eq3A_1274 = vector.broadcast %eq3A_1261 : vector<1x128xi1> to vector<512x128xi1>
    %eq3A_1275 = vector.broadcast %eq3A_1273 : vector<512x1xi1> to vector<512x128xi1>
    %eq3A_1276 = vector.broadcast %eq3A_1274 : vector<512x128xi1> to vector<512x128xi1>
    %eq3A_1277 = vector.broadcast %eq3A_1275 : vector<512x128xi1> to vector<512x128xi1>
    %eq3A_1278 = arith.xori %eq3A_1276, %eq3A_1277 : vector<512x128xi1>
    %eq3A_1279 = arith.constant dense<true> : vector<512x128xi1>
    %eq3A_1280 = arith.xori %eq3A_1278, %eq3A_1279 : vector<512x128xi1>
    %broadcast_in_dim3A_1281 = vector.shape_cast %eq3A_1261 : vector<1x128xi1> to vector<1x128xi1>
    %broadcast_in_dim3A_1282 = vector.broadcast %broadcast_in_dim3A_1281 : vector<1x128xi1> to vector<512x128xi1>
    %select_n3A_1283 = arith.select %broadcast_in_dim3A_1282, %concatenate3A_1264, %concatenate3A_1267 : vector<512x128xi1>, vector<512x128xf32>
    %min3A_1284 = arith.minimumf %select_n3A_1255, %select_n3A_1283 : vector<512x128xf32>
    %max3A_1285 = arith.maximumf %select_n3A_1255, %select_n3A_1283 : vector<512x128xf32>
    %select_n3A_1286 = arith.select %eq3A_1280, %min3A_1284, %max3A_1285 : vector<512x128xi1>, vector<512x128xf32>
    %and3A_1287 = arith.constant 2 : i32
    %and3A_1288 = vector.broadcast %and3A_1287 : i32 to vector<1x128xi32>
    %and3A_1289 = arith.andi %iota3A, %and3A_1288 : vector<1x128xi32>
    %eq3A_1290 = arith.constant 0 : i32
    %eq3A_1291 = vector.broadcast %eq3A_1290 : i32 to vector<1x128xi32>
    %eq3A_1292 = arith.cmpi eq, %and3A_1289, %eq3A_1291 : vector<1x128xi32>
    %slice3A_1293 = vector.extract_strided_slice %select_n3A_1286 {offsets = [0, 2], sizes = [512, 126], strides = [1, 1]} : vector<512x128xf32> to vector<512x126xf32>
    %slice3A_1294 = vector.extract_strided_slice %select_n3A_1286 {offsets = [0, 0], sizes = [512, 2], strides = [1, 1]} : vector<512x128xf32> to vector<512x2xf32>
    %concatenate3A_1295 = tpu.concatenate %slice3A_1293, %slice3A_1294 in 1 : vector<512x126xf32>, vector<512x2xf32> -> vector<512x128xf32>
    %slice3A_1296 = vector.extract_strided_slice %select_n3A_1286 {offsets = [0, 126], sizes = [512, 2], strides = [1, 1]} : vector<512x128xf32> to vector<512x2xf32>
    %slice3A_1297 = vector.extract_strided_slice %select_n3A_1286 {offsets = [0, 0], sizes = [512, 126], strides = [1, 1]} : vector<512x128xf32> to vector<512x126xf32>
    %concatenate3A_1298 = tpu.concatenate %slice3A_1296, %slice3A_1297 in 1 : vector<512x2xf32>, vector<512x126xf32> -> vector<512x128xf32>
    %and3A_1299 = arith.constant 4 : i32
    %and3A_1300 = vector.broadcast %and3A_1299 : i32 to vector<512x1xi32>
    %and3A_1301 = arith.andi %iota3A_7, %and3A_1300 : vector<512x1xi32>
    %eq3A_1302 = arith.constant 0 : i32
    %eq3A_1303 = vector.broadcast %eq3A_1302 : i32 to vector<512x1xi32>
    %eq3A_1304 = arith.cmpi eq, %and3A_1301, %eq3A_1303 : vector<512x1xi32>
    %eq3A_1305 = vector.broadcast %eq3A_1292 : vector<1x128xi1> to vector<512x128xi1>
    %eq3A_1306 = vector.broadcast %eq3A_1304 : vector<512x1xi1> to vector<512x128xi1>
    %eq3A_1307 = vector.broadcast %eq3A_1305 : vector<512x128xi1> to vector<512x128xi1>
    %eq3A_1308 = vector.broadcast %eq3A_1306 : vector<512x128xi1> to vector<512x128xi1>
    %eq3A_1309 = arith.xori %eq3A_1307, %eq3A_1308 : vector<512x128xi1>
    %eq3A_1310 = arith.constant dense<true> : vector<512x128xi1>
    %eq3A_1311 = arith.xori %eq3A_1309, %eq3A_1310 : vector<512x128xi1>
    %broadcast_in_dim3A_1312 = vector.shape_cast %eq3A_1292 : vector<1x128xi1> to vector<1x128xi1>
    %broadcast_in_dim3A_1313 = vector.broadcast %broadcast_in_dim3A_1312 : vector<1x128xi1> to vector<512x128xi1>
    %select_n3A_1314 = arith.select %broadcast_in_dim3A_1313, %concatenate3A_1295, %concatenate3A_1298 : vector<512x128xi1>, vector<512x128xf32>
    %min3A_1315 = arith.minimumf %select_n3A_1286, %select_n3A_1314 : vector<512x128xf32>
    %max3A_1316 = arith.maximumf %select_n3A_1286, %select_n3A_1314 : vector<512x128xf32>
    %select_n3A_1317 = arith.select %eq3A_1311, %min3A_1315, %max3A_1316 : vector<512x128xi1>, vector<512x128xf32>
    %and3A_1318 = arith.constant 1 : i32
    %and3A_1319 = vector.broadcast %and3A_1318 : i32 to vector<1x128xi32>
    %and3A_1320 = arith.andi %iota3A, %and3A_1319 : vector<1x128xi32>
    %eq3A_1321 = arith.constant 0 : i32
    %eq3A_1322 = vector.broadcast %eq3A_1321 : i32 to vector<1x128xi32>
    %eq3A_1323 = arith.cmpi eq, %and3A_1320, %eq3A_1322 : vector<1x128xi32>
    %slice3A_1324 = vector.extract_strided_slice %select_n3A_1317 {offsets = [0, 1], sizes = [512, 127], strides = [1, 1]} : vector<512x128xf32> to vector<512x127xf32>
    %slice3A_1325 = vector.extract_strided_slice %select_n3A_1317 {offsets = [0, 0], sizes = [512, 1], strides = [1, 1]} : vector<512x128xf32> to vector<512x1xf32>
    %concatenate3A_1326 = tpu.concatenate %slice3A_1324, %slice3A_1325 in 1 : vector<512x127xf32>, vector<512x1xf32> -> vector<512x128xf32>
    %slice3A_1327 = vector.extract_strided_slice %select_n3A_1317 {offsets = [0, 127], sizes = [512, 1], strides = [1, 1]} : vector<512x128xf32> to vector<512x1xf32>
    %slice3A_1328 = vector.extract_strided_slice %select_n3A_1317 {offsets = [0, 0], sizes = [512, 127], strides = [1, 1]} : vector<512x128xf32> to vector<512x127xf32>
    %concatenate3A_1329 = tpu.concatenate %slice3A_1327, %slice3A_1328 in 1 : vector<512x1xf32>, vector<512x127xf32> -> vector<512x128xf32>
    %and3A_1330 = arith.constant 4 : i32
    %and3A_1331 = vector.broadcast %and3A_1330 : i32 to vector<512x1xi32>
    %and3A_1332 = arith.andi %iota3A_7, %and3A_1331 : vector<512x1xi32>
    %eq3A_1333 = arith.constant 0 : i32
    %eq3A_1334 = vector.broadcast %eq3A_1333 : i32 to vector<512x1xi32>
    %eq3A_1335 = arith.cmpi eq, %and3A_1332, %eq3A_1334 : vector<512x1xi32>
    %eq3A_1336 = vector.broadcast %eq3A_1323 : vector<1x128xi1> to vector<512x128xi1>
    %eq3A_1337 = vector.broadcast %eq3A_1335 : vector<512x1xi1> to vector<512x128xi1>
    %eq3A_1338 = vector.broadcast %eq3A_1336 : vector<512x128xi1> to vector<512x128xi1>
    %eq3A_1339 = vector.broadcast %eq3A_1337 : vector<512x128xi1> to vector<512x128xi1>
    %eq3A_1340 = arith.xori %eq3A_1338, %eq3A_1339 : vector<512x128xi1>
    %eq3A_1341 = arith.constant dense<true> : vector<512x128xi1>
    %eq3A_1342 = arith.xori %eq3A_1340, %eq3A_1341 : vector<512x128xi1>
    %broadcast_in_dim3A_1343 = vector.shape_cast %eq3A_1323 : vector<1x128xi1> to vector<1x128xi1>
    %broadcast_in_dim3A_1344 = vector.broadcast %broadcast_in_dim3A_1343 : vector<1x128xi1> to vector<512x128xi1>
    %select_n3A_1345 = arith.select %broadcast_in_dim3A_1344, %concatenate3A_1326, %concatenate3A_1329 : vector<512x128xi1>, vector<512x128xf32>
    %min3A_1346 = arith.minimumf %select_n3A_1317, %select_n3A_1345 : vector<512x128xf32>
    %max3A_1347 = arith.maximumf %select_n3A_1317, %select_n3A_1345 : vector<512x128xf32>
    %select_n3A_1348 = arith.select %eq3A_1342, %min3A_1346, %max3A_1347 : vector<512x128xi1>, vector<512x128xf32>
    %and3A_1349 = arith.constant 4 : i32
    %and3A_1350 = vector.broadcast %and3A_1349 : i32 to vector<512x1xi32>
    %and3A_1351 = arith.andi %iota3A_7, %and3A_1350 : vector<512x1xi32>
    %eq3A_1352 = arith.constant 0 : i32
    %eq3A_1353 = vector.broadcast %eq3A_1352 : i32 to vector<512x1xi32>
    %eq3A_1354 = arith.cmpi eq, %and3A_1351, %eq3A_1353 : vector<512x1xi32>
    %slice3A_1355 = vector.extract_strided_slice %select_n3A_1348 {offsets = [4, 0], sizes = [508, 128], strides = [1, 1]} : vector<512x128xf32> to vector<508x128xf32>
    %slice3A_1356 = vector.extract_strided_slice %select_n3A_1348 {offsets = [0, 0], sizes = [4, 128], strides = [1, 1]} : vector<512x128xf32> to vector<4x128xf32>
    %concatenate3A_1357 = tpu.concatenate %slice3A_1355, %slice3A_1356 in 0 : vector<508x128xf32>, vector<4x128xf32> -> vector<512x128xf32>
    %slice3A_1358 = vector.extract_strided_slice %select_n3A_1348 {offsets = [508, 0], sizes = [4, 128], strides = [1, 1]} : vector<512x128xf32> to vector<4x128xf32>
    %slice3A_1359 = vector.extract_strided_slice %select_n3A_1348 {offsets = [0, 0], sizes = [508, 128], strides = [1, 1]} : vector<512x128xf32> to vector<508x128xf32>
    %concatenate3A_1360 = tpu.concatenate %slice3A_1358, %slice3A_1359 in 0 : vector<4x128xf32>, vector<508x128xf32> -> vector<512x128xf32>
    %and3A_1361 = arith.constant 8 : i32
    %and3A_1362 = vector.broadcast %and3A_1361 : i32 to vector<512x1xi32>
    %and3A_1363 = arith.andi %iota3A_7, %and3A_1362 : vector<512x1xi32>
    %eq3A_1364 = arith.constant 0 : i32
    %eq3A_1365 = vector.broadcast %eq3A_1364 : i32 to vector<512x1xi32>
    %eq3A_1366 = arith.cmpi eq, %and3A_1363, %eq3A_1365 : vector<512x1xi32>
    %eq3A_1367 = arith.xori %eq3A_1354, %eq3A_1366 : vector<512x1xi1>
    %eq3A_1368 = arith.constant dense<true> : vector<512x1xi1>
    %eq3A_1369 = arith.xori %eq3A_1367, %eq3A_1368 : vector<512x1xi1>
    %broadcast_in_dim3A_1370 = vector.shape_cast %eq3A_1354 : vector<512x1xi1> to vector<512x1xi1>
    %broadcast_in_dim3A_1371 = vector.broadcast %broadcast_in_dim3A_1370 : vector<512x1xi1> to vector<512x128xi1>
    %select_n3A_1372 = arith.select %broadcast_in_dim3A_1371, %concatenate3A_1357, %concatenate3A_1360 : vector<512x128xi1>, vector<512x128xf32>
    %min3A_1373 = arith.minimumf %select_n3A_1348, %select_n3A_1372 : vector<512x128xf32>
    %max3A_1374 = arith.maximumf %select_n3A_1348, %select_n3A_1372 : vector<512x128xf32>
    %broadcast_in_dim3A_1375 = vector.shape_cast %eq3A_1369 : vector<512x1xi1> to vector<512x1xi1>
    %broadcast_in_dim3A_1376 = vector.broadcast %broadcast_in_dim3A_1375 : vector<512x1xi1> to vector<512x128xi1>
    %select_n3A_1377 = arith.select %broadcast_in_dim3A_1376, %min3A_1373, %max3A_1374 : vector<512x128xi1>, vector<512x128xf32>
    %and3A_1378 = arith.constant 2 : i32
    %and3A_1379 = vector.broadcast %and3A_1378 : i32 to vector<512x1xi32>
    %and3A_1380 = arith.andi %iota3A_7, %and3A_1379 : vector<512x1xi32>
    %eq3A_1381 = arith.constant 0 : i32
    %eq3A_1382 = vector.broadcast %eq3A_1381 : i32 to vector<512x1xi32>
    %eq3A_1383 = arith.cmpi eq, %and3A_1380, %eq3A_1382 : vector<512x1xi32>
    %slice3A_1384 = vector.extract_strided_slice %select_n3A_1377 {offsets = [2, 0], sizes = [510, 128], strides = [1, 1]} : vector<512x128xf32> to vector<510x128xf32>
    %slice3A_1385 = vector.extract_strided_slice %select_n3A_1377 {offsets = [0, 0], sizes = [2, 128], strides = [1, 1]} : vector<512x128xf32> to vector<2x128xf32>
    %concatenate3A_1386 = tpu.concatenate %slice3A_1384, %slice3A_1385 in 0 : vector<510x128xf32>, vector<2x128xf32> -> vector<512x128xf32>
    %slice3A_1387 = vector.extract_strided_slice %select_n3A_1377 {offsets = [510, 0], sizes = [2, 128], strides = [1, 1]} : vector<512x128xf32> to vector<2x128xf32>
    %slice3A_1388 = vector.extract_strided_slice %select_n3A_1377 {offsets = [0, 0], sizes = [510, 128], strides = [1, 1]} : vector<512x128xf32> to vector<510x128xf32>
    %concatenate3A_1389 = tpu.concatenate %slice3A_1387, %slice3A_1388 in 0 : vector<2x128xf32>, vector<510x128xf32> -> vector<512x128xf32>
    %and3A_1390 = arith.constant 8 : i32
    %and3A_1391 = vector.broadcast %and3A_1390 : i32 to vector<512x1xi32>
    %and3A_1392 = arith.andi %iota3A_7, %and3A_1391 : vector<512x1xi32>
    %eq3A_1393 = arith.constant 0 : i32
    %eq3A_1394 = vector.broadcast %eq3A_1393 : i32 to vector<512x1xi32>
    %eq3A_1395 = arith.cmpi eq, %and3A_1392, %eq3A_1394 : vector<512x1xi32>
    %eq3A_1396 = arith.xori %eq3A_1383, %eq3A_1395 : vector<512x1xi1>
    %eq3A_1397 = arith.constant dense<true> : vector<512x1xi1>
    %eq3A_1398 = arith.xori %eq3A_1396, %eq3A_1397 : vector<512x1xi1>
    %broadcast_in_dim3A_1399 = vector.shape_cast %eq3A_1383 : vector<512x1xi1> to vector<512x1xi1>
    %broadcast_in_dim3A_1400 = vector.broadcast %broadcast_in_dim3A_1399 : vector<512x1xi1> to vector<512x128xi1>
    %select_n3A_1401 = arith.select %broadcast_in_dim3A_1400, %concatenate3A_1386, %concatenate3A_1389 : vector<512x128xi1>, vector<512x128xf32>
    %min3A_1402 = arith.minimumf %select_n3A_1377, %select_n3A_1401 : vector<512x128xf32>
    %max3A_1403 = arith.maximumf %select_n3A_1377, %select_n3A_1401 : vector<512x128xf32>
    %broadcast_in_dim3A_1404 = vector.shape_cast %eq3A_1398 : vector<512x1xi1> to vector<512x1xi1>
    %broadcast_in_dim3A_1405 = vector.broadcast %broadcast_in_dim3A_1404 : vector<512x1xi1> to vector<512x128xi1>
    %select_n3A_1406 = arith.select %broadcast_in_dim3A_1405, %min3A_1402, %max3A_1403 : vector<512x128xi1>, vector<512x128xf32>
    %and3A_1407 = arith.constant 1 : i32
    %and3A_1408 = vector.broadcast %and3A_1407 : i32 to vector<512x1xi32>
    %and3A_1409 = arith.andi %iota3A_7, %and3A_1408 : vector<512x1xi32>
    %eq3A_1410 = arith.constant 0 : i32
    %eq3A_1411 = vector.broadcast %eq3A_1410 : i32 to vector<512x1xi32>
    %eq3A_1412 = arith.cmpi eq, %and3A_1409, %eq3A_1411 : vector<512x1xi32>
    %slice3A_1413 = vector.extract_strided_slice %select_n3A_1406 {offsets = [1, 0], sizes = [511, 128], strides = [1, 1]} : vector<512x128xf32> to vector<511x128xf32>
    %slice3A_1414 = vector.extract_strided_slice %select_n3A_1406 {offsets = [0, 0], sizes = [1, 128], strides = [1, 1]} : vector<512x128xf32> to vector<1x128xf32>
    %concatenate3A_1415 = tpu.concatenate %slice3A_1413, %slice3A_1414 in 0 : vector<511x128xf32>, vector<1x128xf32> -> vector<512x128xf32>
    %slice3A_1416 = vector.extract_strided_slice %select_n3A_1406 {offsets = [511, 0], sizes = [1, 128], strides = [1, 1]} : vector<512x128xf32> to vector<1x128xf32>
    %slice3A_1417 = vector.extract_strided_slice %select_n3A_1406 {offsets = [0, 0], sizes = [511, 128], strides = [1, 1]} : vector<512x128xf32> to vector<511x128xf32>
    %concatenate3A_1418 = tpu.concatenate %slice3A_1416, %slice3A_1417 in 0 : vector<1x128xf32>, vector<511x128xf32> -> vector<512x128xf32>
    %and3A_1419 = arith.constant 8 : i32
    %and3A_1420 = vector.broadcast %and3A_1419 : i32 to vector<512x1xi32>
    %and3A_1421 = arith.andi %iota3A_7, %and3A_1420 : vector<512x1xi32>
    %eq3A_1422 = arith.constant 0 : i32
    %eq3A_1423 = vector.broadcast %eq3A_1422 : i32 to vector<512x1xi32>
    %eq3A_1424 = arith.cmpi eq, %and3A_1421, %eq3A_1423 : vector<512x1xi32>
    %eq3A_1425 = arith.xori %eq3A_1412, %eq3A_1424 : vector<512x1xi1>
    %eq3A_1426 = arith.constant dense<true> : vector<512x1xi1>
    %eq3A_1427 = arith.xori %eq3A_1425, %eq3A_1426 : vector<512x1xi1>
    %broadcast_in_dim3A_1428 = vector.shape_cast %eq3A_1412 : vector<512x1xi1> to vector<512x1xi1>
    %broadcast_in_dim3A_1429 = vector.broadcast %broadcast_in_dim3A_1428 : vector<512x1xi1> to vector<512x128xi1>
    %select_n3A_1430 = arith.select %broadcast_in_dim3A_1429, %concatenate3A_1415, %concatenate3A_1418 : vector<512x128xi1>, vector<512x128xf32>
    %min3A_1431 = arith.minimumf %select_n3A_1406, %select_n3A_1430 : vector<512x128xf32>
    %max3A_1432 = arith.maximumf %select_n3A_1406, %select_n3A_1430 : vector<512x128xf32>
    %broadcast_in_dim3A_1433 = vector.shape_cast %eq3A_1427 : vector<512x1xi1> to vector<512x1xi1>
    %broadcast_in_dim3A_1434 = vector.broadcast %broadcast_in_dim3A_1433 : vector<512x1xi1> to vector<512x128xi1>
    %select_n3A_1435 = arith.select %broadcast_in_dim3A_1434, %min3A_1431, %max3A_1432 : vector<512x128xi1>, vector<512x128xf32>
    %and3A_1436 = arith.constant 64 : i32
    %and3A_1437 = vector.broadcast %and3A_1436 : i32 to vector<1x128xi32>
    %and3A_1438 = arith.andi %iota3A, %and3A_1437 : vector<1x128xi32>
    %eq3A_1439 = arith.constant 0 : i32
    %eq3A_1440 = vector.broadcast %eq3A_1439 : i32 to vector<1x128xi32>
    %eq3A_1441 = arith.cmpi eq, %and3A_1438, %eq3A_1440 : vector<1x128xi32>
    %slice3A_1442 = vector.extract_strided_slice %select_n3A_1435 {offsets = [0, 64], sizes = [512, 64], strides = [1, 1]} : vector<512x128xf32> to vector<512x64xf32>
    %slice3A_1443 = vector.extract_strided_slice %select_n3A_1435 {offsets = [0, 0], sizes = [512, 64], strides = [1, 1]} : vector<512x128xf32> to vector<512x64xf32>
    %concatenate3A_1444 = tpu.concatenate %slice3A_1442, %slice3A_1443 in 1 : vector<512x64xf32>, vector<512x64xf32> -> vector<512x128xf32>
    %slice3A_1445 = vector.extract_strided_slice %select_n3A_1435 {offsets = [0, 64], sizes = [512, 64], strides = [1, 1]} : vector<512x128xf32> to vector<512x64xf32>
    %slice3A_1446 = vector.extract_strided_slice %select_n3A_1435 {offsets = [0, 0], sizes = [512, 64], strides = [1, 1]} : vector<512x128xf32> to vector<512x64xf32>
    %concatenate3A_1447 = tpu.concatenate %slice3A_1445, %slice3A_1446 in 1 : vector<512x64xf32>, vector<512x64xf32> -> vector<512x128xf32>
    %and3A_1448 = arith.constant 8 : i32
    %and3A_1449 = vector.broadcast %and3A_1448 : i32 to vector<512x1xi32>
    %and3A_1450 = arith.andi %iota3A_7, %and3A_1449 : vector<512x1xi32>
    %eq3A_1451 = arith.constant 0 : i32
    %eq3A_1452 = vector.broadcast %eq3A_1451 : i32 to vector<512x1xi32>
    %eq3A_1453 = arith.cmpi eq, %and3A_1450, %eq3A_1452 : vector<512x1xi32>
    %eq3A_1454 = vector.broadcast %eq3A_1441 : vector<1x128xi1> to vector<512x128xi1>
    %eq3A_1455 = vector.broadcast %eq3A_1453 : vector<512x1xi1> to vector<512x128xi1>
    %eq3A_1456 = vector.broadcast %eq3A_1454 : vector<512x128xi1> to vector<512x128xi1>
    %eq3A_1457 = vector.broadcast %eq3A_1455 : vector<512x128xi1> to vector<512x128xi1>
    %eq3A_1458 = arith.xori %eq3A_1456, %eq3A_1457 : vector<512x128xi1>
    %eq3A_1459 = arith.constant dense<true> : vector<512x128xi1>
    %eq3A_1460 = arith.xori %eq3A_1458, %eq3A_1459 : vector<512x128xi1>
    %broadcast_in_dim3A_1461 = vector.shape_cast %eq3A_1441 : vector<1x128xi1> to vector<1x128xi1>
    %broadcast_in_dim3A_1462 = vector.broadcast %broadcast_in_dim3A_1461 : vector<1x128xi1> to vector<512x128xi1>
    %select_n3A_1463 = arith.select %broadcast_in_dim3A_1462, %concatenate3A_1444, %concatenate3A_1447 : vector<512x128xi1>, vector<512x128xf32>
    %min3A_1464 = arith.minimumf %select_n3A_1435, %select_n3A_1463 : vector<512x128xf32>
    %max3A_1465 = arith.maximumf %select_n3A_1435, %select_n3A_1463 : vector<512x128xf32>
    %select_n3A_1466 = arith.select %eq3A_1460, %min3A_1464, %max3A_1465 : vector<512x128xi1>, vector<512x128xf32>
    %and3A_1467 = arith.constant 32 : i32
    %and3A_1468 = vector.broadcast %and3A_1467 : i32 to vector<1x128xi32>
    %and3A_1469 = arith.andi %iota3A, %and3A_1468 : vector<1x128xi32>
    %eq3A_1470 = arith.constant 0 : i32
    %eq3A_1471 = vector.broadcast %eq3A_1470 : i32 to vector<1x128xi32>
    %eq3A_1472 = arith.cmpi eq, %and3A_1469, %eq3A_1471 : vector<1x128xi32>
    %slice3A_1473 = vector.extract_strided_slice %select_n3A_1466 {offsets = [0, 32], sizes = [512, 96], strides = [1, 1]} : vector<512x128xf32> to vector<512x96xf32>
    %slice3A_1474 = vector.extract_strided_slice %select_n3A_1466 {offsets = [0, 0], sizes = [512, 32], strides = [1, 1]} : vector<512x128xf32> to vector<512x32xf32>
    %concatenate3A_1475 = tpu.concatenate %slice3A_1473, %slice3A_1474 in 1 : vector<512x96xf32>, vector<512x32xf32> -> vector<512x128xf32>
    %slice3A_1476 = vector.extract_strided_slice %select_n3A_1466 {offsets = [0, 96], sizes = [512, 32], strides = [1, 1]} : vector<512x128xf32> to vector<512x32xf32>
    %slice3A_1477 = vector.extract_strided_slice %select_n3A_1466 {offsets = [0, 0], sizes = [512, 96], strides = [1, 1]} : vector<512x128xf32> to vector<512x96xf32>
    %concatenate3A_1478 = tpu.concatenate %slice3A_1476, %slice3A_1477 in 1 : vector<512x32xf32>, vector<512x96xf32> -> vector<512x128xf32>
    %and3A_1479 = arith.constant 8 : i32
    %and3A_1480 = vector.broadcast %and3A_1479 : i32 to vector<512x1xi32>
    %and3A_1481 = arith.andi %iota3A_7, %and3A_1480 : vector<512x1xi32>
    %eq3A_1482 = arith.constant 0 : i32
    %eq3A_1483 = vector.broadcast %eq3A_1482 : i32 to vector<512x1xi32>
    %eq3A_1484 = arith.cmpi eq, %and3A_1481, %eq3A_1483 : vector<512x1xi32>
    %eq3A_1485 = vector.broadcast %eq3A_1472 : vector<1x128xi1> to vector<512x128xi1>
    %eq3A_1486 = vector.broadcast %eq3A_1484 : vector<512x1xi1> to vector<512x128xi1>
    %eq3A_1487 = vector.broadcast %eq3A_1485 : vector<512x128xi1> to vector<512x128xi1>
    %eq3A_1488 = vector.broadcast %eq3A_1486 : vector<512x128xi1> to vector<512x128xi1>
    %eq3A_1489 = arith.xori %eq3A_1487, %eq3A_1488 : vector<512x128xi1>
    %eq3A_1490 = arith.constant dense<true> : vector<512x128xi1>
    %eq3A_1491 = arith.xori %eq3A_1489, %eq3A_1490 : vector<512x128xi1>
    %broadcast_in_dim3A_1492 = vector.shape_cast %eq3A_1472 : vector<1x128xi1> to vector<1x128xi1>
    %broadcast_in_dim3A_1493 = vector.broadcast %broadcast_in_dim3A_1492 : vector<1x128xi1> to vector<512x128xi1>
    %select_n3A_1494 = arith.select %broadcast_in_dim3A_1493, %concatenate3A_1475, %concatenate3A_1478 : vector<512x128xi1>, vector<512x128xf32>
    %min3A_1495 = arith.minimumf %select_n3A_1466, %select_n3A_1494 : vector<512x128xf32>
    %max3A_1496 = arith.maximumf %select_n3A_1466, %select_n3A_1494 : vector<512x128xf32>
    %select_n3A_1497 = arith.select %eq3A_1491, %min3A_1495, %max3A_1496 : vector<512x128xi1>, vector<512x128xf32>
    %and3A_1498 = arith.constant 16 : i32
    %and3A_1499 = vector.broadcast %and3A_1498 : i32 to vector<1x128xi32>
    %and3A_1500 = arith.andi %iota3A, %and3A_1499 : vector<1x128xi32>
    %eq3A_1501 = arith.constant 0 : i32
    %eq3A_1502 = vector.broadcast %eq3A_1501 : i32 to vector<1x128xi32>
    %eq3A_1503 = arith.cmpi eq, %and3A_1500, %eq3A_1502 : vector<1x128xi32>
    %slice3A_1504 = vector.extract_strided_slice %select_n3A_1497 {offsets = [0, 16], sizes = [512, 112], strides = [1, 1]} : vector<512x128xf32> to vector<512x112xf32>
    %slice3A_1505 = vector.extract_strided_slice %select_n3A_1497 {offsets = [0, 0], sizes = [512, 16], strides = [1, 1]} : vector<512x128xf32> to vector<512x16xf32>
    %concatenate3A_1506 = tpu.concatenate %slice3A_1504, %slice3A_1505 in 1 : vector<512x112xf32>, vector<512x16xf32> -> vector<512x128xf32>
    %slice3A_1507 = vector.extract_strided_slice %select_n3A_1497 {offsets = [0, 112], sizes = [512, 16], strides = [1, 1]} : vector<512x128xf32> to vector<512x16xf32>
    %slice3A_1508 = vector.extract_strided_slice %select_n3A_1497 {offsets = [0, 0], sizes = [512, 112], strides = [1, 1]} : vector<512x128xf32> to vector<512x112xf32>
    %concatenate3A_1509 = tpu.concatenate %slice3A_1507, %slice3A_1508 in 1 : vector<512x16xf32>, vector<512x112xf32> -> vector<512x128xf32>
    %and3A_1510 = arith.constant 8 : i32
    %and3A_1511 = vector.broadcast %and3A_1510 : i32 to vector<512x1xi32>
    %and3A_1512 = arith.andi %iota3A_7, %and3A_1511 : vector<512x1xi32>
    %eq3A_1513 = arith.constant 0 : i32
    %eq3A_1514 = vector.broadcast %eq3A_1513 : i32 to vector<512x1xi32>
    %eq3A_1515 = arith.cmpi eq, %and3A_1512, %eq3A_1514 : vector<512x1xi32>
    %eq3A_1516 = vector.broadcast %eq3A_1503 : vector<1x128xi1> to vector<512x128xi1>
    %eq3A_1517 = vector.broadcast %eq3A_1515 : vector<512x1xi1> to vector<512x128xi1>
    %eq3A_1518 = vector.broadcast %eq3A_1516 : vector<512x128xi1> to vector<512x128xi1>
    %eq3A_1519 = vector.broadcast %eq3A_1517 : vector<512x128xi1> to vector<512x128xi1>
    %eq3A_1520 = arith.xori %eq3A_1518, %eq3A_1519 : vector<512x128xi1>
    %eq3A_1521 = arith.constant dense<true> : vector<512x128xi1>
    %eq3A_1522 = arith.xori %eq3A_1520, %eq3A_1521 : vector<512x128xi1>
    %broadcast_in_dim3A_1523 = vector.shape_cast %eq3A_1503 : vector<1x128xi1> to vector<1x128xi1>
    %broadcast_in_dim3A_1524 = vector.broadcast %broadcast_in_dim3A_1523 : vector<1x128xi1> to vector<512x128xi1>
    %select_n3A_1525 = arith.select %broadcast_in_dim3A_1524, %concatenate3A_1506, %concatenate3A_1509 : vector<512x128xi1>, vector<512x128xf32>
    %min3A_1526 = arith.minimumf %select_n3A_1497, %select_n3A_1525 : vector<512x128xf32>
    %max3A_1527 = arith.maximumf %select_n3A_1497, %select_n3A_1525 : vector<512x128xf32>
    %select_n3A_1528 = arith.select %eq3A_1522, %min3A_1526, %max3A_1527 : vector<512x128xi1>, vector<512x128xf32>
    %and3A_1529 = arith.constant 8 : i32
    %and3A_1530 = vector.broadcast %and3A_1529 : i32 to vector<1x128xi32>
    %and3A_1531 = arith.andi %iota3A, %and3A_1530 : vector<1x128xi32>
    %eq3A_1532 = arith.constant 0 : i32
    %eq3A_1533 = vector.broadcast %eq3A_1532 : i32 to vector<1x128xi32>
    %eq3A_1534 = arith.cmpi eq, %and3A_1531, %eq3A_1533 : vector<1x128xi32>
    %slice3A_1535 = vector.extract_strided_slice %select_n3A_1528 {offsets = [0, 8], sizes = [512, 120], strides = [1, 1]} : vector<512x128xf32> to vector<512x120xf32>
    %slice3A_1536 = vector.extract_strided_slice %select_n3A_1528 {offsets = [0, 0], sizes = [512, 8], strides = [1, 1]} : vector<512x128xf32> to vector<512x8xf32>
    %concatenate3A_1537 = tpu.concatenate %slice3A_1535, %slice3A_1536 in 1 : vector<512x120xf32>, vector<512x8xf32> -> vector<512x128xf32>
    %slice3A_1538 = vector.extract_strided_slice %select_n3A_1528 {offsets = [0, 120], sizes = [512, 8], strides = [1, 1]} : vector<512x128xf32> to vector<512x8xf32>
    %slice3A_1539 = vector.extract_strided_slice %select_n3A_1528 {offsets = [0, 0], sizes = [512, 120], strides = [1, 1]} : vector<512x128xf32> to vector<512x120xf32>
    %concatenate3A_1540 = tpu.concatenate %slice3A_1538, %slice3A_1539 in 1 : vector<512x8xf32>, vector<512x120xf32> -> vector<512x128xf32>
    %and3A_1541 = arith.constant 8 : i32
    %and3A_1542 = vector.broadcast %and3A_1541 : i32 to vector<512x1xi32>
    %and3A_1543 = arith.andi %iota3A_7, %and3A_1542 : vector<512x1xi32>
    %eq3A_1544 = arith.constant 0 : i32
    %eq3A_1545 = vector.broadcast %eq3A_1544 : i32 to vector<512x1xi32>
    %eq3A_1546 = arith.cmpi eq, %and3A_1543, %eq3A_1545 : vector<512x1xi32>
    %eq3A_1547 = vector.broadcast %eq3A_1534 : vector<1x128xi1> to vector<512x128xi1>
    %eq3A_1548 = vector.broadcast %eq3A_1546 : vector<512x1xi1> to vector<512x128xi1>
    %eq3A_1549 = vector.broadcast %eq3A_1547 : vector<512x128xi1> to vector<512x128xi1>
    %eq3A_1550 = vector.broadcast %eq3A_1548 : vector<512x128xi1> to vector<512x128xi1>
    %eq3A_1551 = arith.xori %eq3A_1549, %eq3A_1550 : vector<512x128xi1>
    %eq3A_1552 = arith.constant dense<true> : vector<512x128xi1>
    %eq3A_1553 = arith.xori %eq3A_1551, %eq3A_1552 : vector<512x128xi1>
    %broadcast_in_dim3A_1554 = vector.shape_cast %eq3A_1534 : vector<1x128xi1> to vector<1x128xi1>
    %broadcast_in_dim3A_1555 = vector.broadcast %broadcast_in_dim3A_1554 : vector<1x128xi1> to vector<512x128xi1>
    %select_n3A_1556 = arith.select %broadcast_in_dim3A_1555, %concatenate3A_1537, %concatenate3A_1540 : vector<512x128xi1>, vector<512x128xf32>
    %min3A_1557 = arith.minimumf %select_n3A_1528, %select_n3A_1556 : vector<512x128xf32>
    %max3A_1558 = arith.maximumf %select_n3A_1528, %select_n3A_1556 : vector<512x128xf32>
    %select_n3A_1559 = arith.select %eq3A_1553, %min3A_1557, %max3A_1558 : vector<512x128xi1>, vector<512x128xf32>
    %and3A_1560 = arith.constant 4 : i32
    %and3A_1561 = vector.broadcast %and3A_1560 : i32 to vector<1x128xi32>
    %and3A_1562 = arith.andi %iota3A, %and3A_1561 : vector<1x128xi32>
    %eq3A_1563 = arith.constant 0 : i32
    %eq3A_1564 = vector.broadcast %eq3A_1563 : i32 to vector<1x128xi32>
    %eq3A_1565 = arith.cmpi eq, %and3A_1562, %eq3A_1564 : vector<1x128xi32>
    %slice3A_1566 = vector.extract_strided_slice %select_n3A_1559 {offsets = [0, 4], sizes = [512, 124], strides = [1, 1]} : vector<512x128xf32> to vector<512x124xf32>
    %slice3A_1567 = vector.extract_strided_slice %select_n3A_1559 {offsets = [0, 0], sizes = [512, 4], strides = [1, 1]} : vector<512x128xf32> to vector<512x4xf32>
    %concatenate3A_1568 = tpu.concatenate %slice3A_1566, %slice3A_1567 in 1 : vector<512x124xf32>, vector<512x4xf32> -> vector<512x128xf32>
    %slice3A_1569 = vector.extract_strided_slice %select_n3A_1559 {offsets = [0, 124], sizes = [512, 4], strides = [1, 1]} : vector<512x128xf32> to vector<512x4xf32>
    %slice3A_1570 = vector.extract_strided_slice %select_n3A_1559 {offsets = [0, 0], sizes = [512, 124], strides = [1, 1]} : vector<512x128xf32> to vector<512x124xf32>
    %concatenate3A_1571 = tpu.concatenate %slice3A_1569, %slice3A_1570 in 1 : vector<512x4xf32>, vector<512x124xf32> -> vector<512x128xf32>
    %and3A_1572 = arith.constant 8 : i32
    %and3A_1573 = vector.broadcast %and3A_1572 : i32 to vector<512x1xi32>
    %and3A_1574 = arith.andi %iota3A_7, %and3A_1573 : vector<512x1xi32>
    %eq3A_1575 = arith.constant 0 : i32
    %eq3A_1576 = vector.broadcast %eq3A_1575 : i32 to vector<512x1xi32>
    %eq3A_1577 = arith.cmpi eq, %and3A_1574, %eq3A_1576 : vector<512x1xi32>
    %eq3A_1578 = vector.broadcast %eq3A_1565 : vector<1x128xi1> to vector<512x128xi1>
    %eq3A_1579 = vector.broadcast %eq3A_1577 : vector<512x1xi1> to vector<512x128xi1>
    %eq3A_1580 = vector.broadcast %eq3A_1578 : vector<512x128xi1> to vector<512x128xi1>
    %eq3A_1581 = vector.broadcast %eq3A_1579 : vector<512x128xi1> to vector<512x128xi1>
    %eq3A_1582 = arith.xori %eq3A_1580, %eq3A_1581 : vector<512x128xi1>
    %eq3A_1583 = arith.constant dense<true> : vector<512x128xi1>
    %eq3A_1584 = arith.xori %eq3A_1582, %eq3A_1583 : vector<512x128xi1>
    %broadcast_in_dim3A_1585 = vector.shape_cast %eq3A_1565 : vector<1x128xi1> to vector<1x128xi1>
    %broadcast_in_dim3A_1586 = vector.broadcast %broadcast_in_dim3A_1585 : vector<1x128xi1> to vector<512x128xi1>
    %select_n3A_1587 = arith.select %broadcast_in_dim3A_1586, %concatenate3A_1568, %concatenate3A_1571 : vector<512x128xi1>, vector<512x128xf32>
    %min3A_1588 = arith.minimumf %select_n3A_1559, %select_n3A_1587 : vector<512x128xf32>
    %max3A_1589 = arith.maximumf %select_n3A_1559, %select_n3A_1587 : vector<512x128xf32>
    %select_n3A_1590 = arith.select %eq3A_1584, %min3A_1588, %max3A_1589 : vector<512x128xi1>, vector<512x128xf32>
    %and3A_1591 = arith.constant 2 : i32
    %and3A_1592 = vector.broadcast %and3A_1591 : i32 to vector<1x128xi32>
    %and3A_1593 = arith.andi %iota3A, %and3A_1592 : vector<1x128xi32>
    %eq3A_1594 = arith.constant 0 : i32
    %eq3A_1595 = vector.broadcast %eq3A_1594 : i32 to vector<1x128xi32>
    %eq3A_1596 = arith.cmpi eq, %and3A_1593, %eq3A_1595 : vector<1x128xi32>
    %slice3A_1597 = vector.extract_strided_slice %select_n3A_1590 {offsets = [0, 2], sizes = [512, 126], strides = [1, 1]} : vector<512x128xf32> to vector<512x126xf32>
    %slice3A_1598 = vector.extract_strided_slice %select_n3A_1590 {offsets = [0, 0], sizes = [512, 2], strides = [1, 1]} : vector<512x128xf32> to vector<512x2xf32>
    %concatenate3A_1599 = tpu.concatenate %slice3A_1597, %slice3A_1598 in 1 : vector<512x126xf32>, vector<512x2xf32> -> vector<512x128xf32>
    %slice3A_1600 = vector.extract_strided_slice %select_n3A_1590 {offsets = [0, 126], sizes = [512, 2], strides = [1, 1]} : vector<512x128xf32> to vector<512x2xf32>
    %slice3A_1601 = vector.extract_strided_slice %select_n3A_1590 {offsets = [0, 0], sizes = [512, 126], strides = [1, 1]} : vector<512x128xf32> to vector<512x126xf32>
    %concatenate3A_1602 = tpu.concatenate %slice3A_1600, %slice3A_1601 in 1 : vector<512x2xf32>, vector<512x126xf32> -> vector<512x128xf32>
    %and3A_1603 = arith.constant 8 : i32
    %and3A_1604 = vector.broadcast %and3A_1603 : i32 to vector<512x1xi32>
    %and3A_1605 = arith.andi %iota3A_7, %and3A_1604 : vector<512x1xi32>
    %eq3A_1606 = arith.constant 0 : i32
    %eq3A_1607 = vector.broadcast %eq3A_1606 : i32 to vector<512x1xi32>
    %eq3A_1608 = arith.cmpi eq, %and3A_1605, %eq3A_1607 : vector<512x1xi32>
    %eq3A_1609 = vector.broadcast %eq3A_1596 : vector<1x128xi1> to vector<512x128xi1>
    %eq3A_1610 = vector.broadcast %eq3A_1608 : vector<512x1xi1> to vector<512x128xi1>
    %eq3A_1611 = vector.broadcast %eq3A_1609 : vector<512x128xi1> to vector<512x128xi1>
    %eq3A_1612 = vector.broadcast %eq3A_1610 : vector<512x128xi1> to vector<512x128xi1>
    %eq3A_1613 = arith.xori %eq3A_1611, %eq3A_1612 : vector<512x128xi1>
    %eq3A_1614 = arith.constant dense<true> : vector<512x128xi1>
    %eq3A_1615 = arith.xori %eq3A_1613, %eq3A_1614 : vector<512x128xi1>
    %broadcast_in_dim3A_1616 = vector.shape_cast %eq3A_1596 : vector<1x128xi1> to vector<1x128xi1>
    %broadcast_in_dim3A_1617 = vector.broadcast %broadcast_in_dim3A_1616 : vector<1x128xi1> to vector<512x128xi1>
    %select_n3A_1618 = arith.select %broadcast_in_dim3A_1617, %concatenate3A_1599, %concatenate3A_1602 : vector<512x128xi1>, vector<512x128xf32>
    %min3A_1619 = arith.minimumf %select_n3A_1590, %select_n3A_1618 : vector<512x128xf32>
    %max3A_1620 = arith.maximumf %select_n3A_1590, %select_n3A_1618 : vector<512x128xf32>
    %select_n3A_1621 = arith.select %eq3A_1615, %min3A_1619, %max3A_1620 : vector<512x128xi1>, vector<512x128xf32>
    %and3A_1622 = arith.constant 1 : i32
    %and3A_1623 = vector.broadcast %and3A_1622 : i32 to vector<1x128xi32>
    %and3A_1624 = arith.andi %iota3A, %and3A_1623 : vector<1x128xi32>
    %eq3A_1625 = arith.constant 0 : i32
    %eq3A_1626 = vector.broadcast %eq3A_1625 : i32 to vector<1x128xi32>
    %eq3A_1627 = arith.cmpi eq, %and3A_1624, %eq3A_1626 : vector<1x128xi32>
    %slice3A_1628 = vector.extract_strided_slice %select_n3A_1621 {offsets = [0, 1], sizes = [512, 127], strides = [1, 1]} : vector<512x128xf32> to vector<512x127xf32>
    %slice3A_1629 = vector.extract_strided_slice %select_n3A_1621 {offsets = [0, 0], sizes = [512, 1], strides = [1, 1]} : vector<512x128xf32> to vector<512x1xf32>
    %concatenate3A_1630 = tpu.concatenate %slice3A_1628, %slice3A_1629 in 1 : vector<512x127xf32>, vector<512x1xf32> -> vector<512x128xf32>
    %slice3A_1631 = vector.extract_strided_slice %select_n3A_1621 {offsets = [0, 127], sizes = [512, 1], strides = [1, 1]} : vector<512x128xf32> to vector<512x1xf32>
    %slice3A_1632 = vector.extract_strided_slice %select_n3A_1621 {offsets = [0, 0], sizes = [512, 127], strides = [1, 1]} : vector<512x128xf32> to vector<512x127xf32>
    %concatenate3A_1633 = tpu.concatenate %slice3A_1631, %slice3A_1632 in 1 : vector<512x1xf32>, vector<512x127xf32> -> vector<512x128xf32>
    %and3A_1634 = arith.constant 8 : i32
    %and3A_1635 = vector.broadcast %and3A_1634 : i32 to vector<512x1xi32>
    %and3A_1636 = arith.andi %iota3A_7, %and3A_1635 : vector<512x1xi32>
    %eq3A_1637 = arith.constant 0 : i32
    %eq3A_1638 = vector.broadcast %eq3A_1637 : i32 to vector<512x1xi32>
    %eq3A_1639 = arith.cmpi eq, %and3A_1636, %eq3A_1638 : vector<512x1xi32>
    %eq3A_1640 = vector.broadcast %eq3A_1627 : vector<1x128xi1> to vector<512x128xi1>
    %eq3A_1641 = vector.broadcast %eq3A_1639 : vector<512x1xi1> to vector<512x128xi1>
    %eq3A_1642 = vector.broadcast %eq3A_1640 : vector<512x128xi1> to vector<512x128xi1>
    %eq3A_1643 = vector.broadcast %eq3A_1641 : vector<512x128xi1> to vector<512x128xi1>
    %eq3A_1644 = arith.xori %eq3A_1642, %eq3A_1643 : vector<512x128xi1>
    %eq3A_1645 = arith.constant dense<true> : vector<512x128xi1>
    %eq3A_1646 = arith.xori %eq3A_1644, %eq3A_1645 : vector<512x128xi1>
    %broadcast_in_dim3A_1647 = vector.shape_cast %eq3A_1627 : vector<1x128xi1> to vector<1x128xi1>
    %broadcast_in_dim3A_1648 = vector.broadcast %broadcast_in_dim3A_1647 : vector<1x128xi1> to vector<512x128xi1>
    %select_n3A_1649 = arith.select %broadcast_in_dim3A_1648, %concatenate3A_1630, %concatenate3A_1633 : vector<512x128xi1>, vector<512x128xf32>
    %min3A_1650 = arith.minimumf %select_n3A_1621, %select_n3A_1649 : vector<512x128xf32>
    %max3A_1651 = arith.maximumf %select_n3A_1621, %select_n3A_1649 : vector<512x128xf32>
    %select_n3A_1652 = arith.select %eq3A_1646, %min3A_1650, %max3A_1651 : vector<512x128xi1>, vector<512x128xf32>
    %and3A_1653 = arith.constant 8 : i32
    %and3A_1654 = vector.broadcast %and3A_1653 : i32 to vector<512x1xi32>
    %and3A_1655 = arith.andi %iota3A_7, %and3A_1654 : vector<512x1xi32>
    %eq3A_1656 = arith.constant 0 : i32
    %eq3A_1657 = vector.broadcast %eq3A_1656 : i32 to vector<512x1xi32>
    %eq3A_1658 = arith.cmpi eq, %and3A_1655, %eq3A_1657 : vector<512x1xi32>
    %slice3A_1659 = vector.extract_strided_slice %select_n3A_1652 {offsets = [8, 0], sizes = [504, 128], strides = [1, 1]} : vector<512x128xf32> to vector<504x128xf32>
    %slice3A_1660 = vector.extract_strided_slice %select_n3A_1652 {offsets = [0, 0], sizes = [8, 128], strides = [1, 1]} : vector<512x128xf32> to vector<8x128xf32>
    %concatenate3A_1661 = tpu.concatenate %slice3A_1659, %slice3A_1660 in 0 : vector<504x128xf32>, vector<8x128xf32> -> vector<512x128xf32>
    %slice3A_1662 = vector.extract_strided_slice %select_n3A_1652 {offsets = [504, 0], sizes = [8, 128], strides = [1, 1]} : vector<512x128xf32> to vector<8x128xf32>
    %slice3A_1663 = vector.extract_strided_slice %select_n3A_1652 {offsets = [0, 0], sizes = [504, 128], strides = [1, 1]} : vector<512x128xf32> to vector<504x128xf32>
    %concatenate3A_1664 = tpu.concatenate %slice3A_1662, %slice3A_1663 in 0 : vector<8x128xf32>, vector<504x128xf32> -> vector<512x128xf32>
    %and3A_1665 = arith.constant 16 : i32
    %and3A_1666 = vector.broadcast %and3A_1665 : i32 to vector<512x1xi32>
    %and3A_1667 = arith.andi %iota3A_7, %and3A_1666 : vector<512x1xi32>
    %eq3A_1668 = arith.constant 0 : i32
    %eq3A_1669 = vector.broadcast %eq3A_1668 : i32 to vector<512x1xi32>
    %eq3A_1670 = arith.cmpi eq, %and3A_1667, %eq3A_1669 : vector<512x1xi32>
    %eq3A_1671 = arith.xori %eq3A_1658, %eq3A_1670 : vector<512x1xi1>
    %eq3A_1672 = arith.constant dense<true> : vector<512x1xi1>
    %eq3A_1673 = arith.xori %eq3A_1671, %eq3A_1672 : vector<512x1xi1>
    %broadcast_in_dim3A_1674 = vector.shape_cast %eq3A_1658 : vector<512x1xi1> to vector<512x1xi1>
    %broadcast_in_dim3A_1675 = vector.broadcast %broadcast_in_dim3A_1674 : vector<512x1xi1> to vector<512x128xi1>
    %select_n3A_1676 = arith.select %broadcast_in_dim3A_1675, %concatenate3A_1661, %concatenate3A_1664 : vector<512x128xi1>, vector<512x128xf32>
    %min3A_1677 = arith.minimumf %select_n3A_1652, %select_n3A_1676 : vector<512x128xf32>
    %max3A_1678 = arith.maximumf %select_n3A_1652, %select_n3A_1676 : vector<512x128xf32>
    %broadcast_in_dim3A_1679 = vector.shape_cast %eq3A_1673 : vector<512x1xi1> to vector<512x1xi1>
    %broadcast_in_dim3A_1680 = vector.broadcast %broadcast_in_dim3A_1679 : vector<512x1xi1> to vector<512x128xi1>
    %select_n3A_1681 = arith.select %broadcast_in_dim3A_1680, %min3A_1677, %max3A_1678 : vector<512x128xi1>, vector<512x128xf32>
    %and3A_1682 = arith.constant 4 : i32
    %and3A_1683 = vector.broadcast %and3A_1682 : i32 to vector<512x1xi32>
    %and3A_1684 = arith.andi %iota3A_7, %and3A_1683 : vector<512x1xi32>
    %eq3A_1685 = arith.constant 0 : i32
    %eq3A_1686 = vector.broadcast %eq3A_1685 : i32 to vector<512x1xi32>
    %eq3A_1687 = arith.cmpi eq, %and3A_1684, %eq3A_1686 : vector<512x1xi32>
    %slice3A_1688 = vector.extract_strided_slice %select_n3A_1681 {offsets = [4, 0], sizes = [508, 128], strides = [1, 1]} : vector<512x128xf32> to vector<508x128xf32>
    %slice3A_1689 = vector.extract_strided_slice %select_n3A_1681 {offsets = [0, 0], sizes = [4, 128], strides = [1, 1]} : vector<512x128xf32> to vector<4x128xf32>
    %concatenate3A_1690 = tpu.concatenate %slice3A_1688, %slice3A_1689 in 0 : vector<508x128xf32>, vector<4x128xf32> -> vector<512x128xf32>
    %slice3A_1691 = vector.extract_strided_slice %select_n3A_1681 {offsets = [508, 0], sizes = [4, 128], strides = [1, 1]} : vector<512x128xf32> to vector<4x128xf32>
    %slice3A_1692 = vector.extract_strided_slice %select_n3A_1681 {offsets = [0, 0], sizes = [508, 128], strides = [1, 1]} : vector<512x128xf32> to vector<508x128xf32>
    %concatenate3A_1693 = tpu.concatenate %slice3A_1691, %slice3A_1692 in 0 : vector<4x128xf32>, vector<508x128xf32> -> vector<512x128xf32>
    %and3A_1694 = arith.constant 16 : i32
    %and3A_1695 = vector.broadcast %and3A_1694 : i32 to vector<512x1xi32>
    %and3A_1696 = arith.andi %iota3A_7, %and3A_1695 : vector<512x1xi32>
    %eq3A_1697 = arith.constant 0 : i32
    %eq3A_1698 = vector.broadcast %eq3A_1697 : i32 to vector<512x1xi32>
    %eq3A_1699 = arith.cmpi eq, %and3A_1696, %eq3A_1698 : vector<512x1xi32>
    %eq3A_1700 = arith.xori %eq3A_1687, %eq3A_1699 : vector<512x1xi1>
    %eq3A_1701 = arith.constant dense<true> : vector<512x1xi1>
    %eq3A_1702 = arith.xori %eq3A_1700, %eq3A_1701 : vector<512x1xi1>
    %broadcast_in_dim3A_1703 = vector.shape_cast %eq3A_1687 : vector<512x1xi1> to vector<512x1xi1>
    %broadcast_in_dim3A_1704 = vector.broadcast %broadcast_in_dim3A_1703 : vector<512x1xi1> to vector<512x128xi1>
    %select_n3A_1705 = arith.select %broadcast_in_dim3A_1704, %concatenate3A_1690, %concatenate3A_1693 : vector<512x128xi1>, vector<512x128xf32>
    %min3A_1706 = arith.minimumf %select_n3A_1681, %select_n3A_1705 : vector<512x128xf32>
    %max3A_1707 = arith.maximumf %select_n3A_1681, %select_n3A_1705 : vector<512x128xf32>
    %broadcast_in_dim3A_1708 = vector.shape_cast %eq3A_1702 : vector<512x1xi1> to vector<512x1xi1>
    %broadcast_in_dim3A_1709 = vector.broadcast %broadcast_in_dim3A_1708 : vector<512x1xi1> to vector<512x128xi1>
    %select_n3A_1710 = arith.select %broadcast_in_dim3A_1709, %min3A_1706, %max3A_1707 : vector<512x128xi1>, vector<512x128xf32>
    %and3A_1711 = arith.constant 2 : i32
    %and3A_1712 = vector.broadcast %and3A_1711 : i32 to vector<512x1xi32>
    %and3A_1713 = arith.andi %iota3A_7, %and3A_1712 : vector<512x1xi32>
    %eq3A_1714 = arith.constant 0 : i32
    %eq3A_1715 = vector.broadcast %eq3A_1714 : i32 to vector<512x1xi32>
    %eq3A_1716 = arith.cmpi eq, %and3A_1713, %eq3A_1715 : vector<512x1xi32>
    %slice3A_1717 = vector.extract_strided_slice %select_n3A_1710 {offsets = [2, 0], sizes = [510, 128], strides = [1, 1]} : vector<512x128xf32> to vector<510x128xf32>
    %slice3A_1718 = vector.extract_strided_slice %select_n3A_1710 {offsets = [0, 0], sizes = [2, 128], strides = [1, 1]} : vector<512x128xf32> to vector<2x128xf32>
    %concatenate3A_1719 = tpu.concatenate %slice3A_1717, %slice3A_1718 in 0 : vector<510x128xf32>, vector<2x128xf32> -> vector<512x128xf32>
    %slice3A_1720 = vector.extract_strided_slice %select_n3A_1710 {offsets = [510, 0], sizes = [2, 128], strides = [1, 1]} : vector<512x128xf32> to vector<2x128xf32>
    %slice3A_1721 = vector.extract_strided_slice %select_n3A_1710 {offsets = [0, 0], sizes = [510, 128], strides = [1, 1]} : vector<512x128xf32> to vector<510x128xf32>
    %concatenate3A_1722 = tpu.concatenate %slice3A_1720, %slice3A_1721 in 0 : vector<2x128xf32>, vector<510x128xf32> -> vector<512x128xf32>
    %and3A_1723 = arith.constant 16 : i32
    %and3A_1724 = vector.broadcast %and3A_1723 : i32 to vector<512x1xi32>
    %and3A_1725 = arith.andi %iota3A_7, %and3A_1724 : vector<512x1xi32>
    %eq3A_1726 = arith.constant 0 : i32
    %eq3A_1727 = vector.broadcast %eq3A_1726 : i32 to vector<512x1xi32>
    %eq3A_1728 = arith.cmpi eq, %and3A_1725, %eq3A_1727 : vector<512x1xi32>
    %eq3A_1729 = arith.xori %eq3A_1716, %eq3A_1728 : vector<512x1xi1>
    %eq3A_1730 = arith.constant dense<true> : vector<512x1xi1>
    %eq3A_1731 = arith.xori %eq3A_1729, %eq3A_1730 : vector<512x1xi1>
    %broadcast_in_dim3A_1732 = vector.shape_cast %eq3A_1716 : vector<512x1xi1> to vector<512x1xi1>
    %broadcast_in_dim3A_1733 = vector.broadcast %broadcast_in_dim3A_1732 : vector<512x1xi1> to vector<512x128xi1>
    %select_n3A_1734 = arith.select %broadcast_in_dim3A_1733, %concatenate3A_1719, %concatenate3A_1722 : vector<512x128xi1>, vector<512x128xf32>
    %min3A_1735 = arith.minimumf %select_n3A_1710, %select_n3A_1734 : vector<512x128xf32>
    %max3A_1736 = arith.maximumf %select_n3A_1710, %select_n3A_1734 : vector<512x128xf32>
    %broadcast_in_dim3A_1737 = vector.shape_cast %eq3A_1731 : vector<512x1xi1> to vector<512x1xi1>
    %broadcast_in_dim3A_1738 = vector.broadcast %broadcast_in_dim3A_1737 : vector<512x1xi1> to vector<512x128xi1>
    %select_n3A_1739 = arith.select %broadcast_in_dim3A_1738, %min3A_1735, %max3A_1736 : vector<512x128xi1>, vector<512x128xf32>
    %and3A_1740 = arith.constant 1 : i32
    %and3A_1741 = vector.broadcast %and3A_1740 : i32 to vector<512x1xi32>
    %and3A_1742 = arith.andi %iota3A_7, %and3A_1741 : vector<512x1xi32>
    %eq3A_1743 = arith.constant 0 : i32
    %eq3A_1744 = vector.broadcast %eq3A_1743 : i32 to vector<512x1xi32>
    %eq3A_1745 = arith.cmpi eq, %and3A_1742, %eq3A_1744 : vector<512x1xi32>
    %slice3A_1746 = vector.extract_strided_slice %select_n3A_1739 {offsets = [1, 0], sizes = [511, 128], strides = [1, 1]} : vector<512x128xf32> to vector<511x128xf32>
    %slice3A_1747 = vector.extract_strided_slice %select_n3A_1739 {offsets = [0, 0], sizes = [1, 128], strides = [1, 1]} : vector<512x128xf32> to vector<1x128xf32>
    %concatenate3A_1748 = tpu.concatenate %slice3A_1746, %slice3A_1747 in 0 : vector<511x128xf32>, vector<1x128xf32> -> vector<512x128xf32>
    %slice3A_1749 = vector.extract_strided_slice %select_n3A_1739 {offsets = [511, 0], sizes = [1, 128], strides = [1, 1]} : vector<512x128xf32> to vector<1x128xf32>
    %slice3A_1750 = vector.extract_strided_slice %select_n3A_1739 {offsets = [0, 0], sizes = [511, 128], strides = [1, 1]} : vector<512x128xf32> to vector<511x128xf32>
    %concatenate3A_1751 = tpu.concatenate %slice3A_1749, %slice3A_1750 in 0 : vector<1x128xf32>, vector<511x128xf32> -> vector<512x128xf32>
    %and3A_1752 = arith.constant 16 : i32
    %and3A_1753 = vector.broadcast %and3A_1752 : i32 to vector<512x1xi32>
    %and3A_1754 = arith.andi %iota3A_7, %and3A_1753 : vector<512x1xi32>
    %eq3A_1755 = arith.constant 0 : i32
    %eq3A_1756 = vector.broadcast %eq3A_1755 : i32 to vector<512x1xi32>
    %eq3A_1757 = arith.cmpi eq, %and3A_1754, %eq3A_1756 : vector<512x1xi32>
    %eq3A_1758 = arith.xori %eq3A_1745, %eq3A_1757 : vector<512x1xi1>
    %eq3A_1759 = arith.constant dense<true> : vector<512x1xi1>
    %eq3A_1760 = arith.xori %eq3A_1758, %eq3A_1759 : vector<512x1xi1>
    %broadcast_in_dim3A_1761 = vector.shape_cast %eq3A_1745 : vector<512x1xi1> to vector<512x1xi1>
    %broadcast_in_dim3A_1762 = vector.broadcast %broadcast_in_dim3A_1761 : vector<512x1xi1> to vector<512x128xi1>
    %select_n3A_1763 = arith.select %broadcast_in_dim3A_1762, %concatenate3A_1748, %concatenate3A_1751 : vector<512x128xi1>, vector<512x128xf32>
    %min3A_1764 = arith.minimumf %select_n3A_1739, %select_n3A_1763 : vector<512x128xf32>
    %max3A_1765 = arith.maximumf %select_n3A_1739, %select_n3A_1763 : vector<512x128xf32>
    %broadcast_in_dim3A_1766 = vector.shape_cast %eq3A_1760 : vector<512x1xi1> to vector<512x1xi1>
    %broadcast_in_dim3A_1767 = vector.broadcast %broadcast_in_dim3A_1766 : vector<512x1xi1> to vector<512x128xi1>
    %select_n3A_1768 = arith.select %broadcast_in_dim3A_1767, %min3A_1764, %max3A_1765 : vector<512x128xi1>, vector<512x128xf32>
    %and3A_1769 = arith.constant 64 : i32
    %and3A_1770 = vector.broadcast %and3A_1769 : i32 to vector<1x128xi32>
    %and3A_1771 = arith.andi %iota3A, %and3A_1770 : vector<1x128xi32>
    %eq3A_1772 = arith.constant 0 : i32
    %eq3A_1773 = vector.broadcast %eq3A_1772 : i32 to vector<1x128xi32>
    %eq3A_1774 = arith.cmpi eq, %and3A_1771, %eq3A_1773 : vector<1x128xi32>
    %slice3A_1775 = vector.extract_strided_slice %select_n3A_1768 {offsets = [0, 64], sizes = [512, 64], strides = [1, 1]} : vector<512x128xf32> to vector<512x64xf32>
    %slice3A_1776 = vector.extract_strided_slice %select_n3A_1768 {offsets = [0, 0], sizes = [512, 64], strides = [1, 1]} : vector<512x128xf32> to vector<512x64xf32>
    %concatenate3A_1777 = tpu.concatenate %slice3A_1775, %slice3A_1776 in 1 : vector<512x64xf32>, vector<512x64xf32> -> vector<512x128xf32>
    %slice3A_1778 = vector.extract_strided_slice %select_n3A_1768 {offsets = [0, 64], sizes = [512, 64], strides = [1, 1]} : vector<512x128xf32> to vector<512x64xf32>
    %slice3A_1779 = vector.extract_strided_slice %select_n3A_1768 {offsets = [0, 0], sizes = [512, 64], strides = [1, 1]} : vector<512x128xf32> to vector<512x64xf32>
    %concatenate3A_1780 = tpu.concatenate %slice3A_1778, %slice3A_1779 in 1 : vector<512x64xf32>, vector<512x64xf32> -> vector<512x128xf32>
    %and3A_1781 = arith.constant 16 : i32
    %and3A_1782 = vector.broadcast %and3A_1781 : i32 to vector<512x1xi32>
    %and3A_1783 = arith.andi %iota3A_7, %and3A_1782 : vector<512x1xi32>
    %eq3A_1784 = arith.constant 0 : i32
    %eq3A_1785 = vector.broadcast %eq3A_1784 : i32 to vector<512x1xi32>
    %eq3A_1786 = arith.cmpi eq, %and3A_1783, %eq3A_1785 : vector<512x1xi32>
    %eq3A_1787 = vector.broadcast %eq3A_1774 : vector<1x128xi1> to vector<512x128xi1>
    %eq3A_1788 = vector.broadcast %eq3A_1786 : vector<512x1xi1> to vector<512x128xi1>
    %eq3A_1789 = vector.broadcast %eq3A_1787 : vector<512x128xi1> to vector<512x128xi1>
    %eq3A_1790 = vector.broadcast %eq3A_1788 : vector<512x128xi1> to vector<512x128xi1>
    %eq3A_1791 = arith.xori %eq3A_1789, %eq3A_1790 : vector<512x128xi1>
    %eq3A_1792 = arith.constant dense<true> : vector<512x128xi1>
    %eq3A_1793 = arith.xori %eq3A_1791, %eq3A_1792 : vector<512x128xi1>
    %broadcast_in_dim3A_1794 = vector.shape_cast %eq3A_1774 : vector<1x128xi1> to vector<1x128xi1>
    %broadcast_in_dim3A_1795 = vector.broadcast %broadcast_in_dim3A_1794 : vector<1x128xi1> to vector<512x128xi1>
    %select_n3A_1796 = arith.select %broadcast_in_dim3A_1795, %concatenate3A_1777, %concatenate3A_1780 : vector<512x128xi1>, vector<512x128xf32>
    %min3A_1797 = arith.minimumf %select_n3A_1768, %select_n3A_1796 : vector<512x128xf32>
    %max3A_1798 = arith.maximumf %select_n3A_1768, %select_n3A_1796 : vector<512x128xf32>
    %select_n3A_1799 = arith.select %eq3A_1793, %min3A_1797, %max3A_1798 : vector<512x128xi1>, vector<512x128xf32>
    %and3A_1800 = arith.constant 32 : i32
    %and3A_1801 = vector.broadcast %and3A_1800 : i32 to vector<1x128xi32>
    %and3A_1802 = arith.andi %iota3A, %and3A_1801 : vector<1x128xi32>
    %eq3A_1803 = arith.constant 0 : i32
    %eq3A_1804 = vector.broadcast %eq3A_1803 : i32 to vector<1x128xi32>
    %eq3A_1805 = arith.cmpi eq, %and3A_1802, %eq3A_1804 : vector<1x128xi32>
    %slice3A_1806 = vector.extract_strided_slice %select_n3A_1799 {offsets = [0, 32], sizes = [512, 96], strides = [1, 1]} : vector<512x128xf32> to vector<512x96xf32>
    %slice3A_1807 = vector.extract_strided_slice %select_n3A_1799 {offsets = [0, 0], sizes = [512, 32], strides = [1, 1]} : vector<512x128xf32> to vector<512x32xf32>
    %concatenate3A_1808 = tpu.concatenate %slice3A_1806, %slice3A_1807 in 1 : vector<512x96xf32>, vector<512x32xf32> -> vector<512x128xf32>
    %slice3A_1809 = vector.extract_strided_slice %select_n3A_1799 {offsets = [0, 96], sizes = [512, 32], strides = [1, 1]} : vector<512x128xf32> to vector<512x32xf32>
    %slice3A_1810 = vector.extract_strided_slice %select_n3A_1799 {offsets = [0, 0], sizes = [512, 96], strides = [1, 1]} : vector<512x128xf32> to vector<512x96xf32>
    %concatenate3A_1811 = tpu.concatenate %slice3A_1809, %slice3A_1810 in 1 : vector<512x32xf32>, vector<512x96xf32> -> vector<512x128xf32>
    %and3A_1812 = arith.constant 16 : i32
    %and3A_1813 = vector.broadcast %and3A_1812 : i32 to vector<512x1xi32>
    %and3A_1814 = arith.andi %iota3A_7, %and3A_1813 : vector<512x1xi32>
    %eq3A_1815 = arith.constant 0 : i32
    %eq3A_1816 = vector.broadcast %eq3A_1815 : i32 to vector<512x1xi32>
    %eq3A_1817 = arith.cmpi eq, %and3A_1814, %eq3A_1816 : vector<512x1xi32>
    %eq3A_1818 = vector.broadcast %eq3A_1805 : vector<1x128xi1> to vector<512x128xi1>
    %eq3A_1819 = vector.broadcast %eq3A_1817 : vector<512x1xi1> to vector<512x128xi1>
    %eq3A_1820 = vector.broadcast %eq3A_1818 : vector<512x128xi1> to vector<512x128xi1>
    %eq3A_1821 = vector.broadcast %eq3A_1819 : vector<512x128xi1> to vector<512x128xi1>
    %eq3A_1822 = arith.xori %eq3A_1820, %eq3A_1821 : vector<512x128xi1>
    %eq3A_1823 = arith.constant dense<true> : vector<512x128xi1>
    %eq3A_1824 = arith.xori %eq3A_1822, %eq3A_1823 : vector<512x128xi1>
    %broadcast_in_dim3A_1825 = vector.shape_cast %eq3A_1805 : vector<1x128xi1> to vector<1x128xi1>
    %broadcast_in_dim3A_1826 = vector.broadcast %broadcast_in_dim3A_1825 : vector<1x128xi1> to vector<512x128xi1>
    %select_n3A_1827 = arith.select %broadcast_in_dim3A_1826, %concatenate3A_1808, %concatenate3A_1811 : vector<512x128xi1>, vector<512x128xf32>
    %min3A_1828 = arith.minimumf %select_n3A_1799, %select_n3A_1827 : vector<512x128xf32>
    %max3A_1829 = arith.maximumf %select_n3A_1799, %select_n3A_1827 : vector<512x128xf32>
    %select_n3A_1830 = arith.select %eq3A_1824, %min3A_1828, %max3A_1829 : vector<512x128xi1>, vector<512x128xf32>
    %and3A_1831 = arith.constant 16 : i32
    %and3A_1832 = vector.broadcast %and3A_1831 : i32 to vector<1x128xi32>
    %and3A_1833 = arith.andi %iota3A, %and3A_1832 : vector<1x128xi32>
    %eq3A_1834 = arith.constant 0 : i32
    %eq3A_1835 = vector.broadcast %eq3A_1834 : i32 to vector<1x128xi32>
    %eq3A_1836 = arith.cmpi eq, %and3A_1833, %eq3A_1835 : vector<1x128xi32>
    %slice3A_1837 = vector.extract_strided_slice %select_n3A_1830 {offsets = [0, 16], sizes = [512, 112], strides = [1, 1]} : vector<512x128xf32> to vector<512x112xf32>
    %slice3A_1838 = vector.extract_strided_slice %select_n3A_1830 {offsets = [0, 0], sizes = [512, 16], strides = [1, 1]} : vector<512x128xf32> to vector<512x16xf32>
    %concatenate3A_1839 = tpu.concatenate %slice3A_1837, %slice3A_1838 in 1 : vector<512x112xf32>, vector<512x16xf32> -> vector<512x128xf32>
    %slice3A_1840 = vector.extract_strided_slice %select_n3A_1830 {offsets = [0, 112], sizes = [512, 16], strides = [1, 1]} : vector<512x128xf32> to vector<512x16xf32>
    %slice3A_1841 = vector.extract_strided_slice %select_n3A_1830 {offsets = [0, 0], sizes = [512, 112], strides = [1, 1]} : vector<512x128xf32> to vector<512x112xf32>
    %concatenate3A_1842 = tpu.concatenate %slice3A_1840, %slice3A_1841 in 1 : vector<512x16xf32>, vector<512x112xf32> -> vector<512x128xf32>
    %and3A_1843 = arith.constant 16 : i32
    %and3A_1844 = vector.broadcast %and3A_1843 : i32 to vector<512x1xi32>
    %and3A_1845 = arith.andi %iota3A_7, %and3A_1844 : vector<512x1xi32>
    %eq3A_1846 = arith.constant 0 : i32
    %eq3A_1847 = vector.broadcast %eq3A_1846 : i32 to vector<512x1xi32>
    %eq3A_1848 = arith.cmpi eq, %and3A_1845, %eq3A_1847 : vector<512x1xi32>
    %eq3A_1849 = vector.broadcast %eq3A_1836 : vector<1x128xi1> to vector<512x128xi1>
    %eq3A_1850 = vector.broadcast %eq3A_1848 : vector<512x1xi1> to vector<512x128xi1>
    %eq3A_1851 = vector.broadcast %eq3A_1849 : vector<512x128xi1> to vector<512x128xi1>
    %eq3A_1852 = vector.broadcast %eq3A_1850 : vector<512x128xi1> to vector<512x128xi1>
    %eq3A_1853 = arith.xori %eq3A_1851, %eq3A_1852 : vector<512x128xi1>
    %eq3A_1854 = arith.constant dense<true> : vector<512x128xi1>
    %eq3A_1855 = arith.xori %eq3A_1853, %eq3A_1854 : vector<512x128xi1>
    %broadcast_in_dim3A_1856 = vector.shape_cast %eq3A_1836 : vector<1x128xi1> to vector<1x128xi1>
    %broadcast_in_dim3A_1857 = vector.broadcast %broadcast_in_dim3A_1856 : vector<1x128xi1> to vector<512x128xi1>
    %select_n3A_1858 = arith.select %broadcast_in_dim3A_1857, %concatenate3A_1839, %concatenate3A_1842 : vector<512x128xi1>, vector<512x128xf32>
    %min3A_1859 = arith.minimumf %select_n3A_1830, %select_n3A_1858 : vector<512x128xf32>
    %max3A_1860 = arith.maximumf %select_n3A_1830, %select_n3A_1858 : vector<512x128xf32>
    %select_n3A_1861 = arith.select %eq3A_1855, %min3A_1859, %max3A_1860 : vector<512x128xi1>, vector<512x128xf32>
    %and3A_1862 = arith.constant 8 : i32
    %and3A_1863 = vector.broadcast %and3A_1862 : i32 to vector<1x128xi32>
    %and3A_1864 = arith.andi %iota3A, %and3A_1863 : vector<1x128xi32>
    %eq3A_1865 = arith.constant 0 : i32
    %eq3A_1866 = vector.broadcast %eq3A_1865 : i32 to vector<1x128xi32>
    %eq3A_1867 = arith.cmpi eq, %and3A_1864, %eq3A_1866 : vector<1x128xi32>
    %slice3A_1868 = vector.extract_strided_slice %select_n3A_1861 {offsets = [0, 8], sizes = [512, 120], strides = [1, 1]} : vector<512x128xf32> to vector<512x120xf32>
    %slice3A_1869 = vector.extract_strided_slice %select_n3A_1861 {offsets = [0, 0], sizes = [512, 8], strides = [1, 1]} : vector<512x128xf32> to vector<512x8xf32>
    %concatenate3A_1870 = tpu.concatenate %slice3A_1868, %slice3A_1869 in 1 : vector<512x120xf32>, vector<512x8xf32> -> vector<512x128xf32>
    %slice3A_1871 = vector.extract_strided_slice %select_n3A_1861 {offsets = [0, 120], sizes = [512, 8], strides = [1, 1]} : vector<512x128xf32> to vector<512x8xf32>
    %slice3A_1872 = vector.extract_strided_slice %select_n3A_1861 {offsets = [0, 0], sizes = [512, 120], strides = [1, 1]} : vector<512x128xf32> to vector<512x120xf32>
    %concatenate3A_1873 = tpu.concatenate %slice3A_1871, %slice3A_1872 in 1 : vector<512x8xf32>, vector<512x120xf32> -> vector<512x128xf32>
    %and3A_1874 = arith.constant 16 : i32
    %and3A_1875 = vector.broadcast %and3A_1874 : i32 to vector<512x1xi32>
    %and3A_1876 = arith.andi %iota3A_7, %and3A_1875 : vector<512x1xi32>
    %eq3A_1877 = arith.constant 0 : i32
    %eq3A_1878 = vector.broadcast %eq3A_1877 : i32 to vector<512x1xi32>
    %eq3A_1879 = arith.cmpi eq, %and3A_1876, %eq3A_1878 : vector<512x1xi32>
    %eq3A_1880 = vector.broadcast %eq3A_1867 : vector<1x128xi1> to vector<512x128xi1>
    %eq3A_1881 = vector.broadcast %eq3A_1879 : vector<512x1xi1> to vector<512x128xi1>
    %eq3A_1882 = vector.broadcast %eq3A_1880 : vector<512x128xi1> to vector<512x128xi1>
    %eq3A_1883 = vector.broadcast %eq3A_1881 : vector<512x128xi1> to vector<512x128xi1>
    %eq3A_1884 = arith.xori %eq3A_1882, %eq3A_1883 : vector<512x128xi1>
    %eq3A_1885 = arith.constant dense<true> : vector<512x128xi1>
    %eq3A_1886 = arith.xori %eq3A_1884, %eq3A_1885 : vector<512x128xi1>
    %broadcast_in_dim3A_1887 = vector.shape_cast %eq3A_1867 : vector<1x128xi1> to vector<1x128xi1>
    %broadcast_in_dim3A_1888 = vector.broadcast %broadcast_in_dim3A_1887 : vector<1x128xi1> to vector<512x128xi1>
    %select_n3A_1889 = arith.select %broadcast_in_dim3A_1888, %concatenate3A_1870, %concatenate3A_1873 : vector<512x128xi1>, vector<512x128xf32>
    %min3A_1890 = arith.minimumf %select_n3A_1861, %select_n3A_1889 : vector<512x128xf32>
    %max3A_1891 = arith.maximumf %select_n3A_1861, %select_n3A_1889 : vector<512x128xf32>
    %select_n3A_1892 = arith.select %eq3A_1886, %min3A_1890, %max3A_1891 : vector<512x128xi1>, vector<512x128xf32>
    %and3A_1893 = arith.constant 4 : i32
    %and3A_1894 = vector.broadcast %and3A_1893 : i32 to vector<1x128xi32>
    %and3A_1895 = arith.andi %iota3A, %and3A_1894 : vector<1x128xi32>
    %eq3A_1896 = arith.constant 0 : i32
    %eq3A_1897 = vector.broadcast %eq3A_1896 : i32 to vector<1x128xi32>
    %eq3A_1898 = arith.cmpi eq, %and3A_1895, %eq3A_1897 : vector<1x128xi32>
    %slice3A_1899 = vector.extract_strided_slice %select_n3A_1892 {offsets = [0, 4], sizes = [512, 124], strides = [1, 1]} : vector<512x128xf32> to vector<512x124xf32>
    %slice3A_1900 = vector.extract_strided_slice %select_n3A_1892 {offsets = [0, 0], sizes = [512, 4], strides = [1, 1]} : vector<512x128xf32> to vector<512x4xf32>
    %concatenate3A_1901 = tpu.concatenate %slice3A_1899, %slice3A_1900 in 1 : vector<512x124xf32>, vector<512x4xf32> -> vector<512x128xf32>
    %slice3A_1902 = vector.extract_strided_slice %select_n3A_1892 {offsets = [0, 124], sizes = [512, 4], strides = [1, 1]} : vector<512x128xf32> to vector<512x4xf32>
    %slice3A_1903 = vector.extract_strided_slice %select_n3A_1892 {offsets = [0, 0], sizes = [512, 124], strides = [1, 1]} : vector<512x128xf32> to vector<512x124xf32>
    %concatenate3A_1904 = tpu.concatenate %slice3A_1902, %slice3A_1903 in 1 : vector<512x4xf32>, vector<512x124xf32> -> vector<512x128xf32>
    %and3A_1905 = arith.constant 16 : i32
    %and3A_1906 = vector.broadcast %and3A_1905 : i32 to vector<512x1xi32>
    %and3A_1907 = arith.andi %iota3A_7, %and3A_1906 : vector<512x1xi32>
    %eq3A_1908 = arith.constant 0 : i32
    %eq3A_1909 = vector.broadcast %eq3A_1908 : i32 to vector<512x1xi32>
    %eq3A_1910 = arith.cmpi eq, %and3A_1907, %eq3A_1909 : vector<512x1xi32>
    %eq3A_1911 = vector.broadcast %eq3A_1898 : vector<1x128xi1> to vector<512x128xi1>
    %eq3A_1912 = vector.broadcast %eq3A_1910 : vector<512x1xi1> to vector<512x128xi1>
    %eq3A_1913 = vector.broadcast %eq3A_1911 : vector<512x128xi1> to vector<512x128xi1>
    %eq3A_1914 = vector.broadcast %eq3A_1912 : vector<512x128xi1> to vector<512x128xi1>
    %eq3A_1915 = arith.xori %eq3A_1913, %eq3A_1914 : vector<512x128xi1>
    %eq3A_1916 = arith.constant dense<true> : vector<512x128xi1>
    %eq3A_1917 = arith.xori %eq3A_1915, %eq3A_1916 : vector<512x128xi1>
    %broadcast_in_dim3A_1918 = vector.shape_cast %eq3A_1898 : vector<1x128xi1> to vector<1x128xi1>
    %broadcast_in_dim3A_1919 = vector.broadcast %broadcast_in_dim3A_1918 : vector<1x128xi1> to vector<512x128xi1>
    %select_n3A_1920 = arith.select %broadcast_in_dim3A_1919, %concatenate3A_1901, %concatenate3A_1904 : vector<512x128xi1>, vector<512x128xf32>
    %min3A_1921 = arith.minimumf %select_n3A_1892, %select_n3A_1920 : vector<512x128xf32>
    %max3A_1922 = arith.maximumf %select_n3A_1892, %select_n3A_1920 : vector<512x128xf32>
    %select_n3A_1923 = arith.select %eq3A_1917, %min3A_1921, %max3A_1922 : vector<512x128xi1>, vector<512x128xf32>
    %and3A_1924 = arith.constant 2 : i32
    %and3A_1925 = vector.broadcast %and3A_1924 : i32 to vector<1x128xi32>
    %and3A_1926 = arith.andi %iota3A, %and3A_1925 : vector<1x128xi32>
    %eq3A_1927 = arith.constant 0 : i32
    %eq3A_1928 = vector.broadcast %eq3A_1927 : i32 to vector<1x128xi32>
    %eq3A_1929 = arith.cmpi eq, %and3A_1926, %eq3A_1928 : vector<1x128xi32>
    %slice3A_1930 = vector.extract_strided_slice %select_n3A_1923 {offsets = [0, 2], sizes = [512, 126], strides = [1, 1]} : vector<512x128xf32> to vector<512x126xf32>
    %slice3A_1931 = vector.extract_strided_slice %select_n3A_1923 {offsets = [0, 0], sizes = [512, 2], strides = [1, 1]} : vector<512x128xf32> to vector<512x2xf32>
    %concatenate3A_1932 = tpu.concatenate %slice3A_1930, %slice3A_1931 in 1 : vector<512x126xf32>, vector<512x2xf32> -> vector<512x128xf32>
    %slice3A_1933 = vector.extract_strided_slice %select_n3A_1923 {offsets = [0, 126], sizes = [512, 2], strides = [1, 1]} : vector<512x128xf32> to vector<512x2xf32>
    %slice3A_1934 = vector.extract_strided_slice %select_n3A_1923 {offsets = [0, 0], sizes = [512, 126], strides = [1, 1]} : vector<512x128xf32> to vector<512x126xf32>
    %concatenate3A_1935 = tpu.concatenate %slice3A_1933, %slice3A_1934 in 1 : vector<512x2xf32>, vector<512x126xf32> -> vector<512x128xf32>
    %and3A_1936 = arith.constant 16 : i32
    %and3A_1937 = vector.broadcast %and3A_1936 : i32 to vector<512x1xi32>
    %and3A_1938 = arith.andi %iota3A_7, %and3A_1937 : vector<512x1xi32>
    %eq3A_1939 = arith.constant 0 : i32
    %eq3A_1940 = vector.broadcast %eq3A_1939 : i32 to vector<512x1xi32>
    %eq3A_1941 = arith.cmpi eq, %and3A_1938, %eq3A_1940 : vector<512x1xi32>
    %eq3A_1942 = vector.broadcast %eq3A_1929 : vector<1x128xi1> to vector<512x128xi1>
    %eq3A_1943 = vector.broadcast %eq3A_1941 : vector<512x1xi1> to vector<512x128xi1>
    %eq3A_1944 = vector.broadcast %eq3A_1942 : vector<512x128xi1> to vector<512x128xi1>
    %eq3A_1945 = vector.broadcast %eq3A_1943 : vector<512x128xi1> to vector<512x128xi1>
    %eq3A_1946 = arith.xori %eq3A_1944, %eq3A_1945 : vector<512x128xi1>
    %eq3A_1947 = arith.constant dense<true> : vector<512x128xi1>
    %eq3A_1948 = arith.xori %eq3A_1946, %eq3A_1947 : vector<512x128xi1>
    %broadcast_in_dim3A_1949 = vector.shape_cast %eq3A_1929 : vector<1x128xi1> to vector<1x128xi1>
    %broadcast_in_dim3A_1950 = vector.broadcast %broadcast_in_dim3A_1949 : vector<1x128xi1> to vector<512x128xi1>
    %select_n3A_1951 = arith.select %broadcast_in_dim3A_1950, %concatenate3A_1932, %concatenate3A_1935 : vector<512x128xi1>, vector<512x128xf32>
    %min3A_1952 = arith.minimumf %select_n3A_1923, %select_n3A_1951 : vector<512x128xf32>
    %max3A_1953 = arith.maximumf %select_n3A_1923, %select_n3A_1951 : vector<512x128xf32>
    %select_n3A_1954 = arith.select %eq3A_1948, %min3A_1952, %max3A_1953 : vector<512x128xi1>, vector<512x128xf32>
    %and3A_1955 = arith.constant 1 : i32
    %and3A_1956 = vector.broadcast %and3A_1955 : i32 to vector<1x128xi32>
    %and3A_1957 = arith.andi %iota3A, %and3A_1956 : vector<1x128xi32>
    %eq3A_1958 = arith.constant 0 : i32
    %eq3A_1959 = vector.broadcast %eq3A_1958 : i32 to vector<1x128xi32>
    %eq3A_1960 = arith.cmpi eq, %and3A_1957, %eq3A_1959 : vector<1x128xi32>
    %slice3A_1961 = vector.extract_strided_slice %select_n3A_1954 {offsets = [0, 1], sizes = [512, 127], strides = [1, 1]} : vector<512x128xf32> to vector<512x127xf32>
    %slice3A_1962 = vector.extract_strided_slice %select_n3A_1954 {offsets = [0, 0], sizes = [512, 1], strides = [1, 1]} : vector<512x128xf32> to vector<512x1xf32>
    %concatenate3A_1963 = tpu.concatenate %slice3A_1961, %slice3A_1962 in 1 : vector<512x127xf32>, vector<512x1xf32> -> vector<512x128xf32>
    %slice3A_1964 = vector.extract_strided_slice %select_n3A_1954 {offsets = [0, 127], sizes = [512, 1], strides = [1, 1]} : vector<512x128xf32> to vector<512x1xf32>
    %slice3A_1965 = vector.extract_strided_slice %select_n3A_1954 {offsets = [0, 0], sizes = [512, 127], strides = [1, 1]} : vector<512x128xf32> to vector<512x127xf32>
    %concatenate3A_1966 = tpu.concatenate %slice3A_1964, %slice3A_1965 in 1 : vector<512x1xf32>, vector<512x127xf32> -> vector<512x128xf32>
    %and3A_1967 = arith.constant 16 : i32
    %and3A_1968 = vector.broadcast %and3A_1967 : i32 to vector<512x1xi32>
    %and3A_1969 = arith.andi %iota3A_7, %and3A_1968 : vector<512x1xi32>
    %eq3A_1970 = arith.constant 0 : i32
    %eq3A_1971 = vector.broadcast %eq3A_1970 : i32 to vector<512x1xi32>
    %eq3A_1972 = arith.cmpi eq, %and3A_1969, %eq3A_1971 : vector<512x1xi32>
    %eq3A_1973 = vector.broadcast %eq3A_1960 : vector<1x128xi1> to vector<512x128xi1>
    %eq3A_1974 = vector.broadcast %eq3A_1972 : vector<512x1xi1> to vector<512x128xi1>
    %eq3A_1975 = vector.broadcast %eq3A_1973 : vector<512x128xi1> to vector<512x128xi1>
    %eq3A_1976 = vector.broadcast %eq3A_1974 : vector<512x128xi1> to vector<512x128xi1>
    %eq3A_1977 = arith.xori %eq3A_1975, %eq3A_1976 : vector<512x128xi1>
    %eq3A_1978 = arith.constant dense<true> : vector<512x128xi1>
    %eq3A_1979 = arith.xori %eq3A_1977, %eq3A_1978 : vector<512x128xi1>
    %broadcast_in_dim3A_1980 = vector.shape_cast %eq3A_1960 : vector<1x128xi1> to vector<1x128xi1>
    %broadcast_in_dim3A_1981 = vector.broadcast %broadcast_in_dim3A_1980 : vector<1x128xi1> to vector<512x128xi1>
    %select_n3A_1982 = arith.select %broadcast_in_dim3A_1981, %concatenate3A_1963, %concatenate3A_1966 : vector<512x128xi1>, vector<512x128xf32>
    %min3A_1983 = arith.minimumf %select_n3A_1954, %select_n3A_1982 : vector<512x128xf32>
    %max3A_1984 = arith.maximumf %select_n3A_1954, %select_n3A_1982 : vector<512x128xf32>
    %select_n3A_1985 = arith.select %eq3A_1979, %min3A_1983, %max3A_1984 : vector<512x128xi1>, vector<512x128xf32>
    %and3A_1986 = arith.constant 16 : i32
    %and3A_1987 = vector.broadcast %and3A_1986 : i32 to vector<512x1xi32>
    %and3A_1988 = arith.andi %iota3A_7, %and3A_1987 : vector<512x1xi32>
    %eq3A_1989 = arith.constant 0 : i32
    %eq3A_1990 = vector.broadcast %eq3A_1989 : i32 to vector<512x1xi32>
    %eq3A_1991 = arith.cmpi eq, %and3A_1988, %eq3A_1990 : vector<512x1xi32>
    %slice3A_1992 = vector.extract_strided_slice %select_n3A_1985 {offsets = [16, 0], sizes = [496, 128], strides = [1, 1]} : vector<512x128xf32> to vector<496x128xf32>
    %slice3A_1993 = vector.extract_strided_slice %select_n3A_1985 {offsets = [0, 0], sizes = [16, 128], strides = [1, 1]} : vector<512x128xf32> to vector<16x128xf32>
    %concatenate3A_1994 = tpu.concatenate %slice3A_1992, %slice3A_1993 in 0 : vector<496x128xf32>, vector<16x128xf32> -> vector<512x128xf32>
    %slice3A_1995 = vector.extract_strided_slice %select_n3A_1985 {offsets = [496, 0], sizes = [16, 128], strides = [1, 1]} : vector<512x128xf32> to vector<16x128xf32>
    %slice3A_1996 = vector.extract_strided_slice %select_n3A_1985 {offsets = [0, 0], sizes = [496, 128], strides = [1, 1]} : vector<512x128xf32> to vector<496x128xf32>
    %concatenate3A_1997 = tpu.concatenate %slice3A_1995, %slice3A_1996 in 0 : vector<16x128xf32>, vector<496x128xf32> -> vector<512x128xf32>
    %and3A_1998 = arith.constant 32 : i32
    %and3A_1999 = vector.broadcast %and3A_1998 : i32 to vector<512x1xi32>
    %and3A_2000 = arith.andi %iota3A_7, %and3A_1999 : vector<512x1xi32>
    %eq3A_2001 = arith.constant 0 : i32
    %eq3A_2002 = vector.broadcast %eq3A_2001 : i32 to vector<512x1xi32>
    %eq3A_2003 = arith.cmpi eq, %and3A_2000, %eq3A_2002 : vector<512x1xi32>
    %eq3A_2004 = arith.xori %eq3A_1991, %eq3A_2003 : vector<512x1xi1>
    %eq3A_2005 = arith.constant dense<true> : vector<512x1xi1>
    %eq3A_2006 = arith.xori %eq3A_2004, %eq3A_2005 : vector<512x1xi1>
    %broadcast_in_dim3A_2007 = vector.shape_cast %eq3A_1991 : vector<512x1xi1> to vector<512x1xi1>
    %broadcast_in_dim3A_2008 = vector.broadcast %broadcast_in_dim3A_2007 : vector<512x1xi1> to vector<512x128xi1>
    %select_n3A_2009 = arith.select %broadcast_in_dim3A_2008, %concatenate3A_1994, %concatenate3A_1997 : vector<512x128xi1>, vector<512x128xf32>
    %min3A_2010 = arith.minimumf %select_n3A_1985, %select_n3A_2009 : vector<512x128xf32>
    %max3A_2011 = arith.maximumf %select_n3A_1985, %select_n3A_2009 : vector<512x128xf32>
    %broadcast_in_dim3A_2012 = vector.shape_cast %eq3A_2006 : vector<512x1xi1> to vector<512x1xi1>
    %broadcast_in_dim3A_2013 = vector.broadcast %broadcast_in_dim3A_2012 : vector<512x1xi1> to vector<512x128xi1>
    %select_n3A_2014 = arith.select %broadcast_in_dim3A_2013, %min3A_2010, %max3A_2011 : vector<512x128xi1>, vector<512x128xf32>
    %and3A_2015 = arith.constant 8 : i32
    %and3A_2016 = vector.broadcast %and3A_2015 : i32 to vector<512x1xi32>
    %and3A_2017 = arith.andi %iota3A_7, %and3A_2016 : vector<512x1xi32>
    %eq3A_2018 = arith.constant 0 : i32
    %eq3A_2019 = vector.broadcast %eq3A_2018 : i32 to vector<512x1xi32>
    %eq3A_2020 = arith.cmpi eq, %and3A_2017, %eq3A_2019 : vector<512x1xi32>
    %slice3A_2021 = vector.extract_strided_slice %select_n3A_2014 {offsets = [8, 0], sizes = [504, 128], strides = [1, 1]} : vector<512x128xf32> to vector<504x128xf32>
    %slice3A_2022 = vector.extract_strided_slice %select_n3A_2014 {offsets = [0, 0], sizes = [8, 128], strides = [1, 1]} : vector<512x128xf32> to vector<8x128xf32>
    %concatenate3A_2023 = tpu.concatenate %slice3A_2021, %slice3A_2022 in 0 : vector<504x128xf32>, vector<8x128xf32> -> vector<512x128xf32>
    %slice3A_2024 = vector.extract_strided_slice %select_n3A_2014 {offsets = [504, 0], sizes = [8, 128], strides = [1, 1]} : vector<512x128xf32> to vector<8x128xf32>
    %slice3A_2025 = vector.extract_strided_slice %select_n3A_2014 {offsets = [0, 0], sizes = [504, 128], strides = [1, 1]} : vector<512x128xf32> to vector<504x128xf32>
    %concatenate3A_2026 = tpu.concatenate %slice3A_2024, %slice3A_2025 in 0 : vector<8x128xf32>, vector<504x128xf32> -> vector<512x128xf32>
    %and3A_2027 = arith.constant 32 : i32
    %and3A_2028 = vector.broadcast %and3A_2027 : i32 to vector<512x1xi32>
    %and3A_2029 = arith.andi %iota3A_7, %and3A_2028 : vector<512x1xi32>
    %eq3A_2030 = arith.constant 0 : i32
    %eq3A_2031 = vector.broadcast %eq3A_2030 : i32 to vector<512x1xi32>
    %eq3A_2032 = arith.cmpi eq, %and3A_2029, %eq3A_2031 : vector<512x1xi32>
    %eq3A_2033 = arith.xori %eq3A_2020, %eq3A_2032 : vector<512x1xi1>
    %eq3A_2034 = arith.constant dense<true> : vector<512x1xi1>
    %eq3A_2035 = arith.xori %eq3A_2033, %eq3A_2034 : vector<512x1xi1>
    %broadcast_in_dim3A_2036 = vector.shape_cast %eq3A_2020 : vector<512x1xi1> to vector<512x1xi1>
    %broadcast_in_dim3A_2037 = vector.broadcast %broadcast_in_dim3A_2036 : vector<512x1xi1> to vector<512x128xi1>
    %select_n3A_2038 = arith.select %broadcast_in_dim3A_2037, %concatenate3A_2023, %concatenate3A_2026 : vector<512x128xi1>, vector<512x128xf32>
    %min3A_2039 = arith.minimumf %select_n3A_2014, %select_n3A_2038 : vector<512x128xf32>
    %max3A_2040 = arith.maximumf %select_n3A_2014, %select_n3A_2038 : vector<512x128xf32>
    %broadcast_in_dim3A_2041 = vector.shape_cast %eq3A_2035 : vector<512x1xi1> to vector<512x1xi1>
    %broadcast_in_dim3A_2042 = vector.broadcast %broadcast_in_dim3A_2041 : vector<512x1xi1> to vector<512x128xi1>
    %select_n3A_2043 = arith.select %broadcast_in_dim3A_2042, %min3A_2039, %max3A_2040 : vector<512x128xi1>, vector<512x128xf32>
    %and3A_2044 = arith.constant 4 : i32
    %and3A_2045 = vector.broadcast %and3A_2044 : i32 to vector<512x1xi32>
    %and3A_2046 = arith.andi %iota3A_7, %and3A_2045 : vector<512x1xi32>
    %eq3A_2047 = arith.constant 0 : i32
    %eq3A_2048 = vector.broadcast %eq3A_2047 : i32 to vector<512x1xi32>
    %eq3A_2049 = arith.cmpi eq, %and3A_2046, %eq3A_2048 : vector<512x1xi32>
    %slice3A_2050 = vector.extract_strided_slice %select_n3A_2043 {offsets = [4, 0], sizes = [508, 128], strides = [1, 1]} : vector<512x128xf32> to vector<508x128xf32>
    %slice3A_2051 = vector.extract_strided_slice %select_n3A_2043 {offsets = [0, 0], sizes = [4, 128], strides = [1, 1]} : vector<512x128xf32> to vector<4x128xf32>
    %concatenate3A_2052 = tpu.concatenate %slice3A_2050, %slice3A_2051 in 0 : vector<508x128xf32>, vector<4x128xf32> -> vector<512x128xf32>
    %slice3A_2053 = vector.extract_strided_slice %select_n3A_2043 {offsets = [508, 0], sizes = [4, 128], strides = [1, 1]} : vector<512x128xf32> to vector<4x128xf32>
    %slice3A_2054 = vector.extract_strided_slice %select_n3A_2043 {offsets = [0, 0], sizes = [508, 128], strides = [1, 1]} : vector<512x128xf32> to vector<508x128xf32>
    %concatenate3A_2055 = tpu.concatenate %slice3A_2053, %slice3A_2054 in 0 : vector<4x128xf32>, vector<508x128xf32> -> vector<512x128xf32>
    %and3A_2056 = arith.constant 32 : i32
    %and3A_2057 = vector.broadcast %and3A_2056 : i32 to vector<512x1xi32>
    %and3A_2058 = arith.andi %iota3A_7, %and3A_2057 : vector<512x1xi32>
    %eq3A_2059 = arith.constant 0 : i32
    %eq3A_2060 = vector.broadcast %eq3A_2059 : i32 to vector<512x1xi32>
    %eq3A_2061 = arith.cmpi eq, %and3A_2058, %eq3A_2060 : vector<512x1xi32>
    %eq3A_2062 = arith.xori %eq3A_2049, %eq3A_2061 : vector<512x1xi1>
    %eq3A_2063 = arith.constant dense<true> : vector<512x1xi1>
    %eq3A_2064 = arith.xori %eq3A_2062, %eq3A_2063 : vector<512x1xi1>
    %broadcast_in_dim3A_2065 = vector.shape_cast %eq3A_2049 : vector<512x1xi1> to vector<512x1xi1>
    %broadcast_in_dim3A_2066 = vector.broadcast %broadcast_in_dim3A_2065 : vector<512x1xi1> to vector<512x128xi1>
    %select_n3A_2067 = arith.select %broadcast_in_dim3A_2066, %concatenate3A_2052, %concatenate3A_2055 : vector<512x128xi1>, vector<512x128xf32>
    %min3A_2068 = arith.minimumf %select_n3A_2043, %select_n3A_2067 : vector<512x128xf32>
    %max3A_2069 = arith.maximumf %select_n3A_2043, %select_n3A_2067 : vector<512x128xf32>
    %broadcast_in_dim3A_2070 = vector.shape_cast %eq3A_2064 : vector<512x1xi1> to vector<512x1xi1>
    %broadcast_in_dim3A_2071 = vector.broadcast %broadcast_in_dim3A_2070 : vector<512x1xi1> to vector<512x128xi1>
    %select_n3A_2072 = arith.select %broadcast_in_dim3A_2071, %min3A_2068, %max3A_2069 : vector<512x128xi1>, vector<512x128xf32>
    %and3A_2073 = arith.constant 2 : i32
    %and3A_2074 = vector.broadcast %and3A_2073 : i32 to vector<512x1xi32>
    %and3A_2075 = arith.andi %iota3A_7, %and3A_2074 : vector<512x1xi32>
    %eq3A_2076 = arith.constant 0 : i32
    %eq3A_2077 = vector.broadcast %eq3A_2076 : i32 to vector<512x1xi32>
    %eq3A_2078 = arith.cmpi eq, %and3A_2075, %eq3A_2077 : vector<512x1xi32>
    %slice3A_2079 = vector.extract_strided_slice %select_n3A_2072 {offsets = [2, 0], sizes = [510, 128], strides = [1, 1]} : vector<512x128xf32> to vector<510x128xf32>
    %slice3A_2080 = vector.extract_strided_slice %select_n3A_2072 {offsets = [0, 0], sizes = [2, 128], strides = [1, 1]} : vector<512x128xf32> to vector<2x128xf32>
    %concatenate3A_2081 = tpu.concatenate %slice3A_2079, %slice3A_2080 in 0 : vector<510x128xf32>, vector<2x128xf32> -> vector<512x128xf32>
    %slice3A_2082 = vector.extract_strided_slice %select_n3A_2072 {offsets = [510, 0], sizes = [2, 128], strides = [1, 1]} : vector<512x128xf32> to vector<2x128xf32>
    %slice3A_2083 = vector.extract_strided_slice %select_n3A_2072 {offsets = [0, 0], sizes = [510, 128], strides = [1, 1]} : vector<512x128xf32> to vector<510x128xf32>
    %concatenate3A_2084 = tpu.concatenate %slice3A_2082, %slice3A_2083 in 0 : vector<2x128xf32>, vector<510x128xf32> -> vector<512x128xf32>
    %and3A_2085 = arith.constant 32 : i32
    %and3A_2086 = vector.broadcast %and3A_2085 : i32 to vector<512x1xi32>
    %and3A_2087 = arith.andi %iota3A_7, %and3A_2086 : vector<512x1xi32>
    %eq3A_2088 = arith.constant 0 : i32
    %eq3A_2089 = vector.broadcast %eq3A_2088 : i32 to vector<512x1xi32>
    %eq3A_2090 = arith.cmpi eq, %and3A_2087, %eq3A_2089 : vector<512x1xi32>
    %eq3A_2091 = arith.xori %eq3A_2078, %eq3A_2090 : vector<512x1xi1>
    %eq3A_2092 = arith.constant dense<true> : vector<512x1xi1>
    %eq3A_2093 = arith.xori %eq3A_2091, %eq3A_2092 : vector<512x1xi1>
    %broadcast_in_dim3A_2094 = vector.shape_cast %eq3A_2078 : vector<512x1xi1> to vector<512x1xi1>
    %broadcast_in_dim3A_2095 = vector.broadcast %broadcast_in_dim3A_2094 : vector<512x1xi1> to vector<512x128xi1>
    %select_n3A_2096 = arith.select %broadcast_in_dim3A_2095, %concatenate3A_2081, %concatenate3A_2084 : vector<512x128xi1>, vector<512x128xf32>
    %min3A_2097 = arith.minimumf %select_n3A_2072, %select_n3A_2096 : vector<512x128xf32>
    %max3A_2098 = arith.maximumf %select_n3A_2072, %select_n3A_2096 : vector<512x128xf32>
    %broadcast_in_dim3A_2099 = vector.shape_cast %eq3A_2093 : vector<512x1xi1> to vector<512x1xi1>
    %broadcast_in_dim3A_2100 = vector.broadcast %broadcast_in_dim3A_2099 : vector<512x1xi1> to vector<512x128xi1>
    %select_n3A_2101 = arith.select %broadcast_in_dim3A_2100, %min3A_2097, %max3A_2098 : vector<512x128xi1>, vector<512x128xf32>
    %and3A_2102 = arith.constant 1 : i32
    %and3A_2103 = vector.broadcast %and3A_2102 : i32 to vector<512x1xi32>
    %and3A_2104 = arith.andi %iota3A_7, %and3A_2103 : vector<512x1xi32>
    %eq3A_2105 = arith.constant 0 : i32
    %eq3A_2106 = vector.broadcast %eq3A_2105 : i32 to vector<512x1xi32>
    %eq3A_2107 = arith.cmpi eq, %and3A_2104, %eq3A_2106 : vector<512x1xi32>
    %slice3A_2108 = vector.extract_strided_slice %select_n3A_2101 {offsets = [1, 0], sizes = [511, 128], strides = [1, 1]} : vector<512x128xf32> to vector<511x128xf32>
    %slice3A_2109 = vector.extract_strided_slice %select_n3A_2101 {offsets = [0, 0], sizes = [1, 128], strides = [1, 1]} : vector<512x128xf32> to vector<1x128xf32>
    %concatenate3A_2110 = tpu.concatenate %slice3A_2108, %slice3A_2109 in 0 : vector<511x128xf32>, vector<1x128xf32> -> vector<512x128xf32>
    %slice3A_2111 = vector.extract_strided_slice %select_n3A_2101 {offsets = [511, 0], sizes = [1, 128], strides = [1, 1]} : vector<512x128xf32> to vector<1x128xf32>
    %slice3A_2112 = vector.extract_strided_slice %select_n3A_2101 {offsets = [0, 0], sizes = [511, 128], strides = [1, 1]} : vector<512x128xf32> to vector<511x128xf32>
    %concatenate3A_2113 = tpu.concatenate %slice3A_2111, %slice3A_2112 in 0 : vector<1x128xf32>, vector<511x128xf32> -> vector<512x128xf32>
    %and3A_2114 = arith.constant 32 : i32
    %and3A_2115 = vector.broadcast %and3A_2114 : i32 to vector<512x1xi32>
    %and3A_2116 = arith.andi %iota3A_7, %and3A_2115 : vector<512x1xi32>
    %eq3A_2117 = arith.constant 0 : i32
    %eq3A_2118 = vector.broadcast %eq3A_2117 : i32 to vector<512x1xi32>
    %eq3A_2119 = arith.cmpi eq, %and3A_2116, %eq3A_2118 : vector<512x1xi32>
    %eq3A_2120 = arith.xori %eq3A_2107, %eq3A_2119 : vector<512x1xi1>
    %eq3A_2121 = arith.constant dense<true> : vector<512x1xi1>
    %eq3A_2122 = arith.xori %eq3A_2120, %eq3A_2121 : vector<512x1xi1>
    %broadcast_in_dim3A_2123 = vector.shape_cast %eq3A_2107 : vector<512x1xi1> to vector<512x1xi1>
    %broadcast_in_dim3A_2124 = vector.broadcast %broadcast_in_dim3A_2123 : vector<512x1xi1> to vector<512x128xi1>
    %select_n3A_2125 = arith.select %broadcast_in_dim3A_2124, %concatenate3A_2110, %concatenate3A_2113 : vector<512x128xi1>, vector<512x128xf32>
    %min3A_2126 = arith.minimumf %select_n3A_2101, %select_n3A_2125 : vector<512x128xf32>
    %max3A_2127 = arith.maximumf %select_n3A_2101, %select_n3A_2125 : vector<512x128xf32>
    %broadcast_in_dim3A_2128 = vector.shape_cast %eq3A_2122 : vector<512x1xi1> to vector<512x1xi1>
    %broadcast_in_dim3A_2129 = vector.broadcast %broadcast_in_dim3A_2128 : vector<512x1xi1> to vector<512x128xi1>
    %select_n3A_2130 = arith.select %broadcast_in_dim3A_2129, %min3A_2126, %max3A_2127 : vector<512x128xi1>, vector<512x128xf32>
    %and3A_2131 = arith.constant 64 : i32
    %and3A_2132 = vector.broadcast %and3A_2131 : i32 to vector<1x128xi32>
    %and3A_2133 = arith.andi %iota3A, %and3A_2132 : vector<1x128xi32>
    %eq3A_2134 = arith.constant 0 : i32
    %eq3A_2135 = vector.broadcast %eq3A_2134 : i32 to vector<1x128xi32>
    %eq3A_2136 = arith.cmpi eq, %and3A_2133, %eq3A_2135 : vector<1x128xi32>
    %slice3A_2137 = vector.extract_strided_slice %select_n3A_2130 {offsets = [0, 64], sizes = [512, 64], strides = [1, 1]} : vector<512x128xf32> to vector<512x64xf32>
    %slice3A_2138 = vector.extract_strided_slice %select_n3A_2130 {offsets = [0, 0], sizes = [512, 64], strides = [1, 1]} : vector<512x128xf32> to vector<512x64xf32>
    %concatenate3A_2139 = tpu.concatenate %slice3A_2137, %slice3A_2138 in 1 : vector<512x64xf32>, vector<512x64xf32> -> vector<512x128xf32>
    %slice3A_2140 = vector.extract_strided_slice %select_n3A_2130 {offsets = [0, 64], sizes = [512, 64], strides = [1, 1]} : vector<512x128xf32> to vector<512x64xf32>
    %slice3A_2141 = vector.extract_strided_slice %select_n3A_2130 {offsets = [0, 0], sizes = [512, 64], strides = [1, 1]} : vector<512x128xf32> to vector<512x64xf32>
    %concatenate3A_2142 = tpu.concatenate %slice3A_2140, %slice3A_2141 in 1 : vector<512x64xf32>, vector<512x64xf32> -> vector<512x128xf32>
    %and3A_2143 = arith.constant 32 : i32
    %and3A_2144 = vector.broadcast %and3A_2143 : i32 to vector<512x1xi32>
    %and3A_2145 = arith.andi %iota3A_7, %and3A_2144 : vector<512x1xi32>
    %eq3A_2146 = arith.constant 0 : i32
    %eq3A_2147 = vector.broadcast %eq3A_2146 : i32 to vector<512x1xi32>
    %eq3A_2148 = arith.cmpi eq, %and3A_2145, %eq3A_2147 : vector<512x1xi32>
    %eq3A_2149 = vector.broadcast %eq3A_2136 : vector<1x128xi1> to vector<512x128xi1>
    %eq3A_2150 = vector.broadcast %eq3A_2148 : vector<512x1xi1> to vector<512x128xi1>
    %eq3A_2151 = vector.broadcast %eq3A_2149 : vector<512x128xi1> to vector<512x128xi1>
    %eq3A_2152 = vector.broadcast %eq3A_2150 : vector<512x128xi1> to vector<512x128xi1>
    %eq3A_2153 = arith.xori %eq3A_2151, %eq3A_2152 : vector<512x128xi1>
    %eq3A_2154 = arith.constant dense<true> : vector<512x128xi1>
    %eq3A_2155 = arith.xori %eq3A_2153, %eq3A_2154 : vector<512x128xi1>
    %broadcast_in_dim3A_2156 = vector.shape_cast %eq3A_2136 : vector<1x128xi1> to vector<1x128xi1>
    %broadcast_in_dim3A_2157 = vector.broadcast %broadcast_in_dim3A_2156 : vector<1x128xi1> to vector<512x128xi1>
    %select_n3A_2158 = arith.select %broadcast_in_dim3A_2157, %concatenate3A_2139, %concatenate3A_2142 : vector<512x128xi1>, vector<512x128xf32>
    %min3A_2159 = arith.minimumf %select_n3A_2130, %select_n3A_2158 : vector<512x128xf32>
    %max3A_2160 = arith.maximumf %select_n3A_2130, %select_n3A_2158 : vector<512x128xf32>
    %select_n3A_2161 = arith.select %eq3A_2155, %min3A_2159, %max3A_2160 : vector<512x128xi1>, vector<512x128xf32>
    %and3A_2162 = arith.constant 32 : i32
    %and3A_2163 = vector.broadcast %and3A_2162 : i32 to vector<1x128xi32>
    %and3A_2164 = arith.andi %iota3A, %and3A_2163 : vector<1x128xi32>
    %eq3A_2165 = arith.constant 0 : i32
    %eq3A_2166 = vector.broadcast %eq3A_2165 : i32 to vector<1x128xi32>
    %eq3A_2167 = arith.cmpi eq, %and3A_2164, %eq3A_2166 : vector<1x128xi32>
    %slice3A_2168 = vector.extract_strided_slice %select_n3A_2161 {offsets = [0, 32], sizes = [512, 96], strides = [1, 1]} : vector<512x128xf32> to vector<512x96xf32>
    %slice3A_2169 = vector.extract_strided_slice %select_n3A_2161 {offsets = [0, 0], sizes = [512, 32], strides = [1, 1]} : vector<512x128xf32> to vector<512x32xf32>
    %concatenate3A_2170 = tpu.concatenate %slice3A_2168, %slice3A_2169 in 1 : vector<512x96xf32>, vector<512x32xf32> -> vector<512x128xf32>
    %slice3A_2171 = vector.extract_strided_slice %select_n3A_2161 {offsets = [0, 96], sizes = [512, 32], strides = [1, 1]} : vector<512x128xf32> to vector<512x32xf32>
    %slice3A_2172 = vector.extract_strided_slice %select_n3A_2161 {offsets = [0, 0], sizes = [512, 96], strides = [1, 1]} : vector<512x128xf32> to vector<512x96xf32>
    %concatenate3A_2173 = tpu.concatenate %slice3A_2171, %slice3A_2172 in 1 : vector<512x32xf32>, vector<512x96xf32> -> vector<512x128xf32>
    %and3A_2174 = arith.constant 32 : i32
    %and3A_2175 = vector.broadcast %and3A_2174 : i32 to vector<512x1xi32>
    %and3A_2176 = arith.andi %iota3A_7, %and3A_2175 : vector<512x1xi32>
    %eq3A_2177 = arith.constant 0 : i32
    %eq3A_2178 = vector.broadcast %eq3A_2177 : i32 to vector<512x1xi32>
    %eq3A_2179 = arith.cmpi eq, %and3A_2176, %eq3A_2178 : vector<512x1xi32>
    %eq3A_2180 = vector.broadcast %eq3A_2167 : vector<1x128xi1> to vector<512x128xi1>
    %eq3A_2181 = vector.broadcast %eq3A_2179 : vector<512x1xi1> to vector<512x128xi1>
    %eq3A_2182 = vector.broadcast %eq3A_2180 : vector<512x128xi1> to vector<512x128xi1>
    %eq3A_2183 = vector.broadcast %eq3A_2181 : vector<512x128xi1> to vector<512x128xi1>
    %eq3A_2184 = arith.xori %eq3A_2182, %eq3A_2183 : vector<512x128xi1>
    %eq3A_2185 = arith.constant dense<true> : vector<512x128xi1>
    %eq3A_2186 = arith.xori %eq3A_2184, %eq3A_2185 : vector<512x128xi1>
    %broadcast_in_dim3A_2187 = vector.shape_cast %eq3A_2167 : vector<1x128xi1> to vector<1x128xi1>
    %broadcast_in_dim3A_2188 = vector.broadcast %broadcast_in_dim3A_2187 : vector<1x128xi1> to vector<512x128xi1>
    %select_n3A_2189 = arith.select %broadcast_in_dim3A_2188, %concatenate3A_2170, %concatenate3A_2173 : vector<512x128xi1>, vector<512x128xf32>
    %min3A_2190 = arith.minimumf %select_n3A_2161, %select_n3A_2189 : vector<512x128xf32>
    %max3A_2191 = arith.maximumf %select_n3A_2161, %select_n3A_2189 : vector<512x128xf32>
    %select_n3A_2192 = arith.select %eq3A_2186, %min3A_2190, %max3A_2191 : vector<512x128xi1>, vector<512x128xf32>
    %and3A_2193 = arith.constant 16 : i32
    %and3A_2194 = vector.broadcast %and3A_2193 : i32 to vector<1x128xi32>
    %and3A_2195 = arith.andi %iota3A, %and3A_2194 : vector<1x128xi32>
    %eq3A_2196 = arith.constant 0 : i32
    %eq3A_2197 = vector.broadcast %eq3A_2196 : i32 to vector<1x128xi32>
    %eq3A_2198 = arith.cmpi eq, %and3A_2195, %eq3A_2197 : vector<1x128xi32>
    %slice3A_2199 = vector.extract_strided_slice %select_n3A_2192 {offsets = [0, 16], sizes = [512, 112], strides = [1, 1]} : vector<512x128xf32> to vector<512x112xf32>
    %slice3A_2200 = vector.extract_strided_slice %select_n3A_2192 {offsets = [0, 0], sizes = [512, 16], strides = [1, 1]} : vector<512x128xf32> to vector<512x16xf32>
    %concatenate3A_2201 = tpu.concatenate %slice3A_2199, %slice3A_2200 in 1 : vector<512x112xf32>, vector<512x16xf32> -> vector<512x128xf32>
    %slice3A_2202 = vector.extract_strided_slice %select_n3A_2192 {offsets = [0, 112], sizes = [512, 16], strides = [1, 1]} : vector<512x128xf32> to vector<512x16xf32>
    %slice3A_2203 = vector.extract_strided_slice %select_n3A_2192 {offsets = [0, 0], sizes = [512, 112], strides = [1, 1]} : vector<512x128xf32> to vector<512x112xf32>
    %concatenate3A_2204 = tpu.concatenate %slice3A_2202, %slice3A_2203 in 1 : vector<512x16xf32>, vector<512x112xf32> -> vector<512x128xf32>
    %and3A_2205 = arith.constant 32 : i32
    %and3A_2206 = vector.broadcast %and3A_2205 : i32 to vector<512x1xi32>
    %and3A_2207 = arith.andi %iota3A_7, %and3A_2206 : vector<512x1xi32>
    %eq3A_2208 = arith.constant 0 : i32
    %eq3A_2209 = vector.broadcast %eq3A_2208 : i32 to vector<512x1xi32>
    %eq3A_2210 = arith.cmpi eq, %and3A_2207, %eq3A_2209 : vector<512x1xi32>
    %eq3A_2211 = vector.broadcast %eq3A_2198 : vector<1x128xi1> to vector<512x128xi1>
    %eq3A_2212 = vector.broadcast %eq3A_2210 : vector<512x1xi1> to vector<512x128xi1>
    %eq3A_2213 = vector.broadcast %eq3A_2211 : vector<512x128xi1> to vector<512x128xi1>
    %eq3A_2214 = vector.broadcast %eq3A_2212 : vector<512x128xi1> to vector<512x128xi1>
    %eq3A_2215 = arith.xori %eq3A_2213, %eq3A_2214 : vector<512x128xi1>
    %eq3A_2216 = arith.constant dense<true> : vector<512x128xi1>
    %eq3A_2217 = arith.xori %eq3A_2215, %eq3A_2216 : vector<512x128xi1>
    %broadcast_in_dim3A_2218 = vector.shape_cast %eq3A_2198 : vector<1x128xi1> to vector<1x128xi1>
    %broadcast_in_dim3A_2219 = vector.broadcast %broadcast_in_dim3A_2218 : vector<1x128xi1> to vector<512x128xi1>
    %select_n3A_2220 = arith.select %broadcast_in_dim3A_2219, %concatenate3A_2201, %concatenate3A_2204 : vector<512x128xi1>, vector<512x128xf32>
    %min3A_2221 = arith.minimumf %select_n3A_2192, %select_n3A_2220 : vector<512x128xf32>
    %max3A_2222 = arith.maximumf %select_n3A_2192, %select_n3A_2220 : vector<512x128xf32>
    %select_n3A_2223 = arith.select %eq3A_2217, %min3A_2221, %max3A_2222 : vector<512x128xi1>, vector<512x128xf32>
    %and3A_2224 = arith.constant 8 : i32
    %and3A_2225 = vector.broadcast %and3A_2224 : i32 to vector<1x128xi32>
    %and3A_2226 = arith.andi %iota3A, %and3A_2225 : vector<1x128xi32>
    %eq3A_2227 = arith.constant 0 : i32
    %eq3A_2228 = vector.broadcast %eq3A_2227 : i32 to vector<1x128xi32>
    %eq3A_2229 = arith.cmpi eq, %and3A_2226, %eq3A_2228 : vector<1x128xi32>
    %slice3A_2230 = vector.extract_strided_slice %select_n3A_2223 {offsets = [0, 8], sizes = [512, 120], strides = [1, 1]} : vector<512x128xf32> to vector<512x120xf32>
    %slice3A_2231 = vector.extract_strided_slice %select_n3A_2223 {offsets = [0, 0], sizes = [512, 8], strides = [1, 1]} : vector<512x128xf32> to vector<512x8xf32>
    %concatenate3A_2232 = tpu.concatenate %slice3A_2230, %slice3A_2231 in 1 : vector<512x120xf32>, vector<512x8xf32> -> vector<512x128xf32>
    %slice3A_2233 = vector.extract_strided_slice %select_n3A_2223 {offsets = [0, 120], sizes = [512, 8], strides = [1, 1]} : vector<512x128xf32> to vector<512x8xf32>
    %slice3A_2234 = vector.extract_strided_slice %select_n3A_2223 {offsets = [0, 0], sizes = [512, 120], strides = [1, 1]} : vector<512x128xf32> to vector<512x120xf32>
    %concatenate3A_2235 = tpu.concatenate %slice3A_2233, %slice3A_2234 in 1 : vector<512x8xf32>, vector<512x120xf32> -> vector<512x128xf32>
    %and3A_2236 = arith.constant 32 : i32
    %and3A_2237 = vector.broadcast %and3A_2236 : i32 to vector<512x1xi32>
    %and3A_2238 = arith.andi %iota3A_7, %and3A_2237 : vector<512x1xi32>
    %eq3A_2239 = arith.constant 0 : i32
    %eq3A_2240 = vector.broadcast %eq3A_2239 : i32 to vector<512x1xi32>
    %eq3A_2241 = arith.cmpi eq, %and3A_2238, %eq3A_2240 : vector<512x1xi32>
    %eq3A_2242 = vector.broadcast %eq3A_2229 : vector<1x128xi1> to vector<512x128xi1>
    %eq3A_2243 = vector.broadcast %eq3A_2241 : vector<512x1xi1> to vector<512x128xi1>
    %eq3A_2244 = vector.broadcast %eq3A_2242 : vector<512x128xi1> to vector<512x128xi1>
    %eq3A_2245 = vector.broadcast %eq3A_2243 : vector<512x128xi1> to vector<512x128xi1>
    %eq3A_2246 = arith.xori %eq3A_2244, %eq3A_2245 : vector<512x128xi1>
    %eq3A_2247 = arith.constant dense<true> : vector<512x128xi1>
    %eq3A_2248 = arith.xori %eq3A_2246, %eq3A_2247 : vector<512x128xi1>
    %broadcast_in_dim3A_2249 = vector.shape_cast %eq3A_2229 : vector<1x128xi1> to vector<1x128xi1>
    %broadcast_in_dim3A_2250 = vector.broadcast %broadcast_in_dim3A_2249 : vector<1x128xi1> to vector<512x128xi1>
    %select_n3A_2251 = arith.select %broadcast_in_dim3A_2250, %concatenate3A_2232, %concatenate3A_2235 : vector<512x128xi1>, vector<512x128xf32>
    %min3A_2252 = arith.minimumf %select_n3A_2223, %select_n3A_2251 : vector<512x128xf32>
    %max3A_2253 = arith.maximumf %select_n3A_2223, %select_n3A_2251 : vector<512x128xf32>
    %select_n3A_2254 = arith.select %eq3A_2248, %min3A_2252, %max3A_2253 : vector<512x128xi1>, vector<512x128xf32>
    %and3A_2255 = arith.constant 4 : i32
    %and3A_2256 = vector.broadcast %and3A_2255 : i32 to vector<1x128xi32>
    %and3A_2257 = arith.andi %iota3A, %and3A_2256 : vector<1x128xi32>
    %eq3A_2258 = arith.constant 0 : i32
    %eq3A_2259 = vector.broadcast %eq3A_2258 : i32 to vector<1x128xi32>
    %eq3A_2260 = arith.cmpi eq, %and3A_2257, %eq3A_2259 : vector<1x128xi32>
    %slice3A_2261 = vector.extract_strided_slice %select_n3A_2254 {offsets = [0, 4], sizes = [512, 124], strides = [1, 1]} : vector<512x128xf32> to vector<512x124xf32>
    %slice3A_2262 = vector.extract_strided_slice %select_n3A_2254 {offsets = [0, 0], sizes = [512, 4], strides = [1, 1]} : vector<512x128xf32> to vector<512x4xf32>
    %concatenate3A_2263 = tpu.concatenate %slice3A_2261, %slice3A_2262 in 1 : vector<512x124xf32>, vector<512x4xf32> -> vector<512x128xf32>
    %slice3A_2264 = vector.extract_strided_slice %select_n3A_2254 {offsets = [0, 124], sizes = [512, 4], strides = [1, 1]} : vector<512x128xf32> to vector<512x4xf32>
    %slice3A_2265 = vector.extract_strided_slice %select_n3A_2254 {offsets = [0, 0], sizes = [512, 124], strides = [1, 1]} : vector<512x128xf32> to vector<512x124xf32>
    %concatenate3A_2266 = tpu.concatenate %slice3A_2264, %slice3A_2265 in 1 : vector<512x4xf32>, vector<512x124xf32> -> vector<512x128xf32>
    %and3A_2267 = arith.constant 32 : i32
    %and3A_2268 = vector.broadcast %and3A_2267 : i32 to vector<512x1xi32>
    %and3A_2269 = arith.andi %iota3A_7, %and3A_2268 : vector<512x1xi32>
    %eq3A_2270 = arith.constant 0 : i32
    %eq3A_2271 = vector.broadcast %eq3A_2270 : i32 to vector<512x1xi32>
    %eq3A_2272 = arith.cmpi eq, %and3A_2269, %eq3A_2271 : vector<512x1xi32>
    %eq3A_2273 = vector.broadcast %eq3A_2260 : vector<1x128xi1> to vector<512x128xi1>
    %eq3A_2274 = vector.broadcast %eq3A_2272 : vector<512x1xi1> to vector<512x128xi1>
    %eq3A_2275 = vector.broadcast %eq3A_2273 : vector<512x128xi1> to vector<512x128xi1>
    %eq3A_2276 = vector.broadcast %eq3A_2274 : vector<512x128xi1> to vector<512x128xi1>
    %eq3A_2277 = arith.xori %eq3A_2275, %eq3A_2276 : vector<512x128xi1>
    %eq3A_2278 = arith.constant dense<true> : vector<512x128xi1>
    %eq3A_2279 = arith.xori %eq3A_2277, %eq3A_2278 : vector<512x128xi1>
    %broadcast_in_dim3A_2280 = vector.shape_cast %eq3A_2260 : vector<1x128xi1> to vector<1x128xi1>
    %broadcast_in_dim3A_2281 = vector.broadcast %broadcast_in_dim3A_2280 : vector<1x128xi1> to vector<512x128xi1>
    %select_n3A_2282 = arith.select %broadcast_in_dim3A_2281, %concatenate3A_2263, %concatenate3A_2266 : vector<512x128xi1>, vector<512x128xf32>
    %min3A_2283 = arith.minimumf %select_n3A_2254, %select_n3A_2282 : vector<512x128xf32>
    %max3A_2284 = arith.maximumf %select_n3A_2254, %select_n3A_2282 : vector<512x128xf32>
    %select_n3A_2285 = arith.select %eq3A_2279, %min3A_2283, %max3A_2284 : vector<512x128xi1>, vector<512x128xf32>
    %and3A_2286 = arith.constant 2 : i32
    %and3A_2287 = vector.broadcast %and3A_2286 : i32 to vector<1x128xi32>
    %and3A_2288 = arith.andi %iota3A, %and3A_2287 : vector<1x128xi32>
    %eq3A_2289 = arith.constant 0 : i32
    %eq3A_2290 = vector.broadcast %eq3A_2289 : i32 to vector<1x128xi32>
    %eq3A_2291 = arith.cmpi eq, %and3A_2288, %eq3A_2290 : vector<1x128xi32>
    %slice3A_2292 = vector.extract_strided_slice %select_n3A_2285 {offsets = [0, 2], sizes = [512, 126], strides = [1, 1]} : vector<512x128xf32> to vector<512x126xf32>
    %slice3A_2293 = vector.extract_strided_slice %select_n3A_2285 {offsets = [0, 0], sizes = [512, 2], strides = [1, 1]} : vector<512x128xf32> to vector<512x2xf32>
    %concatenate3A_2294 = tpu.concatenate %slice3A_2292, %slice3A_2293 in 1 : vector<512x126xf32>, vector<512x2xf32> -> vector<512x128xf32>
    %slice3A_2295 = vector.extract_strided_slice %select_n3A_2285 {offsets = [0, 126], sizes = [512, 2], strides = [1, 1]} : vector<512x128xf32> to vector<512x2xf32>
    %slice3A_2296 = vector.extract_strided_slice %select_n3A_2285 {offsets = [0, 0], sizes = [512, 126], strides = [1, 1]} : vector<512x128xf32> to vector<512x126xf32>
    %concatenate3A_2297 = tpu.concatenate %slice3A_2295, %slice3A_2296 in 1 : vector<512x2xf32>, vector<512x126xf32> -> vector<512x128xf32>
    %and3A_2298 = arith.constant 32 : i32
    %and3A_2299 = vector.broadcast %and3A_2298 : i32 to vector<512x1xi32>
    %and3A_2300 = arith.andi %iota3A_7, %and3A_2299 : vector<512x1xi32>
    %eq3A_2301 = arith.constant 0 : i32
    %eq3A_2302 = vector.broadcast %eq3A_2301 : i32 to vector<512x1xi32>
    %eq3A_2303 = arith.cmpi eq, %and3A_2300, %eq3A_2302 : vector<512x1xi32>
    %eq3A_2304 = vector.broadcast %eq3A_2291 : vector<1x128xi1> to vector<512x128xi1>
    %eq3A_2305 = vector.broadcast %eq3A_2303 : vector<512x1xi1> to vector<512x128xi1>
    %eq3A_2306 = vector.broadcast %eq3A_2304 : vector<512x128xi1> to vector<512x128xi1>
    %eq3A_2307 = vector.broadcast %eq3A_2305 : vector<512x128xi1> to vector<512x128xi1>
    %eq3A_2308 = arith.xori %eq3A_2306, %eq3A_2307 : vector<512x128xi1>
    %eq3A_2309 = arith.constant dense<true> : vector<512x128xi1>
    %eq3A_2310 = arith.xori %eq3A_2308, %eq3A_2309 : vector<512x128xi1>
    %broadcast_in_dim3A_2311 = vector.shape_cast %eq3A_2291 : vector<1x128xi1> to vector<1x128xi1>
    %broadcast_in_dim3A_2312 = vector.broadcast %broadcast_in_dim3A_2311 : vector<1x128xi1> to vector<512x128xi1>
    %select_n3A_2313 = arith.select %broadcast_in_dim3A_2312, %concatenate3A_2294, %concatenate3A_2297 : vector<512x128xi1>, vector<512x128xf32>
    %min3A_2314 = arith.minimumf %select_n3A_2285, %select_n3A_2313 : vector<512x128xf32>
    %max3A_2315 = arith.maximumf %select_n3A_2285, %select_n3A_2313 : vector<512x128xf32>
    %select_n3A_2316 = arith.select %eq3A_2310, %min3A_2314, %max3A_2315 : vector<512x128xi1>, vector<512x128xf32>
    %and3A_2317 = arith.constant 1 : i32
    %and3A_2318 = vector.broadcast %and3A_2317 : i32 to vector<1x128xi32>
    %and3A_2319 = arith.andi %iota3A, %and3A_2318 : vector<1x128xi32>
    %eq3A_2320 = arith.constant 0 : i32
    %eq3A_2321 = vector.broadcast %eq3A_2320 : i32 to vector<1x128xi32>
    %eq3A_2322 = arith.cmpi eq, %and3A_2319, %eq3A_2321 : vector<1x128xi32>
    %slice3A_2323 = vector.extract_strided_slice %select_n3A_2316 {offsets = [0, 1], sizes = [512, 127], strides = [1, 1]} : vector<512x128xf32> to vector<512x127xf32>
    %slice3A_2324 = vector.extract_strided_slice %select_n3A_2316 {offsets = [0, 0], sizes = [512, 1], strides = [1, 1]} : vector<512x128xf32> to vector<512x1xf32>
    %concatenate3A_2325 = tpu.concatenate %slice3A_2323, %slice3A_2324 in 1 : vector<512x127xf32>, vector<512x1xf32> -> vector<512x128xf32>
    %slice3A_2326 = vector.extract_strided_slice %select_n3A_2316 {offsets = [0, 127], sizes = [512, 1], strides = [1, 1]} : vector<512x128xf32> to vector<512x1xf32>
    %slice3A_2327 = vector.extract_strided_slice %select_n3A_2316 {offsets = [0, 0], sizes = [512, 127], strides = [1, 1]} : vector<512x128xf32> to vector<512x127xf32>
    %concatenate3A_2328 = tpu.concatenate %slice3A_2326, %slice3A_2327 in 1 : vector<512x1xf32>, vector<512x127xf32> -> vector<512x128xf32>
    %and3A_2329 = arith.constant 32 : i32
    %and3A_2330 = vector.broadcast %and3A_2329 : i32 to vector<512x1xi32>
    %and3A_2331 = arith.andi %iota3A_7, %and3A_2330 : vector<512x1xi32>
    %eq3A_2332 = arith.constant 0 : i32
    %eq3A_2333 = vector.broadcast %eq3A_2332 : i32 to vector<512x1xi32>
    %eq3A_2334 = arith.cmpi eq, %and3A_2331, %eq3A_2333 : vector<512x1xi32>
    %eq3A_2335 = vector.broadcast %eq3A_2322 : vector<1x128xi1> to vector<512x128xi1>
    %eq3A_2336 = vector.broadcast %eq3A_2334 : vector<512x1xi1> to vector<512x128xi1>
    %eq3A_2337 = vector.broadcast %eq3A_2335 : vector<512x128xi1> to vector<512x128xi1>
    %eq3A_2338 = vector.broadcast %eq3A_2336 : vector<512x128xi1> to vector<512x128xi1>
    %eq3A_2339 = arith.xori %eq3A_2337, %eq3A_2338 : vector<512x128xi1>
    %eq3A_2340 = arith.constant dense<true> : vector<512x128xi1>
    %eq3A_2341 = arith.xori %eq3A_2339, %eq3A_2340 : vector<512x128xi1>
    %broadcast_in_dim3A_2342 = vector.shape_cast %eq3A_2322 : vector<1x128xi1> to vector<1x128xi1>
    %broadcast_in_dim3A_2343 = vector.broadcast %broadcast_in_dim3A_2342 : vector<1x128xi1> to vector<512x128xi1>
    %select_n3A_2344 = arith.select %broadcast_in_dim3A_2343, %concatenate3A_2325, %concatenate3A_2328 : vector<512x128xi1>, vector<512x128xf32>
    %min3A_2345 = arith.minimumf %select_n3A_2316, %select_n3A_2344 : vector<512x128xf32>
    %max3A_2346 = arith.maximumf %select_n3A_2316, %select_n3A_2344 : vector<512x128xf32>
    %select_n3A_2347 = arith.select %eq3A_2341, %min3A_2345, %max3A_2346 : vector<512x128xi1>, vector<512x128xf32>
    %and3A_2348 = arith.constant 32 : i32
    %and3A_2349 = vector.broadcast %and3A_2348 : i32 to vector<512x1xi32>
    %and3A_2350 = arith.andi %iota3A_7, %and3A_2349 : vector<512x1xi32>
    %eq3A_2351 = arith.constant 0 : i32
    %eq3A_2352 = vector.broadcast %eq3A_2351 : i32 to vector<512x1xi32>
    %eq3A_2353 = arith.cmpi eq, %and3A_2350, %eq3A_2352 : vector<512x1xi32>
    %slice3A_2354 = vector.extract_strided_slice %select_n3A_2347 {offsets = [32, 0], sizes = [480, 128], strides = [1, 1]} : vector<512x128xf32> to vector<480x128xf32>
    %slice3A_2355 = vector.extract_strided_slice %select_n3A_2347 {offsets = [0, 0], sizes = [32, 128], strides = [1, 1]} : vector<512x128xf32> to vector<32x128xf32>
    %concatenate3A_2356 = tpu.concatenate %slice3A_2354, %slice3A_2355 in 0 : vector<480x128xf32>, vector<32x128xf32> -> vector<512x128xf32>
    %slice3A_2357 = vector.extract_strided_slice %select_n3A_2347 {offsets = [480, 0], sizes = [32, 128], strides = [1, 1]} : vector<512x128xf32> to vector<32x128xf32>
    %slice3A_2358 = vector.extract_strided_slice %select_n3A_2347 {offsets = [0, 0], sizes = [480, 128], strides = [1, 1]} : vector<512x128xf32> to vector<480x128xf32>
    %concatenate3A_2359 = tpu.concatenate %slice3A_2357, %slice3A_2358 in 0 : vector<32x128xf32>, vector<480x128xf32> -> vector<512x128xf32>
    %and3A_2360 = arith.constant 64 : i32
    %and3A_2361 = vector.broadcast %and3A_2360 : i32 to vector<512x1xi32>
    %and3A_2362 = arith.andi %iota3A_7, %and3A_2361 : vector<512x1xi32>
    %eq3A_2363 = arith.constant 0 : i32
    %eq3A_2364 = vector.broadcast %eq3A_2363 : i32 to vector<512x1xi32>
    %eq3A_2365 = arith.cmpi eq, %and3A_2362, %eq3A_2364 : vector<512x1xi32>
    %eq3A_2366 = arith.xori %eq3A_2353, %eq3A_2365 : vector<512x1xi1>
    %eq3A_2367 = arith.constant dense<true> : vector<512x1xi1>
    %eq3A_2368 = arith.xori %eq3A_2366, %eq3A_2367 : vector<512x1xi1>
    %broadcast_in_dim3A_2369 = vector.shape_cast %eq3A_2353 : vector<512x1xi1> to vector<512x1xi1>
    %broadcast_in_dim3A_2370 = vector.broadcast %broadcast_in_dim3A_2369 : vector<512x1xi1> to vector<512x128xi1>
    %select_n3A_2371 = arith.select %broadcast_in_dim3A_2370, %concatenate3A_2356, %concatenate3A_2359 : vector<512x128xi1>, vector<512x128xf32>
    %min3A_2372 = arith.minimumf %select_n3A_2347, %select_n3A_2371 : vector<512x128xf32>
    %max3A_2373 = arith.maximumf %select_n3A_2347, %select_n3A_2371 : vector<512x128xf32>
    %broadcast_in_dim3A_2374 = vector.shape_cast %eq3A_2368 : vector<512x1xi1> to vector<512x1xi1>
    %broadcast_in_dim3A_2375 = vector.broadcast %broadcast_in_dim3A_2374 : vector<512x1xi1> to vector<512x128xi1>
    %select_n3A_2376 = arith.select %broadcast_in_dim3A_2375, %min3A_2372, %max3A_2373 : vector<512x128xi1>, vector<512x128xf32>
    %and3A_2377 = arith.constant 16 : i32
    %and3A_2378 = vector.broadcast %and3A_2377 : i32 to vector<512x1xi32>
    %and3A_2379 = arith.andi %iota3A_7, %and3A_2378 : vector<512x1xi32>
    %eq3A_2380 = arith.constant 0 : i32
    %eq3A_2381 = vector.broadcast %eq3A_2380 : i32 to vector<512x1xi32>
    %eq3A_2382 = arith.cmpi eq, %and3A_2379, %eq3A_2381 : vector<512x1xi32>
    %slice3A_2383 = vector.extract_strided_slice %select_n3A_2376 {offsets = [16, 0], sizes = [496, 128], strides = [1, 1]} : vector<512x128xf32> to vector<496x128xf32>
    %slice3A_2384 = vector.extract_strided_slice %select_n3A_2376 {offsets = [0, 0], sizes = [16, 128], strides = [1, 1]} : vector<512x128xf32> to vector<16x128xf32>
    %concatenate3A_2385 = tpu.concatenate %slice3A_2383, %slice3A_2384 in 0 : vector<496x128xf32>, vector<16x128xf32> -> vector<512x128xf32>
    %slice3A_2386 = vector.extract_strided_slice %select_n3A_2376 {offsets = [496, 0], sizes = [16, 128], strides = [1, 1]} : vector<512x128xf32> to vector<16x128xf32>
    %slice3A_2387 = vector.extract_strided_slice %select_n3A_2376 {offsets = [0, 0], sizes = [496, 128], strides = [1, 1]} : vector<512x128xf32> to vector<496x128xf32>
    %concatenate3A_2388 = tpu.concatenate %slice3A_2386, %slice3A_2387 in 0 : vector<16x128xf32>, vector<496x128xf32> -> vector<512x128xf32>
    %and3A_2389 = arith.constant 64 : i32
    %and3A_2390 = vector.broadcast %and3A_2389 : i32 to vector<512x1xi32>
    %and3A_2391 = arith.andi %iota3A_7, %and3A_2390 : vector<512x1xi32>
    %eq3A_2392 = arith.constant 0 : i32
    %eq3A_2393 = vector.broadcast %eq3A_2392 : i32 to vector<512x1xi32>
    %eq3A_2394 = arith.cmpi eq, %and3A_2391, %eq3A_2393 : vector<512x1xi32>
    %eq3A_2395 = arith.xori %eq3A_2382, %eq3A_2394 : vector<512x1xi1>
    %eq3A_2396 = arith.constant dense<true> : vector<512x1xi1>
    %eq3A_2397 = arith.xori %eq3A_2395, %eq3A_2396 : vector<512x1xi1>
    %broadcast_in_dim3A_2398 = vector.shape_cast %eq3A_2382 : vector<512x1xi1> to vector<512x1xi1>
    %broadcast_in_dim3A_2399 = vector.broadcast %broadcast_in_dim3A_2398 : vector<512x1xi1> to vector<512x128xi1>
    %select_n3A_2400 = arith.select %broadcast_in_dim3A_2399, %concatenate3A_2385, %concatenate3A_2388 : vector<512x128xi1>, vector<512x128xf32>
    %min3A_2401 = arith.minimumf %select_n3A_2376, %select_n3A_2400 : vector<512x128xf32>
    %max3A_2402 = arith.maximumf %select_n3A_2376, %select_n3A_2400 : vector<512x128xf32>
    %broadcast_in_dim3A_2403 = vector.shape_cast %eq3A_2397 : vector<512x1xi1> to vector<512x1xi1>
    %broadcast_in_dim3A_2404 = vector.broadcast %broadcast_in_dim3A_2403 : vector<512x1xi1> to vector<512x128xi1>
    %select_n3A_2405 = arith.select %broadcast_in_dim3A_2404, %min3A_2401, %max3A_2402 : vector<512x128xi1>, vector<512x128xf32>
    %and3A_2406 = arith.constant 8 : i32
    %and3A_2407 = vector.broadcast %and3A_2406 : i32 to vector<512x1xi32>
    %and3A_2408 = arith.andi %iota3A_7, %and3A_2407 : vector<512x1xi32>
    %eq3A_2409 = arith.constant 0 : i32
    %eq3A_2410 = vector.broadcast %eq3A_2409 : i32 to vector<512x1xi32>
    %eq3A_2411 = arith.cmpi eq, %and3A_2408, %eq3A_2410 : vector<512x1xi32>
    %slice3A_2412 = vector.extract_strided_slice %select_n3A_2405 {offsets = [8, 0], sizes = [504, 128], strides = [1, 1]} : vector<512x128xf32> to vector<504x128xf32>
    %slice3A_2413 = vector.extract_strided_slice %select_n3A_2405 {offsets = [0, 0], sizes = [8, 128], strides = [1, 1]} : vector<512x128xf32> to vector<8x128xf32>
    %concatenate3A_2414 = tpu.concatenate %slice3A_2412, %slice3A_2413 in 0 : vector<504x128xf32>, vector<8x128xf32> -> vector<512x128xf32>
    %slice3A_2415 = vector.extract_strided_slice %select_n3A_2405 {offsets = [504, 0], sizes = [8, 128], strides = [1, 1]} : vector<512x128xf32> to vector<8x128xf32>
    %slice3A_2416 = vector.extract_strided_slice %select_n3A_2405 {offsets = [0, 0], sizes = [504, 128], strides = [1, 1]} : vector<512x128xf32> to vector<504x128xf32>
    %concatenate3A_2417 = tpu.concatenate %slice3A_2415, %slice3A_2416 in 0 : vector<8x128xf32>, vector<504x128xf32> -> vector<512x128xf32>
    %and3A_2418 = arith.constant 64 : i32
    %and3A_2419 = vector.broadcast %and3A_2418 : i32 to vector<512x1xi32>
    %and3A_2420 = arith.andi %iota3A_7, %and3A_2419 : vector<512x1xi32>
    %eq3A_2421 = arith.constant 0 : i32
    %eq3A_2422 = vector.broadcast %eq3A_2421 : i32 to vector<512x1xi32>
    %eq3A_2423 = arith.cmpi eq, %and3A_2420, %eq3A_2422 : vector<512x1xi32>
    %eq3A_2424 = arith.xori %eq3A_2411, %eq3A_2423 : vector<512x1xi1>
    %eq3A_2425 = arith.constant dense<true> : vector<512x1xi1>
    %eq3A_2426 = arith.xori %eq3A_2424, %eq3A_2425 : vector<512x1xi1>
    %broadcast_in_dim3A_2427 = vector.shape_cast %eq3A_2411 : vector<512x1xi1> to vector<512x1xi1>
    %broadcast_in_dim3A_2428 = vector.broadcast %broadcast_in_dim3A_2427 : vector<512x1xi1> to vector<512x128xi1>
    %select_n3A_2429 = arith.select %broadcast_in_dim3A_2428, %concatenate3A_2414, %concatenate3A_2417 : vector<512x128xi1>, vector<512x128xf32>
    %min3A_2430 = arith.minimumf %select_n3A_2405, %select_n3A_2429 : vector<512x128xf32>
    %max3A_2431 = arith.maximumf %select_n3A_2405, %select_n3A_2429 : vector<512x128xf32>
    %broadcast_in_dim3A_2432 = vector.shape_cast %eq3A_2426 : vector<512x1xi1> to vector<512x1xi1>
    %broadcast_in_dim3A_2433 = vector.broadcast %broadcast_in_dim3A_2432 : vector<512x1xi1> to vector<512x128xi1>
    %select_n3A_2434 = arith.select %broadcast_in_dim3A_2433, %min3A_2430, %max3A_2431 : vector<512x128xi1>, vector<512x128xf32>
    %and3A_2435 = arith.constant 4 : i32
    %and3A_2436 = vector.broadcast %and3A_2435 : i32 to vector<512x1xi32>
    %and3A_2437 = arith.andi %iota3A_7, %and3A_2436 : vector<512x1xi32>
    %eq3A_2438 = arith.constant 0 : i32
    %eq3A_2439 = vector.broadcast %eq3A_2438 : i32 to vector<512x1xi32>
    %eq3A_2440 = arith.cmpi eq, %and3A_2437, %eq3A_2439 : vector<512x1xi32>
    %slice3A_2441 = vector.extract_strided_slice %select_n3A_2434 {offsets = [4, 0], sizes = [508, 128], strides = [1, 1]} : vector<512x128xf32> to vector<508x128xf32>
    %slice3A_2442 = vector.extract_strided_slice %select_n3A_2434 {offsets = [0, 0], sizes = [4, 128], strides = [1, 1]} : vector<512x128xf32> to vector<4x128xf32>
    %concatenate3A_2443 = tpu.concatenate %slice3A_2441, %slice3A_2442 in 0 : vector<508x128xf32>, vector<4x128xf32> -> vector<512x128xf32>
    %slice3A_2444 = vector.extract_strided_slice %select_n3A_2434 {offsets = [508, 0], sizes = [4, 128], strides = [1, 1]} : vector<512x128xf32> to vector<4x128xf32>
    %slice3A_2445 = vector.extract_strided_slice %select_n3A_2434 {offsets = [0, 0], sizes = [508, 128], strides = [1, 1]} : vector<512x128xf32> to vector<508x128xf32>
    %concatenate3A_2446 = tpu.concatenate %slice3A_2444, %slice3A_2445 in 0 : vector<4x128xf32>, vector<508x128xf32> -> vector<512x128xf32>
    %and3A_2447 = arith.constant 64 : i32
    %and3A_2448 = vector.broadcast %and3A_2447 : i32 to vector<512x1xi32>
    %and3A_2449 = arith.andi %iota3A_7, %and3A_2448 : vector<512x1xi32>
    %eq3A_2450 = arith.constant 0 : i32
    %eq3A_2451 = vector.broadcast %eq3A_2450 : i32 to vector<512x1xi32>
    %eq3A_2452 = arith.cmpi eq, %and3A_2449, %eq3A_2451 : vector<512x1xi32>
    %eq3A_2453 = arith.xori %eq3A_2440, %eq3A_2452 : vector<512x1xi1>
    %eq3A_2454 = arith.constant dense<true> : vector<512x1xi1>
    %eq3A_2455 = arith.xori %eq3A_2453, %eq3A_2454 : vector<512x1xi1>
    %broadcast_in_dim3A_2456 = vector.shape_cast %eq3A_2440 : vector<512x1xi1> to vector<512x1xi1>
    %broadcast_in_dim3A_2457 = vector.broadcast %broadcast_in_dim3A_2456 : vector<512x1xi1> to vector<512x128xi1>
    %select_n3A_2458 = arith.select %broadcast_in_dim3A_2457, %concatenate3A_2443, %concatenate3A_2446 : vector<512x128xi1>, vector<512x128xf32>
    %min3A_2459 = arith.minimumf %select_n3A_2434, %select_n3A_2458 : vector<512x128xf32>
    %max3A_2460 = arith.maximumf %select_n3A_2434, %select_n3A_2458 : vector<512x128xf32>
    %broadcast_in_dim3A_2461 = vector.shape_cast %eq3A_2455 : vector<512x1xi1> to vector<512x1xi1>
    %broadcast_in_dim3A_2462 = vector.broadcast %broadcast_in_dim3A_2461 : vector<512x1xi1> to vector<512x128xi1>
    %select_n3A_2463 = arith.select %broadcast_in_dim3A_2462, %min3A_2459, %max3A_2460 : vector<512x128xi1>, vector<512x128xf32>
    %and3A_2464 = arith.constant 2 : i32
    %and3A_2465 = vector.broadcast %and3A_2464 : i32 to vector<512x1xi32>
    %and3A_2466 = arith.andi %iota3A_7, %and3A_2465 : vector<512x1xi32>
    %eq3A_2467 = arith.constant 0 : i32
    %eq3A_2468 = vector.broadcast %eq3A_2467 : i32 to vector<512x1xi32>
    %eq3A_2469 = arith.cmpi eq, %and3A_2466, %eq3A_2468 : vector<512x1xi32>
    %slice3A_2470 = vector.extract_strided_slice %select_n3A_2463 {offsets = [2, 0], sizes = [510, 128], strides = [1, 1]} : vector<512x128xf32> to vector<510x128xf32>
    %slice3A_2471 = vector.extract_strided_slice %select_n3A_2463 {offsets = [0, 0], sizes = [2, 128], strides = [1, 1]} : vector<512x128xf32> to vector<2x128xf32>
    %concatenate3A_2472 = tpu.concatenate %slice3A_2470, %slice3A_2471 in 0 : vector<510x128xf32>, vector<2x128xf32> -> vector<512x128xf32>
    %slice3A_2473 = vector.extract_strided_slice %select_n3A_2463 {offsets = [510, 0], sizes = [2, 128], strides = [1, 1]} : vector<512x128xf32> to vector<2x128xf32>
    %slice3A_2474 = vector.extract_strided_slice %select_n3A_2463 {offsets = [0, 0], sizes = [510, 128], strides = [1, 1]} : vector<512x128xf32> to vector<510x128xf32>
    %concatenate3A_2475 = tpu.concatenate %slice3A_2473, %slice3A_2474 in 0 : vector<2x128xf32>, vector<510x128xf32> -> vector<512x128xf32>
    %and3A_2476 = arith.constant 64 : i32
    %and3A_2477 = vector.broadcast %and3A_2476 : i32 to vector<512x1xi32>
    %and3A_2478 = arith.andi %iota3A_7, %and3A_2477 : vector<512x1xi32>
    %eq3A_2479 = arith.constant 0 : i32
    %eq3A_2480 = vector.broadcast %eq3A_2479 : i32 to vector<512x1xi32>
    %eq3A_2481 = arith.cmpi eq, %and3A_2478, %eq3A_2480 : vector<512x1xi32>
    %eq3A_2482 = arith.xori %eq3A_2469, %eq3A_2481 : vector<512x1xi1>
    %eq3A_2483 = arith.constant dense<true> : vector<512x1xi1>
    %eq3A_2484 = arith.xori %eq3A_2482, %eq3A_2483 : vector<512x1xi1>
    %broadcast_in_dim3A_2485 = vector.shape_cast %eq3A_2469 : vector<512x1xi1> to vector<512x1xi1>
    %broadcast_in_dim3A_2486 = vector.broadcast %broadcast_in_dim3A_2485 : vector<512x1xi1> to vector<512x128xi1>
    %select_n3A_2487 = arith.select %broadcast_in_dim3A_2486, %concatenate3A_2472, %concatenate3A_2475 : vector<512x128xi1>, vector<512x128xf32>
    %min3A_2488 = arith.minimumf %select_n3A_2463, %select_n3A_2487 : vector<512x128xf32>
    %max3A_2489 = arith.maximumf %select_n3A_2463, %select_n3A_2487 : vector<512x128xf32>
    %broadcast_in_dim3A_2490 = vector.shape_cast %eq3A_2484 : vector<512x1xi1> to vector<512x1xi1>
    %broadcast_in_dim3A_2491 = vector.broadcast %broadcast_in_dim3A_2490 : vector<512x1xi1> to vector<512x128xi1>
    %select_n3A_2492 = arith.select %broadcast_in_dim3A_2491, %min3A_2488, %max3A_2489 : vector<512x128xi1>, vector<512x128xf32>
    %and3A_2493 = arith.constant 1 : i32
    %and3A_2494 = vector.broadcast %and3A_2493 : i32 to vector<512x1xi32>
    %and3A_2495 = arith.andi %iota3A_7, %and3A_2494 : vector<512x1xi32>
    %eq3A_2496 = arith.constant 0 : i32
    %eq3A_2497 = vector.broadcast %eq3A_2496 : i32 to vector<512x1xi32>
    %eq3A_2498 = arith.cmpi eq, %and3A_2495, %eq3A_2497 : vector<512x1xi32>
    %slice3A_2499 = vector.extract_strided_slice %select_n3A_2492 {offsets = [1, 0], sizes = [511, 128], strides = [1, 1]} : vector<512x128xf32> to vector<511x128xf32>
    %slice3A_2500 = vector.extract_strided_slice %select_n3A_2492 {offsets = [0, 0], sizes = [1, 128], strides = [1, 1]} : vector<512x128xf32> to vector<1x128xf32>
    %concatenate3A_2501 = tpu.concatenate %slice3A_2499, %slice3A_2500 in 0 : vector<511x128xf32>, vector<1x128xf32> -> vector<512x128xf32>
    %slice3A_2502 = vector.extract_strided_slice %select_n3A_2492 {offsets = [511, 0], sizes = [1, 128], strides = [1, 1]} : vector<512x128xf32> to vector<1x128xf32>
    %slice3A_2503 = vector.extract_strided_slice %select_n3A_2492 {offsets = [0, 0], sizes = [511, 128], strides = [1, 1]} : vector<512x128xf32> to vector<511x128xf32>
    %concatenate3A_2504 = tpu.concatenate %slice3A_2502, %slice3A_2503 in 0 : vector<1x128xf32>, vector<511x128xf32> -> vector<512x128xf32>
    %and3A_2505 = arith.constant 64 : i32
    %and3A_2506 = vector.broadcast %and3A_2505 : i32 to vector<512x1xi32>
    %and3A_2507 = arith.andi %iota3A_7, %and3A_2506 : vector<512x1xi32>
    %eq3A_2508 = arith.constant 0 : i32
    %eq3A_2509 = vector.broadcast %eq3A_2508 : i32 to vector<512x1xi32>
    %eq3A_2510 = arith.cmpi eq, %and3A_2507, %eq3A_2509 : vector<512x1xi32>
    %eq3A_2511 = arith.xori %eq3A_2498, %eq3A_2510 : vector<512x1xi1>
    %eq3A_2512 = arith.constant dense<true> : vector<512x1xi1>
    %eq3A_2513 = arith.xori %eq3A_2511, %eq3A_2512 : vector<512x1xi1>
    %broadcast_in_dim3A_2514 = vector.shape_cast %eq3A_2498 : vector<512x1xi1> to vector<512x1xi1>
    %broadcast_in_dim3A_2515 = vector.broadcast %broadcast_in_dim3A_2514 : vector<512x1xi1> to vector<512x128xi1>
    %select_n3A_2516 = arith.select %broadcast_in_dim3A_2515, %concatenate3A_2501, %concatenate3A_2504 : vector<512x128xi1>, vector<512x128xf32>
    %min3A_2517 = arith.minimumf %select_n3A_2492, %select_n3A_2516 : vector<512x128xf32>
    %max3A_2518 = arith.maximumf %select_n3A_2492, %select_n3A_2516 : vector<512x128xf32>
    %broadcast_in_dim3A_2519 = vector.shape_cast %eq3A_2513 : vector<512x1xi1> to vector<512x1xi1>
    %broadcast_in_dim3A_2520 = vector.broadcast %broadcast_in_dim3A_2519 : vector<512x1xi1> to vector<512x128xi1>
    %select_n3A_2521 = arith.select %broadcast_in_dim3A_2520, %min3A_2517, %max3A_2518 : vector<512x128xi1>, vector<512x128xf32>
    %and3A_2522 = arith.constant 64 : i32
    %and3A_2523 = vector.broadcast %and3A_2522 : i32 to vector<1x128xi32>
    %and3A_2524 = arith.andi %iota3A, %and3A_2523 : vector<1x128xi32>
    %eq3A_2525 = arith.constant 0 : i32
    %eq3A_2526 = vector.broadcast %eq3A_2525 : i32 to vector<1x128xi32>
    %eq3A_2527 = arith.cmpi eq, %and3A_2524, %eq3A_2526 : vector<1x128xi32>
    %slice3A_2528 = vector.extract_strided_slice %select_n3A_2521 {offsets = [0, 64], sizes = [512, 64], strides = [1, 1]} : vector<512x128xf32> to vector<512x64xf32>
    %slice3A_2529 = vector.extract_strided_slice %select_n3A_2521 {offsets = [0, 0], sizes = [512, 64], strides = [1, 1]} : vector<512x128xf32> to vector<512x64xf32>
    %concatenate3A_2530 = tpu.concatenate %slice3A_2528, %slice3A_2529 in 1 : vector<512x64xf32>, vector<512x64xf32> -> vector<512x128xf32>
    %slice3A_2531 = vector.extract_strided_slice %select_n3A_2521 {offsets = [0, 64], sizes = [512, 64], strides = [1, 1]} : vector<512x128xf32> to vector<512x64xf32>
    %slice3A_2532 = vector.extract_strided_slice %select_n3A_2521 {offsets = [0, 0], sizes = [512, 64], strides = [1, 1]} : vector<512x128xf32> to vector<512x64xf32>
    %concatenate3A_2533 = tpu.concatenate %slice3A_2531, %slice3A_2532 in 1 : vector<512x64xf32>, vector<512x64xf32> -> vector<512x128xf32>
    %and3A_2534 = arith.constant 64 : i32
    %and3A_2535 = vector.broadcast %and3A_2534 : i32 to vector<512x1xi32>
    %and3A_2536 = arith.andi %iota3A_7, %and3A_2535 : vector<512x1xi32>
    %eq3A_2537 = arith.constant 0 : i32
    %eq3A_2538 = vector.broadcast %eq3A_2537 : i32 to vector<512x1xi32>
    %eq3A_2539 = arith.cmpi eq, %and3A_2536, %eq3A_2538 : vector<512x1xi32>
    %eq3A_2540 = vector.broadcast %eq3A_2527 : vector<1x128xi1> to vector<512x128xi1>
    %eq3A_2541 = vector.broadcast %eq3A_2539 : vector<512x1xi1> to vector<512x128xi1>
    %eq3A_2542 = vector.broadcast %eq3A_2540 : vector<512x128xi1> to vector<512x128xi1>
    %eq3A_2543 = vector.broadcast %eq3A_2541 : vector<512x128xi1> to vector<512x128xi1>
    %eq3A_2544 = arith.xori %eq3A_2542, %eq3A_2543 : vector<512x128xi1>
    %eq3A_2545 = arith.constant dense<true> : vector<512x128xi1>
    %eq3A_2546 = arith.xori %eq3A_2544, %eq3A_2545 : vector<512x128xi1>
    %broadcast_in_dim3A_2547 = vector.shape_cast %eq3A_2527 : vector<1x128xi1> to vector<1x128xi1>
    %broadcast_in_dim3A_2548 = vector.broadcast %broadcast_in_dim3A_2547 : vector<1x128xi1> to vector<512x128xi1>
    %select_n3A_2549 = arith.select %broadcast_in_dim3A_2548, %concatenate3A_2530, %concatenate3A_2533 : vector<512x128xi1>, vector<512x128xf32>
    %min3A_2550 = arith.minimumf %select_n3A_2521, %select_n3A_2549 : vector<512x128xf32>
    %max3A_2551 = arith.maximumf %select_n3A_2521, %select_n3A_2549 : vector<512x128xf32>
    %select_n3A_2552 = arith.select %eq3A_2546, %min3A_2550, %max3A_2551 : vector<512x128xi1>, vector<512x128xf32>
    %and3A_2553 = arith.constant 32 : i32
    %and3A_2554 = vector.broadcast %and3A_2553 : i32 to vector<1x128xi32>
    %and3A_2555 = arith.andi %iota3A, %and3A_2554 : vector<1x128xi32>
    %eq3A_2556 = arith.constant 0 : i32
    %eq3A_2557 = vector.broadcast %eq3A_2556 : i32 to vector<1x128xi32>
    %eq3A_2558 = arith.cmpi eq, %and3A_2555, %eq3A_2557 : vector<1x128xi32>
    %slice3A_2559 = vector.extract_strided_slice %select_n3A_2552 {offsets = [0, 32], sizes = [512, 96], strides = [1, 1]} : vector<512x128xf32> to vector<512x96xf32>
    %slice3A_2560 = vector.extract_strided_slice %select_n3A_2552 {offsets = [0, 0], sizes = [512, 32], strides = [1, 1]} : vector<512x128xf32> to vector<512x32xf32>
    %concatenate3A_2561 = tpu.concatenate %slice3A_2559, %slice3A_2560 in 1 : vector<512x96xf32>, vector<512x32xf32> -> vector<512x128xf32>
    %slice3A_2562 = vector.extract_strided_slice %select_n3A_2552 {offsets = [0, 96], sizes = [512, 32], strides = [1, 1]} : vector<512x128xf32> to vector<512x32xf32>
    %slice3A_2563 = vector.extract_strided_slice %select_n3A_2552 {offsets = [0, 0], sizes = [512, 96], strides = [1, 1]} : vector<512x128xf32> to vector<512x96xf32>
    %concatenate3A_2564 = tpu.concatenate %slice3A_2562, %slice3A_2563 in 1 : vector<512x32xf32>, vector<512x96xf32> -> vector<512x128xf32>
    %and3A_2565 = arith.constant 64 : i32
    %and3A_2566 = vector.broadcast %and3A_2565 : i32 to vector<512x1xi32>
    %and3A_2567 = arith.andi %iota3A_7, %and3A_2566 : vector<512x1xi32>
    %eq3A_2568 = arith.constant 0 : i32
    %eq3A_2569 = vector.broadcast %eq3A_2568 : i32 to vector<512x1xi32>
    %eq3A_2570 = arith.cmpi eq, %and3A_2567, %eq3A_2569 : vector<512x1xi32>
    %eq3A_2571 = vector.broadcast %eq3A_2558 : vector<1x128xi1> to vector<512x128xi1>
    %eq3A_2572 = vector.broadcast %eq3A_2570 : vector<512x1xi1> to vector<512x128xi1>
    %eq3A_2573 = vector.broadcast %eq3A_2571 : vector<512x128xi1> to vector<512x128xi1>
    %eq3A_2574 = vector.broadcast %eq3A_2572 : vector<512x128xi1> to vector<512x128xi1>
    %eq3A_2575 = arith.xori %eq3A_2573, %eq3A_2574 : vector<512x128xi1>
    %eq3A_2576 = arith.constant dense<true> : vector<512x128xi1>
    %eq3A_2577 = arith.xori %eq3A_2575, %eq3A_2576 : vector<512x128xi1>
    %broadcast_in_dim3A_2578 = vector.shape_cast %eq3A_2558 : vector<1x128xi1> to vector<1x128xi1>
    %broadcast_in_dim3A_2579 = vector.broadcast %broadcast_in_dim3A_2578 : vector<1x128xi1> to vector<512x128xi1>
    %select_n3A_2580 = arith.select %broadcast_in_dim3A_2579, %concatenate3A_2561, %concatenate3A_2564 : vector<512x128xi1>, vector<512x128xf32>
    %min3A_2581 = arith.minimumf %select_n3A_2552, %select_n3A_2580 : vector<512x128xf32>
    %max3A_2582 = arith.maximumf %select_n3A_2552, %select_n3A_2580 : vector<512x128xf32>
    %select_n3A_2583 = arith.select %eq3A_2577, %min3A_2581, %max3A_2582 : vector<512x128xi1>, vector<512x128xf32>
    %and3A_2584 = arith.constant 16 : i32
    %and3A_2585 = vector.broadcast %and3A_2584 : i32 to vector<1x128xi32>
    %and3A_2586 = arith.andi %iota3A, %and3A_2585 : vector<1x128xi32>
    %eq3A_2587 = arith.constant 0 : i32
    %eq3A_2588 = vector.broadcast %eq3A_2587 : i32 to vector<1x128xi32>
    %eq3A_2589 = arith.cmpi eq, %and3A_2586, %eq3A_2588 : vector<1x128xi32>
    %slice3A_2590 = vector.extract_strided_slice %select_n3A_2583 {offsets = [0, 16], sizes = [512, 112], strides = [1, 1]} : vector<512x128xf32> to vector<512x112xf32>
    %slice3A_2591 = vector.extract_strided_slice %select_n3A_2583 {offsets = [0, 0], sizes = [512, 16], strides = [1, 1]} : vector<512x128xf32> to vector<512x16xf32>
    %concatenate3A_2592 = tpu.concatenate %slice3A_2590, %slice3A_2591 in 1 : vector<512x112xf32>, vector<512x16xf32> -> vector<512x128xf32>
    %slice3A_2593 = vector.extract_strided_slice %select_n3A_2583 {offsets = [0, 112], sizes = [512, 16], strides = [1, 1]} : vector<512x128xf32> to vector<512x16xf32>
    %slice3A_2594 = vector.extract_strided_slice %select_n3A_2583 {offsets = [0, 0], sizes = [512, 112], strides = [1, 1]} : vector<512x128xf32> to vector<512x112xf32>
    %concatenate3A_2595 = tpu.concatenate %slice3A_2593, %slice3A_2594 in 1 : vector<512x16xf32>, vector<512x112xf32> -> vector<512x128xf32>
    %and3A_2596 = arith.constant 64 : i32
    %and3A_2597 = vector.broadcast %and3A_2596 : i32 to vector<512x1xi32>
    %and3A_2598 = arith.andi %iota3A_7, %and3A_2597 : vector<512x1xi32>
    %eq3A_2599 = arith.constant 0 : i32
    %eq3A_2600 = vector.broadcast %eq3A_2599 : i32 to vector<512x1xi32>
    %eq3A_2601 = arith.cmpi eq, %and3A_2598, %eq3A_2600 : vector<512x1xi32>
    %eq3A_2602 = vector.broadcast %eq3A_2589 : vector<1x128xi1> to vector<512x128xi1>
    %eq3A_2603 = vector.broadcast %eq3A_2601 : vector<512x1xi1> to vector<512x128xi1>
    %eq3A_2604 = vector.broadcast %eq3A_2602 : vector<512x128xi1> to vector<512x128xi1>
    %eq3A_2605 = vector.broadcast %eq3A_2603 : vector<512x128xi1> to vector<512x128xi1>
    %eq3A_2606 = arith.xori %eq3A_2604, %eq3A_2605 : vector<512x128xi1>
    %eq3A_2607 = arith.constant dense<true> : vector<512x128xi1>
    %eq3A_2608 = arith.xori %eq3A_2606, %eq3A_2607 : vector<512x128xi1>
    %broadcast_in_dim3A_2609 = vector.shape_cast %eq3A_2589 : vector<1x128xi1> to vector<1x128xi1>
    %broadcast_in_dim3A_2610 = vector.broadcast %broadcast_in_dim3A_2609 : vector<1x128xi1> to vector<512x128xi1>
    %select_n3A_2611 = arith.select %broadcast_in_dim3A_2610, %concatenate3A_2592, %concatenate3A_2595 : vector<512x128xi1>, vector<512x128xf32>
    %min3A_2612 = arith.minimumf %select_n3A_2583, %select_n3A_2611 : vector<512x128xf32>
    %max3A_2613 = arith.maximumf %select_n3A_2583, %select_n3A_2611 : vector<512x128xf32>
    %select_n3A_2614 = arith.select %eq3A_2608, %min3A_2612, %max3A_2613 : vector<512x128xi1>, vector<512x128xf32>
    %and3A_2615 = arith.constant 8 : i32
    %and3A_2616 = vector.broadcast %and3A_2615 : i32 to vector<1x128xi32>
    %and3A_2617 = arith.andi %iota3A, %and3A_2616 : vector<1x128xi32>
    %eq3A_2618 = arith.constant 0 : i32
    %eq3A_2619 = vector.broadcast %eq3A_2618 : i32 to vector<1x128xi32>
    %eq3A_2620 = arith.cmpi eq, %and3A_2617, %eq3A_2619 : vector<1x128xi32>
    %slice3A_2621 = vector.extract_strided_slice %select_n3A_2614 {offsets = [0, 8], sizes = [512, 120], strides = [1, 1]} : vector<512x128xf32> to vector<512x120xf32>
    %slice3A_2622 = vector.extract_strided_slice %select_n3A_2614 {offsets = [0, 0], sizes = [512, 8], strides = [1, 1]} : vector<512x128xf32> to vector<512x8xf32>
    %concatenate3A_2623 = tpu.concatenate %slice3A_2621, %slice3A_2622 in 1 : vector<512x120xf32>, vector<512x8xf32> -> vector<512x128xf32>
    %slice3A_2624 = vector.extract_strided_slice %select_n3A_2614 {offsets = [0, 120], sizes = [512, 8], strides = [1, 1]} : vector<512x128xf32> to vector<512x8xf32>
    %slice3A_2625 = vector.extract_strided_slice %select_n3A_2614 {offsets = [0, 0], sizes = [512, 120], strides = [1, 1]} : vector<512x128xf32> to vector<512x120xf32>
    %concatenate3A_2626 = tpu.concatenate %slice3A_2624, %slice3A_2625 in 1 : vector<512x8xf32>, vector<512x120xf32> -> vector<512x128xf32>
    %and3A_2627 = arith.constant 64 : i32
    %and3A_2628 = vector.broadcast %and3A_2627 : i32 to vector<512x1xi32>
    %and3A_2629 = arith.andi %iota3A_7, %and3A_2628 : vector<512x1xi32>
    %eq3A_2630 = arith.constant 0 : i32
    %eq3A_2631 = vector.broadcast %eq3A_2630 : i32 to vector<512x1xi32>
    %eq3A_2632 = arith.cmpi eq, %and3A_2629, %eq3A_2631 : vector<512x1xi32>
    %eq3A_2633 = vector.broadcast %eq3A_2620 : vector<1x128xi1> to vector<512x128xi1>
    %eq3A_2634 = vector.broadcast %eq3A_2632 : vector<512x1xi1> to vector<512x128xi1>
    %eq3A_2635 = vector.broadcast %eq3A_2633 : vector<512x128xi1> to vector<512x128xi1>
    %eq3A_2636 = vector.broadcast %eq3A_2634 : vector<512x128xi1> to vector<512x128xi1>
    %eq3A_2637 = arith.xori %eq3A_2635, %eq3A_2636 : vector<512x128xi1>
    %eq3A_2638 = arith.constant dense<true> : vector<512x128xi1>
    %eq3A_2639 = arith.xori %eq3A_2637, %eq3A_2638 : vector<512x128xi1>
    %broadcast_in_dim3A_2640 = vector.shape_cast %eq3A_2620 : vector<1x128xi1> to vector<1x128xi1>
    %broadcast_in_dim3A_2641 = vector.broadcast %broadcast_in_dim3A_2640 : vector<1x128xi1> to vector<512x128xi1>
    %select_n3A_2642 = arith.select %broadcast_in_dim3A_2641, %concatenate3A_2623, %concatenate3A_2626 : vector<512x128xi1>, vector<512x128xf32>
    %min3A_2643 = arith.minimumf %select_n3A_2614, %select_n3A_2642 : vector<512x128xf32>
    %max3A_2644 = arith.maximumf %select_n3A_2614, %select_n3A_2642 : vector<512x128xf32>
    %select_n3A_2645 = arith.select %eq3A_2639, %min3A_2643, %max3A_2644 : vector<512x128xi1>, vector<512x128xf32>
    %and3A_2646 = arith.constant 4 : i32
    %and3A_2647 = vector.broadcast %and3A_2646 : i32 to vector<1x128xi32>
    %and3A_2648 = arith.andi %iota3A, %and3A_2647 : vector<1x128xi32>
    %eq3A_2649 = arith.constant 0 : i32
    %eq3A_2650 = vector.broadcast %eq3A_2649 : i32 to vector<1x128xi32>
    %eq3A_2651 = arith.cmpi eq, %and3A_2648, %eq3A_2650 : vector<1x128xi32>
    %slice3A_2652 = vector.extract_strided_slice %select_n3A_2645 {offsets = [0, 4], sizes = [512, 124], strides = [1, 1]} : vector<512x128xf32> to vector<512x124xf32>
    %slice3A_2653 = vector.extract_strided_slice %select_n3A_2645 {offsets = [0, 0], sizes = [512, 4], strides = [1, 1]} : vector<512x128xf32> to vector<512x4xf32>
    %concatenate3A_2654 = tpu.concatenate %slice3A_2652, %slice3A_2653 in 1 : vector<512x124xf32>, vector<512x4xf32> -> vector<512x128xf32>
    %slice3A_2655 = vector.extract_strided_slice %select_n3A_2645 {offsets = [0, 124], sizes = [512, 4], strides = [1, 1]} : vector<512x128xf32> to vector<512x4xf32>
    %slice3A_2656 = vector.extract_strided_slice %select_n3A_2645 {offsets = [0, 0], sizes = [512, 124], strides = [1, 1]} : vector<512x128xf32> to vector<512x124xf32>
    %concatenate3A_2657 = tpu.concatenate %slice3A_2655, %slice3A_2656 in 1 : vector<512x4xf32>, vector<512x124xf32> -> vector<512x128xf32>
    %and3A_2658 = arith.constant 64 : i32
    %and3A_2659 = vector.broadcast %and3A_2658 : i32 to vector<512x1xi32>
    %and3A_2660 = arith.andi %iota3A_7, %and3A_2659 : vector<512x1xi32>
    %eq3A_2661 = arith.constant 0 : i32
    %eq3A_2662 = vector.broadcast %eq3A_2661 : i32 to vector<512x1xi32>
    %eq3A_2663 = arith.cmpi eq, %and3A_2660, %eq3A_2662 : vector<512x1xi32>
    %eq3A_2664 = vector.broadcast %eq3A_2651 : vector<1x128xi1> to vector<512x128xi1>
    %eq3A_2665 = vector.broadcast %eq3A_2663 : vector<512x1xi1> to vector<512x128xi1>
    %eq3A_2666 = vector.broadcast %eq3A_2664 : vector<512x128xi1> to vector<512x128xi1>
    %eq3A_2667 = vector.broadcast %eq3A_2665 : vector<512x128xi1> to vector<512x128xi1>
    %eq3A_2668 = arith.xori %eq3A_2666, %eq3A_2667 : vector<512x128xi1>
    %eq3A_2669 = arith.constant dense<true> : vector<512x128xi1>
    %eq3A_2670 = arith.xori %eq3A_2668, %eq3A_2669 : vector<512x128xi1>
    %broadcast_in_dim3A_2671 = vector.shape_cast %eq3A_2651 : vector<1x128xi1> to vector<1x128xi1>
    %broadcast_in_dim3A_2672 = vector.broadcast %broadcast_in_dim3A_2671 : vector<1x128xi1> to vector<512x128xi1>
    %select_n3A_2673 = arith.select %broadcast_in_dim3A_2672, %concatenate3A_2654, %concatenate3A_2657 : vector<512x128xi1>, vector<512x128xf32>
    %min3A_2674 = arith.minimumf %select_n3A_2645, %select_n3A_2673 : vector<512x128xf32>
    %max3A_2675 = arith.maximumf %select_n3A_2645, %select_n3A_2673 : vector<512x128xf32>
    %select_n3A_2676 = arith.select %eq3A_2670, %min3A_2674, %max3A_2675 : vector<512x128xi1>, vector<512x128xf32>
    %and3A_2677 = arith.constant 2 : i32
    %and3A_2678 = vector.broadcast %and3A_2677 : i32 to vector<1x128xi32>
    %and3A_2679 = arith.andi %iota3A, %and3A_2678 : vector<1x128xi32>
    %eq3A_2680 = arith.constant 0 : i32
    %eq3A_2681 = vector.broadcast %eq3A_2680 : i32 to vector<1x128xi32>
    %eq3A_2682 = arith.cmpi eq, %and3A_2679, %eq3A_2681 : vector<1x128xi32>
    %slice3A_2683 = vector.extract_strided_slice %select_n3A_2676 {offsets = [0, 2], sizes = [512, 126], strides = [1, 1]} : vector<512x128xf32> to vector<512x126xf32>
    %slice3A_2684 = vector.extract_strided_slice %select_n3A_2676 {offsets = [0, 0], sizes = [512, 2], strides = [1, 1]} : vector<512x128xf32> to vector<512x2xf32>
    %concatenate3A_2685 = tpu.concatenate %slice3A_2683, %slice3A_2684 in 1 : vector<512x126xf32>, vector<512x2xf32> -> vector<512x128xf32>
    %slice3A_2686 = vector.extract_strided_slice %select_n3A_2676 {offsets = [0, 126], sizes = [512, 2], strides = [1, 1]} : vector<512x128xf32> to vector<512x2xf32>
    %slice3A_2687 = vector.extract_strided_slice %select_n3A_2676 {offsets = [0, 0], sizes = [512, 126], strides = [1, 1]} : vector<512x128xf32> to vector<512x126xf32>
    %concatenate3A_2688 = tpu.concatenate %slice3A_2686, %slice3A_2687 in 1 : vector<512x2xf32>, vector<512x126xf32> -> vector<512x128xf32>
    %and3A_2689 = arith.constant 64 : i32
    %and3A_2690 = vector.broadcast %and3A_2689 : i32 to vector<512x1xi32>
    %and3A_2691 = arith.andi %iota3A_7, %and3A_2690 : vector<512x1xi32>
    %eq3A_2692 = arith.constant 0 : i32
    %eq3A_2693 = vector.broadcast %eq3A_2692 : i32 to vector<512x1xi32>
    %eq3A_2694 = arith.cmpi eq, %and3A_2691, %eq3A_2693 : vector<512x1xi32>
    %eq3A_2695 = vector.broadcast %eq3A_2682 : vector<1x128xi1> to vector<512x128xi1>
    %eq3A_2696 = vector.broadcast %eq3A_2694 : vector<512x1xi1> to vector<512x128xi1>
    %eq3A_2697 = vector.broadcast %eq3A_2695 : vector<512x128xi1> to vector<512x128xi1>
    %eq3A_2698 = vector.broadcast %eq3A_2696 : vector<512x128xi1> to vector<512x128xi1>
    %eq3A_2699 = arith.xori %eq3A_2697, %eq3A_2698 : vector<512x128xi1>
    %eq3A_2700 = arith.constant dense<true> : vector<512x128xi1>
    %eq3A_2701 = arith.xori %eq3A_2699, %eq3A_2700 : vector<512x128xi1>
    %broadcast_in_dim3A_2702 = vector.shape_cast %eq3A_2682 : vector<1x128xi1> to vector<1x128xi1>
    %broadcast_in_dim3A_2703 = vector.broadcast %broadcast_in_dim3A_2702 : vector<1x128xi1> to vector<512x128xi1>
    %select_n3A_2704 = arith.select %broadcast_in_dim3A_2703, %concatenate3A_2685, %concatenate3A_2688 : vector<512x128xi1>, vector<512x128xf32>
    %min3A_2705 = arith.minimumf %select_n3A_2676, %select_n3A_2704 : vector<512x128xf32>
    %max3A_2706 = arith.maximumf %select_n3A_2676, %select_n3A_2704 : vector<512x128xf32>
    %select_n3A_2707 = arith.select %eq3A_2701, %min3A_2705, %max3A_2706 : vector<512x128xi1>, vector<512x128xf32>
    %and3A_2708 = arith.constant 1 : i32
    %and3A_2709 = vector.broadcast %and3A_2708 : i32 to vector<1x128xi32>
    %and3A_2710 = arith.andi %iota3A, %and3A_2709 : vector<1x128xi32>
    %eq3A_2711 = arith.constant 0 : i32
    %eq3A_2712 = vector.broadcast %eq3A_2711 : i32 to vector<1x128xi32>
    %eq3A_2713 = arith.cmpi eq, %and3A_2710, %eq3A_2712 : vector<1x128xi32>
    %slice3A_2714 = vector.extract_strided_slice %select_n3A_2707 {offsets = [0, 1], sizes = [512, 127], strides = [1, 1]} : vector<512x128xf32> to vector<512x127xf32>
    %slice3A_2715 = vector.extract_strided_slice %select_n3A_2707 {offsets = [0, 0], sizes = [512, 1], strides = [1, 1]} : vector<512x128xf32> to vector<512x1xf32>
    %concatenate3A_2716 = tpu.concatenate %slice3A_2714, %slice3A_2715 in 1 : vector<512x127xf32>, vector<512x1xf32> -> vector<512x128xf32>
    %slice3A_2717 = vector.extract_strided_slice %select_n3A_2707 {offsets = [0, 127], sizes = [512, 1], strides = [1, 1]} : vector<512x128xf32> to vector<512x1xf32>
    %slice3A_2718 = vector.extract_strided_slice %select_n3A_2707 {offsets = [0, 0], sizes = [512, 127], strides = [1, 1]} : vector<512x128xf32> to vector<512x127xf32>
    %concatenate3A_2719 = tpu.concatenate %slice3A_2717, %slice3A_2718 in 1 : vector<512x1xf32>, vector<512x127xf32> -> vector<512x128xf32>
    %and3A_2720 = arith.constant 64 : i32
    %and3A_2721 = vector.broadcast %and3A_2720 : i32 to vector<512x1xi32>
    %and3A_2722 = arith.andi %iota3A_7, %and3A_2721 : vector<512x1xi32>
    %eq3A_2723 = arith.constant 0 : i32
    %eq3A_2724 = vector.broadcast %eq3A_2723 : i32 to vector<512x1xi32>
    %eq3A_2725 = arith.cmpi eq, %and3A_2722, %eq3A_2724 : vector<512x1xi32>
    %eq3A_2726 = vector.broadcast %eq3A_2713 : vector<1x128xi1> to vector<512x128xi1>
    %eq3A_2727 = vector.broadcast %eq3A_2725 : vector<512x1xi1> to vector<512x128xi1>
    %eq3A_2728 = vector.broadcast %eq3A_2726 : vector<512x128xi1> to vector<512x128xi1>
    %eq3A_2729 = vector.broadcast %eq3A_2727 : vector<512x128xi1> to vector<512x128xi1>
    %eq3A_2730 = arith.xori %eq3A_2728, %eq3A_2729 : vector<512x128xi1>
    %eq3A_2731 = arith.constant dense<true> : vector<512x128xi1>
    %eq3A_2732 = arith.xori %eq3A_2730, %eq3A_2731 : vector<512x128xi1>
    %broadcast_in_dim3A_2733 = vector.shape_cast %eq3A_2713 : vector<1x128xi1> to vector<1x128xi1>
    %broadcast_in_dim3A_2734 = vector.broadcast %broadcast_in_dim3A_2733 : vector<1x128xi1> to vector<512x128xi1>
    %select_n3A_2735 = arith.select %broadcast_in_dim3A_2734, %concatenate3A_2716, %concatenate3A_2719 : vector<512x128xi1>, vector<512x128xf32>
    %min3A_2736 = arith.minimumf %select_n3A_2707, %select_n3A_2735 : vector<512x128xf32>
    %max3A_2737 = arith.maximumf %select_n3A_2707, %select_n3A_2735 : vector<512x128xf32>
    %select_n3A_2738 = arith.select %eq3A_2732, %min3A_2736, %max3A_2737 : vector<512x128xi1>, vector<512x128xf32>
    %and3A_2739 = arith.constant 64 : i32
    %and3A_2740 = vector.broadcast %and3A_2739 : i32 to vector<512x1xi32>
    %and3A_2741 = arith.andi %iota3A_7, %and3A_2740 : vector<512x1xi32>
    %eq3A_2742 = arith.constant 0 : i32
    %eq3A_2743 = vector.broadcast %eq3A_2742 : i32 to vector<512x1xi32>
    %eq3A_2744 = arith.cmpi eq, %and3A_2741, %eq3A_2743 : vector<512x1xi32>
    %slice3A_2745 = vector.extract_strided_slice %select_n3A_2738 {offsets = [64, 0], sizes = [448, 128], strides = [1, 1]} : vector<512x128xf32> to vector<448x128xf32>
    %slice3A_2746 = vector.extract_strided_slice %select_n3A_2738 {offsets = [0, 0], sizes = [64, 128], strides = [1, 1]} : vector<512x128xf32> to vector<64x128xf32>
    %concatenate3A_2747 = tpu.concatenate %slice3A_2745, %slice3A_2746 in 0 : vector<448x128xf32>, vector<64x128xf32> -> vector<512x128xf32>
    %slice3A_2748 = vector.extract_strided_slice %select_n3A_2738 {offsets = [448, 0], sizes = [64, 128], strides = [1, 1]} : vector<512x128xf32> to vector<64x128xf32>
    %slice3A_2749 = vector.extract_strided_slice %select_n3A_2738 {offsets = [0, 0], sizes = [448, 128], strides = [1, 1]} : vector<512x128xf32> to vector<448x128xf32>
    %concatenate3A_2750 = tpu.concatenate %slice3A_2748, %slice3A_2749 in 0 : vector<64x128xf32>, vector<448x128xf32> -> vector<512x128xf32>
    %and3A_2751 = arith.constant 128 : i32
    %and3A_2752 = vector.broadcast %and3A_2751 : i32 to vector<512x1xi32>
    %and3A_2753 = arith.andi %iota3A_7, %and3A_2752 : vector<512x1xi32>
    %eq3A_2754 = arith.constant 0 : i32
    %eq3A_2755 = vector.broadcast %eq3A_2754 : i32 to vector<512x1xi32>
    %eq3A_2756 = arith.cmpi eq, %and3A_2753, %eq3A_2755 : vector<512x1xi32>
    %eq3A_2757 = arith.xori %eq3A_2744, %eq3A_2756 : vector<512x1xi1>
    %eq3A_2758 = arith.constant dense<true> : vector<512x1xi1>
    %eq3A_2759 = arith.xori %eq3A_2757, %eq3A_2758 : vector<512x1xi1>
    %broadcast_in_dim3A_2760 = vector.shape_cast %eq3A_2744 : vector<512x1xi1> to vector<512x1xi1>
    %broadcast_in_dim3A_2761 = vector.broadcast %broadcast_in_dim3A_2760 : vector<512x1xi1> to vector<512x128xi1>
    %select_n3A_2762 = arith.select %broadcast_in_dim3A_2761, %concatenate3A_2747, %concatenate3A_2750 : vector<512x128xi1>, vector<512x128xf32>
    %min3A_2763 = arith.minimumf %select_n3A_2738, %select_n3A_2762 : vector<512x128xf32>
    %max3A_2764 = arith.maximumf %select_n3A_2738, %select_n3A_2762 : vector<512x128xf32>
    %broadcast_in_dim3A_2765 = vector.shape_cast %eq3A_2759 : vector<512x1xi1> to vector<512x1xi1>
    %broadcast_in_dim3A_2766 = vector.broadcast %broadcast_in_dim3A_2765 : vector<512x1xi1> to vector<512x128xi1>
    %select_n3A_2767 = arith.select %broadcast_in_dim3A_2766, %min3A_2763, %max3A_2764 : vector<512x128xi1>, vector<512x128xf32>
    %and3A_2768 = arith.constant 32 : i32
    %and3A_2769 = vector.broadcast %and3A_2768 : i32 to vector<512x1xi32>
    %and3A_2770 = arith.andi %iota3A_7, %and3A_2769 : vector<512x1xi32>
    %eq3A_2771 = arith.constant 0 : i32
    %eq3A_2772 = vector.broadcast %eq3A_2771 : i32 to vector<512x1xi32>
    %eq3A_2773 = arith.cmpi eq, %and3A_2770, %eq3A_2772 : vector<512x1xi32>
    %slice3A_2774 = vector.extract_strided_slice %select_n3A_2767 {offsets = [32, 0], sizes = [480, 128], strides = [1, 1]} : vector<512x128xf32> to vector<480x128xf32>
    %slice3A_2775 = vector.extract_strided_slice %select_n3A_2767 {offsets = [0, 0], sizes = [32, 128], strides = [1, 1]} : vector<512x128xf32> to vector<32x128xf32>
    %concatenate3A_2776 = tpu.concatenate %slice3A_2774, %slice3A_2775 in 0 : vector<480x128xf32>, vector<32x128xf32> -> vector<512x128xf32>
    %slice3A_2777 = vector.extract_strided_slice %select_n3A_2767 {offsets = [480, 0], sizes = [32, 128], strides = [1, 1]} : vector<512x128xf32> to vector<32x128xf32>
    %slice3A_2778 = vector.extract_strided_slice %select_n3A_2767 {offsets = [0, 0], sizes = [480, 128], strides = [1, 1]} : vector<512x128xf32> to vector<480x128xf32>
    %concatenate3A_2779 = tpu.concatenate %slice3A_2777, %slice3A_2778 in 0 : vector<32x128xf32>, vector<480x128xf32> -> vector<512x128xf32>
    %and3A_2780 = arith.constant 128 : i32
    %and3A_2781 = vector.broadcast %and3A_2780 : i32 to vector<512x1xi32>
    %and3A_2782 = arith.andi %iota3A_7, %and3A_2781 : vector<512x1xi32>
    %eq3A_2783 = arith.constant 0 : i32
    %eq3A_2784 = vector.broadcast %eq3A_2783 : i32 to vector<512x1xi32>
    %eq3A_2785 = arith.cmpi eq, %and3A_2782, %eq3A_2784 : vector<512x1xi32>
    %eq3A_2786 = arith.xori %eq3A_2773, %eq3A_2785 : vector<512x1xi1>
    %eq3A_2787 = arith.constant dense<true> : vector<512x1xi1>
    %eq3A_2788 = arith.xori %eq3A_2786, %eq3A_2787 : vector<512x1xi1>
    %broadcast_in_dim3A_2789 = vector.shape_cast %eq3A_2773 : vector<512x1xi1> to vector<512x1xi1>
    %broadcast_in_dim3A_2790 = vector.broadcast %broadcast_in_dim3A_2789 : vector<512x1xi1> to vector<512x128xi1>
    %select_n3A_2791 = arith.select %broadcast_in_dim3A_2790, %concatenate3A_2776, %concatenate3A_2779 : vector<512x128xi1>, vector<512x128xf32>
    %min3A_2792 = arith.minimumf %select_n3A_2767, %select_n3A_2791 : vector<512x128xf32>
    %max3A_2793 = arith.maximumf %select_n3A_2767, %select_n3A_2791 : vector<512x128xf32>
    %broadcast_in_dim3A_2794 = vector.shape_cast %eq3A_2788 : vector<512x1xi1> to vector<512x1xi1>
    %broadcast_in_dim3A_2795 = vector.broadcast %broadcast_in_dim3A_2794 : vector<512x1xi1> to vector<512x128xi1>
    %select_n3A_2796 = arith.select %broadcast_in_dim3A_2795, %min3A_2792, %max3A_2793 : vector<512x128xi1>, vector<512x128xf32>
    %and3A_2797 = arith.constant 16 : i32
    %and3A_2798 = vector.broadcast %and3A_2797 : i32 to vector<512x1xi32>
    %and3A_2799 = arith.andi %iota3A_7, %and3A_2798 : vector<512x1xi32>
    %eq3A_2800 = arith.constant 0 : i32
    %eq3A_2801 = vector.broadcast %eq3A_2800 : i32 to vector<512x1xi32>
    %eq3A_2802 = arith.cmpi eq, %and3A_2799, %eq3A_2801 : vector<512x1xi32>
    %slice3A_2803 = vector.extract_strided_slice %select_n3A_2796 {offsets = [16, 0], sizes = [496, 128], strides = [1, 1]} : vector<512x128xf32> to vector<496x128xf32>
    %slice3A_2804 = vector.extract_strided_slice %select_n3A_2796 {offsets = [0, 0], sizes = [16, 128], strides = [1, 1]} : vector<512x128xf32> to vector<16x128xf32>
    %concatenate3A_2805 = tpu.concatenate %slice3A_2803, %slice3A_2804 in 0 : vector<496x128xf32>, vector<16x128xf32> -> vector<512x128xf32>
    %slice3A_2806 = vector.extract_strided_slice %select_n3A_2796 {offsets = [496, 0], sizes = [16, 128], strides = [1, 1]} : vector<512x128xf32> to vector<16x128xf32>
    %slice3A_2807 = vector.extract_strided_slice %select_n3A_2796 {offsets = [0, 0], sizes = [496, 128], strides = [1, 1]} : vector<512x128xf32> to vector<496x128xf32>
    %concatenate3A_2808 = tpu.concatenate %slice3A_2806, %slice3A_2807 in 0 : vector<16x128xf32>, vector<496x128xf32> -> vector<512x128xf32>
    %and3A_2809 = arith.constant 128 : i32
    %and3A_2810 = vector.broadcast %and3A_2809 : i32 to vector<512x1xi32>
    %and3A_2811 = arith.andi %iota3A_7, %and3A_2810 : vector<512x1xi32>
    %eq3A_2812 = arith.constant 0 : i32
    %eq3A_2813 = vector.broadcast %eq3A_2812 : i32 to vector<512x1xi32>
    %eq3A_2814 = arith.cmpi eq, %and3A_2811, %eq3A_2813 : vector<512x1xi32>
    %eq3A_2815 = arith.xori %eq3A_2802, %eq3A_2814 : vector<512x1xi1>
    %eq3A_2816 = arith.constant dense<true> : vector<512x1xi1>
    %eq3A_2817 = arith.xori %eq3A_2815, %eq3A_2816 : vector<512x1xi1>
    %broadcast_in_dim3A_2818 = vector.shape_cast %eq3A_2802 : vector<512x1xi1> to vector<512x1xi1>
    %broadcast_in_dim3A_2819 = vector.broadcast %broadcast_in_dim3A_2818 : vector<512x1xi1> to vector<512x128xi1>
    %select_n3A_2820 = arith.select %broadcast_in_dim3A_2819, %concatenate3A_2805, %concatenate3A_2808 : vector<512x128xi1>, vector<512x128xf32>
    %min3A_2821 = arith.minimumf %select_n3A_2796, %select_n3A_2820 : vector<512x128xf32>
    %max3A_2822 = arith.maximumf %select_n3A_2796, %select_n3A_2820 : vector<512x128xf32>
    %broadcast_in_dim3A_2823 = vector.shape_cast %eq3A_2817 : vector<512x1xi1> to vector<512x1xi1>
    %broadcast_in_dim3A_2824 = vector.broadcast %broadcast_in_dim3A_2823 : vector<512x1xi1> to vector<512x128xi1>
    %select_n3A_2825 = arith.select %broadcast_in_dim3A_2824, %min3A_2821, %max3A_2822 : vector<512x128xi1>, vector<512x128xf32>
    %and3A_2826 = arith.constant 8 : i32
    %and3A_2827 = vector.broadcast %and3A_2826 : i32 to vector<512x1xi32>
    %and3A_2828 = arith.andi %iota3A_7, %and3A_2827 : vector<512x1xi32>
    %eq3A_2829 = arith.constant 0 : i32
    %eq3A_2830 = vector.broadcast %eq3A_2829 : i32 to vector<512x1xi32>
    %eq3A_2831 = arith.cmpi eq, %and3A_2828, %eq3A_2830 : vector<512x1xi32>
    %slice3A_2832 = vector.extract_strided_slice %select_n3A_2825 {offsets = [8, 0], sizes = [504, 128], strides = [1, 1]} : vector<512x128xf32> to vector<504x128xf32>
    %slice3A_2833 = vector.extract_strided_slice %select_n3A_2825 {offsets = [0, 0], sizes = [8, 128], strides = [1, 1]} : vector<512x128xf32> to vector<8x128xf32>
    %concatenate3A_2834 = tpu.concatenate %slice3A_2832, %slice3A_2833 in 0 : vector<504x128xf32>, vector<8x128xf32> -> vector<512x128xf32>
    %slice3A_2835 = vector.extract_strided_slice %select_n3A_2825 {offsets = [504, 0], sizes = [8, 128], strides = [1, 1]} : vector<512x128xf32> to vector<8x128xf32>
    %slice3A_2836 = vector.extract_strided_slice %select_n3A_2825 {offsets = [0, 0], sizes = [504, 128], strides = [1, 1]} : vector<512x128xf32> to vector<504x128xf32>
    %concatenate3A_2837 = tpu.concatenate %slice3A_2835, %slice3A_2836 in 0 : vector<8x128xf32>, vector<504x128xf32> -> vector<512x128xf32>
    %and3A_2838 = arith.constant 128 : i32
    %and3A_2839 = vector.broadcast %and3A_2838 : i32 to vector<512x1xi32>
    %and3A_2840 = arith.andi %iota3A_7, %and3A_2839 : vector<512x1xi32>
    %eq3A_2841 = arith.constant 0 : i32
    %eq3A_2842 = vector.broadcast %eq3A_2841 : i32 to vector<512x1xi32>
    %eq3A_2843 = arith.cmpi eq, %and3A_2840, %eq3A_2842 : vector<512x1xi32>
    %eq3A_2844 = arith.xori %eq3A_2831, %eq3A_2843 : vector<512x1xi1>
    %eq3A_2845 = arith.constant dense<true> : vector<512x1xi1>
    %eq3A_2846 = arith.xori %eq3A_2844, %eq3A_2845 : vector<512x1xi1>
    %broadcast_in_dim3A_2847 = vector.shape_cast %eq3A_2831 : vector<512x1xi1> to vector<512x1xi1>
    %broadcast_in_dim3A_2848 = vector.broadcast %broadcast_in_dim3A_2847 : vector<512x1xi1> to vector<512x128xi1>
    %select_n3A_2849 = arith.select %broadcast_in_dim3A_2848, %concatenate3A_2834, %concatenate3A_2837 : vector<512x128xi1>, vector<512x128xf32>
    %min3A_2850 = arith.minimumf %select_n3A_2825, %select_n3A_2849 : vector<512x128xf32>
    %max3A_2851 = arith.maximumf %select_n3A_2825, %select_n3A_2849 : vector<512x128xf32>
    %broadcast_in_dim3A_2852 = vector.shape_cast %eq3A_2846 : vector<512x1xi1> to vector<512x1xi1>
    %broadcast_in_dim3A_2853 = vector.broadcast %broadcast_in_dim3A_2852 : vector<512x1xi1> to vector<512x128xi1>
    %select_n3A_2854 = arith.select %broadcast_in_dim3A_2853, %min3A_2850, %max3A_2851 : vector<512x128xi1>, vector<512x128xf32>
    %and3A_2855 = arith.constant 4 : i32
    %and3A_2856 = vector.broadcast %and3A_2855 : i32 to vector<512x1xi32>
    %and3A_2857 = arith.andi %iota3A_7, %and3A_2856 : vector<512x1xi32>
    %eq3A_2858 = arith.constant 0 : i32
    %eq3A_2859 = vector.broadcast %eq3A_2858 : i32 to vector<512x1xi32>
    %eq3A_2860 = arith.cmpi eq, %and3A_2857, %eq3A_2859 : vector<512x1xi32>
    %slice3A_2861 = vector.extract_strided_slice %select_n3A_2854 {offsets = [4, 0], sizes = [508, 128], strides = [1, 1]} : vector<512x128xf32> to vector<508x128xf32>
    %slice3A_2862 = vector.extract_strided_slice %select_n3A_2854 {offsets = [0, 0], sizes = [4, 128], strides = [1, 1]} : vector<512x128xf32> to vector<4x128xf32>
    %concatenate3A_2863 = tpu.concatenate %slice3A_2861, %slice3A_2862 in 0 : vector<508x128xf32>, vector<4x128xf32> -> vector<512x128xf32>
    %slice3A_2864 = vector.extract_strided_slice %select_n3A_2854 {offsets = [508, 0], sizes = [4, 128], strides = [1, 1]} : vector<512x128xf32> to vector<4x128xf32>
    %slice3A_2865 = vector.extract_strided_slice %select_n3A_2854 {offsets = [0, 0], sizes = [508, 128], strides = [1, 1]} : vector<512x128xf32> to vector<508x128xf32>
    %concatenate3A_2866 = tpu.concatenate %slice3A_2864, %slice3A_2865 in 0 : vector<4x128xf32>, vector<508x128xf32> -> vector<512x128xf32>
    %and3A_2867 = arith.constant 128 : i32
    %and3A_2868 = vector.broadcast %and3A_2867 : i32 to vector<512x1xi32>
    %and3A_2869 = arith.andi %iota3A_7, %and3A_2868 : vector<512x1xi32>
    %eq3A_2870 = arith.constant 0 : i32
    %eq3A_2871 = vector.broadcast %eq3A_2870 : i32 to vector<512x1xi32>
    %eq3A_2872 = arith.cmpi eq, %and3A_2869, %eq3A_2871 : vector<512x1xi32>
    %eq3A_2873 = arith.xori %eq3A_2860, %eq3A_2872 : vector<512x1xi1>
    %eq3A_2874 = arith.constant dense<true> : vector<512x1xi1>
    %eq3A_2875 = arith.xori %eq3A_2873, %eq3A_2874 : vector<512x1xi1>
    %broadcast_in_dim3A_2876 = vector.shape_cast %eq3A_2860 : vector<512x1xi1> to vector<512x1xi1>
    %broadcast_in_dim3A_2877 = vector.broadcast %broadcast_in_dim3A_2876 : vector<512x1xi1> to vector<512x128xi1>
    %select_n3A_2878 = arith.select %broadcast_in_dim3A_2877, %concatenate3A_2863, %concatenate3A_2866 : vector<512x128xi1>, vector<512x128xf32>
    %min3A_2879 = arith.minimumf %select_n3A_2854, %select_n3A_2878 : vector<512x128xf32>
    %max3A_2880 = arith.maximumf %select_n3A_2854, %select_n3A_2878 : vector<512x128xf32>
    %broadcast_in_dim3A_2881 = vector.shape_cast %eq3A_2875 : vector<512x1xi1> to vector<512x1xi1>
    %broadcast_in_dim3A_2882 = vector.broadcast %broadcast_in_dim3A_2881 : vector<512x1xi1> to vector<512x128xi1>
    %select_n3A_2883 = arith.select %broadcast_in_dim3A_2882, %min3A_2879, %max3A_2880 : vector<512x128xi1>, vector<512x128xf32>
    %and3A_2884 = arith.constant 2 : i32
    %and3A_2885 = vector.broadcast %and3A_2884 : i32 to vector<512x1xi32>
    %and3A_2886 = arith.andi %iota3A_7, %and3A_2885 : vector<512x1xi32>
    %eq3A_2887 = arith.constant 0 : i32
    %eq3A_2888 = vector.broadcast %eq3A_2887 : i32 to vector<512x1xi32>
    %eq3A_2889 = arith.cmpi eq, %and3A_2886, %eq3A_2888 : vector<512x1xi32>
    %slice3A_2890 = vector.extract_strided_slice %select_n3A_2883 {offsets = [2, 0], sizes = [510, 128], strides = [1, 1]} : vector<512x128xf32> to vector<510x128xf32>
    %slice3A_2891 = vector.extract_strided_slice %select_n3A_2883 {offsets = [0, 0], sizes = [2, 128], strides = [1, 1]} : vector<512x128xf32> to vector<2x128xf32>
    %concatenate3A_2892 = tpu.concatenate %slice3A_2890, %slice3A_2891 in 0 : vector<510x128xf32>, vector<2x128xf32> -> vector<512x128xf32>
    %slice3A_2893 = vector.extract_strided_slice %select_n3A_2883 {offsets = [510, 0], sizes = [2, 128], strides = [1, 1]} : vector<512x128xf32> to vector<2x128xf32>
    %slice3A_2894 = vector.extract_strided_slice %select_n3A_2883 {offsets = [0, 0], sizes = [510, 128], strides = [1, 1]} : vector<512x128xf32> to vector<510x128xf32>
    %concatenate3A_2895 = tpu.concatenate %slice3A_2893, %slice3A_2894 in 0 : vector<2x128xf32>, vector<510x128xf32> -> vector<512x128xf32>
    %and3A_2896 = arith.constant 128 : i32
    %and3A_2897 = vector.broadcast %and3A_2896 : i32 to vector<512x1xi32>
    %and3A_2898 = arith.andi %iota3A_7, %and3A_2897 : vector<512x1xi32>
    %eq3A_2899 = arith.constant 0 : i32
    %eq3A_2900 = vector.broadcast %eq3A_2899 : i32 to vector<512x1xi32>
    %eq3A_2901 = arith.cmpi eq, %and3A_2898, %eq3A_2900 : vector<512x1xi32>
    %eq3A_2902 = arith.xori %eq3A_2889, %eq3A_2901 : vector<512x1xi1>
    %eq3A_2903 = arith.constant dense<true> : vector<512x1xi1>
    %eq3A_2904 = arith.xori %eq3A_2902, %eq3A_2903 : vector<512x1xi1>
    %broadcast_in_dim3A_2905 = vector.shape_cast %eq3A_2889 : vector<512x1xi1> to vector<512x1xi1>
    %broadcast_in_dim3A_2906 = vector.broadcast %broadcast_in_dim3A_2905 : vector<512x1xi1> to vector<512x128xi1>
    %select_n3A_2907 = arith.select %broadcast_in_dim3A_2906, %concatenate3A_2892, %concatenate3A_2895 : vector<512x128xi1>, vector<512x128xf32>
    %min3A_2908 = arith.minimumf %select_n3A_2883, %select_n3A_2907 : vector<512x128xf32>
    %max3A_2909 = arith.maximumf %select_n3A_2883, %select_n3A_2907 : vector<512x128xf32>
    %broadcast_in_dim3A_2910 = vector.shape_cast %eq3A_2904 : vector<512x1xi1> to vector<512x1xi1>
    %broadcast_in_dim3A_2911 = vector.broadcast %broadcast_in_dim3A_2910 : vector<512x1xi1> to vector<512x128xi1>
    %select_n3A_2912 = arith.select %broadcast_in_dim3A_2911, %min3A_2908, %max3A_2909 : vector<512x128xi1>, vector<512x128xf32>
    %and3A_2913 = arith.constant 1 : i32
    %and3A_2914 = vector.broadcast %and3A_2913 : i32 to vector<512x1xi32>
    %and3A_2915 = arith.andi %iota3A_7, %and3A_2914 : vector<512x1xi32>
    %eq3A_2916 = arith.constant 0 : i32
    %eq3A_2917 = vector.broadcast %eq3A_2916 : i32 to vector<512x1xi32>
    %eq3A_2918 = arith.cmpi eq, %and3A_2915, %eq3A_2917 : vector<512x1xi32>
    %slice3A_2919 = vector.extract_strided_slice %select_n3A_2912 {offsets = [1, 0], sizes = [511, 128], strides = [1, 1]} : vector<512x128xf32> to vector<511x128xf32>
    %slice3A_2920 = vector.extract_strided_slice %select_n3A_2912 {offsets = [0, 0], sizes = [1, 128], strides = [1, 1]} : vector<512x128xf32> to vector<1x128xf32>
    %concatenate3A_2921 = tpu.concatenate %slice3A_2919, %slice3A_2920 in 0 : vector<511x128xf32>, vector<1x128xf32> -> vector<512x128xf32>
    %slice3A_2922 = vector.extract_strided_slice %select_n3A_2912 {offsets = [511, 0], sizes = [1, 128], strides = [1, 1]} : vector<512x128xf32> to vector<1x128xf32>
    %slice3A_2923 = vector.extract_strided_slice %select_n3A_2912 {offsets = [0, 0], sizes = [511, 128], strides = [1, 1]} : vector<512x128xf32> to vector<511x128xf32>
    %concatenate3A_2924 = tpu.concatenate %slice3A_2922, %slice3A_2923 in 0 : vector<1x128xf32>, vector<511x128xf32> -> vector<512x128xf32>
    %and3A_2925 = arith.constant 128 : i32
    %and3A_2926 = vector.broadcast %and3A_2925 : i32 to vector<512x1xi32>
    %and3A_2927 = arith.andi %iota3A_7, %and3A_2926 : vector<512x1xi32>
    %eq3A_2928 = arith.constant 0 : i32
    %eq3A_2929 = vector.broadcast %eq3A_2928 : i32 to vector<512x1xi32>
    %eq3A_2930 = arith.cmpi eq, %and3A_2927, %eq3A_2929 : vector<512x1xi32>
    %eq3A_2931 = arith.xori %eq3A_2918, %eq3A_2930 : vector<512x1xi1>
    %eq3A_2932 = arith.constant dense<true> : vector<512x1xi1>
    %eq3A_2933 = arith.xori %eq3A_2931, %eq3A_2932 : vector<512x1xi1>
    %broadcast_in_dim3A_2934 = vector.shape_cast %eq3A_2918 : vector<512x1xi1> to vector<512x1xi1>
    %broadcast_in_dim3A_2935 = vector.broadcast %broadcast_in_dim3A_2934 : vector<512x1xi1> to vector<512x128xi1>
    %select_n3A_2936 = arith.select %broadcast_in_dim3A_2935, %concatenate3A_2921, %concatenate3A_2924 : vector<512x128xi1>, vector<512x128xf32>
    %min3A_2937 = arith.minimumf %select_n3A_2912, %select_n3A_2936 : vector<512x128xf32>
    %max3A_2938 = arith.maximumf %select_n3A_2912, %select_n3A_2936 : vector<512x128xf32>
    %broadcast_in_dim3A_2939 = vector.shape_cast %eq3A_2933 : vector<512x1xi1> to vector<512x1xi1>
    %broadcast_in_dim3A_2940 = vector.broadcast %broadcast_in_dim3A_2939 : vector<512x1xi1> to vector<512x128xi1>
    %select_n3A_2941 = arith.select %broadcast_in_dim3A_2940, %min3A_2937, %max3A_2938 : vector<512x128xi1>, vector<512x128xf32>
    %and3A_2942 = arith.constant 64 : i32
    %and3A_2943 = vector.broadcast %and3A_2942 : i32 to vector<1x128xi32>
    %and3A_2944 = arith.andi %iota3A, %and3A_2943 : vector<1x128xi32>
    %eq3A_2945 = arith.constant 0 : i32
    %eq3A_2946 = vector.broadcast %eq3A_2945 : i32 to vector<1x128xi32>
    %eq3A_2947 = arith.cmpi eq, %and3A_2944, %eq3A_2946 : vector<1x128xi32>
    %slice3A_2948 = vector.extract_strided_slice %select_n3A_2941 {offsets = [0, 64], sizes = [512, 64], strides = [1, 1]} : vector<512x128xf32> to vector<512x64xf32>
    %slice3A_2949 = vector.extract_strided_slice %select_n3A_2941 {offsets = [0, 0], sizes = [512, 64], strides = [1, 1]} : vector<512x128xf32> to vector<512x64xf32>
    %concatenate3A_2950 = tpu.concatenate %slice3A_2948, %slice3A_2949 in 1 : vector<512x64xf32>, vector<512x64xf32> -> vector<512x128xf32>
    %slice3A_2951 = vector.extract_strided_slice %select_n3A_2941 {offsets = [0, 64], sizes = [512, 64], strides = [1, 1]} : vector<512x128xf32> to vector<512x64xf32>
    %slice3A_2952 = vector.extract_strided_slice %select_n3A_2941 {offsets = [0, 0], sizes = [512, 64], strides = [1, 1]} : vector<512x128xf32> to vector<512x64xf32>
    %concatenate3A_2953 = tpu.concatenate %slice3A_2951, %slice3A_2952 in 1 : vector<512x64xf32>, vector<512x64xf32> -> vector<512x128xf32>
    %and3A_2954 = arith.constant 128 : i32
    %and3A_2955 = vector.broadcast %and3A_2954 : i32 to vector<512x1xi32>
    %and3A_2956 = arith.andi %iota3A_7, %and3A_2955 : vector<512x1xi32>
    %eq3A_2957 = arith.constant 0 : i32
    %eq3A_2958 = vector.broadcast %eq3A_2957 : i32 to vector<512x1xi32>
    %eq3A_2959 = arith.cmpi eq, %and3A_2956, %eq3A_2958 : vector<512x1xi32>
    %eq3A_2960 = vector.broadcast %eq3A_2947 : vector<1x128xi1> to vector<512x128xi1>
    %eq3A_2961 = vector.broadcast %eq3A_2959 : vector<512x1xi1> to vector<512x128xi1>
    %eq3A_2962 = vector.broadcast %eq3A_2960 : vector<512x128xi1> to vector<512x128xi1>
    %eq3A_2963 = vector.broadcast %eq3A_2961 : vector<512x128xi1> to vector<512x128xi1>
    %eq3A_2964 = arith.xori %eq3A_2962, %eq3A_2963 : vector<512x128xi1>
    %eq3A_2965 = arith.constant dense<true> : vector<512x128xi1>
    %eq3A_2966 = arith.xori %eq3A_2964, %eq3A_2965 : vector<512x128xi1>
    %broadcast_in_dim3A_2967 = vector.shape_cast %eq3A_2947 : vector<1x128xi1> to vector<1x128xi1>
    %broadcast_in_dim3A_2968 = vector.broadcast %broadcast_in_dim3A_2967 : vector<1x128xi1> to vector<512x128xi1>
    %select_n3A_2969 = arith.select %broadcast_in_dim3A_2968, %concatenate3A_2950, %concatenate3A_2953 : vector<512x128xi1>, vector<512x128xf32>
    %min3A_2970 = arith.minimumf %select_n3A_2941, %select_n3A_2969 : vector<512x128xf32>
    %max3A_2971 = arith.maximumf %select_n3A_2941, %select_n3A_2969 : vector<512x128xf32>
    %select_n3A_2972 = arith.select %eq3A_2966, %min3A_2970, %max3A_2971 : vector<512x128xi1>, vector<512x128xf32>
    %and3A_2973 = arith.constant 32 : i32
    %and3A_2974 = vector.broadcast %and3A_2973 : i32 to vector<1x128xi32>
    %and3A_2975 = arith.andi %iota3A, %and3A_2974 : vector<1x128xi32>
    %eq3A_2976 = arith.constant 0 : i32
    %eq3A_2977 = vector.broadcast %eq3A_2976 : i32 to vector<1x128xi32>
    %eq3A_2978 = arith.cmpi eq, %and3A_2975, %eq3A_2977 : vector<1x128xi32>
    %slice3A_2979 = vector.extract_strided_slice %select_n3A_2972 {offsets = [0, 32], sizes = [512, 96], strides = [1, 1]} : vector<512x128xf32> to vector<512x96xf32>
    %slice3A_2980 = vector.extract_strided_slice %select_n3A_2972 {offsets = [0, 0], sizes = [512, 32], strides = [1, 1]} : vector<512x128xf32> to vector<512x32xf32>
    %concatenate3A_2981 = tpu.concatenate %slice3A_2979, %slice3A_2980 in 1 : vector<512x96xf32>, vector<512x32xf32> -> vector<512x128xf32>
    %slice3A_2982 = vector.extract_strided_slice %select_n3A_2972 {offsets = [0, 96], sizes = [512, 32], strides = [1, 1]} : vector<512x128xf32> to vector<512x32xf32>
    %slice3A_2983 = vector.extract_strided_slice %select_n3A_2972 {offsets = [0, 0], sizes = [512, 96], strides = [1, 1]} : vector<512x128xf32> to vector<512x96xf32>
    %concatenate3A_2984 = tpu.concatenate %slice3A_2982, %slice3A_2983 in 1 : vector<512x32xf32>, vector<512x96xf32> -> vector<512x128xf32>
    %and3A_2985 = arith.constant 128 : i32
    %and3A_2986 = vector.broadcast %and3A_2985 : i32 to vector<512x1xi32>
    %and3A_2987 = arith.andi %iota3A_7, %and3A_2986 : vector<512x1xi32>
    %eq3A_2988 = arith.constant 0 : i32
    %eq3A_2989 = vector.broadcast %eq3A_2988 : i32 to vector<512x1xi32>
    %eq3A_2990 = arith.cmpi eq, %and3A_2987, %eq3A_2989 : vector<512x1xi32>
    %eq3A_2991 = vector.broadcast %eq3A_2978 : vector<1x128xi1> to vector<512x128xi1>
    %eq3A_2992 = vector.broadcast %eq3A_2990 : vector<512x1xi1> to vector<512x128xi1>
    %eq3A_2993 = vector.broadcast %eq3A_2991 : vector<512x128xi1> to vector<512x128xi1>
    %eq3A_2994 = vector.broadcast %eq3A_2992 : vector<512x128xi1> to vector<512x128xi1>
    %eq3A_2995 = arith.xori %eq3A_2993, %eq3A_2994 : vector<512x128xi1>
    %eq3A_2996 = arith.constant dense<true> : vector<512x128xi1>
    %eq3A_2997 = arith.xori %eq3A_2995, %eq3A_2996 : vector<512x128xi1>
    %broadcast_in_dim3A_2998 = vector.shape_cast %eq3A_2978 : vector<1x128xi1> to vector<1x128xi1>
    %broadcast_in_dim3A_2999 = vector.broadcast %broadcast_in_dim3A_2998 : vector<1x128xi1> to vector<512x128xi1>
    %select_n3A_3000 = arith.select %broadcast_in_dim3A_2999, %concatenate3A_2981, %concatenate3A_2984 : vector<512x128xi1>, vector<512x128xf32>
    %min3A_3001 = arith.minimumf %select_n3A_2972, %select_n3A_3000 : vector<512x128xf32>
    %max3A_3002 = arith.maximumf %select_n3A_2972, %select_n3A_3000 : vector<512x128xf32>
    %select_n3A_3003 = arith.select %eq3A_2997, %min3A_3001, %max3A_3002 : vector<512x128xi1>, vector<512x128xf32>
    %and3A_3004 = arith.constant 16 : i32
    %and3A_3005 = vector.broadcast %and3A_3004 : i32 to vector<1x128xi32>
    %and3A_3006 = arith.andi %iota3A, %and3A_3005 : vector<1x128xi32>
    %eq3A_3007 = arith.constant 0 : i32
    %eq3A_3008 = vector.broadcast %eq3A_3007 : i32 to vector<1x128xi32>
    %eq3A_3009 = arith.cmpi eq, %and3A_3006, %eq3A_3008 : vector<1x128xi32>
    %slice3A_3010 = vector.extract_strided_slice %select_n3A_3003 {offsets = [0, 16], sizes = [512, 112], strides = [1, 1]} : vector<512x128xf32> to vector<512x112xf32>
    %slice3A_3011 = vector.extract_strided_slice %select_n3A_3003 {offsets = [0, 0], sizes = [512, 16], strides = [1, 1]} : vector<512x128xf32> to vector<512x16xf32>
    %concatenate3A_3012 = tpu.concatenate %slice3A_3010, %slice3A_3011 in 1 : vector<512x112xf32>, vector<512x16xf32> -> vector<512x128xf32>
    %slice3A_3013 = vector.extract_strided_slice %select_n3A_3003 {offsets = [0, 112], sizes = [512, 16], strides = [1, 1]} : vector<512x128xf32> to vector<512x16xf32>
    %slice3A_3014 = vector.extract_strided_slice %select_n3A_3003 {offsets = [0, 0], sizes = [512, 112], strides = [1, 1]} : vector<512x128xf32> to vector<512x112xf32>
    %concatenate3A_3015 = tpu.concatenate %slice3A_3013, %slice3A_3014 in 1 : vector<512x16xf32>, vector<512x112xf32> -> vector<512x128xf32>
    %and3A_3016 = arith.constant 128 : i32
    %and3A_3017 = vector.broadcast %and3A_3016 : i32 to vector<512x1xi32>
    %and3A_3018 = arith.andi %iota3A_7, %and3A_3017 : vector<512x1xi32>
    %eq3A_3019 = arith.constant 0 : i32
    %eq3A_3020 = vector.broadcast %eq3A_3019 : i32 to vector<512x1xi32>
    %eq3A_3021 = arith.cmpi eq, %and3A_3018, %eq3A_3020 : vector<512x1xi32>
    %eq3A_3022 = vector.broadcast %eq3A_3009 : vector<1x128xi1> to vector<512x128xi1>
    %eq3A_3023 = vector.broadcast %eq3A_3021 : vector<512x1xi1> to vector<512x128xi1>
    %eq3A_3024 = vector.broadcast %eq3A_3022 : vector<512x128xi1> to vector<512x128xi1>
    %eq3A_3025 = vector.broadcast %eq3A_3023 : vector<512x128xi1> to vector<512x128xi1>
    %eq3A_3026 = arith.xori %eq3A_3024, %eq3A_3025 : vector<512x128xi1>
    %eq3A_3027 = arith.constant dense<true> : vector<512x128xi1>
    %eq3A_3028 = arith.xori %eq3A_3026, %eq3A_3027 : vector<512x128xi1>
    %broadcast_in_dim3A_3029 = vector.shape_cast %eq3A_3009 : vector<1x128xi1> to vector<1x128xi1>
    %broadcast_in_dim3A_3030 = vector.broadcast %broadcast_in_dim3A_3029 : vector<1x128xi1> to vector<512x128xi1>
    %select_n3A_3031 = arith.select %broadcast_in_dim3A_3030, %concatenate3A_3012, %concatenate3A_3015 : vector<512x128xi1>, vector<512x128xf32>
    %min3A_3032 = arith.minimumf %select_n3A_3003, %select_n3A_3031 : vector<512x128xf32>
    %max3A_3033 = arith.maximumf %select_n3A_3003, %select_n3A_3031 : vector<512x128xf32>
    %select_n3A_3034 = arith.select %eq3A_3028, %min3A_3032, %max3A_3033 : vector<512x128xi1>, vector<512x128xf32>
    %and3A_3035 = arith.constant 8 : i32
    %and3A_3036 = vector.broadcast %and3A_3035 : i32 to vector<1x128xi32>
    %and3A_3037 = arith.andi %iota3A, %and3A_3036 : vector<1x128xi32>
    %eq3A_3038 = arith.constant 0 : i32
    %eq3A_3039 = vector.broadcast %eq3A_3038 : i32 to vector<1x128xi32>
    %eq3A_3040 = arith.cmpi eq, %and3A_3037, %eq3A_3039 : vector<1x128xi32>
    %slice3A_3041 = vector.extract_strided_slice %select_n3A_3034 {offsets = [0, 8], sizes = [512, 120], strides = [1, 1]} : vector<512x128xf32> to vector<512x120xf32>
    %slice3A_3042 = vector.extract_strided_slice %select_n3A_3034 {offsets = [0, 0], sizes = [512, 8], strides = [1, 1]} : vector<512x128xf32> to vector<512x8xf32>
    %concatenate3A_3043 = tpu.concatenate %slice3A_3041, %slice3A_3042 in 1 : vector<512x120xf32>, vector<512x8xf32> -> vector<512x128xf32>
    %slice3A_3044 = vector.extract_strided_slice %select_n3A_3034 {offsets = [0, 120], sizes = [512, 8], strides = [1, 1]} : vector<512x128xf32> to vector<512x8xf32>
    %slice3A_3045 = vector.extract_strided_slice %select_n3A_3034 {offsets = [0, 0], sizes = [512, 120], strides = [1, 1]} : vector<512x128xf32> to vector<512x120xf32>
    %concatenate3A_3046 = tpu.concatenate %slice3A_3044, %slice3A_3045 in 1 : vector<512x8xf32>, vector<512x120xf32> -> vector<512x128xf32>
    %and3A_3047 = arith.constant 128 : i32
    %and3A_3048 = vector.broadcast %and3A_3047 : i32 to vector<512x1xi32>
    %and3A_3049 = arith.andi %iota3A_7, %and3A_3048 : vector<512x1xi32>
    %eq3A_3050 = arith.constant 0 : i32
    %eq3A_3051 = vector.broadcast %eq3A_3050 : i32 to vector<512x1xi32>
    %eq3A_3052 = arith.cmpi eq, %and3A_3049, %eq3A_3051 : vector<512x1xi32>
    %eq3A_3053 = vector.broadcast %eq3A_3040 : vector<1x128xi1> to vector<512x128xi1>
    %eq3A_3054 = vector.broadcast %eq3A_3052 : vector<512x1xi1> to vector<512x128xi1>
    %eq3A_3055 = vector.broadcast %eq3A_3053 : vector<512x128xi1> to vector<512x128xi1>
    %eq3A_3056 = vector.broadcast %eq3A_3054 : vector<512x128xi1> to vector<512x128xi1>
    %eq3A_3057 = arith.xori %eq3A_3055, %eq3A_3056 : vector<512x128xi1>
    %eq3A_3058 = arith.constant dense<true> : vector<512x128xi1>
    %eq3A_3059 = arith.xori %eq3A_3057, %eq3A_3058 : vector<512x128xi1>
    %broadcast_in_dim3A_3060 = vector.shape_cast %eq3A_3040 : vector<1x128xi1> to vector<1x128xi1>
    %broadcast_in_dim3A_3061 = vector.broadcast %broadcast_in_dim3A_3060 : vector<1x128xi1> to vector<512x128xi1>
    %select_n3A_3062 = arith.select %broadcast_in_dim3A_3061, %concatenate3A_3043, %concatenate3A_3046 : vector<512x128xi1>, vector<512x128xf32>
    %min3A_3063 = arith.minimumf %select_n3A_3034, %select_n3A_3062 : vector<512x128xf32>
    %max3A_3064 = arith.maximumf %select_n3A_3034, %select_n3A_3062 : vector<512x128xf32>
    %select_n3A_3065 = arith.select %eq3A_3059, %min3A_3063, %max3A_3064 : vector<512x128xi1>, vector<512x128xf32>
    %and3A_3066 = arith.constant 4 : i32
    %and3A_3067 = vector.broadcast %and3A_3066 : i32 to vector<1x128xi32>
    %and3A_3068 = arith.andi %iota3A, %and3A_3067 : vector<1x128xi32>
    %eq3A_3069 = arith.constant 0 : i32
    %eq3A_3070 = vector.broadcast %eq3A_3069 : i32 to vector<1x128xi32>
    %eq3A_3071 = arith.cmpi eq, %and3A_3068, %eq3A_3070 : vector<1x128xi32>
    %slice3A_3072 = vector.extract_strided_slice %select_n3A_3065 {offsets = [0, 4], sizes = [512, 124], strides = [1, 1]} : vector<512x128xf32> to vector<512x124xf32>
    %slice3A_3073 = vector.extract_strided_slice %select_n3A_3065 {offsets = [0, 0], sizes = [512, 4], strides = [1, 1]} : vector<512x128xf32> to vector<512x4xf32>
    %concatenate3A_3074 = tpu.concatenate %slice3A_3072, %slice3A_3073 in 1 : vector<512x124xf32>, vector<512x4xf32> -> vector<512x128xf32>
    %slice3A_3075 = vector.extract_strided_slice %select_n3A_3065 {offsets = [0, 124], sizes = [512, 4], strides = [1, 1]} : vector<512x128xf32> to vector<512x4xf32>
    %slice3A_3076 = vector.extract_strided_slice %select_n3A_3065 {offsets = [0, 0], sizes = [512, 124], strides = [1, 1]} : vector<512x128xf32> to vector<512x124xf32>
    %concatenate3A_3077 = tpu.concatenate %slice3A_3075, %slice3A_3076 in 1 : vector<512x4xf32>, vector<512x124xf32> -> vector<512x128xf32>
    %and3A_3078 = arith.constant 128 : i32
    %and3A_3079 = vector.broadcast %and3A_3078 : i32 to vector<512x1xi32>
    %and3A_3080 = arith.andi %iota3A_7, %and3A_3079 : vector<512x1xi32>
    %eq3A_3081 = arith.constant 0 : i32
    %eq3A_3082 = vector.broadcast %eq3A_3081 : i32 to vector<512x1xi32>
    %eq3A_3083 = arith.cmpi eq, %and3A_3080, %eq3A_3082 : vector<512x1xi32>
    %eq3A_3084 = vector.broadcast %eq3A_3071 : vector<1x128xi1> to vector<512x128xi1>
    %eq3A_3085 = vector.broadcast %eq3A_3083 : vector<512x1xi1> to vector<512x128xi1>
    %eq3A_3086 = vector.broadcast %eq3A_3084 : vector<512x128xi1> to vector<512x128xi1>
    %eq3A_3087 = vector.broadcast %eq3A_3085 : vector<512x128xi1> to vector<512x128xi1>
    %eq3A_3088 = arith.xori %eq3A_3086, %eq3A_3087 : vector<512x128xi1>
    %eq3A_3089 = arith.constant dense<true> : vector<512x128xi1>
    %eq3A_3090 = arith.xori %eq3A_3088, %eq3A_3089 : vector<512x128xi1>
    %broadcast_in_dim3A_3091 = vector.shape_cast %eq3A_3071 : vector<1x128xi1> to vector<1x128xi1>
    %broadcast_in_dim3A_3092 = vector.broadcast %broadcast_in_dim3A_3091 : vector<1x128xi1> to vector<512x128xi1>
    %select_n3A_3093 = arith.select %broadcast_in_dim3A_3092, %concatenate3A_3074, %concatenate3A_3077 : vector<512x128xi1>, vector<512x128xf32>
    %min3A_3094 = arith.minimumf %select_n3A_3065, %select_n3A_3093 : vector<512x128xf32>
    %max3A_3095 = arith.maximumf %select_n3A_3065, %select_n3A_3093 : vector<512x128xf32>
    %select_n3A_3096 = arith.select %eq3A_3090, %min3A_3094, %max3A_3095 : vector<512x128xi1>, vector<512x128xf32>
    %and3A_3097 = arith.constant 2 : i32
    %and3A_3098 = vector.broadcast %and3A_3097 : i32 to vector<1x128xi32>
    %and3A_3099 = arith.andi %iota3A, %and3A_3098 : vector<1x128xi32>
    %eq3A_3100 = arith.constant 0 : i32
    %eq3A_3101 = vector.broadcast %eq3A_3100 : i32 to vector<1x128xi32>
    %eq3A_3102 = arith.cmpi eq, %and3A_3099, %eq3A_3101 : vector<1x128xi32>
    %slice3A_3103 = vector.extract_strided_slice %select_n3A_3096 {offsets = [0, 2], sizes = [512, 126], strides = [1, 1]} : vector<512x128xf32> to vector<512x126xf32>
    %slice3A_3104 = vector.extract_strided_slice %select_n3A_3096 {offsets = [0, 0], sizes = [512, 2], strides = [1, 1]} : vector<512x128xf32> to vector<512x2xf32>
    %concatenate3A_3105 = tpu.concatenate %slice3A_3103, %slice3A_3104 in 1 : vector<512x126xf32>, vector<512x2xf32> -> vector<512x128xf32>
    %slice3A_3106 = vector.extract_strided_slice %select_n3A_3096 {offsets = [0, 126], sizes = [512, 2], strides = [1, 1]} : vector<512x128xf32> to vector<512x2xf32>
    %slice3A_3107 = vector.extract_strided_slice %select_n3A_3096 {offsets = [0, 0], sizes = [512, 126], strides = [1, 1]} : vector<512x128xf32> to vector<512x126xf32>
    %concatenate3A_3108 = tpu.concatenate %slice3A_3106, %slice3A_3107 in 1 : vector<512x2xf32>, vector<512x126xf32> -> vector<512x128xf32>
    %and3A_3109 = arith.constant 128 : i32
    %and3A_3110 = vector.broadcast %and3A_3109 : i32 to vector<512x1xi32>
    %and3A_3111 = arith.andi %iota3A_7, %and3A_3110 : vector<512x1xi32>
    %eq3A_3112 = arith.constant 0 : i32
    %eq3A_3113 = vector.broadcast %eq3A_3112 : i32 to vector<512x1xi32>
    %eq3A_3114 = arith.cmpi eq, %and3A_3111, %eq3A_3113 : vector<512x1xi32>
    %eq3A_3115 = vector.broadcast %eq3A_3102 : vector<1x128xi1> to vector<512x128xi1>
    %eq3A_3116 = vector.broadcast %eq3A_3114 : vector<512x1xi1> to vector<512x128xi1>
    %eq3A_3117 = vector.broadcast %eq3A_3115 : vector<512x128xi1> to vector<512x128xi1>
    %eq3A_3118 = vector.broadcast %eq3A_3116 : vector<512x128xi1> to vector<512x128xi1>
    %eq3A_3119 = arith.xori %eq3A_3117, %eq3A_3118 : vector<512x128xi1>
    %eq3A_3120 = arith.constant dense<true> : vector<512x128xi1>
    %eq3A_3121 = arith.xori %eq3A_3119, %eq3A_3120 : vector<512x128xi1>
    %broadcast_in_dim3A_3122 = vector.shape_cast %eq3A_3102 : vector<1x128xi1> to vector<1x128xi1>
    %broadcast_in_dim3A_3123 = vector.broadcast %broadcast_in_dim3A_3122 : vector<1x128xi1> to vector<512x128xi1>
    %select_n3A_3124 = arith.select %broadcast_in_dim3A_3123, %concatenate3A_3105, %concatenate3A_3108 : vector<512x128xi1>, vector<512x128xf32>
    %min3A_3125 = arith.minimumf %select_n3A_3096, %select_n3A_3124 : vector<512x128xf32>
    %max3A_3126 = arith.maximumf %select_n3A_3096, %select_n3A_3124 : vector<512x128xf32>
    %select_n3A_3127 = arith.select %eq3A_3121, %min3A_3125, %max3A_3126 : vector<512x128xi1>, vector<512x128xf32>
    %and3A_3128 = arith.constant 1 : i32
    %and3A_3129 = vector.broadcast %and3A_3128 : i32 to vector<1x128xi32>
    %and3A_3130 = arith.andi %iota3A, %and3A_3129 : vector<1x128xi32>
    %eq3A_3131 = arith.constant 0 : i32
    %eq3A_3132 = vector.broadcast %eq3A_3131 : i32 to vector<1x128xi32>
    %eq3A_3133 = arith.cmpi eq, %and3A_3130, %eq3A_3132 : vector<1x128xi32>
    %slice3A_3134 = vector.extract_strided_slice %select_n3A_3127 {offsets = [0, 1], sizes = [512, 127], strides = [1, 1]} : vector<512x128xf32> to vector<512x127xf32>
    %slice3A_3135 = vector.extract_strided_slice %select_n3A_3127 {offsets = [0, 0], sizes = [512, 1], strides = [1, 1]} : vector<512x128xf32> to vector<512x1xf32>
    %concatenate3A_3136 = tpu.concatenate %slice3A_3134, %slice3A_3135 in 1 : vector<512x127xf32>, vector<512x1xf32> -> vector<512x128xf32>
    %slice3A_3137 = vector.extract_strided_slice %select_n3A_3127 {offsets = [0, 127], sizes = [512, 1], strides = [1, 1]} : vector<512x128xf32> to vector<512x1xf32>
    %slice3A_3138 = vector.extract_strided_slice %select_n3A_3127 {offsets = [0, 0], sizes = [512, 127], strides = [1, 1]} : vector<512x128xf32> to vector<512x127xf32>
    %concatenate3A_3139 = tpu.concatenate %slice3A_3137, %slice3A_3138 in 1 : vector<512x1xf32>, vector<512x127xf32> -> vector<512x128xf32>
    %and3A_3140 = arith.constant 128 : i32
    %and3A_3141 = vector.broadcast %and3A_3140 : i32 to vector<512x1xi32>
    %and3A_3142 = arith.andi %iota3A_7, %and3A_3141 : vector<512x1xi32>
    %eq3A_3143 = arith.constant 0 : i32
    %eq3A_3144 = vector.broadcast %eq3A_3143 : i32 to vector<512x1xi32>
    %eq3A_3145 = arith.cmpi eq, %and3A_3142, %eq3A_3144 : vector<512x1xi32>
    %eq3A_3146 = vector.broadcast %eq3A_3133 : vector<1x128xi1> to vector<512x128xi1>
    %eq3A_3147 = vector.broadcast %eq3A_3145 : vector<512x1xi1> to vector<512x128xi1>
    %eq3A_3148 = vector.broadcast %eq3A_3146 : vector<512x128xi1> to vector<512x128xi1>
    %eq3A_3149 = vector.broadcast %eq3A_3147 : vector<512x128xi1> to vector<512x128xi1>
    %eq3A_3150 = arith.xori %eq3A_3148, %eq3A_3149 : vector<512x128xi1>
    %eq3A_3151 = arith.constant dense<true> : vector<512x128xi1>
    %eq3A_3152 = arith.xori %eq3A_3150, %eq3A_3151 : vector<512x128xi1>
    %broadcast_in_dim3A_3153 = vector.shape_cast %eq3A_3133 : vector<1x128xi1> to vector<1x128xi1>
    %broadcast_in_dim3A_3154 = vector.broadcast %broadcast_in_dim3A_3153 : vector<1x128xi1> to vector<512x128xi1>
    %select_n3A_3155 = arith.select %broadcast_in_dim3A_3154, %concatenate3A_3136, %concatenate3A_3139 : vector<512x128xi1>, vector<512x128xf32>
    %min3A_3156 = arith.minimumf %select_n3A_3127, %select_n3A_3155 : vector<512x128xf32>
    %max3A_3157 = arith.maximumf %select_n3A_3127, %select_n3A_3155 : vector<512x128xf32>
    %select_n3A_3158 = arith.select %eq3A_3152, %min3A_3156, %max3A_3157 : vector<512x128xi1>, vector<512x128xf32>
    %and3A_3159 = arith.constant 128 : i32
    %and3A_3160 = vector.broadcast %and3A_3159 : i32 to vector<512x1xi32>
    %and3A_3161 = arith.andi %iota3A_7, %and3A_3160 : vector<512x1xi32>
    %eq3A_3162 = arith.constant 0 : i32
    %eq3A_3163 = vector.broadcast %eq3A_3162 : i32 to vector<512x1xi32>
    %eq3A_3164 = arith.cmpi eq, %and3A_3161, %eq3A_3163 : vector<512x1xi32>
    %slice3A_3165 = vector.extract_strided_slice %select_n3A_3158 {offsets = [128, 0], sizes = [384, 128], strides = [1, 1]} : vector<512x128xf32> to vector<384x128xf32>
    %slice3A_3166 = vector.extract_strided_slice %select_n3A_3158 {offsets = [0, 0], sizes = [128, 128], strides = [1, 1]} : vector<512x128xf32> to vector<128x128xf32>
    %concatenate3A_3167 = tpu.concatenate %slice3A_3165, %slice3A_3166 in 0 : vector<384x128xf32>, vector<128x128xf32> -> vector<512x128xf32>
    %slice3A_3168 = vector.extract_strided_slice %select_n3A_3158 {offsets = [384, 0], sizes = [128, 128], strides = [1, 1]} : vector<512x128xf32> to vector<128x128xf32>
    %slice3A_3169 = vector.extract_strided_slice %select_n3A_3158 {offsets = [0, 0], sizes = [384, 128], strides = [1, 1]} : vector<512x128xf32> to vector<384x128xf32>
    %concatenate3A_3170 = tpu.concatenate %slice3A_3168, %slice3A_3169 in 0 : vector<128x128xf32>, vector<384x128xf32> -> vector<512x128xf32>
    %and3A_3171 = arith.constant 256 : i32
    %and3A_3172 = vector.broadcast %and3A_3171 : i32 to vector<512x1xi32>
    %and3A_3173 = arith.andi %iota3A_7, %and3A_3172 : vector<512x1xi32>
    %eq3A_3174 = arith.constant 0 : i32
    %eq3A_3175 = vector.broadcast %eq3A_3174 : i32 to vector<512x1xi32>
    %eq3A_3176 = arith.cmpi eq, %and3A_3173, %eq3A_3175 : vector<512x1xi32>
    %eq3A_3177 = arith.xori %eq3A_3164, %eq3A_3176 : vector<512x1xi1>
    %eq3A_3178 = arith.constant dense<true> : vector<512x1xi1>
    %eq3A_3179 = arith.xori %eq3A_3177, %eq3A_3178 : vector<512x1xi1>
    %broadcast_in_dim3A_3180 = vector.shape_cast %eq3A_3164 : vector<512x1xi1> to vector<512x1xi1>
    %broadcast_in_dim3A_3181 = vector.broadcast %broadcast_in_dim3A_3180 : vector<512x1xi1> to vector<512x128xi1>
    %select_n3A_3182 = arith.select %broadcast_in_dim3A_3181, %concatenate3A_3167, %concatenate3A_3170 : vector<512x128xi1>, vector<512x128xf32>
    %min3A_3183 = arith.minimumf %select_n3A_3158, %select_n3A_3182 : vector<512x128xf32>
    %max3A_3184 = arith.maximumf %select_n3A_3158, %select_n3A_3182 : vector<512x128xf32>
    %broadcast_in_dim3A_3185 = vector.shape_cast %eq3A_3179 : vector<512x1xi1> to vector<512x1xi1>
    %broadcast_in_dim3A_3186 = vector.broadcast %broadcast_in_dim3A_3185 : vector<512x1xi1> to vector<512x128xi1>
    %select_n3A_3187 = arith.select %broadcast_in_dim3A_3186, %min3A_3183, %max3A_3184 : vector<512x128xi1>, vector<512x128xf32>
    %and3A_3188 = arith.constant 64 : i32
    %and3A_3189 = vector.broadcast %and3A_3188 : i32 to vector<512x1xi32>
    %and3A_3190 = arith.andi %iota3A_7, %and3A_3189 : vector<512x1xi32>
    %eq3A_3191 = arith.constant 0 : i32
    %eq3A_3192 = vector.broadcast %eq3A_3191 : i32 to vector<512x1xi32>
    %eq3A_3193 = arith.cmpi eq, %and3A_3190, %eq3A_3192 : vector<512x1xi32>
    %slice3A_3194 = vector.extract_strided_slice %select_n3A_3187 {offsets = [64, 0], sizes = [448, 128], strides = [1, 1]} : vector<512x128xf32> to vector<448x128xf32>
    %slice3A_3195 = vector.extract_strided_slice %select_n3A_3187 {offsets = [0, 0], sizes = [64, 128], strides = [1, 1]} : vector<512x128xf32> to vector<64x128xf32>
    %concatenate3A_3196 = tpu.concatenate %slice3A_3194, %slice3A_3195 in 0 : vector<448x128xf32>, vector<64x128xf32> -> vector<512x128xf32>
    %slice3A_3197 = vector.extract_strided_slice %select_n3A_3187 {offsets = [448, 0], sizes = [64, 128], strides = [1, 1]} : vector<512x128xf32> to vector<64x128xf32>
    %slice3A_3198 = vector.extract_strided_slice %select_n3A_3187 {offsets = [0, 0], sizes = [448, 128], strides = [1, 1]} : vector<512x128xf32> to vector<448x128xf32>
    %concatenate3A_3199 = tpu.concatenate %slice3A_3197, %slice3A_3198 in 0 : vector<64x128xf32>, vector<448x128xf32> -> vector<512x128xf32>
    %and3A_3200 = arith.constant 256 : i32
    %and3A_3201 = vector.broadcast %and3A_3200 : i32 to vector<512x1xi32>
    %and3A_3202 = arith.andi %iota3A_7, %and3A_3201 : vector<512x1xi32>
    %eq3A_3203 = arith.constant 0 : i32
    %eq3A_3204 = vector.broadcast %eq3A_3203 : i32 to vector<512x1xi32>
    %eq3A_3205 = arith.cmpi eq, %and3A_3202, %eq3A_3204 : vector<512x1xi32>
    %eq3A_3206 = arith.xori %eq3A_3193, %eq3A_3205 : vector<512x1xi1>
    %eq3A_3207 = arith.constant dense<true> : vector<512x1xi1>
    %eq3A_3208 = arith.xori %eq3A_3206, %eq3A_3207 : vector<512x1xi1>
    %broadcast_in_dim3A_3209 = vector.shape_cast %eq3A_3193 : vector<512x1xi1> to vector<512x1xi1>
    %broadcast_in_dim3A_3210 = vector.broadcast %broadcast_in_dim3A_3209 : vector<512x1xi1> to vector<512x128xi1>
    %select_n3A_3211 = arith.select %broadcast_in_dim3A_3210, %concatenate3A_3196, %concatenate3A_3199 : vector<512x128xi1>, vector<512x128xf32>
    %min3A_3212 = arith.minimumf %select_n3A_3187, %select_n3A_3211 : vector<512x128xf32>
    %max3A_3213 = arith.maximumf %select_n3A_3187, %select_n3A_3211 : vector<512x128xf32>
    %broadcast_in_dim3A_3214 = vector.shape_cast %eq3A_3208 : vector<512x1xi1> to vector<512x1xi1>
    %broadcast_in_dim3A_3215 = vector.broadcast %broadcast_in_dim3A_3214 : vector<512x1xi1> to vector<512x128xi1>
    %select_n3A_3216 = arith.select %broadcast_in_dim3A_3215, %min3A_3212, %max3A_3213 : vector<512x128xi1>, vector<512x128xf32>
    %and3A_3217 = arith.constant 32 : i32
    %and3A_3218 = vector.broadcast %and3A_3217 : i32 to vector<512x1xi32>
    %and3A_3219 = arith.andi %iota3A_7, %and3A_3218 : vector<512x1xi32>
    %eq3A_3220 = arith.constant 0 : i32
    %eq3A_3221 = vector.broadcast %eq3A_3220 : i32 to vector<512x1xi32>
    %eq3A_3222 = arith.cmpi eq, %and3A_3219, %eq3A_3221 : vector<512x1xi32>
    %slice3A_3223 = vector.extract_strided_slice %select_n3A_3216 {offsets = [32, 0], sizes = [480, 128], strides = [1, 1]} : vector<512x128xf32> to vector<480x128xf32>
    %slice3A_3224 = vector.extract_strided_slice %select_n3A_3216 {offsets = [0, 0], sizes = [32, 128], strides = [1, 1]} : vector<512x128xf32> to vector<32x128xf32>
    %concatenate3A_3225 = tpu.concatenate %slice3A_3223, %slice3A_3224 in 0 : vector<480x128xf32>, vector<32x128xf32> -> vector<512x128xf32>
    %slice3A_3226 = vector.extract_strided_slice %select_n3A_3216 {offsets = [480, 0], sizes = [32, 128], strides = [1, 1]} : vector<512x128xf32> to vector<32x128xf32>
    %slice3A_3227 = vector.extract_strided_slice %select_n3A_3216 {offsets = [0, 0], sizes = [480, 128], strides = [1, 1]} : vector<512x128xf32> to vector<480x128xf32>
    %concatenate3A_3228 = tpu.concatenate %slice3A_3226, %slice3A_3227 in 0 : vector<32x128xf32>, vector<480x128xf32> -> vector<512x128xf32>
    %and3A_3229 = arith.constant 256 : i32
    %and3A_3230 = vector.broadcast %and3A_3229 : i32 to vector<512x1xi32>
    %and3A_3231 = arith.andi %iota3A_7, %and3A_3230 : vector<512x1xi32>
    %eq3A_3232 = arith.constant 0 : i32
    %eq3A_3233 = vector.broadcast %eq3A_3232 : i32 to vector<512x1xi32>
    %eq3A_3234 = arith.cmpi eq, %and3A_3231, %eq3A_3233 : vector<512x1xi32>
    %eq3A_3235 = arith.xori %eq3A_3222, %eq3A_3234 : vector<512x1xi1>
    %eq3A_3236 = arith.constant dense<true> : vector<512x1xi1>
    %eq3A_3237 = arith.xori %eq3A_3235, %eq3A_3236 : vector<512x1xi1>
    %broadcast_in_dim3A_3238 = vector.shape_cast %eq3A_3222 : vector<512x1xi1> to vector<512x1xi1>
    %broadcast_in_dim3A_3239 = vector.broadcast %broadcast_in_dim3A_3238 : vector<512x1xi1> to vector<512x128xi1>
    %select_n3A_3240 = arith.select %broadcast_in_dim3A_3239, %concatenate3A_3225, %concatenate3A_3228 : vector<512x128xi1>, vector<512x128xf32>
    %min3A_3241 = arith.minimumf %select_n3A_3216, %select_n3A_3240 : vector<512x128xf32>
    %max3A_3242 = arith.maximumf %select_n3A_3216, %select_n3A_3240 : vector<512x128xf32>
    %broadcast_in_dim3A_3243 = vector.shape_cast %eq3A_3237 : vector<512x1xi1> to vector<512x1xi1>
    %broadcast_in_dim3A_3244 = vector.broadcast %broadcast_in_dim3A_3243 : vector<512x1xi1> to vector<512x128xi1>
    %select_n3A_3245 = arith.select %broadcast_in_dim3A_3244, %min3A_3241, %max3A_3242 : vector<512x128xi1>, vector<512x128xf32>
    %and3A_3246 = arith.constant 16 : i32
    %and3A_3247 = vector.broadcast %and3A_3246 : i32 to vector<512x1xi32>
    %and3A_3248 = arith.andi %iota3A_7, %and3A_3247 : vector<512x1xi32>
    %eq3A_3249 = arith.constant 0 : i32
    %eq3A_3250 = vector.broadcast %eq3A_3249 : i32 to vector<512x1xi32>
    %eq3A_3251 = arith.cmpi eq, %and3A_3248, %eq3A_3250 : vector<512x1xi32>
    %slice3A_3252 = vector.extract_strided_slice %select_n3A_3245 {offsets = [16, 0], sizes = [496, 128], strides = [1, 1]} : vector<512x128xf32> to vector<496x128xf32>
    %slice3A_3253 = vector.extract_strided_slice %select_n3A_3245 {offsets = [0, 0], sizes = [16, 128], strides = [1, 1]} : vector<512x128xf32> to vector<16x128xf32>
    %concatenate3A_3254 = tpu.concatenate %slice3A_3252, %slice3A_3253 in 0 : vector<496x128xf32>, vector<16x128xf32> -> vector<512x128xf32>
    %slice3A_3255 = vector.extract_strided_slice %select_n3A_3245 {offsets = [496, 0], sizes = [16, 128], strides = [1, 1]} : vector<512x128xf32> to vector<16x128xf32>
    %slice3A_3256 = vector.extract_strided_slice %select_n3A_3245 {offsets = [0, 0], sizes = [496, 128], strides = [1, 1]} : vector<512x128xf32> to vector<496x128xf32>
    %concatenate3A_3257 = tpu.concatenate %slice3A_3255, %slice3A_3256 in 0 : vector<16x128xf32>, vector<496x128xf32> -> vector<512x128xf32>
    %and3A_3258 = arith.constant 256 : i32
    %and3A_3259 = vector.broadcast %and3A_3258 : i32 to vector<512x1xi32>
    %and3A_3260 = arith.andi %iota3A_7, %and3A_3259 : vector<512x1xi32>
    %eq3A_3261 = arith.constant 0 : i32
    %eq3A_3262 = vector.broadcast %eq3A_3261 : i32 to vector<512x1xi32>
    %eq3A_3263 = arith.cmpi eq, %and3A_3260, %eq3A_3262 : vector<512x1xi32>
    %eq3A_3264 = arith.xori %eq3A_3251, %eq3A_3263 : vector<512x1xi1>
    %eq3A_3265 = arith.constant dense<true> : vector<512x1xi1>
    %eq3A_3266 = arith.xori %eq3A_3264, %eq3A_3265 : vector<512x1xi1>
    %broadcast_in_dim3A_3267 = vector.shape_cast %eq3A_3251 : vector<512x1xi1> to vector<512x1xi1>
    %broadcast_in_dim3A_3268 = vector.broadcast %broadcast_in_dim3A_3267 : vector<512x1xi1> to vector<512x128xi1>
    %select_n3A_3269 = arith.select %broadcast_in_dim3A_3268, %concatenate3A_3254, %concatenate3A_3257 : vector<512x128xi1>, vector<512x128xf32>
    %min3A_3270 = arith.minimumf %select_n3A_3245, %select_n3A_3269 : vector<512x128xf32>
    %max3A_3271 = arith.maximumf %select_n3A_3245, %select_n3A_3269 : vector<512x128xf32>
    %broadcast_in_dim3A_3272 = vector.shape_cast %eq3A_3266 : vector<512x1xi1> to vector<512x1xi1>
    %broadcast_in_dim3A_3273 = vector.broadcast %broadcast_in_dim3A_3272 : vector<512x1xi1> to vector<512x128xi1>
    %select_n3A_3274 = arith.select %broadcast_in_dim3A_3273, %min3A_3270, %max3A_3271 : vector<512x128xi1>, vector<512x128xf32>
    %and3A_3275 = arith.constant 8 : i32
    %and3A_3276 = vector.broadcast %and3A_3275 : i32 to vector<512x1xi32>
    %and3A_3277 = arith.andi %iota3A_7, %and3A_3276 : vector<512x1xi32>
    %eq3A_3278 = arith.constant 0 : i32
    %eq3A_3279 = vector.broadcast %eq3A_3278 : i32 to vector<512x1xi32>
    %eq3A_3280 = arith.cmpi eq, %and3A_3277, %eq3A_3279 : vector<512x1xi32>
    %slice3A_3281 = vector.extract_strided_slice %select_n3A_3274 {offsets = [8, 0], sizes = [504, 128], strides = [1, 1]} : vector<512x128xf32> to vector<504x128xf32>
    %slice3A_3282 = vector.extract_strided_slice %select_n3A_3274 {offsets = [0, 0], sizes = [8, 128], strides = [1, 1]} : vector<512x128xf32> to vector<8x128xf32>
    %concatenate3A_3283 = tpu.concatenate %slice3A_3281, %slice3A_3282 in 0 : vector<504x128xf32>, vector<8x128xf32> -> vector<512x128xf32>
    %slice3A_3284 = vector.extract_strided_slice %select_n3A_3274 {offsets = [504, 0], sizes = [8, 128], strides = [1, 1]} : vector<512x128xf32> to vector<8x128xf32>
    %slice3A_3285 = vector.extract_strided_slice %select_n3A_3274 {offsets = [0, 0], sizes = [504, 128], strides = [1, 1]} : vector<512x128xf32> to vector<504x128xf32>
    %concatenate3A_3286 = tpu.concatenate %slice3A_3284, %slice3A_3285 in 0 : vector<8x128xf32>, vector<504x128xf32> -> vector<512x128xf32>
    %and3A_3287 = arith.constant 256 : i32
    %and3A_3288 = vector.broadcast %and3A_3287 : i32 to vector<512x1xi32>
    %and3A_3289 = arith.andi %iota3A_7, %and3A_3288 : vector<512x1xi32>
    %eq3A_3290 = arith.constant 0 : i32
    %eq3A_3291 = vector.broadcast %eq3A_3290 : i32 to vector<512x1xi32>
    %eq3A_3292 = arith.cmpi eq, %and3A_3289, %eq3A_3291 : vector<512x1xi32>
    %eq3A_3293 = arith.xori %eq3A_3280, %eq3A_3292 : vector<512x1xi1>
    %eq3A_3294 = arith.constant dense<true> : vector<512x1xi1>
    %eq3A_3295 = arith.xori %eq3A_3293, %eq3A_3294 : vector<512x1xi1>
    %broadcast_in_dim3A_3296 = vector.shape_cast %eq3A_3280 : vector<512x1xi1> to vector<512x1xi1>
    %broadcast_in_dim3A_3297 = vector.broadcast %broadcast_in_dim3A_3296 : vector<512x1xi1> to vector<512x128xi1>
    %select_n3A_3298 = arith.select %broadcast_in_dim3A_3297, %concatenate3A_3283, %concatenate3A_3286 : vector<512x128xi1>, vector<512x128xf32>
    %min3A_3299 = arith.minimumf %select_n3A_3274, %select_n3A_3298 : vector<512x128xf32>
    %max3A_3300 = arith.maximumf %select_n3A_3274, %select_n3A_3298 : vector<512x128xf32>
    %broadcast_in_dim3A_3301 = vector.shape_cast %eq3A_3295 : vector<512x1xi1> to vector<512x1xi1>
    %broadcast_in_dim3A_3302 = vector.broadcast %broadcast_in_dim3A_3301 : vector<512x1xi1> to vector<512x128xi1>
    %select_n3A_3303 = arith.select %broadcast_in_dim3A_3302, %min3A_3299, %max3A_3300 : vector<512x128xi1>, vector<512x128xf32>
    %and3A_3304 = arith.constant 4 : i32
    %and3A_3305 = vector.broadcast %and3A_3304 : i32 to vector<512x1xi32>
    %and3A_3306 = arith.andi %iota3A_7, %and3A_3305 : vector<512x1xi32>
    %eq3A_3307 = arith.constant 0 : i32
    %eq3A_3308 = vector.broadcast %eq3A_3307 : i32 to vector<512x1xi32>
    %eq3A_3309 = arith.cmpi eq, %and3A_3306, %eq3A_3308 : vector<512x1xi32>
    %slice3A_3310 = vector.extract_strided_slice %select_n3A_3303 {offsets = [4, 0], sizes = [508, 128], strides = [1, 1]} : vector<512x128xf32> to vector<508x128xf32>
    %slice3A_3311 = vector.extract_strided_slice %select_n3A_3303 {offsets = [0, 0], sizes = [4, 128], strides = [1, 1]} : vector<512x128xf32> to vector<4x128xf32>
    %concatenate3A_3312 = tpu.concatenate %slice3A_3310, %slice3A_3311 in 0 : vector<508x128xf32>, vector<4x128xf32> -> vector<512x128xf32>
    %slice3A_3313 = vector.extract_strided_slice %select_n3A_3303 {offsets = [508, 0], sizes = [4, 128], strides = [1, 1]} : vector<512x128xf32> to vector<4x128xf32>
    %slice3A_3314 = vector.extract_strided_slice %select_n3A_3303 {offsets = [0, 0], sizes = [508, 128], strides = [1, 1]} : vector<512x128xf32> to vector<508x128xf32>
    %concatenate3A_3315 = tpu.concatenate %slice3A_3313, %slice3A_3314 in 0 : vector<4x128xf32>, vector<508x128xf32> -> vector<512x128xf32>
    %and3A_3316 = arith.constant 256 : i32
    %and3A_3317 = vector.broadcast %and3A_3316 : i32 to vector<512x1xi32>
    %and3A_3318 = arith.andi %iota3A_7, %and3A_3317 : vector<512x1xi32>
    %eq3A_3319 = arith.constant 0 : i32
    %eq3A_3320 = vector.broadcast %eq3A_3319 : i32 to vector<512x1xi32>
    %eq3A_3321 = arith.cmpi eq, %and3A_3318, %eq3A_3320 : vector<512x1xi32>
    %eq3A_3322 = arith.xori %eq3A_3309, %eq3A_3321 : vector<512x1xi1>
    %eq3A_3323 = arith.constant dense<true> : vector<512x1xi1>
    %eq3A_3324 = arith.xori %eq3A_3322, %eq3A_3323 : vector<512x1xi1>
    %broadcast_in_dim3A_3325 = vector.shape_cast %eq3A_3309 : vector<512x1xi1> to vector<512x1xi1>
    %broadcast_in_dim3A_3326 = vector.broadcast %broadcast_in_dim3A_3325 : vector<512x1xi1> to vector<512x128xi1>
    %select_n3A_3327 = arith.select %broadcast_in_dim3A_3326, %concatenate3A_3312, %concatenate3A_3315 : vector<512x128xi1>, vector<512x128xf32>
    %min3A_3328 = arith.minimumf %select_n3A_3303, %select_n3A_3327 : vector<512x128xf32>
    %max3A_3329 = arith.maximumf %select_n3A_3303, %select_n3A_3327 : vector<512x128xf32>
    %broadcast_in_dim3A_3330 = vector.shape_cast %eq3A_3324 : vector<512x1xi1> to vector<512x1xi1>
    %broadcast_in_dim3A_3331 = vector.broadcast %broadcast_in_dim3A_3330 : vector<512x1xi1> to vector<512x128xi1>
    %select_n3A_3332 = arith.select %broadcast_in_dim3A_3331, %min3A_3328, %max3A_3329 : vector<512x128xi1>, vector<512x128xf32>
    %and3A_3333 = arith.constant 2 : i32
    %and3A_3334 = vector.broadcast %and3A_3333 : i32 to vector<512x1xi32>
    %and3A_3335 = arith.andi %iota3A_7, %and3A_3334 : vector<512x1xi32>
    %eq3A_3336 = arith.constant 0 : i32
    %eq3A_3337 = vector.broadcast %eq3A_3336 : i32 to vector<512x1xi32>
    %eq3A_3338 = arith.cmpi eq, %and3A_3335, %eq3A_3337 : vector<512x1xi32>
    %slice3A_3339 = vector.extract_strided_slice %select_n3A_3332 {offsets = [2, 0], sizes = [510, 128], strides = [1, 1]} : vector<512x128xf32> to vector<510x128xf32>
    %slice3A_3340 = vector.extract_strided_slice %select_n3A_3332 {offsets = [0, 0], sizes = [2, 128], strides = [1, 1]} : vector<512x128xf32> to vector<2x128xf32>
    %concatenate3A_3341 = tpu.concatenate %slice3A_3339, %slice3A_3340 in 0 : vector<510x128xf32>, vector<2x128xf32> -> vector<512x128xf32>
    %slice3A_3342 = vector.extract_strided_slice %select_n3A_3332 {offsets = [510, 0], sizes = [2, 128], strides = [1, 1]} : vector<512x128xf32> to vector<2x128xf32>
    %slice3A_3343 = vector.extract_strided_slice %select_n3A_3332 {offsets = [0, 0], sizes = [510, 128], strides = [1, 1]} : vector<512x128xf32> to vector<510x128xf32>
    %concatenate3A_3344 = tpu.concatenate %slice3A_3342, %slice3A_3343 in 0 : vector<2x128xf32>, vector<510x128xf32> -> vector<512x128xf32>
    %and3A_3345 = arith.constant 256 : i32
    %and3A_3346 = vector.broadcast %and3A_3345 : i32 to vector<512x1xi32>
    %and3A_3347 = arith.andi %iota3A_7, %and3A_3346 : vector<512x1xi32>
    %eq3A_3348 = arith.constant 0 : i32
    %eq3A_3349 = vector.broadcast %eq3A_3348 : i32 to vector<512x1xi32>
    %eq3A_3350 = arith.cmpi eq, %and3A_3347, %eq3A_3349 : vector<512x1xi32>
    %eq3A_3351 = arith.xori %eq3A_3338, %eq3A_3350 : vector<512x1xi1>
    %eq3A_3352 = arith.constant dense<true> : vector<512x1xi1>
    %eq3A_3353 = arith.xori %eq3A_3351, %eq3A_3352 : vector<512x1xi1>
    %broadcast_in_dim3A_3354 = vector.shape_cast %eq3A_3338 : vector<512x1xi1> to vector<512x1xi1>
    %broadcast_in_dim3A_3355 = vector.broadcast %broadcast_in_dim3A_3354 : vector<512x1xi1> to vector<512x128xi1>
    %select_n3A_3356 = arith.select %broadcast_in_dim3A_3355, %concatenate3A_3341, %concatenate3A_3344 : vector<512x128xi1>, vector<512x128xf32>
    %min3A_3357 = arith.minimumf %select_n3A_3332, %select_n3A_3356 : vector<512x128xf32>
    %max3A_3358 = arith.maximumf %select_n3A_3332, %select_n3A_3356 : vector<512x128xf32>
    %broadcast_in_dim3A_3359 = vector.shape_cast %eq3A_3353 : vector<512x1xi1> to vector<512x1xi1>
    %broadcast_in_dim3A_3360 = vector.broadcast %broadcast_in_dim3A_3359 : vector<512x1xi1> to vector<512x128xi1>
    %select_n3A_3361 = arith.select %broadcast_in_dim3A_3360, %min3A_3357, %max3A_3358 : vector<512x128xi1>, vector<512x128xf32>
    %and3A_3362 = arith.constant 1 : i32
    %and3A_3363 = vector.broadcast %and3A_3362 : i32 to vector<512x1xi32>
    %and3A_3364 = arith.andi %iota3A_7, %and3A_3363 : vector<512x1xi32>
    %eq3A_3365 = arith.constant 0 : i32
    %eq3A_3366 = vector.broadcast %eq3A_3365 : i32 to vector<512x1xi32>
    %eq3A_3367 = arith.cmpi eq, %and3A_3364, %eq3A_3366 : vector<512x1xi32>
    %slice3A_3368 = vector.extract_strided_slice %select_n3A_3361 {offsets = [1, 0], sizes = [511, 128], strides = [1, 1]} : vector<512x128xf32> to vector<511x128xf32>
    %slice3A_3369 = vector.extract_strided_slice %select_n3A_3361 {offsets = [0, 0], sizes = [1, 128], strides = [1, 1]} : vector<512x128xf32> to vector<1x128xf32>
    %concatenate3A_3370 = tpu.concatenate %slice3A_3368, %slice3A_3369 in 0 : vector<511x128xf32>, vector<1x128xf32> -> vector<512x128xf32>
    %slice3A_3371 = vector.extract_strided_slice %select_n3A_3361 {offsets = [511, 0], sizes = [1, 128], strides = [1, 1]} : vector<512x128xf32> to vector<1x128xf32>
    %slice3A_3372 = vector.extract_strided_slice %select_n3A_3361 {offsets = [0, 0], sizes = [511, 128], strides = [1, 1]} : vector<512x128xf32> to vector<511x128xf32>
    %concatenate3A_3373 = tpu.concatenate %slice3A_3371, %slice3A_3372 in 0 : vector<1x128xf32>, vector<511x128xf32> -> vector<512x128xf32>
    %and3A_3374 = arith.constant 256 : i32
    %and3A_3375 = vector.broadcast %and3A_3374 : i32 to vector<512x1xi32>
    %and3A_3376 = arith.andi %iota3A_7, %and3A_3375 : vector<512x1xi32>
    %eq3A_3377 = arith.constant 0 : i32
    %eq3A_3378 = vector.broadcast %eq3A_3377 : i32 to vector<512x1xi32>
    %eq3A_3379 = arith.cmpi eq, %and3A_3376, %eq3A_3378 : vector<512x1xi32>
    %eq3A_3380 = arith.xori %eq3A_3367, %eq3A_3379 : vector<512x1xi1>
    %eq3A_3381 = arith.constant dense<true> : vector<512x1xi1>
    %eq3A_3382 = arith.xori %eq3A_3380, %eq3A_3381 : vector<512x1xi1>
    %broadcast_in_dim3A_3383 = vector.shape_cast %eq3A_3367 : vector<512x1xi1> to vector<512x1xi1>
    %broadcast_in_dim3A_3384 = vector.broadcast %broadcast_in_dim3A_3383 : vector<512x1xi1> to vector<512x128xi1>
    %select_n3A_3385 = arith.select %broadcast_in_dim3A_3384, %concatenate3A_3370, %concatenate3A_3373 : vector<512x128xi1>, vector<512x128xf32>
    %min3A_3386 = arith.minimumf %select_n3A_3361, %select_n3A_3385 : vector<512x128xf32>
    %max3A_3387 = arith.maximumf %select_n3A_3361, %select_n3A_3385 : vector<512x128xf32>
    %broadcast_in_dim3A_3388 = vector.shape_cast %eq3A_3382 : vector<512x1xi1> to vector<512x1xi1>
    %broadcast_in_dim3A_3389 = vector.broadcast %broadcast_in_dim3A_3388 : vector<512x1xi1> to vector<512x128xi1>
    %select_n3A_3390 = arith.select %broadcast_in_dim3A_3389, %min3A_3386, %max3A_3387 : vector<512x128xi1>, vector<512x128xf32>
    %and3A_3391 = arith.constant 64 : i32
    %and3A_3392 = vector.broadcast %and3A_3391 : i32 to vector<1x128xi32>
    %and3A_3393 = arith.andi %iota3A, %and3A_3392 : vector<1x128xi32>
    %eq3A_3394 = arith.constant 0 : i32
    %eq3A_3395 = vector.broadcast %eq3A_3394 : i32 to vector<1x128xi32>
    %eq3A_3396 = arith.cmpi eq, %and3A_3393, %eq3A_3395 : vector<1x128xi32>
    %slice3A_3397 = vector.extract_strided_slice %select_n3A_3390 {offsets = [0, 64], sizes = [512, 64], strides = [1, 1]} : vector<512x128xf32> to vector<512x64xf32>
    %slice3A_3398 = vector.extract_strided_slice %select_n3A_3390 {offsets = [0, 0], sizes = [512, 64], strides = [1, 1]} : vector<512x128xf32> to vector<512x64xf32>
    %concatenate3A_3399 = tpu.concatenate %slice3A_3397, %slice3A_3398 in 1 : vector<512x64xf32>, vector<512x64xf32> -> vector<512x128xf32>
    %slice3A_3400 = vector.extract_strided_slice %select_n3A_3390 {offsets = [0, 64], sizes = [512, 64], strides = [1, 1]} : vector<512x128xf32> to vector<512x64xf32>
    %slice3A_3401 = vector.extract_strided_slice %select_n3A_3390 {offsets = [0, 0], sizes = [512, 64], strides = [1, 1]} : vector<512x128xf32> to vector<512x64xf32>
    %concatenate3A_3402 = tpu.concatenate %slice3A_3400, %slice3A_3401 in 1 : vector<512x64xf32>, vector<512x64xf32> -> vector<512x128xf32>
    %and3A_3403 = arith.constant 256 : i32
    %and3A_3404 = vector.broadcast %and3A_3403 : i32 to vector<512x1xi32>
    %and3A_3405 = arith.andi %iota3A_7, %and3A_3404 : vector<512x1xi32>
    %eq3A_3406 = arith.constant 0 : i32
    %eq3A_3407 = vector.broadcast %eq3A_3406 : i32 to vector<512x1xi32>
    %eq3A_3408 = arith.cmpi eq, %and3A_3405, %eq3A_3407 : vector<512x1xi32>
    %eq3A_3409 = vector.broadcast %eq3A_3396 : vector<1x128xi1> to vector<512x128xi1>
    %eq3A_3410 = vector.broadcast %eq3A_3408 : vector<512x1xi1> to vector<512x128xi1>
    %eq3A_3411 = vector.broadcast %eq3A_3409 : vector<512x128xi1> to vector<512x128xi1>
    %eq3A_3412 = vector.broadcast %eq3A_3410 : vector<512x128xi1> to vector<512x128xi1>
    %eq3A_3413 = arith.xori %eq3A_3411, %eq3A_3412 : vector<512x128xi1>
    %eq3A_3414 = arith.constant dense<true> : vector<512x128xi1>
    %eq3A_3415 = arith.xori %eq3A_3413, %eq3A_3414 : vector<512x128xi1>
    %broadcast_in_dim3A_3416 = vector.shape_cast %eq3A_3396 : vector<1x128xi1> to vector<1x128xi1>
    %broadcast_in_dim3A_3417 = vector.broadcast %broadcast_in_dim3A_3416 : vector<1x128xi1> to vector<512x128xi1>
    %select_n3A_3418 = arith.select %broadcast_in_dim3A_3417, %concatenate3A_3399, %concatenate3A_3402 : vector<512x128xi1>, vector<512x128xf32>
    %min3A_3419 = arith.minimumf %select_n3A_3390, %select_n3A_3418 : vector<512x128xf32>
    %max3A_3420 = arith.maximumf %select_n3A_3390, %select_n3A_3418 : vector<512x128xf32>
    %select_n3A_3421 = arith.select %eq3A_3415, %min3A_3419, %max3A_3420 : vector<512x128xi1>, vector<512x128xf32>
    %and3A_3422 = arith.constant 32 : i32
    %and3A_3423 = vector.broadcast %and3A_3422 : i32 to vector<1x128xi32>
    %and3A_3424 = arith.andi %iota3A, %and3A_3423 : vector<1x128xi32>
    %eq3A_3425 = arith.constant 0 : i32
    %eq3A_3426 = vector.broadcast %eq3A_3425 : i32 to vector<1x128xi32>
    %eq3A_3427 = arith.cmpi eq, %and3A_3424, %eq3A_3426 : vector<1x128xi32>
    %slice3A_3428 = vector.extract_strided_slice %select_n3A_3421 {offsets = [0, 32], sizes = [512, 96], strides = [1, 1]} : vector<512x128xf32> to vector<512x96xf32>
    %slice3A_3429 = vector.extract_strided_slice %select_n3A_3421 {offsets = [0, 0], sizes = [512, 32], strides = [1, 1]} : vector<512x128xf32> to vector<512x32xf32>
    %concatenate3A_3430 = tpu.concatenate %slice3A_3428, %slice3A_3429 in 1 : vector<512x96xf32>, vector<512x32xf32> -> vector<512x128xf32>
    %slice3A_3431 = vector.extract_strided_slice %select_n3A_3421 {offsets = [0, 96], sizes = [512, 32], strides = [1, 1]} : vector<512x128xf32> to vector<512x32xf32>
    %slice3A_3432 = vector.extract_strided_slice %select_n3A_3421 {offsets = [0, 0], sizes = [512, 96], strides = [1, 1]} : vector<512x128xf32> to vector<512x96xf32>
    %concatenate3A_3433 = tpu.concatenate %slice3A_3431, %slice3A_3432 in 1 : vector<512x32xf32>, vector<512x96xf32> -> vector<512x128xf32>
    %and3A_3434 = arith.constant 256 : i32
    %and3A_3435 = vector.broadcast %and3A_3434 : i32 to vector<512x1xi32>
    %and3A_3436 = arith.andi %iota3A_7, %and3A_3435 : vector<512x1xi32>
    %eq3A_3437 = arith.constant 0 : i32
    %eq3A_3438 = vector.broadcast %eq3A_3437 : i32 to vector<512x1xi32>
    %eq3A_3439 = arith.cmpi eq, %and3A_3436, %eq3A_3438 : vector<512x1xi32>
    %eq3A_3440 = vector.broadcast %eq3A_3427 : vector<1x128xi1> to vector<512x128xi1>
    %eq3A_3441 = vector.broadcast %eq3A_3439 : vector<512x1xi1> to vector<512x128xi1>
    %eq3A_3442 = vector.broadcast %eq3A_3440 : vector<512x128xi1> to vector<512x128xi1>
    %eq3A_3443 = vector.broadcast %eq3A_3441 : vector<512x128xi1> to vector<512x128xi1>
    %eq3A_3444 = arith.xori %eq3A_3442, %eq3A_3443 : vector<512x128xi1>
    %eq3A_3445 = arith.constant dense<true> : vector<512x128xi1>
    %eq3A_3446 = arith.xori %eq3A_3444, %eq3A_3445 : vector<512x128xi1>
    %broadcast_in_dim3A_3447 = vector.shape_cast %eq3A_3427 : vector<1x128xi1> to vector<1x128xi1>
    %broadcast_in_dim3A_3448 = vector.broadcast %broadcast_in_dim3A_3447 : vector<1x128xi1> to vector<512x128xi1>
    %select_n3A_3449 = arith.select %broadcast_in_dim3A_3448, %concatenate3A_3430, %concatenate3A_3433 : vector<512x128xi1>, vector<512x128xf32>
    %min3A_3450 = arith.minimumf %select_n3A_3421, %select_n3A_3449 : vector<512x128xf32>
    %max3A_3451 = arith.maximumf %select_n3A_3421, %select_n3A_3449 : vector<512x128xf32>
    %select_n3A_3452 = arith.select %eq3A_3446, %min3A_3450, %max3A_3451 : vector<512x128xi1>, vector<512x128xf32>
    %and3A_3453 = arith.constant 16 : i32
    %and3A_3454 = vector.broadcast %and3A_3453 : i32 to vector<1x128xi32>
    %and3A_3455 = arith.andi %iota3A, %and3A_3454 : vector<1x128xi32>
    %eq3A_3456 = arith.constant 0 : i32
    %eq3A_3457 = vector.broadcast %eq3A_3456 : i32 to vector<1x128xi32>
    %eq3A_3458 = arith.cmpi eq, %and3A_3455, %eq3A_3457 : vector<1x128xi32>
    %slice3A_3459 = vector.extract_strided_slice %select_n3A_3452 {offsets = [0, 16], sizes = [512, 112], strides = [1, 1]} : vector<512x128xf32> to vector<512x112xf32>
    %slice3A_3460 = vector.extract_strided_slice %select_n3A_3452 {offsets = [0, 0], sizes = [512, 16], strides = [1, 1]} : vector<512x128xf32> to vector<512x16xf32>
    %concatenate3A_3461 = tpu.concatenate %slice3A_3459, %slice3A_3460 in 1 : vector<512x112xf32>, vector<512x16xf32> -> vector<512x128xf32>
    %slice3A_3462 = vector.extract_strided_slice %select_n3A_3452 {offsets = [0, 112], sizes = [512, 16], strides = [1, 1]} : vector<512x128xf32> to vector<512x16xf32>
    %slice3A_3463 = vector.extract_strided_slice %select_n3A_3452 {offsets = [0, 0], sizes = [512, 112], strides = [1, 1]} : vector<512x128xf32> to vector<512x112xf32>
    %concatenate3A_3464 = tpu.concatenate %slice3A_3462, %slice3A_3463 in 1 : vector<512x16xf32>, vector<512x112xf32> -> vector<512x128xf32>
    %and3A_3465 = arith.constant 256 : i32
    %and3A_3466 = vector.broadcast %and3A_3465 : i32 to vector<512x1xi32>
    %and3A_3467 = arith.andi %iota3A_7, %and3A_3466 : vector<512x1xi32>
    %eq3A_3468 = arith.constant 0 : i32
    %eq3A_3469 = vector.broadcast %eq3A_3468 : i32 to vector<512x1xi32>
    %eq3A_3470 = arith.cmpi eq, %and3A_3467, %eq3A_3469 : vector<512x1xi32>
    %eq3A_3471 = vector.broadcast %eq3A_3458 : vector<1x128xi1> to vector<512x128xi1>
    %eq3A_3472 = vector.broadcast %eq3A_3470 : vector<512x1xi1> to vector<512x128xi1>
    %eq3A_3473 = vector.broadcast %eq3A_3471 : vector<512x128xi1> to vector<512x128xi1>
    %eq3A_3474 = vector.broadcast %eq3A_3472 : vector<512x128xi1> to vector<512x128xi1>
    %eq3A_3475 = arith.xori %eq3A_3473, %eq3A_3474 : vector<512x128xi1>
    %eq3A_3476 = arith.constant dense<true> : vector<512x128xi1>
    %eq3A_3477 = arith.xori %eq3A_3475, %eq3A_3476 : vector<512x128xi1>
    %broadcast_in_dim3A_3478 = vector.shape_cast %eq3A_3458 : vector<1x128xi1> to vector<1x128xi1>
    %broadcast_in_dim3A_3479 = vector.broadcast %broadcast_in_dim3A_3478 : vector<1x128xi1> to vector<512x128xi1>
    %select_n3A_3480 = arith.select %broadcast_in_dim3A_3479, %concatenate3A_3461, %concatenate3A_3464 : vector<512x128xi1>, vector<512x128xf32>
    %min3A_3481 = arith.minimumf %select_n3A_3452, %select_n3A_3480 : vector<512x128xf32>
    %max3A_3482 = arith.maximumf %select_n3A_3452, %select_n3A_3480 : vector<512x128xf32>
    %select_n3A_3483 = arith.select %eq3A_3477, %min3A_3481, %max3A_3482 : vector<512x128xi1>, vector<512x128xf32>
    %and3A_3484 = arith.constant 8 : i32
    %and3A_3485 = vector.broadcast %and3A_3484 : i32 to vector<1x128xi32>
    %and3A_3486 = arith.andi %iota3A, %and3A_3485 : vector<1x128xi32>
    %eq3A_3487 = arith.constant 0 : i32
    %eq3A_3488 = vector.broadcast %eq3A_3487 : i32 to vector<1x128xi32>
    %eq3A_3489 = arith.cmpi eq, %and3A_3486, %eq3A_3488 : vector<1x128xi32>
    %slice3A_3490 = vector.extract_strided_slice %select_n3A_3483 {offsets = [0, 8], sizes = [512, 120], strides = [1, 1]} : vector<512x128xf32> to vector<512x120xf32>
    %slice3A_3491 = vector.extract_strided_slice %select_n3A_3483 {offsets = [0, 0], sizes = [512, 8], strides = [1, 1]} : vector<512x128xf32> to vector<512x8xf32>
    %concatenate3A_3492 = tpu.concatenate %slice3A_3490, %slice3A_3491 in 1 : vector<512x120xf32>, vector<512x8xf32> -> vector<512x128xf32>
    %slice3A_3493 = vector.extract_strided_slice %select_n3A_3483 {offsets = [0, 120], sizes = [512, 8], strides = [1, 1]} : vector<512x128xf32> to vector<512x8xf32>
    %slice3A_3494 = vector.extract_strided_slice %select_n3A_3483 {offsets = [0, 0], sizes = [512, 120], strides = [1, 1]} : vector<512x128xf32> to vector<512x120xf32>
    %concatenate3A_3495 = tpu.concatenate %slice3A_3493, %slice3A_3494 in 1 : vector<512x8xf32>, vector<512x120xf32> -> vector<512x128xf32>
    %and3A_3496 = arith.constant 256 : i32
    %and3A_3497 = vector.broadcast %and3A_3496 : i32 to vector<512x1xi32>
    %and3A_3498 = arith.andi %iota3A_7, %and3A_3497 : vector<512x1xi32>
    %eq3A_3499 = arith.constant 0 : i32
    %eq3A_3500 = vector.broadcast %eq3A_3499 : i32 to vector<512x1xi32>
    %eq3A_3501 = arith.cmpi eq, %and3A_3498, %eq3A_3500 : vector<512x1xi32>
    %eq3A_3502 = vector.broadcast %eq3A_3489 : vector<1x128xi1> to vector<512x128xi1>
    %eq3A_3503 = vector.broadcast %eq3A_3501 : vector<512x1xi1> to vector<512x128xi1>
    %eq3A_3504 = vector.broadcast %eq3A_3502 : vector<512x128xi1> to vector<512x128xi1>
    %eq3A_3505 = vector.broadcast %eq3A_3503 : vector<512x128xi1> to vector<512x128xi1>
    %eq3A_3506 = arith.xori %eq3A_3504, %eq3A_3505 : vector<512x128xi1>
    %eq3A_3507 = arith.constant dense<true> : vector<512x128xi1>
    %eq3A_3508 = arith.xori %eq3A_3506, %eq3A_3507 : vector<512x128xi1>
    %broadcast_in_dim3A_3509 = vector.shape_cast %eq3A_3489 : vector<1x128xi1> to vector<1x128xi1>
    %broadcast_in_dim3A_3510 = vector.broadcast %broadcast_in_dim3A_3509 : vector<1x128xi1> to vector<512x128xi1>
    %select_n3A_3511 = arith.select %broadcast_in_dim3A_3510, %concatenate3A_3492, %concatenate3A_3495 : vector<512x128xi1>, vector<512x128xf32>
    %min3A_3512 = arith.minimumf %select_n3A_3483, %select_n3A_3511 : vector<512x128xf32>
    %max3A_3513 = arith.maximumf %select_n3A_3483, %select_n3A_3511 : vector<512x128xf32>
    %select_n3A_3514 = arith.select %eq3A_3508, %min3A_3512, %max3A_3513 : vector<512x128xi1>, vector<512x128xf32>
    %and3A_3515 = arith.constant 4 : i32
    %and3A_3516 = vector.broadcast %and3A_3515 : i32 to vector<1x128xi32>
    %and3A_3517 = arith.andi %iota3A, %and3A_3516 : vector<1x128xi32>
    %eq3A_3518 = arith.constant 0 : i32
    %eq3A_3519 = vector.broadcast %eq3A_3518 : i32 to vector<1x128xi32>
    %eq3A_3520 = arith.cmpi eq, %and3A_3517, %eq3A_3519 : vector<1x128xi32>
    %slice3A_3521 = vector.extract_strided_slice %select_n3A_3514 {offsets = [0, 4], sizes = [512, 124], strides = [1, 1]} : vector<512x128xf32> to vector<512x124xf32>
    %slice3A_3522 = vector.extract_strided_slice %select_n3A_3514 {offsets = [0, 0], sizes = [512, 4], strides = [1, 1]} : vector<512x128xf32> to vector<512x4xf32>
    %concatenate3A_3523 = tpu.concatenate %slice3A_3521, %slice3A_3522 in 1 : vector<512x124xf32>, vector<512x4xf32> -> vector<512x128xf32>
    %slice3A_3524 = vector.extract_strided_slice %select_n3A_3514 {offsets = [0, 124], sizes = [512, 4], strides = [1, 1]} : vector<512x128xf32> to vector<512x4xf32>
    %slice3A_3525 = vector.extract_strided_slice %select_n3A_3514 {offsets = [0, 0], sizes = [512, 124], strides = [1, 1]} : vector<512x128xf32> to vector<512x124xf32>
    %concatenate3A_3526 = tpu.concatenate %slice3A_3524, %slice3A_3525 in 1 : vector<512x4xf32>, vector<512x124xf32> -> vector<512x128xf32>
    %and3A_3527 = arith.constant 256 : i32
    %and3A_3528 = vector.broadcast %and3A_3527 : i32 to vector<512x1xi32>
    %and3A_3529 = arith.andi %iota3A_7, %and3A_3528 : vector<512x1xi32>
    %eq3A_3530 = arith.constant 0 : i32
    %eq3A_3531 = vector.broadcast %eq3A_3530 : i32 to vector<512x1xi32>
    %eq3A_3532 = arith.cmpi eq, %and3A_3529, %eq3A_3531 : vector<512x1xi32>
    %eq3A_3533 = vector.broadcast %eq3A_3520 : vector<1x128xi1> to vector<512x128xi1>
    %eq3A_3534 = vector.broadcast %eq3A_3532 : vector<512x1xi1> to vector<512x128xi1>
    %eq3A_3535 = vector.broadcast %eq3A_3533 : vector<512x128xi1> to vector<512x128xi1>
    %eq3A_3536 = vector.broadcast %eq3A_3534 : vector<512x128xi1> to vector<512x128xi1>
    %eq3A_3537 = arith.xori %eq3A_3535, %eq3A_3536 : vector<512x128xi1>
    %eq3A_3538 = arith.constant dense<true> : vector<512x128xi1>
    %eq3A_3539 = arith.xori %eq3A_3537, %eq3A_3538 : vector<512x128xi1>
    %broadcast_in_dim3A_3540 = vector.shape_cast %eq3A_3520 : vector<1x128xi1> to vector<1x128xi1>
    %broadcast_in_dim3A_3541 = vector.broadcast %broadcast_in_dim3A_3540 : vector<1x128xi1> to vector<512x128xi1>
    %select_n3A_3542 = arith.select %broadcast_in_dim3A_3541, %concatenate3A_3523, %concatenate3A_3526 : vector<512x128xi1>, vector<512x128xf32>
    %min3A_3543 = arith.minimumf %select_n3A_3514, %select_n3A_3542 : vector<512x128xf32>
    %max3A_3544 = arith.maximumf %select_n3A_3514, %select_n3A_3542 : vector<512x128xf32>
    %select_n3A_3545 = arith.select %eq3A_3539, %min3A_3543, %max3A_3544 : vector<512x128xi1>, vector<512x128xf32>
    %and3A_3546 = arith.constant 2 : i32
    %and3A_3547 = vector.broadcast %and3A_3546 : i32 to vector<1x128xi32>
    %and3A_3548 = arith.andi %iota3A, %and3A_3547 : vector<1x128xi32>
    %eq3A_3549 = arith.constant 0 : i32
    %eq3A_3550 = vector.broadcast %eq3A_3549 : i32 to vector<1x128xi32>
    %eq3A_3551 = arith.cmpi eq, %and3A_3548, %eq3A_3550 : vector<1x128xi32>
    %slice3A_3552 = vector.extract_strided_slice %select_n3A_3545 {offsets = [0, 2], sizes = [512, 126], strides = [1, 1]} : vector<512x128xf32> to vector<512x126xf32>
    %slice3A_3553 = vector.extract_strided_slice %select_n3A_3545 {offsets = [0, 0], sizes = [512, 2], strides = [1, 1]} : vector<512x128xf32> to vector<512x2xf32>
    %concatenate3A_3554 = tpu.concatenate %slice3A_3552, %slice3A_3553 in 1 : vector<512x126xf32>, vector<512x2xf32> -> vector<512x128xf32>
    %slice3A_3555 = vector.extract_strided_slice %select_n3A_3545 {offsets = [0, 126], sizes = [512, 2], strides = [1, 1]} : vector<512x128xf32> to vector<512x2xf32>
    %slice3A_3556 = vector.extract_strided_slice %select_n3A_3545 {offsets = [0, 0], sizes = [512, 126], strides = [1, 1]} : vector<512x128xf32> to vector<512x126xf32>
    %concatenate3A_3557 = tpu.concatenate %slice3A_3555, %slice3A_3556 in 1 : vector<512x2xf32>, vector<512x126xf32> -> vector<512x128xf32>
    %and3A_3558 = arith.constant 256 : i32
    %and3A_3559 = vector.broadcast %and3A_3558 : i32 to vector<512x1xi32>
    %and3A_3560 = arith.andi %iota3A_7, %and3A_3559 : vector<512x1xi32>
    %eq3A_3561 = arith.constant 0 : i32
    %eq3A_3562 = vector.broadcast %eq3A_3561 : i32 to vector<512x1xi32>
    %eq3A_3563 = arith.cmpi eq, %and3A_3560, %eq3A_3562 : vector<512x1xi32>
    %eq3A_3564 = vector.broadcast %eq3A_3551 : vector<1x128xi1> to vector<512x128xi1>
    %eq3A_3565 = vector.broadcast %eq3A_3563 : vector<512x1xi1> to vector<512x128xi1>
    %eq3A_3566 = vector.broadcast %eq3A_3564 : vector<512x128xi1> to vector<512x128xi1>
    %eq3A_3567 = vector.broadcast %eq3A_3565 : vector<512x128xi1> to vector<512x128xi1>
    %eq3A_3568 = arith.xori %eq3A_3566, %eq3A_3567 : vector<512x128xi1>
    %eq3A_3569 = arith.constant dense<true> : vector<512x128xi1>
    %eq3A_3570 = arith.xori %eq3A_3568, %eq3A_3569 : vector<512x128xi1>
    %broadcast_in_dim3A_3571 = vector.shape_cast %eq3A_3551 : vector<1x128xi1> to vector<1x128xi1>
    %broadcast_in_dim3A_3572 = vector.broadcast %broadcast_in_dim3A_3571 : vector<1x128xi1> to vector<512x128xi1>
    %select_n3A_3573 = arith.select %broadcast_in_dim3A_3572, %concatenate3A_3554, %concatenate3A_3557 : vector<512x128xi1>, vector<512x128xf32>
    %min3A_3574 = arith.minimumf %select_n3A_3545, %select_n3A_3573 : vector<512x128xf32>
    %max3A_3575 = arith.maximumf %select_n3A_3545, %select_n3A_3573 : vector<512x128xf32>
    %select_n3A_3576 = arith.select %eq3A_3570, %min3A_3574, %max3A_3575 : vector<512x128xi1>, vector<512x128xf32>
    %and3A_3577 = arith.constant 1 : i32
    %and3A_3578 = vector.broadcast %and3A_3577 : i32 to vector<1x128xi32>
    %and3A_3579 = arith.andi %iota3A, %and3A_3578 : vector<1x128xi32>
    %eq3A_3580 = arith.constant 0 : i32
    %eq3A_3581 = vector.broadcast %eq3A_3580 : i32 to vector<1x128xi32>
    %eq3A_3582 = arith.cmpi eq, %and3A_3579, %eq3A_3581 : vector<1x128xi32>
    %slice3A_3583 = vector.extract_strided_slice %select_n3A_3576 {offsets = [0, 1], sizes = [512, 127], strides = [1, 1]} : vector<512x128xf32> to vector<512x127xf32>
    %slice3A_3584 = vector.extract_strided_slice %select_n3A_3576 {offsets = [0, 0], sizes = [512, 1], strides = [1, 1]} : vector<512x128xf32> to vector<512x1xf32>
    %concatenate3A_3585 = tpu.concatenate %slice3A_3583, %slice3A_3584 in 1 : vector<512x127xf32>, vector<512x1xf32> -> vector<512x128xf32>
    %slice3A_3586 = vector.extract_strided_slice %select_n3A_3576 {offsets = [0, 127], sizes = [512, 1], strides = [1, 1]} : vector<512x128xf32> to vector<512x1xf32>
    %slice3A_3587 = vector.extract_strided_slice %select_n3A_3576 {offsets = [0, 0], sizes = [512, 127], strides = [1, 1]} : vector<512x128xf32> to vector<512x127xf32>
    %concatenate3A_3588 = tpu.concatenate %slice3A_3586, %slice3A_3587 in 1 : vector<512x1xf32>, vector<512x127xf32> -> vector<512x128xf32>
    %and3A_3589 = arith.constant 256 : i32
    %and3A_3590 = vector.broadcast %and3A_3589 : i32 to vector<512x1xi32>
    %and3A_3591 = arith.andi %iota3A_7, %and3A_3590 : vector<512x1xi32>
    %eq3A_3592 = arith.constant 0 : i32
    %eq3A_3593 = vector.broadcast %eq3A_3592 : i32 to vector<512x1xi32>
    %eq3A_3594 = arith.cmpi eq, %and3A_3591, %eq3A_3593 : vector<512x1xi32>
    %eq3A_3595 = vector.broadcast %eq3A_3582 : vector<1x128xi1> to vector<512x128xi1>
    %eq3A_3596 = vector.broadcast %eq3A_3594 : vector<512x1xi1> to vector<512x128xi1>
    %eq3A_3597 = vector.broadcast %eq3A_3595 : vector<512x128xi1> to vector<512x128xi1>
    %eq3A_3598 = vector.broadcast %eq3A_3596 : vector<512x128xi1> to vector<512x128xi1>
    %eq3A_3599 = arith.xori %eq3A_3597, %eq3A_3598 : vector<512x128xi1>
    %eq3A_3600 = arith.constant dense<true> : vector<512x128xi1>
    %eq3A_3601 = arith.xori %eq3A_3599, %eq3A_3600 : vector<512x128xi1>
    %broadcast_in_dim3A_3602 = vector.shape_cast %eq3A_3582 : vector<1x128xi1> to vector<1x128xi1>
    %broadcast_in_dim3A_3603 = vector.broadcast %broadcast_in_dim3A_3602 : vector<1x128xi1> to vector<512x128xi1>
    %select_n3A_3604 = arith.select %broadcast_in_dim3A_3603, %concatenate3A_3585, %concatenate3A_3588 : vector<512x128xi1>, vector<512x128xf32>
    %min3A_3605 = arith.minimumf %select_n3A_3576, %select_n3A_3604 : vector<512x128xf32>
    %max3A_3606 = arith.maximumf %select_n3A_3576, %select_n3A_3604 : vector<512x128xf32>
    %select_n3A_3607 = arith.select %eq3A_3601, %min3A_3605, %max3A_3606 : vector<512x128xi1>, vector<512x128xf32>
    %and3A_3608 = arith.constant 256 : i32
    %and3A_3609 = vector.broadcast %and3A_3608 : i32 to vector<512x1xi32>
    %and3A_3610 = arith.andi %iota3A_7, %and3A_3609 : vector<512x1xi32>
    %eq3A_3611 = arith.constant 0 : i32
    %eq3A_3612 = vector.broadcast %eq3A_3611 : i32 to vector<512x1xi32>
    %eq3A_3613 = arith.cmpi eq, %and3A_3610, %eq3A_3612 : vector<512x1xi32>
    %slice3A_3614 = vector.extract_strided_slice %select_n3A_3607 {offsets = [256, 0], sizes = [256, 128], strides = [1, 1]} : vector<512x128xf32> to vector<256x128xf32>
    %slice3A_3615 = vector.extract_strided_slice %select_n3A_3607 {offsets = [0, 0], sizes = [256, 128], strides = [1, 1]} : vector<512x128xf32> to vector<256x128xf32>
    %concatenate3A_3616 = tpu.concatenate %slice3A_3614, %slice3A_3615 in 0 : vector<256x128xf32>, vector<256x128xf32> -> vector<512x128xf32>
    %slice3A_3617 = vector.extract_strided_slice %select_n3A_3607 {offsets = [256, 0], sizes = [256, 128], strides = [1, 1]} : vector<512x128xf32> to vector<256x128xf32>
    %slice3A_3618 = vector.extract_strided_slice %select_n3A_3607 {offsets = [0, 0], sizes = [256, 128], strides = [1, 1]} : vector<512x128xf32> to vector<256x128xf32>
    %concatenate3A_3619 = tpu.concatenate %slice3A_3617, %slice3A_3618 in 0 : vector<256x128xf32>, vector<256x128xf32> -> vector<512x128xf32>
    %broadcast_in_dim3A_3620 = vector.shape_cast %eq3A_3613 : vector<512x1xi1> to vector<512x1xi1>
    %broadcast_in_dim3A_3621 = vector.broadcast %broadcast_in_dim3A_3620 : vector<512x1xi1> to vector<512x128xi1>
    %select_n3A_3622 = arith.select %broadcast_in_dim3A_3621, %concatenate3A_3616, %concatenate3A_3619 : vector<512x128xi1>, vector<512x128xf32>
    %min3A_3623 = arith.minimumf %select_n3A_3607, %select_n3A_3622 : vector<512x128xf32>
    %max3A_3624 = arith.maximumf %select_n3A_3607, %select_n3A_3622 : vector<512x128xf32>
    %broadcast_in_dim3A_3625 = vector.shape_cast %eq3A_3613 : vector<512x1xi1> to vector<512x1xi1>
    %broadcast_in_dim3A_3626 = vector.broadcast %broadcast_in_dim3A_3625 : vector<512x1xi1> to vector<512x128xi1>
    %select_n3A_3627 = arith.select %broadcast_in_dim3A_3626, %min3A_3623, %max3A_3624 : vector<512x128xi1>, vector<512x128xf32>
    %and3A_3628 = arith.constant 128 : i32
    %and3A_3629 = vector.broadcast %and3A_3628 : i32 to vector<512x1xi32>
    %and3A_3630 = arith.andi %iota3A_7, %and3A_3629 : vector<512x1xi32>
    %eq3A_3631 = arith.constant 0 : i32
    %eq3A_3632 = vector.broadcast %eq3A_3631 : i32 to vector<512x1xi32>
    %eq3A_3633 = arith.cmpi eq, %and3A_3630, %eq3A_3632 : vector<512x1xi32>
    %slice3A_3634 = vector.extract_strided_slice %select_n3A_3627 {offsets = [128, 0], sizes = [384, 128], strides = [1, 1]} : vector<512x128xf32> to vector<384x128xf32>
    %slice3A_3635 = vector.extract_strided_slice %select_n3A_3627 {offsets = [0, 0], sizes = [128, 128], strides = [1, 1]} : vector<512x128xf32> to vector<128x128xf32>
    %concatenate3A_3636 = tpu.concatenate %slice3A_3634, %slice3A_3635 in 0 : vector<384x128xf32>, vector<128x128xf32> -> vector<512x128xf32>
    %slice3A_3637 = vector.extract_strided_slice %select_n3A_3627 {offsets = [384, 0], sizes = [128, 128], strides = [1, 1]} : vector<512x128xf32> to vector<128x128xf32>
    %slice3A_3638 = vector.extract_strided_slice %select_n3A_3627 {offsets = [0, 0], sizes = [384, 128], strides = [1, 1]} : vector<512x128xf32> to vector<384x128xf32>
    %concatenate3A_3639 = tpu.concatenate %slice3A_3637, %slice3A_3638 in 0 : vector<128x128xf32>, vector<384x128xf32> -> vector<512x128xf32>
    %broadcast_in_dim3A_3640 = vector.shape_cast %eq3A_3633 : vector<512x1xi1> to vector<512x1xi1>
    %broadcast_in_dim3A_3641 = vector.broadcast %broadcast_in_dim3A_3640 : vector<512x1xi1> to vector<512x128xi1>
    %select_n3A_3642 = arith.select %broadcast_in_dim3A_3641, %concatenate3A_3636, %concatenate3A_3639 : vector<512x128xi1>, vector<512x128xf32>
    %min3A_3643 = arith.minimumf %select_n3A_3627, %select_n3A_3642 : vector<512x128xf32>
    %max3A_3644 = arith.maximumf %select_n3A_3627, %select_n3A_3642 : vector<512x128xf32>
    %broadcast_in_dim3A_3645 = vector.shape_cast %eq3A_3633 : vector<512x1xi1> to vector<512x1xi1>
    %broadcast_in_dim3A_3646 = vector.broadcast %broadcast_in_dim3A_3645 : vector<512x1xi1> to vector<512x128xi1>
    %select_n3A_3647 = arith.select %broadcast_in_dim3A_3646, %min3A_3643, %max3A_3644 : vector<512x128xi1>, vector<512x128xf32>
    %and3A_3648 = arith.constant 64 : i32
    %and3A_3649 = vector.broadcast %and3A_3648 : i32 to vector<512x1xi32>
    %and3A_3650 = arith.andi %iota3A_7, %and3A_3649 : vector<512x1xi32>
    %eq3A_3651 = arith.constant 0 : i32
    %eq3A_3652 = vector.broadcast %eq3A_3651 : i32 to vector<512x1xi32>
    %eq3A_3653 = arith.cmpi eq, %and3A_3650, %eq3A_3652 : vector<512x1xi32>
    %slice3A_3654 = vector.extract_strided_slice %select_n3A_3647 {offsets = [64, 0], sizes = [448, 128], strides = [1, 1]} : vector<512x128xf32> to vector<448x128xf32>
    %slice3A_3655 = vector.extract_strided_slice %select_n3A_3647 {offsets = [0, 0], sizes = [64, 128], strides = [1, 1]} : vector<512x128xf32> to vector<64x128xf32>
    %concatenate3A_3656 = tpu.concatenate %slice3A_3654, %slice3A_3655 in 0 : vector<448x128xf32>, vector<64x128xf32> -> vector<512x128xf32>
    %slice3A_3657 = vector.extract_strided_slice %select_n3A_3647 {offsets = [448, 0], sizes = [64, 128], strides = [1, 1]} : vector<512x128xf32> to vector<64x128xf32>
    %slice3A_3658 = vector.extract_strided_slice %select_n3A_3647 {offsets = [0, 0], sizes = [448, 128], strides = [1, 1]} : vector<512x128xf32> to vector<448x128xf32>
    %concatenate3A_3659 = tpu.concatenate %slice3A_3657, %slice3A_3658 in 0 : vector<64x128xf32>, vector<448x128xf32> -> vector<512x128xf32>
    %broadcast_in_dim3A_3660 = vector.shape_cast %eq3A_3653 : vector<512x1xi1> to vector<512x1xi1>
    %broadcast_in_dim3A_3661 = vector.broadcast %broadcast_in_dim3A_3660 : vector<512x1xi1> to vector<512x128xi1>
    %select_n3A_3662 = arith.select %broadcast_in_dim3A_3661, %concatenate3A_3656, %concatenate3A_3659 : vector<512x128xi1>, vector<512x128xf32>
    %min3A_3663 = arith.minimumf %select_n3A_3647, %select_n3A_3662 : vector<512x128xf32>
    %max3A_3664 = arith.maximumf %select_n3A_3647, %select_n3A_3662 : vector<512x128xf32>
    %broadcast_in_dim3A_3665 = vector.shape_cast %eq3A_3653 : vector<512x1xi1> to vector<512x1xi1>
    %broadcast_in_dim3A_3666 = vector.broadcast %broadcast_in_dim3A_3665 : vector<512x1xi1> to vector<512x128xi1>
    %select_n3A_3667 = arith.select %broadcast_in_dim3A_3666, %min3A_3663, %max3A_3664 : vector<512x128xi1>, vector<512x128xf32>
    %and3A_3668 = arith.constant 32 : i32
    %and3A_3669 = vector.broadcast %and3A_3668 : i32 to vector<512x1xi32>
    %and3A_3670 = arith.andi %iota3A_7, %and3A_3669 : vector<512x1xi32>
    %eq3A_3671 = arith.constant 0 : i32
    %eq3A_3672 = vector.broadcast %eq3A_3671 : i32 to vector<512x1xi32>
    %eq3A_3673 = arith.cmpi eq, %and3A_3670, %eq3A_3672 : vector<512x1xi32>
    %slice3A_3674 = vector.extract_strided_slice %select_n3A_3667 {offsets = [32, 0], sizes = [480, 128], strides = [1, 1]} : vector<512x128xf32> to vector<480x128xf32>
    %slice3A_3675 = vector.extract_strided_slice %select_n3A_3667 {offsets = [0, 0], sizes = [32, 128], strides = [1, 1]} : vector<512x128xf32> to vector<32x128xf32>
    %concatenate3A_3676 = tpu.concatenate %slice3A_3674, %slice3A_3675 in 0 : vector<480x128xf32>, vector<32x128xf32> -> vector<512x128xf32>
    %slice3A_3677 = vector.extract_strided_slice %select_n3A_3667 {offsets = [480, 0], sizes = [32, 128], strides = [1, 1]} : vector<512x128xf32> to vector<32x128xf32>
    %slice3A_3678 = vector.extract_strided_slice %select_n3A_3667 {offsets = [0, 0], sizes = [480, 128], strides = [1, 1]} : vector<512x128xf32> to vector<480x128xf32>
    %concatenate3A_3679 = tpu.concatenate %slice3A_3677, %slice3A_3678 in 0 : vector<32x128xf32>, vector<480x128xf32> -> vector<512x128xf32>
    %broadcast_in_dim3A_3680 = vector.shape_cast %eq3A_3673 : vector<512x1xi1> to vector<512x1xi1>
    %broadcast_in_dim3A_3681 = vector.broadcast %broadcast_in_dim3A_3680 : vector<512x1xi1> to vector<512x128xi1>
    %select_n3A_3682 = arith.select %broadcast_in_dim3A_3681, %concatenate3A_3676, %concatenate3A_3679 : vector<512x128xi1>, vector<512x128xf32>
    %min3A_3683 = arith.minimumf %select_n3A_3667, %select_n3A_3682 : vector<512x128xf32>
    %max3A_3684 = arith.maximumf %select_n3A_3667, %select_n3A_3682 : vector<512x128xf32>
    %broadcast_in_dim3A_3685 = vector.shape_cast %eq3A_3673 : vector<512x1xi1> to vector<512x1xi1>
    %broadcast_in_dim3A_3686 = vector.broadcast %broadcast_in_dim3A_3685 : vector<512x1xi1> to vector<512x128xi1>
    %select_n3A_3687 = arith.select %broadcast_in_dim3A_3686, %min3A_3683, %max3A_3684 : vector<512x128xi1>, vector<512x128xf32>
    %and3A_3688 = arith.constant 16 : i32
    %and3A_3689 = vector.broadcast %and3A_3688 : i32 to vector<512x1xi32>
    %and3A_3690 = arith.andi %iota3A_7, %and3A_3689 : vector<512x1xi32>
    %eq3A_3691 = arith.constant 0 : i32
    %eq3A_3692 = vector.broadcast %eq3A_3691 : i32 to vector<512x1xi32>
    %eq3A_3693 = arith.cmpi eq, %and3A_3690, %eq3A_3692 : vector<512x1xi32>
    %slice3A_3694 = vector.extract_strided_slice %select_n3A_3687 {offsets = [16, 0], sizes = [496, 128], strides = [1, 1]} : vector<512x128xf32> to vector<496x128xf32>
    %slice3A_3695 = vector.extract_strided_slice %select_n3A_3687 {offsets = [0, 0], sizes = [16, 128], strides = [1, 1]} : vector<512x128xf32> to vector<16x128xf32>
    %concatenate3A_3696 = tpu.concatenate %slice3A_3694, %slice3A_3695 in 0 : vector<496x128xf32>, vector<16x128xf32> -> vector<512x128xf32>
    %slice3A_3697 = vector.extract_strided_slice %select_n3A_3687 {offsets = [496, 0], sizes = [16, 128], strides = [1, 1]} : vector<512x128xf32> to vector<16x128xf32>
    %slice3A_3698 = vector.extract_strided_slice %select_n3A_3687 {offsets = [0, 0], sizes = [496, 128], strides = [1, 1]} : vector<512x128xf32> to vector<496x128xf32>
    %concatenate3A_3699 = tpu.concatenate %slice3A_3697, %slice3A_3698 in 0 : vector<16x128xf32>, vector<496x128xf32> -> vector<512x128xf32>
    %broadcast_in_dim3A_3700 = vector.shape_cast %eq3A_3693 : vector<512x1xi1> to vector<512x1xi1>
    %broadcast_in_dim3A_3701 = vector.broadcast %broadcast_in_dim3A_3700 : vector<512x1xi1> to vector<512x128xi1>
    %select_n3A_3702 = arith.select %broadcast_in_dim3A_3701, %concatenate3A_3696, %concatenate3A_3699 : vector<512x128xi1>, vector<512x128xf32>
    %min3A_3703 = arith.minimumf %select_n3A_3687, %select_n3A_3702 : vector<512x128xf32>
    %max3A_3704 = arith.maximumf %select_n3A_3687, %select_n3A_3702 : vector<512x128xf32>
    %broadcast_in_dim3A_3705 = vector.shape_cast %eq3A_3693 : vector<512x1xi1> to vector<512x1xi1>
    %broadcast_in_dim3A_3706 = vector.broadcast %broadcast_in_dim3A_3705 : vector<512x1xi1> to vector<512x128xi1>
    %select_n3A_3707 = arith.select %broadcast_in_dim3A_3706, %min3A_3703, %max3A_3704 : vector<512x128xi1>, vector<512x128xf32>
    %and3A_3708 = arith.constant 8 : i32
    %and3A_3709 = vector.broadcast %and3A_3708 : i32 to vector<512x1xi32>
    %and3A_3710 = arith.andi %iota3A_7, %and3A_3709 : vector<512x1xi32>
    %eq3A_3711 = arith.constant 0 : i32
    %eq3A_3712 = vector.broadcast %eq3A_3711 : i32 to vector<512x1xi32>
    %eq3A_3713 = arith.cmpi eq, %and3A_3710, %eq3A_3712 : vector<512x1xi32>
    %slice3A_3714 = vector.extract_strided_slice %select_n3A_3707 {offsets = [8, 0], sizes = [504, 128], strides = [1, 1]} : vector<512x128xf32> to vector<504x128xf32>
    %slice3A_3715 = vector.extract_strided_slice %select_n3A_3707 {offsets = [0, 0], sizes = [8, 128], strides = [1, 1]} : vector<512x128xf32> to vector<8x128xf32>
    %concatenate3A_3716 = tpu.concatenate %slice3A_3714, %slice3A_3715 in 0 : vector<504x128xf32>, vector<8x128xf32> -> vector<512x128xf32>
    %slice3A_3717 = vector.extract_strided_slice %select_n3A_3707 {offsets = [504, 0], sizes = [8, 128], strides = [1, 1]} : vector<512x128xf32> to vector<8x128xf32>
    %slice3A_3718 = vector.extract_strided_slice %select_n3A_3707 {offsets = [0, 0], sizes = [504, 128], strides = [1, 1]} : vector<512x128xf32> to vector<504x128xf32>
    %concatenate3A_3719 = tpu.concatenate %slice3A_3717, %slice3A_3718 in 0 : vector<8x128xf32>, vector<504x128xf32> -> vector<512x128xf32>
    %broadcast_in_dim3A_3720 = vector.shape_cast %eq3A_3713 : vector<512x1xi1> to vector<512x1xi1>
    %broadcast_in_dim3A_3721 = vector.broadcast %broadcast_in_dim3A_3720 : vector<512x1xi1> to vector<512x128xi1>
    %select_n3A_3722 = arith.select %broadcast_in_dim3A_3721, %concatenate3A_3716, %concatenate3A_3719 : vector<512x128xi1>, vector<512x128xf32>
    %min3A_3723 = arith.minimumf %select_n3A_3707, %select_n3A_3722 : vector<512x128xf32>
    %max3A_3724 = arith.maximumf %select_n3A_3707, %select_n3A_3722 : vector<512x128xf32>
    %broadcast_in_dim3A_3725 = vector.shape_cast %eq3A_3713 : vector<512x1xi1> to vector<512x1xi1>
    %broadcast_in_dim3A_3726 = vector.broadcast %broadcast_in_dim3A_3725 : vector<512x1xi1> to vector<512x128xi1>
    %select_n3A_3727 = arith.select %broadcast_in_dim3A_3726, %min3A_3723, %max3A_3724 : vector<512x128xi1>, vector<512x128xf32>
    %and3A_3728 = arith.constant 4 : i32
    %and3A_3729 = vector.broadcast %and3A_3728 : i32 to vector<512x1xi32>
    %and3A_3730 = arith.andi %iota3A_7, %and3A_3729 : vector<512x1xi32>
    %eq3A_3731 = arith.constant 0 : i32
    %eq3A_3732 = vector.broadcast %eq3A_3731 : i32 to vector<512x1xi32>
    %eq3A_3733 = arith.cmpi eq, %and3A_3730, %eq3A_3732 : vector<512x1xi32>
    %slice3A_3734 = vector.extract_strided_slice %select_n3A_3727 {offsets = [4, 0], sizes = [508, 128], strides = [1, 1]} : vector<512x128xf32> to vector<508x128xf32>
    %slice3A_3735 = vector.extract_strided_slice %select_n3A_3727 {offsets = [0, 0], sizes = [4, 128], strides = [1, 1]} : vector<512x128xf32> to vector<4x128xf32>
    %concatenate3A_3736 = tpu.concatenate %slice3A_3734, %slice3A_3735 in 0 : vector<508x128xf32>, vector<4x128xf32> -> vector<512x128xf32>
    %slice3A_3737 = vector.extract_strided_slice %select_n3A_3727 {offsets = [508, 0], sizes = [4, 128], strides = [1, 1]} : vector<512x128xf32> to vector<4x128xf32>
    %slice3A_3738 = vector.extract_strided_slice %select_n3A_3727 {offsets = [0, 0], sizes = [508, 128], strides = [1, 1]} : vector<512x128xf32> to vector<508x128xf32>
    %concatenate3A_3739 = tpu.concatenate %slice3A_3737, %slice3A_3738 in 0 : vector<4x128xf32>, vector<508x128xf32> -> vector<512x128xf32>
    %broadcast_in_dim3A_3740 = vector.shape_cast %eq3A_3733 : vector<512x1xi1> to vector<512x1xi1>
    %broadcast_in_dim3A_3741 = vector.broadcast %broadcast_in_dim3A_3740 : vector<512x1xi1> to vector<512x128xi1>
    %select_n3A_3742 = arith.select %broadcast_in_dim3A_3741, %concatenate3A_3736, %concatenate3A_3739 : vector<512x128xi1>, vector<512x128xf32>
    %min3A_3743 = arith.minimumf %select_n3A_3727, %select_n3A_3742 : vector<512x128xf32>
    %max3A_3744 = arith.maximumf %select_n3A_3727, %select_n3A_3742 : vector<512x128xf32>
    %broadcast_in_dim3A_3745 = vector.shape_cast %eq3A_3733 : vector<512x1xi1> to vector<512x1xi1>
    %broadcast_in_dim3A_3746 = vector.broadcast %broadcast_in_dim3A_3745 : vector<512x1xi1> to vector<512x128xi1>
    %select_n3A_3747 = arith.select %broadcast_in_dim3A_3746, %min3A_3743, %max3A_3744 : vector<512x128xi1>, vector<512x128xf32>
    %and3A_3748 = arith.constant 2 : i32
    %and3A_3749 = vector.broadcast %and3A_3748 : i32 to vector<512x1xi32>
    %and3A_3750 = arith.andi %iota3A_7, %and3A_3749 : vector<512x1xi32>
    %eq3A_3751 = arith.constant 0 : i32
    %eq3A_3752 = vector.broadcast %eq3A_3751 : i32 to vector<512x1xi32>
    %eq3A_3753 = arith.cmpi eq, %and3A_3750, %eq3A_3752 : vector<512x1xi32>
    %slice3A_3754 = vector.extract_strided_slice %select_n3A_3747 {offsets = [2, 0], sizes = [510, 128], strides = [1, 1]} : vector<512x128xf32> to vector<510x128xf32>
    %slice3A_3755 = vector.extract_strided_slice %select_n3A_3747 {offsets = [0, 0], sizes = [2, 128], strides = [1, 1]} : vector<512x128xf32> to vector<2x128xf32>
    %concatenate3A_3756 = tpu.concatenate %slice3A_3754, %slice3A_3755 in 0 : vector<510x128xf32>, vector<2x128xf32> -> vector<512x128xf32>
    %slice3A_3757 = vector.extract_strided_slice %select_n3A_3747 {offsets = [510, 0], sizes = [2, 128], strides = [1, 1]} : vector<512x128xf32> to vector<2x128xf32>
    %slice3A_3758 = vector.extract_strided_slice %select_n3A_3747 {offsets = [0, 0], sizes = [510, 128], strides = [1, 1]} : vector<512x128xf32> to vector<510x128xf32>
    %concatenate3A_3759 = tpu.concatenate %slice3A_3757, %slice3A_3758 in 0 : vector<2x128xf32>, vector<510x128xf32> -> vector<512x128xf32>
    %broadcast_in_dim3A_3760 = vector.shape_cast %eq3A_3753 : vector<512x1xi1> to vector<512x1xi1>
    %broadcast_in_dim3A_3761 = vector.broadcast %broadcast_in_dim3A_3760 : vector<512x1xi1> to vector<512x128xi1>
    %select_n3A_3762 = arith.select %broadcast_in_dim3A_3761, %concatenate3A_3756, %concatenate3A_3759 : vector<512x128xi1>, vector<512x128xf32>
    %min3A_3763 = arith.minimumf %select_n3A_3747, %select_n3A_3762 : vector<512x128xf32>
    %max3A_3764 = arith.maximumf %select_n3A_3747, %select_n3A_3762 : vector<512x128xf32>
    %broadcast_in_dim3A_3765 = vector.shape_cast %eq3A_3753 : vector<512x1xi1> to vector<512x1xi1>
    %broadcast_in_dim3A_3766 = vector.broadcast %broadcast_in_dim3A_3765 : vector<512x1xi1> to vector<512x128xi1>
    %select_n3A_3767 = arith.select %broadcast_in_dim3A_3766, %min3A_3763, %max3A_3764 : vector<512x128xi1>, vector<512x128xf32>
    %and3A_3768 = arith.constant 1 : i32
    %and3A_3769 = vector.broadcast %and3A_3768 : i32 to vector<512x1xi32>
    %and3A_3770 = arith.andi %iota3A_7, %and3A_3769 : vector<512x1xi32>
    %eq3A_3771 = arith.constant 0 : i32
    %eq3A_3772 = vector.broadcast %eq3A_3771 : i32 to vector<512x1xi32>
    %eq3A_3773 = arith.cmpi eq, %and3A_3770, %eq3A_3772 : vector<512x1xi32>
    %slice3A_3774 = vector.extract_strided_slice %select_n3A_3767 {offsets = [1, 0], sizes = [511, 128], strides = [1, 1]} : vector<512x128xf32> to vector<511x128xf32>
    %slice3A_3775 = vector.extract_strided_slice %select_n3A_3767 {offsets = [0, 0], sizes = [1, 128], strides = [1, 1]} : vector<512x128xf32> to vector<1x128xf32>
    %concatenate3A_3776 = tpu.concatenate %slice3A_3774, %slice3A_3775 in 0 : vector<511x128xf32>, vector<1x128xf32> -> vector<512x128xf32>
    %slice3A_3777 = vector.extract_strided_slice %select_n3A_3767 {offsets = [511, 0], sizes = [1, 128], strides = [1, 1]} : vector<512x128xf32> to vector<1x128xf32>
    %slice3A_3778 = vector.extract_strided_slice %select_n3A_3767 {offsets = [0, 0], sizes = [511, 128], strides = [1, 1]} : vector<512x128xf32> to vector<511x128xf32>
    %concatenate3A_3779 = tpu.concatenate %slice3A_3777, %slice3A_3778 in 0 : vector<1x128xf32>, vector<511x128xf32> -> vector<512x128xf32>
    %broadcast_in_dim3A_3780 = vector.shape_cast %eq3A_3773 : vector<512x1xi1> to vector<512x1xi1>
    %broadcast_in_dim3A_3781 = vector.broadcast %broadcast_in_dim3A_3780 : vector<512x1xi1> to vector<512x128xi1>
    %select_n3A_3782 = arith.select %broadcast_in_dim3A_3781, %concatenate3A_3776, %concatenate3A_3779 : vector<512x128xi1>, vector<512x128xf32>
    %min3A_3783 = arith.minimumf %select_n3A_3767, %select_n3A_3782 : vector<512x128xf32>
    %max3A_3784 = arith.maximumf %select_n3A_3767, %select_n3A_3782 : vector<512x128xf32>
    %broadcast_in_dim3A_3785 = vector.shape_cast %eq3A_3773 : vector<512x1xi1> to vector<512x1xi1>
    %broadcast_in_dim3A_3786 = vector.broadcast %broadcast_in_dim3A_3785 : vector<512x1xi1> to vector<512x128xi1>
    %select_n3A_3787 = arith.select %broadcast_in_dim3A_3786, %min3A_3783, %max3A_3784 : vector<512x128xi1>, vector<512x128xf32>
    %and3A_3788 = arith.constant 64 : i32
    %and3A_3789 = vector.broadcast %and3A_3788 : i32 to vector<1x128xi32>
    %and3A_3790 = arith.andi %iota3A, %and3A_3789 : vector<1x128xi32>
    %eq3A_3791 = arith.constant 0 : i32
    %eq3A_3792 = vector.broadcast %eq3A_3791 : i32 to vector<1x128xi32>
    %eq3A_3793 = arith.cmpi eq, %and3A_3790, %eq3A_3792 : vector<1x128xi32>
    %slice3A_3794 = vector.extract_strided_slice %select_n3A_3787 {offsets = [0, 64], sizes = [512, 64], strides = [1, 1]} : vector<512x128xf32> to vector<512x64xf32>
    %slice3A_3795 = vector.extract_strided_slice %select_n3A_3787 {offsets = [0, 0], sizes = [512, 64], strides = [1, 1]} : vector<512x128xf32> to vector<512x64xf32>
    %concatenate3A_3796 = tpu.concatenate %slice3A_3794, %slice3A_3795 in 1 : vector<512x64xf32>, vector<512x64xf32> -> vector<512x128xf32>
    %slice3A_3797 = vector.extract_strided_slice %select_n3A_3787 {offsets = [0, 64], sizes = [512, 64], strides = [1, 1]} : vector<512x128xf32> to vector<512x64xf32>
    %slice3A_3798 = vector.extract_strided_slice %select_n3A_3787 {offsets = [0, 0], sizes = [512, 64], strides = [1, 1]} : vector<512x128xf32> to vector<512x64xf32>
    %concatenate3A_3799 = tpu.concatenate %slice3A_3797, %slice3A_3798 in 1 : vector<512x64xf32>, vector<512x64xf32> -> vector<512x128xf32>
    %broadcast_in_dim3A_3800 = vector.shape_cast %eq3A_3793 : vector<1x128xi1> to vector<1x128xi1>
    %broadcast_in_dim3A_3801 = vector.broadcast %broadcast_in_dim3A_3800 : vector<1x128xi1> to vector<512x128xi1>
    %select_n3A_3802 = arith.select %broadcast_in_dim3A_3801, %concatenate3A_3796, %concatenate3A_3799 : vector<512x128xi1>, vector<512x128xf32>
    %min3A_3803 = arith.minimumf %select_n3A_3787, %select_n3A_3802 : vector<512x128xf32>
    %max3A_3804 = arith.maximumf %select_n3A_3787, %select_n3A_3802 : vector<512x128xf32>
    %broadcast_in_dim3A_3805 = vector.shape_cast %eq3A_3793 : vector<1x128xi1> to vector<1x128xi1>
    %broadcast_in_dim3A_3806 = vector.broadcast %broadcast_in_dim3A_3805 : vector<1x128xi1> to vector<512x128xi1>
    %select_n3A_3807 = arith.select %broadcast_in_dim3A_3806, %min3A_3803, %max3A_3804 : vector<512x128xi1>, vector<512x128xf32>
    %and3A_3808 = arith.constant 32 : i32
    %and3A_3809 = vector.broadcast %and3A_3808 : i32 to vector<1x128xi32>
    %and3A_3810 = arith.andi %iota3A, %and3A_3809 : vector<1x128xi32>
    %eq3A_3811 = arith.constant 0 : i32
    %eq3A_3812 = vector.broadcast %eq3A_3811 : i32 to vector<1x128xi32>
    %eq3A_3813 = arith.cmpi eq, %and3A_3810, %eq3A_3812 : vector<1x128xi32>
    %slice3A_3814 = vector.extract_strided_slice %select_n3A_3807 {offsets = [0, 32], sizes = [512, 96], strides = [1, 1]} : vector<512x128xf32> to vector<512x96xf32>
    %slice3A_3815 = vector.extract_strided_slice %select_n3A_3807 {offsets = [0, 0], sizes = [512, 32], strides = [1, 1]} : vector<512x128xf32> to vector<512x32xf32>
    %concatenate3A_3816 = tpu.concatenate %slice3A_3814, %slice3A_3815 in 1 : vector<512x96xf32>, vector<512x32xf32> -> vector<512x128xf32>
    %slice3A_3817 = vector.extract_strided_slice %select_n3A_3807 {offsets = [0, 96], sizes = [512, 32], strides = [1, 1]} : vector<512x128xf32> to vector<512x32xf32>
    %slice3A_3818 = vector.extract_strided_slice %select_n3A_3807 {offsets = [0, 0], sizes = [512, 96], strides = [1, 1]} : vector<512x128xf32> to vector<512x96xf32>
    %concatenate3A_3819 = tpu.concatenate %slice3A_3817, %slice3A_3818 in 1 : vector<512x32xf32>, vector<512x96xf32> -> vector<512x128xf32>
    %broadcast_in_dim3A_3820 = vector.shape_cast %eq3A_3813 : vector<1x128xi1> to vector<1x128xi1>
    %broadcast_in_dim3A_3821 = vector.broadcast %broadcast_in_dim3A_3820 : vector<1x128xi1> to vector<512x128xi1>
    %select_n3A_3822 = arith.select %broadcast_in_dim3A_3821, %concatenate3A_3816, %concatenate3A_3819 : vector<512x128xi1>, vector<512x128xf32>
    %min3A_3823 = arith.minimumf %select_n3A_3807, %select_n3A_3822 : vector<512x128xf32>
    %max3A_3824 = arith.maximumf %select_n3A_3807, %select_n3A_3822 : vector<512x128xf32>
    %broadcast_in_dim3A_3825 = vector.shape_cast %eq3A_3813 : vector<1x128xi1> to vector<1x128xi1>
    %broadcast_in_dim3A_3826 = vector.broadcast %broadcast_in_dim3A_3825 : vector<1x128xi1> to vector<512x128xi1>
    %select_n3A_3827 = arith.select %broadcast_in_dim3A_3826, %min3A_3823, %max3A_3824 : vector<512x128xi1>, vector<512x128xf32>
    %and3A_3828 = arith.constant 16 : i32
    %and3A_3829 = vector.broadcast %and3A_3828 : i32 to vector<1x128xi32>
    %and3A_3830 = arith.andi %iota3A, %and3A_3829 : vector<1x128xi32>
    %eq3A_3831 = arith.constant 0 : i32
    %eq3A_3832 = vector.broadcast %eq3A_3831 : i32 to vector<1x128xi32>
    %eq3A_3833 = arith.cmpi eq, %and3A_3830, %eq3A_3832 : vector<1x128xi32>
    %slice3A_3834 = vector.extract_strided_slice %select_n3A_3827 {offsets = [0, 16], sizes = [512, 112], strides = [1, 1]} : vector<512x128xf32> to vector<512x112xf32>
    %slice3A_3835 = vector.extract_strided_slice %select_n3A_3827 {offsets = [0, 0], sizes = [512, 16], strides = [1, 1]} : vector<512x128xf32> to vector<512x16xf32>
    %concatenate3A_3836 = tpu.concatenate %slice3A_3834, %slice3A_3835 in 1 : vector<512x112xf32>, vector<512x16xf32> -> vector<512x128xf32>
    %slice3A_3837 = vector.extract_strided_slice %select_n3A_3827 {offsets = [0, 112], sizes = [512, 16], strides = [1, 1]} : vector<512x128xf32> to vector<512x16xf32>
    %slice3A_3838 = vector.extract_strided_slice %select_n3A_3827 {offsets = [0, 0], sizes = [512, 112], strides = [1, 1]} : vector<512x128xf32> to vector<512x112xf32>
    %concatenate3A_3839 = tpu.concatenate %slice3A_3837, %slice3A_3838 in 1 : vector<512x16xf32>, vector<512x112xf32> -> vector<512x128xf32>
    %broadcast_in_dim3A_3840 = vector.shape_cast %eq3A_3833 : vector<1x128xi1> to vector<1x128xi1>
    %broadcast_in_dim3A_3841 = vector.broadcast %broadcast_in_dim3A_3840 : vector<1x128xi1> to vector<512x128xi1>
    %select_n3A_3842 = arith.select %broadcast_in_dim3A_3841, %concatenate3A_3836, %concatenate3A_3839 : vector<512x128xi1>, vector<512x128xf32>
    %min3A_3843 = arith.minimumf %select_n3A_3827, %select_n3A_3842 : vector<512x128xf32>
    %max3A_3844 = arith.maximumf %select_n3A_3827, %select_n3A_3842 : vector<512x128xf32>
    %broadcast_in_dim3A_3845 = vector.shape_cast %eq3A_3833 : vector<1x128xi1> to vector<1x128xi1>
    %broadcast_in_dim3A_3846 = vector.broadcast %broadcast_in_dim3A_3845 : vector<1x128xi1> to vector<512x128xi1>
    %select_n3A_3847 = arith.select %broadcast_in_dim3A_3846, %min3A_3843, %max3A_3844 : vector<512x128xi1>, vector<512x128xf32>
    %and3A_3848 = arith.constant 8 : i32
    %and3A_3849 = vector.broadcast %and3A_3848 : i32 to vector<1x128xi32>
    %and3A_3850 = arith.andi %iota3A, %and3A_3849 : vector<1x128xi32>
    %eq3A_3851 = arith.constant 0 : i32
    %eq3A_3852 = vector.broadcast %eq3A_3851 : i32 to vector<1x128xi32>
    %eq3A_3853 = arith.cmpi eq, %and3A_3850, %eq3A_3852 : vector<1x128xi32>
    %slice3A_3854 = vector.extract_strided_slice %select_n3A_3847 {offsets = [0, 8], sizes = [512, 120], strides = [1, 1]} : vector<512x128xf32> to vector<512x120xf32>
    %slice3A_3855 = vector.extract_strided_slice %select_n3A_3847 {offsets = [0, 0], sizes = [512, 8], strides = [1, 1]} : vector<512x128xf32> to vector<512x8xf32>
    %concatenate3A_3856 = tpu.concatenate %slice3A_3854, %slice3A_3855 in 1 : vector<512x120xf32>, vector<512x8xf32> -> vector<512x128xf32>
    %slice3A_3857 = vector.extract_strided_slice %select_n3A_3847 {offsets = [0, 120], sizes = [512, 8], strides = [1, 1]} : vector<512x128xf32> to vector<512x8xf32>
    %slice3A_3858 = vector.extract_strided_slice %select_n3A_3847 {offsets = [0, 0], sizes = [512, 120], strides = [1, 1]} : vector<512x128xf32> to vector<512x120xf32>
    %concatenate3A_3859 = tpu.concatenate %slice3A_3857, %slice3A_3858 in 1 : vector<512x8xf32>, vector<512x120xf32> -> vector<512x128xf32>
    %broadcast_in_dim3A_3860 = vector.shape_cast %eq3A_3853 : vector<1x128xi1> to vector<1x128xi1>
    %broadcast_in_dim3A_3861 = vector.broadcast %broadcast_in_dim3A_3860 : vector<1x128xi1> to vector<512x128xi1>
    %select_n3A_3862 = arith.select %broadcast_in_dim3A_3861, %concatenate3A_3856, %concatenate3A_3859 : vector<512x128xi1>, vector<512x128xf32>
    %min3A_3863 = arith.minimumf %select_n3A_3847, %select_n3A_3862 : vector<512x128xf32>
    %max3A_3864 = arith.maximumf %select_n3A_3847, %select_n3A_3862 : vector<512x128xf32>
    %broadcast_in_dim3A_3865 = vector.shape_cast %eq3A_3853 : vector<1x128xi1> to vector<1x128xi1>
    %broadcast_in_dim3A_3866 = vector.broadcast %broadcast_in_dim3A_3865 : vector<1x128xi1> to vector<512x128xi1>
    %select_n3A_3867 = arith.select %broadcast_in_dim3A_3866, %min3A_3863, %max3A_3864 : vector<512x128xi1>, vector<512x128xf32>
    %and3A_3868 = arith.constant 4 : i32
    %and3A_3869 = vector.broadcast %and3A_3868 : i32 to vector<1x128xi32>
    %and3A_3870 = arith.andi %iota3A, %and3A_3869 : vector<1x128xi32>
    %eq3A_3871 = arith.constant 0 : i32
    %eq3A_3872 = vector.broadcast %eq3A_3871 : i32 to vector<1x128xi32>
    %eq3A_3873 = arith.cmpi eq, %and3A_3870, %eq3A_3872 : vector<1x128xi32>
    %slice3A_3874 = vector.extract_strided_slice %select_n3A_3867 {offsets = [0, 4], sizes = [512, 124], strides = [1, 1]} : vector<512x128xf32> to vector<512x124xf32>
    %slice3A_3875 = vector.extract_strided_slice %select_n3A_3867 {offsets = [0, 0], sizes = [512, 4], strides = [1, 1]} : vector<512x128xf32> to vector<512x4xf32>
    %concatenate3A_3876 = tpu.concatenate %slice3A_3874, %slice3A_3875 in 1 : vector<512x124xf32>, vector<512x4xf32> -> vector<512x128xf32>
    %slice3A_3877 = vector.extract_strided_slice %select_n3A_3867 {offsets = [0, 124], sizes = [512, 4], strides = [1, 1]} : vector<512x128xf32> to vector<512x4xf32>
    %slice3A_3878 = vector.extract_strided_slice %select_n3A_3867 {offsets = [0, 0], sizes = [512, 124], strides = [1, 1]} : vector<512x128xf32> to vector<512x124xf32>
    %concatenate3A_3879 = tpu.concatenate %slice3A_3877, %slice3A_3878 in 1 : vector<512x4xf32>, vector<512x124xf32> -> vector<512x128xf32>
    %broadcast_in_dim3A_3880 = vector.shape_cast %eq3A_3873 : vector<1x128xi1> to vector<1x128xi1>
    %broadcast_in_dim3A_3881 = vector.broadcast %broadcast_in_dim3A_3880 : vector<1x128xi1> to vector<512x128xi1>
    %select_n3A_3882 = arith.select %broadcast_in_dim3A_3881, %concatenate3A_3876, %concatenate3A_3879 : vector<512x128xi1>, vector<512x128xf32>
    %min3A_3883 = arith.minimumf %select_n3A_3867, %select_n3A_3882 : vector<512x128xf32>
    %max3A_3884 = arith.maximumf %select_n3A_3867, %select_n3A_3882 : vector<512x128xf32>
    %broadcast_in_dim3A_3885 = vector.shape_cast %eq3A_3873 : vector<1x128xi1> to vector<1x128xi1>
    %broadcast_in_dim3A_3886 = vector.broadcast %broadcast_in_dim3A_3885 : vector<1x128xi1> to vector<512x128xi1>
    %select_n3A_3887 = arith.select %broadcast_in_dim3A_3886, %min3A_3883, %max3A_3884 : vector<512x128xi1>, vector<512x128xf32>
    %and3A_3888 = arith.constant 2 : i32
    %and3A_3889 = vector.broadcast %and3A_3888 : i32 to vector<1x128xi32>
    %and3A_3890 = arith.andi %iota3A, %and3A_3889 : vector<1x128xi32>
    %eq3A_3891 = arith.constant 0 : i32
    %eq3A_3892 = vector.broadcast %eq3A_3891 : i32 to vector<1x128xi32>
    %eq3A_3893 = arith.cmpi eq, %and3A_3890, %eq3A_3892 : vector<1x128xi32>
    %slice3A_3894 = vector.extract_strided_slice %select_n3A_3887 {offsets = [0, 2], sizes = [512, 126], strides = [1, 1]} : vector<512x128xf32> to vector<512x126xf32>
    %slice3A_3895 = vector.extract_strided_slice %select_n3A_3887 {offsets = [0, 0], sizes = [512, 2], strides = [1, 1]} : vector<512x128xf32> to vector<512x2xf32>
    %concatenate3A_3896 = tpu.concatenate %slice3A_3894, %slice3A_3895 in 1 : vector<512x126xf32>, vector<512x2xf32> -> vector<512x128xf32>
    %slice3A_3897 = vector.extract_strided_slice %select_n3A_3887 {offsets = [0, 126], sizes = [512, 2], strides = [1, 1]} : vector<512x128xf32> to vector<512x2xf32>
    %slice3A_3898 = vector.extract_strided_slice %select_n3A_3887 {offsets = [0, 0], sizes = [512, 126], strides = [1, 1]} : vector<512x128xf32> to vector<512x126xf32>
    %concatenate3A_3899 = tpu.concatenate %slice3A_3897, %slice3A_3898 in 1 : vector<512x2xf32>, vector<512x126xf32> -> vector<512x128xf32>
    %broadcast_in_dim3A_3900 = vector.shape_cast %eq3A_3893 : vector<1x128xi1> to vector<1x128xi1>
    %broadcast_in_dim3A_3901 = vector.broadcast %broadcast_in_dim3A_3900 : vector<1x128xi1> to vector<512x128xi1>
    %select_n3A_3902 = arith.select %broadcast_in_dim3A_3901, %concatenate3A_3896, %concatenate3A_3899 : vector<512x128xi1>, vector<512x128xf32>
    %min3A_3903 = arith.minimumf %select_n3A_3887, %select_n3A_3902 : vector<512x128xf32>
    %max3A_3904 = arith.maximumf %select_n3A_3887, %select_n3A_3902 : vector<512x128xf32>
    %broadcast_in_dim3A_3905 = vector.shape_cast %eq3A_3893 : vector<1x128xi1> to vector<1x128xi1>
    %broadcast_in_dim3A_3906 = vector.broadcast %broadcast_in_dim3A_3905 : vector<1x128xi1> to vector<512x128xi1>
    %select_n3A_3907 = arith.select %broadcast_in_dim3A_3906, %min3A_3903, %max3A_3904 : vector<512x128xi1>, vector<512x128xf32>
    %and3A_3908 = arith.constant 1 : i32
    %and3A_3909 = vector.broadcast %and3A_3908 : i32 to vector<1x128xi32>
    %and3A_3910 = arith.andi %iota3A, %and3A_3909 : vector<1x128xi32>
    %eq3A_3911 = arith.constant 0 : i32
    %eq3A_3912 = vector.broadcast %eq3A_3911 : i32 to vector<1x128xi32>
    %eq3A_3913 = arith.cmpi eq, %and3A_3910, %eq3A_3912 : vector<1x128xi32>
    %slice3A_3914 = vector.extract_strided_slice %select_n3A_3907 {offsets = [0, 1], sizes = [512, 127], strides = [1, 1]} : vector<512x128xf32> to vector<512x127xf32>
    %slice3A_3915 = vector.extract_strided_slice %select_n3A_3907 {offsets = [0, 0], sizes = [512, 1], strides = [1, 1]} : vector<512x128xf32> to vector<512x1xf32>
    %concatenate3A_3916 = tpu.concatenate %slice3A_3914, %slice3A_3915 in 1 : vector<512x127xf32>, vector<512x1xf32> -> vector<512x128xf32>
    %slice3A_3917 = vector.extract_strided_slice %select_n3A_3907 {offsets = [0, 127], sizes = [512, 1], strides = [1, 1]} : vector<512x128xf32> to vector<512x1xf32>
    %slice3A_3918 = vector.extract_strided_slice %select_n3A_3907 {offsets = [0, 0], sizes = [512, 127], strides = [1, 1]} : vector<512x128xf32> to vector<512x127xf32>
    %concatenate3A_3919 = tpu.concatenate %slice3A_3917, %slice3A_3918 in 1 : vector<512x1xf32>, vector<512x127xf32> -> vector<512x128xf32>
    %broadcast_in_dim3A_3920 = vector.shape_cast %eq3A_3913 : vector<1x128xi1> to vector<1x128xi1>
    %broadcast_in_dim3A_3921 = vector.broadcast %broadcast_in_dim3A_3920 : vector<1x128xi1> to vector<512x128xi1>
    %select_n3A_3922 = arith.select %broadcast_in_dim3A_3921, %concatenate3A_3916, %concatenate3A_3919 : vector<512x128xi1>, vector<512x128xf32>
    %min3A_3923 = arith.minimumf %select_n3A_3907, %select_n3A_3922 : vector<512x128xf32>
    %max3A_3924 = arith.maximumf %select_n3A_3907, %select_n3A_3922 : vector<512x128xf32>
    %broadcast_in_dim3A_3925 = vector.shape_cast %eq3A_3913 : vector<1x128xi1> to vector<1x128xi1>
    %broadcast_in_dim3A_3926 = vector.broadcast %broadcast_in_dim3A_3925 : vector<1x128xi1> to vector<512x128xi1>
    %select_n3A_3927 = arith.select %broadcast_in_dim3A_3926, %min3A_3923, %max3A_3924 : vector<512x128xi1>, vector<512x128xf32>
    %broadcast_in_dim3A_3928 = arith.constant -3.40282347E+38 : f32
    %broadcast_in_dim3A_3929 = vector.broadcast %broadcast_in_dim3A_3928 : f32 to vector<8x128xf32>
    %swap3A = arith.constant 0 : index
    %swap3A_3930 = arith.constant 0 : index
    %swap3A_3931 = vector.load %arg2[%swap3A, %swap3A_3930] : memref<528x128xf32, #tpu.memory_space<vmem>>, vector<8x128xf32>
    tpu.vector_store %arg2[%swap3A, %swap3A_3930], %broadcast_in_dim3A_3929 {strides = array<i32>} : memref<528x128xf32, #tpu.memory_space<vmem>>, vector<8x128xf32>,
    %swap3A_3932 = arith.constant 8 : index
    %swap3A_3933 = arith.constant 0 : index
    %swap3A_3934 = vector.load %arg2[%swap3A_3932, %swap3A_3933] : memref<528x128xf32, #tpu.memory_space<vmem>>, vector<512x128xf32>
    tpu.vector_store %arg2[%swap3A_3932, %swap3A_3933], %select_n3A_3927 {strides = array<i32>} : memref<528x128xf32, #tpu.memory_space<vmem>>, vector<512x128xf32>,
    %broadcast_in_dim3A_3935 = arith.constant 3.40282347E+38 : f32
    %broadcast_in_dim3A_3936 = vector.broadcast %broadcast_in_dim3A_3935 : f32 to vector<8x128xf32>
    %swap3A_3937 = arith.constant 520 : index
    %swap3A_3938 = arith.constant 0 : index
    %swap3A_3939 = vector.load %arg2[%swap3A_3937, %swap3A_3938] : memref<528x128xf32, #tpu.memory_space<vmem>>, vector<8x128xf32>
    tpu.vector_store %arg2[%swap3A_3937, %swap3A_3938], %broadcast_in_dim3A_3936 {strides = array<i32>} : memref<528x128xf32, #tpu.memory_space<vmem>>, vector<8x128xf32>,
    return
  }
}

</mosaic_0001>

<sc_bundles>
// kernel: kernel.4.cloned.1.call-start
scs
__scs_entry_jumppad:
0x0: {  	(pc) =	sbr.rel $0x88, $3  }
0x1: {  	(tag) =	ssettag $0x0;
	lr =	simm.s32 $0x1  }
0x2: {  	[smem:$0x3F9F] =	sst lr;
	_ =	strace $0xD0000000  }
0x3: {  	_ = 	snop  }
0x4: {  	_ = 	snop  }
0x5: {  	_ = 	snop  }
0x6: {  	_ = 	snop  }
0x7: {  	_ = 	snop  }
__scs_overlays_trampoline_lowered:
0x8: {  	[smem:$0x3FAE] =	sst s0  }
0x9: {  	[smem:$0x3FAF] =	sst s1  }
0xa: {  	[smem:$0x3FB0] =	sst s2  }
0xb: {  	[smem:$0x3FB1] =	sst s3  }
0xc: {  	[smem:$0x3FB2] =	sst s4  }
0xd: {  	[smem:$0x3FB3] =	sst s5  }
0xe: {  	[smem:$0x3FB4] =	sst s6  }
0xf: {  	[smem:$0x3FB5] =	sst s7  }
0x10: {  	[smem:$0x3FB6] =	sst s8  }
0x11: {  	[smem:$0x3FB7] =	sst s9;
	s0 =	simm.s32 @!p0 $0x0  }
0x12: {  	s1 =	sld [smem:$0x3F9D];
	s0 =	simm.s32 @p0 $0x1  }
0x13: {  	[smem:$0x3FB8] =	sst s0;
	s0 =	simm.s32 @!p1 $0x0  }
0x14: {  	s2 =	sld [smem:$0x3F9C];
	s0 =	simm.s32 @p1 $0x1  }
0x15: {  	[smem:$0x3FB9] =	sst s0;
	s0 =	simm.s32 @!p2 $0x0  }
0x16: {  	s3 =	sld [smem:$0x3FDB];
	s0 =	simm.s32 @p2 $0x1  }
0x17: {  	s4 =	simm.s32 $0x1BF5;
	[smem:$0x3FBB] =	sst s0  }
0x18: {  	s0 =	sld [smem:$0x3F9E];
	_ =	swait.ge [sflag:s4], $0x0  }
0x19: {  	s7 =	sld [smem:$0x3F9F]  }
0x1a: {  	s8 =	sadd.s32 $0xFFFFE003, lr  }
0x1b: {  	s9 =	sadd.s32 $0xFFFFFEF7, lr;
	s5 =	simm.s32 $0xFFFFFFFF;
	p2 =	slt.u32 s8, $0xFFFFF086  }
0x1c: {  	p1 =	slt.u32 s9, $0xF7A;
	s5 =	simm.s32 @!p2 $0x0  }
0x1d: {  	s5 =	simm.s32 @p1 $0x1;
	p0 =	seq.s32 s7, s2  }
0x1e: {  	s7 =	smul.u32 @!p0 $0xF7A, s2;
	p2 =	seq.s32 @!p0 s5, $0x0  }
0x1f: {  	s9 =	smul.u32 $0xF7A, s1;
	s8 =	simm.s32 @!p0 $0x1BF5;
	p2 =	por !p2, p0  }
0x20: {  	[sflag:s8] =	ssyncset.s32 @!p0 $0xFFFFF086;
	s6 =	sadd.s32 @!p0 s3, s7;
	s7 =	simm.s32 @!p0 $0x108  }
0x21: {  	s3 =	sadd.s32 s3, s9;
	s6 =	sadd.s32 @!p0 $0x88, s6;
	s7 =	simm.s32 @p2 $0x1082  }
0x22: {  	[simem:s7], [sflag:s8] =	dma.local @!p0 [hbm:s6], $0xF7A  }
0x23: {  	s9 =	sor.u32 $0xD0000000, s2;
	s6 =	simm.s32 $0x108;
	_ =	swait.ge @!p0 [sflag:s8], $0x0  }
0x24: {  	s3 =	sadd.s32 $0x88, s3;
	s6 =	simm.s32 @!p1 $0x1082;
	[sflag:s4] =	ssyncset.s32 $0xFFFFF086  }
0x25: {  	[simem:s6], [sflag:s4] =	dma.local [hbm:s3], $0xF7A  }
0x26: {  	[smem:$0x3F9F] =	sst s1;
	(tag) =	ssettag s2;
	_ =	strace s9  }
0x27: {  	s1 =	sld [smem:$0x3FAF]  }
0x28: {  	s2 =	sld [smem:$0x3FB0]  }
0x29: {  	s4 =	sld [smem:$0x3FB2]  }
0x2a: {  	p0 =	seq.s32 s5, $0x0;
	s5 =	sld [smem:$0x3FB3]  }
0x2b: {  	s6 =	sld [smem:$0x3FB4]  }
0x2c: {  	s7 =	sld [smem:$0x3FB5]  }
0x2d: {  	s3 =	simm.s32 $0x108;
	s8 =	sld [smem:$0x3FB6]  }
0x2e: {  	s3 =	simm.s32 @!p0 $0x1082;
	s9 =	sld [smem:$0x3FB7]  }
0x2f: {  	lr =	sadd.s32 s0, s3;
	s0 =	sld [smem:$0x3FAE]  }
0x30: {  	s3 =	sld [smem:$0x3FB1]  }
0x31: {  	[smem:$0x3FBA] =	sst s10  }
0x32: {  	s10 =	sld [smem:$0x3FB8];
	_ =	sdelay $0x3  }
0x33: {  	p0 =	seq.s32 s10, $0x1;
	s10 =	sld [smem:$0x3FBA];
	_ =	sdelay $0x3  }
0x34: {  	[smem:$0x3FBA] =	sst s10  }
0x35: {  	s10 =	sld [smem:$0x3FB9];
	_ =	sdelay $0x3  }
0x36: {  	p1 =	seq.s32 s10, $0x1;
	s10 =	sld [smem:$0x3FBA];
	_ =	sdelay $0x3  }
0x37: {  	[smem:$0x3FBA] =	sst s10  }
0x38: {  	s10 =	sld [smem:$0x3FBB]  }
0x39: {  	_ = 	snop;
	(pc) =	sbr.ind lr, $3  }
0x3a: {  	_ = 	snop  }
0x3b: {  	_ = 	snop  }
0x3c: {  	p2 =	seq.s32 s10, $0x1;
	s10 =	sld [smem:$0x3FBA]  }
0x3d: {  	_ =	shalt  }
0x3e: {  	_ =	shalt  }
0x3f: {  	_ =	shalt  }
0x40: {  	_ =	shalt  }
0x41: {  	_ =	shalt  }
0x42: {  	_ =	shalt  }
0x43: {  	_ =	shalt  }
0x44: {  	_ =	shalt  }
0x45: {  	_ =	shalt  }
0x46: {  	_ =	shalt  }
0x47: {  	_ =	shalt  }
0x48: {  	_ =	shalt  }
0x49: {  	_ =	shalt  }
0x4a: {  	_ =	shalt  }
0x4b: {  	_ =	shalt  }
0x4c: {  	_ =	shalt  }
0x4d: {  	_ =	shalt  }
0x4e: {  	_ =	shalt  }
0x4f: {  	_ =	shalt  }
0x50: {  	_ =	shalt  }
0x51: {  	_ =	shalt  }
0x52: {  	_ =	shalt  }
0x53: {  	_ =	shalt  }
0x54: {  	_ =	shalt  }
0x55: {  	_ =	shalt  }
0x56: {  	_ =	shalt  }
0x57: {  	_ =	shalt  }
0x58: {  	_ =	shalt  }
0x59: {  	_ =	shalt  }
0x5a: {  	_ =	shalt  }
0x5b: {  	_ =	shalt  }
0x5c: {  	_ =	shalt  }
0x5d: {  	_ =	shalt  }
0x5e: {  	_ =	shalt  }
0x5f: {  	_ =	shalt  }
0x60: {  	_ =	shalt  }
0x61: {  	_ =	shalt  }
0x62: {  	_ =	shalt  }
0x63: {  	_ =	shalt  }
0x64: {  	_ =	shalt  }
0x65: {  	_ =	shalt  }
0x66: {  	_ =	shalt  }
0x67: {  	_ =	shalt  }
0x68: {  	_ =	shalt  }
0x69: {  	_ =	shalt  }
0x6a: {  	_ =	shalt  }
0x6b: {  	_ =	shalt  }
0x6c: {  	_ =	shalt  }
0x6d: {  	_ =	shalt  }
0x6e: {  	_ =	shalt  }
0x6f: {  	_ =	shalt  }
0x70: {  	_ =	shalt  }
0x71: {  	_ =	shalt  }
0x72: {  	_ =	shalt  }
0x73: {  	_ =	shalt  }
0x74: {  	_ =	shalt  }
0x75: {  	_ =	shalt  }
0x76: {  	_ =	shalt  }
0x77: {  	_ =	shalt  }
0x78: {  	_ =	shalt  }
0x79: {  	_ =	shalt  }
0x7a: {  	_ =	shalt  }
0x7b: {  	_ =	shalt  }
0x7c: {  	_ =	shalt  }
0x7d: {  	_ =	shalt  }
0x7e: {  	_ =	shalt  }
0x7f: {  	_ =	shalt  }
0x80: {  	_ =	shalt  }
0x81: {  	_ =	shalt  }
0x82: {  	_ =	shalt  }
0x83: {  	_ =	shalt  }
0x84: {  	_ =	shalt  }
0x85: {  	_ =	shalt  }
0x86: {  	_ =	shalt  }
0x87: {  	_ =	shalt  }
.Lfunc_end0:
.L_simem_size_0:
called_computation_lowered:
.L_overlay_start_0:
0x88: {  	s2 =	sld [smem:$0x3FD9]  }
0x89: {  	s3 =	sld [smem:$0x3FFE];
	_ =	sdelay $0x1  }
0x8a: {  	s1 =	srdreg.scid  }
0x8b: {  	s0 =	sand.u32 $0x1, s1  }
0x8c: {  	s17 =	sshll.u32 s0, $0xA;
	s2 =	sadd.s32 s3, s2  }
0x8d: {  	s2 =	sadd.s32 s2, s17  }
0x8e: {  	[smem:$0x3FC6] =	sst s2  }
0x8f: {  	_ = 	snop  }
0x90: {  	s2 =	sld [smem:$0x3FD0];
	(tm) =	ssettm $0x1  }
0x91: {  	s18 =	sld [smem:$0x3FFB];
	_ =	sdelay $0x3  }
0x92: {  	_ =	strace s18  }
0x93: {  	s3 =	sld [smem:$0x3FFC];
	_ =	sdelay $0x3  }
0x94: {  	_ =	strace s3  }
0x95: {  	s3 =	sld [smem:$0x3FFD];
	_ =	sdelay $0x3  }
0x96: {  	_ =	strace s3  }
0x97: {  	_ =	strace $0x8FFFFFFF  }
0x98: {  	s19 =	sld [smem:$0x3FDB];
	_ =	sdelay $0x1  }
0x99: {  	s4 =	simm.s32 $_scs_section_size  }
0x9a: {  	s5 =	simm.s32 $_size__tile_overlayer_lowered;
	s6 =	simm.s32 $_tile_overlayer_lowered  }
0x9b: {  	s22 =	simm.s32 $0x1BFF;
	s21 =	sshll.u32 s6, $0x1;
	s3 =	sadd.s32 s4, s19  }
0x9c: {  	s7 =	simm.s32 $0x0;
	s20 =	sshll.u32 s5, $0x1;
	s5 =	sadd.s32 s21, s3  }
0x9d: {  	[timem:s7], [sflag:s22] =	dma.local [hbm:s5], s20  }
0x9e: {  	_ =	swait.ge [sflag:s22], s20  }
0x9f: {  	s4 =	ssub.s32 $0x0, s20;
	[sflag:s22] =	ssyncset.done $0x0  }
0xa0: {  	[sflag:s22] =	ssyncadd.s32 s4;
	_ =	sdelay $0x1  }
0xa1: {  	s23 =	simm.s32 $0x1B8B  }
0xa2: {  	_ =	swait.ge [sflag:s23], $0x1  }
0xa3: {  	[sflag:s23] =	ssyncset.done $0x0  }
0xa4: {  	s25 =	simm.s32 $0x1B8E;
	s24 =	sld [smem:$0x3FFE];
	[sflag:s23] =	ssyncadd.s32 $0xFFFFFFFF  }
0xa5: {  	s26 =	simm.s32 $execute0_lowered;
	[smem:$0x3FD2] =	sst s25  }
0xa6: {  	s5 =	sshll.u32 s26, $0x1;
	_ =	strace $0x80000046;
	[dreg:$0x1] =	wrdreg $0xFFFFFFFF  }
0xa7: {  	s28 =	simm.s32 $_size_execute0_lowered;
	s3 =	sadd.s32 s3, s5;
	[dreg:$0x0] =	wrdreg $0x0  }
0xa8: {  	s5 =	sshll.u32 s28, $0x1;
	[dreg:$0x2] =	wrdreg s3  }
0xa9: {  	[dreg:$0x3] =	wrdreg s5  }
0xaa: {  	[dreg:$0x4] =	wrdreg $0xC0  }
0xab: {  	_ =	task [dreg:s7], $0x5FFFF  }
0xac: {  	[dreg:$0x1] =	wrdreg $0xFFFFFFFF  }
0xad: {  	[dreg:$0x0] =	wrdreg $0x60  }
0xae: {  	[dreg:$0x2] =	wrdreg s24  }
0xaf: {  	[dreg:$0x3] =	wrdreg s2  }
0xb0: {  	[dreg:$0x4] =	wrdreg $0x9  }
0xb1: {  	_ =	task.clear_ibuf [dreg:s7], $0x5FFFF;
	_ =	strace $0x90000046  }
0xb2: {  	s29 =	simm.s32 $0x9;
	_ =	strace $0x80000048  }
0xb3: {  	_ =	swait.ge [sflag:s29], $0x1  }
0xb4: {  	[sflag:s29] =	ssyncadd.s32 $0xFFFFFFFF  }
0xb5: {  	_ =	strace $0x90000048  }
0xb6: {  	_ =	sfence  }
0xb7: {  	s30 =	sld [smem:$0x0];
	_ =	sdelay $0x2  }
0xb8: {  	s31 =	sshll.u32 s1, $0xD;
	s1 =	sshrl.u32 s1, $0x2  }
0xb9: {  	s3 =	sand.u32 $0x4000, s31;
	s1 =	sadd.s32 s1, s30  }
0xba: {  	s0 =	sor.u32 s3, s0;
	s1 =	sshll.u32 s1, $0x11  }
0xbb: {  	s0 =	sor.u32 s1, s0  }
0xbc: {  	s0 =	sadd.s32 $0x8F2B, s0  }
0xbd: {  	[sflag:s0] =	ssyncadd.remote.s32 $0x1  }
0xbe: {  	_ =	sfence.sel $0xFFFF  }
0xbf: {  	[dreg:$0x0] =	wrdreg $0xFFFFFFFF;
	(pc) =	sbr.abs _section_cstart, $3  }
0xc0: {  	[dreg:$0x1] =	wrdreg $0xFFFFFFFF  }
0xc1: {  	_ =	task.clear_ibuf [dreg:s7], $0x2FFFF;
	_ =	strace $0x9FFFFFFF  }
0xc2: {  	(tm) =	ssettm $0x7FFFFFFF  }
0xc3: {  	_ =	shalt  }
tec
execute0_lowered:
.L_overlay_start_1:
0x0: {  	(tag) =	ssettag $0x1  }
0x1: {  	s4 =	rddreg [dreg:$0x0]  }
0x2: {  	s5 =	rddreg [dreg:$0x1];
	s1 =	simm.s32 $0x0  }
0x3: {  	[smem:$0x7FF] =	sst s1  }
0x4: {  	s0 =	rddreg [dreg:$0x2];
	v0 =	vimm.f32 $5.000000000e+00;
	_ =	strace $0x80000047  }
0x5: {  	(erf) = vrcp.f32 v0  }
0x6: {  	s3 =	srdreg.scid  }
0x7: {  	s2 =	stileid.u32;
	s12 =	simm.s32 $0x10800;
	s13 =	simm.s32 $0x12900  }
0x8: {  	s14 =	simm.s32 $0x0;
	s6 =	sand.u32 $0x1, s3;
	s7 =	sshll.u32 s2, $0x1  }
0x9: {  	s3 =	sadd.s32 $0x2800, s4;
	s7 =	sor.u32 s6, s7;
	s6 =	ssub.s32 $0x2, s6  }
.Ltmp0:
0xa: {  	s8 =	sshll.u32 s7, $0x8;
	s7 =	sshll.u32 s7, $0x4;
	(pc) =	sbr.rel .LBB2_1-.Ltmp0, $4  }
0xb: {  	v4 =	vimm.s32 $0x103FF;
	s31 =	sshrl.u32 s6, $0x1;
	s9 =	sadd.s32 s8, s4;
	s10 =	sadd.s32 s7, s4  }
0xc: {  	s11 =	ssub.s32 s6, s31;
	s4 =	sadd.s32 s5, s8;
	s5 =	sadd.s32 $0x800, s9  }
0xd: {  	s6 =	sadd.s32 $0x4C00, s9;
	s7 =	sadd.s32 $0x6C00, s9;
	s8 =	sadd.s32 $0x4A00, s10  }
0xe: {  	v2 =	vimm.s32 $0x0;
	v3 =	vimm.f32 $0.0e+00;
	v0 =	vlaneseq.u32;
	s9 =	smax.u32 s11, $0x1;
	s10 =	simm.s32 $0x2;
	s11 =	simm.s32 $0x1;
	v1 =	vpop (erf)  }
.LBB2_8:
0xf: {  	[tilespmem:$0x12900] =	vst v3  }
0x10: {  	[hbm4b:s6+s1] =	stream.linear.scatter [tilespmem:s12], [sflag:$0x2], $0x800, $0x38;
	[tilespmem:$0x12980] =	vst v63  }
0x11: {  	_ =	swait.ge [sflag:s10], $0x800  }
0x12: {  	[sflag:s10] =	ssyncset.done $0x0  }
0x13: {  	[sflag:s10] =	ssyncadd.s32 $0xFFFFF800  }
.LBB2_9:
0x14: {  	[hbm4b:s7+s1] =	stream.linear.scatter [tilespmem:s12], [sflag:$0x2], $0x800, $0x38;
	[tilespmem:$0x12980] =	vst v63  }
0x15: {  	s14 =	sadd.s32 $0x1, s14;
	_ =	swait.ge [sflag:s10], $0x800  }
0x16: {  	p0 =	sne.s32 s14, s9;
	[sflag:s10] =	ssyncset.done $0x0  }
.Ltmp1:
0x17: {  	[sflag:s10] =	ssyncadd.s32 $0xFFFFF800;
	(pc) =	sbr.rel @!p0 .LBB2_10-.Ltmp1, $4  }
0x18: {  	[hbm4b:s8+s1] =	stream.linear.scatter [tilespmem:s13], [sflag:$0x2], $0x80, $0x38;
	[tilespmem:$0x12980] =	vst v63  }
0x19: {  	_ =	swait.ge [sflag:s10], $0x80  }
0x1a: {  	[sflag:s10] =	ssyncset.done $0x0  }
0x1b: {  	[sflag:s10] =	ssyncadd.s32 $0xFFFFFF80  }
.LBB2_1:
0x1c: {  	[tilespmem:s1], [sflag:$0x1] =	stream.linear.gather [hbm4b:s3+s1], $0x10800, $0x38;
	[tilespmem:$0x12980] =	vst v63  }
0x1d: {  	_ = 	snop  }
0x1e: {  	[tilespmem:s12], [sflag:$0x2] =	stream.linear.gather [hbm4b:s4+s1], $0x800, $0x38;
	[tilespmem:$0x12980] =	vst v63  }
0x1f: {  	_ =	swait.ge [sflag:s10], $0x800  }
0x20: {  	[sflag:s10] =	ssyncset.done $0x0  }
0x21: {  	s15 =	simm.s32 $0x11000;
	[sflag:s10] =	ssyncadd.s32 $0xFFFFF800  }
0x22: {  	[tilespmem:s15], [sflag:$0x2] =	stream.linear.gather [hbm4b:s5+s1], $0x800, $0x38;
	[tilespmem:$0x12980] =	vst v63  }
0x23: {  	_ =	swait.ge [sflag:s10], $0x800  }
0x24: {  	[sflag:s10] =	ssyncset.done $0x0  }
0x25: {  	[sflag:s10] =	ssyncadd.s32 $0xFFFFF800  }
0x26: {  	v5 =	vld [tilespmem:s15+$0x0];
	_ =	sdelay $0x4  }
0x27: {  	vm0 =	veq.s32 v5, $0x0  }
0x28: {  	v5 =	vsel vm0, $0x1, v2  }
0x29: {  	(xrf0) =	vadd.scan.msk.s32 $0xffff, v5;
	_ =	sdelay $0x2  }
0x2a: {  	v5 =	vld [tilespmem:s12+$0x0];
	_ =	sdelay $0x2  }
0x2b: {  	v6, _, _ =	vpop (xrf0)  }
0x2c: {  	(v2sf) =	vpush v6, $0xF  }
0x2d: {  	[tilespmem:s1+$0x11800] =	vst.msk vm0, v5;
	v5 =	vor.u32 s1, v0  }
0x2e: {  	s18 =	simm.s32 $0x11010;
	s19 =	simm.s32 $0x20;
	[tilespmem:s1+$0x12080] =	vst.msk vm0, v5  }
0x2f: {  	s17 =	simm.s32 $0x10800;
	s16 =	simm.s32 $0x0;
	s15 =	simm.s32 $0x10;
	v5 =	vld [tilespmem:s18+$0x0]  }
.LBB2_2:
0x30: {  	p0 =	sne.s32 s19, $0x7F0;
	_ =	sdelay $0x3  }
0x31: {  	vm0 =	veq.s32 v5, $0x0  }
0x32: {  	v5 =	vsel vm0, $0x1, v2  }
0x33: {  	(xrf0) =	vadd.scan.msk.s32 $0xffff, v5  }
0x34: {  	s17 =	sadd.s32 $0x10, s17  }
0x35: {  	v5 =	vld [tilespmem:s17+$0x0];
	_ =	sdelay $0x2  }
0x36: {  	s20 =	spop (v2sf)  }
.Ltmp2:
0x37: {  	v6, _, _ =	vpop (xrf0);
	s16 =	sadd.s32 s16, s20;
	(pc) =	sbr.rel @p0 .LBB2_2-.Ltmp2, $4  }
0x38: {  	[tilespmem:s16+$0x11800] =	vst.msk vm0, v5;
	v5 =	vor.u32 s15, v0;
	(v2sf) =	vpush v6, $0xF;
	s15 =	smov.u32 s19  }
0x39: {  	[tilespmem:s16+$0x12080] =	vst.msk vm0, v5  }
0x3a: {  	s18 =	sadd.s32 $0x10, s18  }
0x3b: {  	s19 =	sadd.s32 $0x10, s19;
	v5 =	vld [tilespmem:s18+$0x0]  }
0x3c: {  	_ =	sdelay $0x3  }
0x3d: {  	vm0 =	veq.s32 v5, $0x0  }
0x3e: {  	v5 =	vsel vm0, $0x1, v2  }
0x3f: {  	(xrf0) =	vadd.scan.msk.s32 $0xffff, v5;
	_ =	sdelay $0x5  }
0x40: {  	v5, _, _ =	vpop (xrf0)  }
0x41: {  	(v2sf) =	vpush v5, $0xF;
	_ =	sdelay $0xd  }
0x42: {  	s18 =	spop (v2sf)  }
0x43: {  	s28 =	sadd.s32 s16, s18;
	s29 =	spop (v2sf)  }
0x44: {  	s16 =	sadd.s32 s28, s29  }
0x45: {  	s17 =	sadd.s32 $0x10, s17;
	s30 =	sadd.s32 $0xF, s16  }
0x46: {  	v5 =	vld [tilespmem:s17+$0x0];
	s19 =	sand.u32 $0xF, s30  }
0x47: {  	s31 =	sshra.s32 s30, $0x1F;
	p1 =	slt.s32 s30, $0x1;
	p0 =	sne.s32 s19, $0x0  }
0x48: {  	v6 =	vor.u32 s15, v0;
	s15 =	sshrl.u32 s31, $0x1C;
	p0 =	por !p1, !p0  }
0x49: {  	s17 =	simm.s32 $0x1;
	s15 =	sadd.s32 s15, s30;
	p0 =	por !p0, !p0  }
0x4a: {  	s15 =	sshra.s32 s15, $0x4;
	s17 =	simm.s32 @!p0 $0x0  }
0x4b: {  	[tilespmem:s28+$0x11800] =	vst.msk vm0, v5;
	s15 =	ssub.s32 s15, s17  }
0x4c: {  	[tilespmem:s28+$0x12080] =	vst.msk vm0, v6;
	p0 =	slt.s32 s15, $0x1  }
.Ltmp3:
0x4d: {  	[tilespmem:s16+$0x11800] =	vst v3;
	(pc) =	sbr.rel @p0 .LBB2_8-.Ltmp3, $4  }
0x4e: {  	[tilespmem:s16+$0x12080] =	vst v2  }
0x4f: {  	_ =	swait.ge [sflag:s11], $0x10800  }
0x50: {  	[sflag:s11] =	ssyncset.done $0x0  }
0x51: {  	[sflag:s11] =	ssyncadd.s32 $0xFFFEF800  }
0x52: {  	v5 =	vmov s16;
	s16 =	simm.s32 $0x11800  }
0x53: {  	v6 =	vimm.f32 $0.0e+00;
	s17 =	simm.s32 $0x12080;
	s18 =	simm.s32 $0x0;
	s19 =	smov.u32 s15  }
.LBB2_5:
0x54: {  	v7 =	vld [tilespmem:s16+$0x0]  }
0x55: {  	v8 =	vld.idx.msk [tilespmem:v4+s1+$0x0], $0xffff;
	_ =	sdelay $0x4  }
0x56: {  	vm0 =	vlt.f32 v8, v7  }
0x57: {  	v8 =	vsel vm0, $0x10000, v2  }
0x58: {  	v9 =	vor.u32 $0x8000, v8  }
0x59: {  	v9 =	vmin.u32 v9, $0x10000  }
0x5a: {  	v10 =	vor.u32 $0x3FF, v9;
	_ =	sdelay $0x4  }
0x5b: {  	v10 =	vld.idx.msk [tilespmem:v10+s1+$0x0], $0xffff;
	_ =	sdelay $0x4  }
0x5c: {  	vm7 =	vlt.f32 v10, v7  }
0x5d: {  	v8 =	vsel vm7, v9, v8  }
0x5e: {  	v9 =	vor.u32 $0x4000, v8  }
0x5f: {  	v9 =	vmin.u32 v9, $0x10000  }
0x60: {  	v31 =	vor.u32 $0x3FF, v9;
	_ =	sdelay $0x4  }
0x61: {  	v10 =	vld.idx.msk [tilespmem:v31+s1+$0x0], $0xffff;
	_ =	sdelay $0x4  }
0x62: {  	vm8 =	vlt.f32 v10, v7  }
0x63: {  	v8 =	vsel vm8, v9, v8  }
0x64: {  	v9 =	vmin.u32 v8, $0xE000  }
0x65: {  	v32 =	vadd.s32 $0x23FF, v9;
	_ =	sdelay $0x4  }
0x66: {  	v10 =	vld.idx.msk [tilespmem:v32+s1+$0x0], $0xffff;
	_ =	sdelay $0x4  }
0x67: {  	v9 =	vadd.s32 $0x2000, v9;
	vm9 =	vlt.f32 v10, v7  }
0x68: {  	v8 =	vsel vm9, v9, v8  }
0x69: {  	v9 =	vmin.u32 v8, $0xF000  }
0x6a: {  	v33 =	vadd.s32 $0x13FF, v9;
	_ =	sdelay $0x4  }
0x6b: {  	v10 =	vld.idx.msk [tilespmem:v33+s1+$0x0], $0xffff;
	_ =	sdelay $0x4  }
0x6c: {  	v9 =	vadd.s32 $0x1000, v9;
	vm10 =	vlt.f32 v10, v7  }
0x6d: {  	v8 =	vsel vm10, v9, v8  }
0x6e: {  	v9 =	vmin.u32 v8, $0xF800  }
0x6f: {  	v34 =	vadd.s32 $0xBFF, v9;
	_ =	sdelay $0x4  }
0x70: {  	v10 =	vld.idx.msk [tilespmem:v34+s1+$0x0], $0xffff;
	_ =	sdelay $0x4  }
0x71: {  	v9 =	vadd.s32 $0x800, v9;
	vm11 =	vlt.f32 v10, v7  }
0x72: {  	v8 =	vsel vm11, v9, v8  }
0x73: {  	v9 =	vmin.u32 v8, $0xFC00  }
0x74: {  	v35 =	vadd.s32 $0x7FF, v9;
	_ =	sdelay $0x4  }
0x75: {  	v10 =	vld.idx.msk [tilespmem:v35+s1+$0x0], $0xffff;
	_ =	sdelay $0x4  }
0x76: {  	v9 =	vadd.s32 $0x400, v9;
	vm12 =	vlt.f32 v10, v7  }
0x77: {  	v8 =	vsel vm12, v9, v8  }
0x78: {  	v9 =	vmin.u32 v8, $0xFE00  }
0x79: {  	v36 =	vadd.s32 $0x5FF, v9;
	_ =	sdelay $0x4  }
0x7a: {  	v10 =	vld.idx.msk [tilespmem:v36+s1+$0x0], $0xffff;
	_ =	sdelay $0x4  }
0x7b: {  	v9 =	vadd.s32 $0x200, v9;
	vm13 =	vlt.f32 v10, v7  }
0x7c: {  	v8 =	vsel vm13, v9, v8  }
0x7d: {  	v9 =	vmin.u32 v8, $0xFF00  }
0x7e: {  	v37 =	vadd.s32 $0x4FF, v9;
	_ =	sdelay $0x4  }
0x7f: {  	v10 =	vld.idx.msk [tilespmem:v37+s1+$0x0], $0xffff;
	_ =	sdelay $0x4  }
0x80: {  	v9 =	vadd.s32 $0x100, v9;
	vm14 =	vlt.f32 v10, v7  }
0x81: {  	v8 =	vsel vm14, v9, v8  }
0x82: {  	v9 =	vmin.u32 v8, $0xFF80  }
0x83: {  	v38 =	vadd.s32 $0x47F, v9;
	_ =	sdelay $0x4  }
0x84: {  	v10 =	vld.idx.msk [tilespmem:v38+s1+$0x0], $0xffff;
	_ =	sdelay $0x4  }
0x85: {  	v9 =	vadd.s32 $0x80, v9;
	vm15 =	vlt.f32 v10, v7  }
0x86: {  	v8 =	vsel vm15, v9, v8  }
0x87: {  	v9 =	vmin.u32 v8, $0xFFC0  }
0x88: {  	v39 =	vadd.s32 $0x43F, v9;
	_ =	sdelay $0x4  }
0x89: {  	v10 =	vld.idx.msk [tilespmem:v39+s1+$0x0], $0xffff;
	_ =	sdelay $0x4  }
0x8a: {  	v9 =	vadd.s32 $0x40, v9;
	vm4 =	vlt.f32 v10, v7  }
0x8b: {  	v8 =	vsel vm4, v9, v8  }
0x8c: {  	v9 =	vmin.u32 v8, $0xFFE0  }
0x8d: {  	v40 =	vadd.s32 $0x41F, v9;
	_ =	sdelay $0x4  }
0x8e: {  	v10 =	vld.idx.msk [tilespmem:v40+s1+$0x0], $0xffff;
	_ =	sdelay $0x4  }
0x8f: {  	v9 =	vadd.s32 $0x20, v9;
	vm5 =	vlt.f32 v10, v7  }
0x90: {  	v8 =	vsel vm5, v9, v8  }
0x91: {  	v9 =	vmin.u32 v8, $0xFFF0  }
0x92: {  	v41 =	vadd.s32 $0x40F, v9;
	_ =	sdelay $0x4  }
0x93: {  	v10 =	vld.idx.msk [tilespmem:v41+s1+$0x0], $0xffff;
	_ =	sdelay $0x4  }
0x94: {  	v9 =	vadd.s32 $0x10, v9;
	vm6 =	vlt.f32 v10, v7  }
0x95: {  	v8 =	vsel vm6, v9, v8  }
0x96: {  	v9 =	vmin.u32 v8, $0xFFF8  }
0x97: {  	v42 =	vadd.s32 $0x407, v9;
	_ =	sdelay $0x4  }
0x98: {  	v10 =	vld.idx.msk [tilespmem:v42+s1+$0x0], $0xffff;
	_ =	sdelay $0x4  }
0x99: {  	v9 =	vadd.s32 $0x8, v9;
	vm7 =	vlt.f32 v10, v7  }
0x9a: {  	v8 =	vsel vm7, v9, v8  }
0x9b: {  	v9 =	vmin.u32 v8, $0xFFFC  }
0x9c: {  	v43 =	vadd.s32 $0x403, v9;
	_ =	sdelay $0x4  }
0x9d: {  	v10 =	vld.idx.msk [tilespmem:v43+s1+$0x0], $0xffff;
	_ =	sdelay $0x4  }
0x9e: {  	v9 =	vadd.s32 $0x4, v9;
	vm8 =	vlt.f32 v10, v7  }
0x9f: {  	v8 =	vsel vm8, v9, v8  }
0xa0: {  	v9 =	vmin.u32 v8, $0xFFFE  }
0xa1: {  	v44 =	vadd.s32 $0x401, v9;
	_ =	sdelay $0x4  }
0xa2: {  	v10 =	vld.idx.msk [tilespmem:v44+s1+$0x0], $0xffff;
	_ =	sdelay $0x4  }
0xa3: {  	v9 =	vadd.s32 $0x2, v9;
	vm9 =	vlt.f32 v10, v7  }
0xa4: {  	v8 =	vsel vm9, v9, v8  }
0xa5: {  	v9 =	vmin.u32 v8, $0xFFFF  }
0xa6: {  	v45 =	vadd.s32 $0x400, v9;
	_ =	sdelay $0x4  }
0xa7: {  	v10 =	vld.idx.msk [tilespmem:v45+s1+$0x0], $0xffff;
	_ =	sdelay $0x4  }
0xa8: {  	v9 =	vadd.s32 $0x1, v9;
	vm10 =	vlt.f32 v10, v7  }
0xa9: {  	v8 =	vsel vm10, v9, v8  }
0xaa: {  	v9 =	vadd.s32 $0x3FF, v8  }
0xab: {  	v46 =	vadd.s32 $0x400, v8;
	_ =	sdelay $0x3  }
0xac: {  	v11 =	vld.idx.msk [tilespmem:v9+s1+$0x0], $0xffff  }
0xad: {  	v12 =	vld.idx.msk [tilespmem:v46+s1+$0x0], $0xffff;
	_ =	sdelay $0x4  }
0xae: {  	v13 =	vsub.f32 v7, v11;
	v14 =	vsub.f32 v12, v7;
	_ =	sdelay $0x1  }
0xaf: {  	v47 =	vadd.s32 $0x3FE, v8;
	vm11 =	vle.f32 v13, v14  }
0xb0: {  	v8 =	vadd.s32 $0x401, v8;
	v9 =	vsel vm11, v47, v9  }
0xb1: {  	v8 =	vsel vm11, v46, v8;
	_ =	sdelay $0x3  }
0xb2: {  	v48 =	vld.idx.msk [tilespmem:v9+s1+$0x0], $0xffff  }
0xb3: {  	v49 =	vld.idx.msk [tilespmem:v8+s1+$0x0], $0xffff;
	_ =	sdelay $0x4  }
0xb4: {  	v50 =	vsub.f32 v7, v48;
	v15 =	vsub.f32 v49, v7;
	_ =	sdelay $0x1  }
0xb5: {  	vm1 =	vle.f32 v50, v15  }
0xb6: {  	vm2 =	vmneg vm1;
	v14 =	vsel vm1, $0xFFFFFFFF, v2  }
0xb7: {  	v9 =	vadd.s32 v14, v9;
	v51 =	vsel vm2, $0x1, v2  }
0xb8: {  	v8 =	vadd.s32 v51, v8;
	_ =	sdelay $0x3  }
0xb9: {  	v52 =	vld.idx.msk [tilespmem:v9+s1+$0x0], $0xffff  }
0xba: {  	v53 =	vld.idx.msk [tilespmem:v8+s1+$0x0], $0xffff;
	_ =	sdelay $0x4  }
0xbb: {  	v16 =	vsub.f32 v7, v52;
	v17 =	vsub.f32 v53, v7;
	_ =	sdelay $0x1  }
0xbc: {  	vm12 =	vle.f32 v16, v17  }
0xbd: {  	vm3 =	vmneg vm12;
	v16 =	vsel vm12, $0xFFFFFFFF, v2  }
0xbe: {  	v9 =	vadd.s32 v16, v9;
	v54 =	vsel vm3, $0x1, v2  }
0xbf: {  	v8 =	vadd.s32 v54, v8;
	_ =	sdelay $0x3  }
0xc0: {  	v55 =	vld.idx.msk [tilespmem:v9+s1+$0x0], $0xffff  }
0xc1: {  	v56 =	vld.idx.msk [tilespmem:v8+s1+$0x0], $0xffff;
	_ =	sdelay $0x4  }
0xc2: {  	v18 =	vsub.f32 v7, v55;
	v19 =	vsub.f32 v56, v7;
	_ =	sdelay $0x1  }
0xc3: {  	vm13 =	vle.f32 v18, v19  }
0xc4: {  	vm4 =	vmneg vm13;
	v18 =	vsel vm13, $0xFFFFFFFF, v2  }
0xc5: {  	v57 =	vsel vm4, $0x1, v2;
	v9 =	vadd.s32 v18, v9  }
0xc6: {  	v8 =	vadd.s32 v57, v8;
	_ =	sdelay $0x3  }
0xc7: {  	v11 =	vsel vm11, v11, v12;
	v9 =	vld.idx.msk [tilespmem:v9+s1+$0x0], $0xffff  }
0xc8: {  	v11 =	vadd.f32 $0.0e+00, v11;
	v8 =	vld.idx.msk [tilespmem:v8+s1+$0x0], $0xffff  }
0xc9: {  	v10 =	vsel vm1, v48, v49  }
0xca: {  	v10 =	vadd.f32 v10, v11  }
0xcb: {  	v58 =	vsel vm12, v52, v53  }
0xcc: {  	v10 =	vadd.f32 v58, v10  }
0xcd: {  	v59 =	vsub.f32 v7, v9;
	v60 =	vsub.f32 v8, v7  }
0xce: {  	v61 =	vsel vm13, v55, v56  }
0xcf: {  	v10 =	vadd.f32 v61, v10;
	vm14 =	vle.f32 v59, v60  }
0xd0: {  	v8 =	vsel vm14, v9, v8  }
0xd1: {  	v62 =	vld [tilespmem:s17+$0x0];
	v8 =	vadd.f32 v8, v10  }
0xd2: {  	v63 =	vor.u32 s18, v0  }
0xd3: {  	vm15 =	vlt.s32 v63, v5;
	v8 =	vmul.f32 v8, v1  }
0xd4: {  	p0 =	sne.s32 s19, $0x1  }
.Ltmp4:
0xd5: {  	v7 =	vsub.f32 v8, v7;
	(pc) =	sbr.rel @p0 .LBB2_5-.Ltmp4, $4  }
0xd6: {  	_ = 	snop  }
0xd7: {  	v7 =	vand.u32 $0x7FFFFFFF, v7  }
0xd8: {  	s16 =	sadd.s32 $0x10, s16;
	v7 =	vnsel vm15, $0x0, v7  }
0xd9: {  	s17 =	sadd.s32 $0x10, s17;
	s18 =	sadd.s32 $0x10, s18;
	s19 =	sadd.s32 $0xFFFFFFFF, s19;
	[tilespmem:v62+s12+$0x0] =	vst.idx.msk vm15, v8;
	v6 =	vadd.f32 v7, v6  }
0xda: {  	_ = 	snop  }
0xdb: {  	s16 =	simm.s32 $0x0;
	[tilespmem:$0x12900] =	vst v6  }
0xdc: {  	[hbm4b:s6+s16] =	stream.linear.scatter [tilespmem:s12], [sflag:$0x2], $0x800, $0x38;
	[tilespmem:$0x12980] =	vst v63  }
0xdd: {  	_ =	swait.ge [sflag:s10], $0x800  }
0xde: {  	[sflag:s10] =	ssyncset.done $0x0  }
0xdf: {  	s17 =	simm.s32 $0x12080;
	[sflag:s10] =	ssyncadd.s32 $0xFFFFF800  }
.LBB2_7:
0xe0: {  	v6 =	vld [tilespmem:s17+$0x0];
	_ =	sdelay $0x6  }
0xe1: {  	v8 =	vld.idx.msk [tilespmem:v4+s1+$0x0], $0xffff  }
0xe2: {  	v7 =	vld.idx.msk [tilespmem:v6+s12+$0x0], $0xffff;
	_ =	sdelay $0x4  }
0xe3: {  	vm0 =	vlt.f32 v8, v7  }
0xe4: {  	v8 =	vsel vm0, $0x10000, v2  }
0xe5: {  	v9 =	vor.u32 $0x8000, v8  }
0xe6: {  	v9 =	vmin.u32 v9, $0x10000  }
0xe7: {  	v10 =	vor.u32 $0x3FF, v9;
	_ =	sdelay $0x4  }
0xe8: {  	v10 =	vld.idx.msk [tilespmem:v10+s1+$0x0], $0xffff;
	_ =	sdelay $0x4  }
0xe9: {  	vm7 =	vlt.f32 v10, v7  }
0xea: {  	v8 =	vsel vm7, v9, v8  }
0xeb: {  	v9 =	vor.u32 $0x4000, v8  }
0xec: {  	v9 =	vmin.u32 v9, $0x10000  }
0xed: {  	v33 =	vor.u32 $0x3FF, v9;
	_ =	sdelay $0x4  }
0xee: {  	v10 =	vld.idx.msk [tilespmem:v33+s1+$0x0], $0xffff;
	_ =	sdelay $0x4  }
0xef: {  	vm8 =	vlt.f32 v10, v7  }
0xf0: {  	v8 =	vsel vm8, v9, v8  }
0xf1: {  	v9 =	vmin.u32 v8, $0xE000  }
0xf2: {  	v34 =	vadd.s32 $0x23FF, v9;
	_ =	sdelay $0x4  }
0xf3: {  	v10 =	vld.idx.msk [tilespmem:v34+s1+$0x0], $0xffff;
	_ =	sdelay $0x4  }
0xf4: {  	v9 =	vadd.s32 $0x2000, v9;
	vm9 =	vlt.f32 v10, v7  }
0xf5: {  	v8 =	vsel vm9, v9, v8  }
0xf6: {  	v9 =	vmin.u32 v8, $0xF000  }
0xf7: {  	v35 =	vadd.s32 $0x13FF, v9;
	_ =	sdelay $0x4  }
0xf8: {  	v10 =	vld.idx.msk [tilespmem:v35+s1+$0x0], $0xffff;
	_ =	sdelay $0x4  }
0xf9: {  	v9 =	vadd.s32 $0x1000, v9;
	vm10 =	vlt.f32 v10, v7  }
0xfa: {  	v8 =	vsel vm10, v9, v8  }
0xfb: {  	v9 =	vmin.u32 v8, $0xF800  }
0xfc: {  	v36 =	vadd.s32 $0xBFF, v9;
	_ =	sdelay $0x4  }
0xfd: {  	v10 =	vld.idx.msk [tilespmem:v36+s1+$0x0], $0xffff;
	_ =	sdelay $0x4  }
0xfe: {  	v9 =	vadd.s32 $0x800, v9;
	vm11 =	vlt.f32 v10, v7  }
0xff: {  	v8 =	vsel vm11, v9, v8  }
0x100: {  	v9 =	vmin.u32 v8, $0xFC00  }
0x101: {  	v37 =	vadd.s32 $0x7FF, v9;
	_ =	sdelay $0x4  }
0x102: {  	v10 =	vld.idx.msk [tilespmem:v37+s1+$0x0], $0xffff;
	_ =	sdelay $0x4  }
0x103: {  	v9 =	vadd.s32 $0x400, v9;
	vm12 =	vlt.f32 v10, v7  }
0x104: {  	v8 =	vsel vm12, v9, v8  }
0x105: {  	v9 =	vmin.u32 v8, $0xFE00  }
0x106: {  	v38 =	vadd.s32 $0x5FF, v9;
	_ =	sdelay $0x4  }
0x107: {  	v10 =	vld.idx.msk [tilespmem:v38+s1+$0x0], $0xffff;
	_ =	sdelay $0x4  }
0x108: {  	v9 =	vadd.s32 $0x200, v9;
	vm13 =	vlt.f32 v10, v7  }
0x109: {  	v8 =	vsel vm13, v9, v8  }
0x10a: {  	v9 =	vmin.u32 v8, $0xFF00  }
0x10b: {  	v39 =	vadd.s32 $0x4FF, v9;
	_ =	sdelay $0x4  }
0x10c: {  	v10 =	vld.idx.msk [tilespmem:v39+s1+$0x0], $0xffff;
	_ =	sdelay $0x4  }
0x10d: {  	v9 =	vadd.s32 $0x100, v9;
	vm14 =	vlt.f32 v10, v7  }
0x10e: {  	v8 =	vsel vm14, v9, v8  }
0x10f: {  	v9 =	vmin.u32 v8, $0xFF80  }
0x110: {  	v40 =	vadd.s32 $0x47F, v9;
	_ =	sdelay $0x4  }
0x111: {  	v10 =	vld.idx.msk [tilespmem:v40+s1+$0x0], $0xffff;
	_ =	sdelay $0x4  }
0x112: {  	v9 =	vadd.s32 $0x80, v9;
	vm15 =	vlt.f32 v10, v7  }
0x113: {  	v8 =	vsel vm15, v9, v8  }
0x114: {  	v9 =	vmin.u32 v8, $0xFFC0  }
0x115: {  	v41 =	vadd.s32 $0x43F, v9;
	_ =	sdelay $0x4  }
0x116: {  	v10 =	vld.idx.msk [tilespmem:v41+s1+$0x0], $0xffff;
	_ =	sdelay $0x4  }
0x117: {  	v9 =	vadd.s32 $0x40, v9;
	vm4 =	vlt.f32 v10, v7  }
0x118: {  	v8 =	vsel vm4, v9, v8  }
0x119: {  	v9 =	vmin.u32 v8, $0xFFE0  }
0x11a: {  	v42 =	vadd.s32 $0x41F, v9;
	_ =	sdelay $0x4  }
0x11b: {  	v10 =	vld.idx.msk [tilespmem:v42+s1+$0x0], $0xffff;
	_ =	sdelay $0x4  }
0x11c: {  	v9 =	vadd.s32 $0x20, v9;
	vm5 =	vlt.f32 v10, v7  }
0x11d: {  	v8 =	vsel vm5, v9, v8  }
0x11e: {  	v9 =	vmin.u32 v8, $0xFFF0  }
0x11f: {  	v43 =	vadd.s32 $0x40F, v9;
	_ =	sdelay $0x4  }
0x120: {  	v10 =	vld.idx.msk [tilespmem:v43+s1+$0x0], $0xffff;
	_ =	sdelay $0x4  }
0x121: {  	v9 =	vadd.s32 $0x10, v9;
	vm6 =	vlt.f32 v10, v7  }
0x122: {  	v8 =	vsel vm6, v9, v8  }
0x123: {  	v9 =	vmin.u32 v8, $0xFFF8  }
0x124: {  	v44 =	vadd.s32 $0x407, v9;
	_ =	sdelay $0x4  }
0x125: {  	v10 =	vld.idx.msk [tilespmem:v44+s1+$0x0], $0xffff;
	_ =	sdelay $0x4  }
0x126: {  	v9 =	vadd.s32 $0x8, v9;
	vm7 =	vlt.f32 v10, v7  }
0x127: {  	v8 =	vsel vm7, v9, v8  }
0x128: {  	v9 =	vmin.u32 v8, $0xFFFC  }
0x129: {  	v45 =	vadd.s32 $0x403, v9;
	_ =	sdelay $0x4  }
0x12a: {  	v10 =	vld.idx.msk [tilespmem:v45+s1+$0x0], $0xffff;
	_ =	sdelay $0x4  }
0x12b: {  	v9 =	vadd.s32 $0x4, v9;
	vm8 =	vlt.f32 v10, v7  }
0x12c: {  	v8 =	vsel vm8, v9, v8  }
0x12d: {  	v9 =	vmin.u32 v8, $0xFFFE  }
0x12e: {  	v46 =	vadd.s32 $0x401, v9;
	_ =	sdelay $0x4  }
0x12f: {  	v10 =	vld.idx.msk [tilespmem:v46+s1+$0x0], $0xffff;
	_ =	sdelay $0x4  }
0x130: {  	v9 =	vadd.s32 $0x2, v9;
	vm9 =	vlt.f32 v10, v7  }
0x131: {  	v8 =	vsel vm9, v9, v8  }
0x132: {  	v9 =	vmin.u32 v8, $0xFFFF  }
0x133: {  	v47 =	vadd.s32 $0x400, v9;
	_ =	sdelay $0x4  }
0x134: {  	v10 =	vld.idx.msk [tilespmem:v47+s1+$0x0], $0xffff;
	_ =	sdelay $0x4  }
0x135: {  	v9 =	vadd.s32 $0x1, v9;
	vm10 =	vlt.f32 v10, v7  }
0x136: {  	v8 =	vsel vm10, v9, v8  }
0x137: {  	v9 =	vadd.s32 $0x3FF, v8  }
0x138: {  	v48 =	vadd.s32 $0x400, v8;
	_ =	sdelay $0x3  }
0x139: {  	v11 =	vld.idx.msk [tilespmem:v9+s1+$0x0], $0xffff  }
0x13a: {  	v12 =	vld.idx.msk [tilespmem:v48+s1+$0x0], $0xffff;
	_ =	sdelay $0x4  }
0x13b: {  	v13 =	vsub.f32 v7, v11;
	v14 =	vsub.f32 v12, v7;
	_ =	sdelay $0x1  }
0x13c: {  	v49 =	vadd.s32 $0x3FE, v8;
	vm11 =	vle.f32 v13, v14  }
0x13d: {  	v8 =	vadd.s32 $0x401, v8;
	v9 =	vsel vm11, v49, v9  }
0x13e: {  	v8 =	vsel vm11, v48, v8;
	_ =	sdelay $0x3  }
0x13f: {  	v50 =	vld.idx.msk [tilespmem:v9+s1+$0x0], $0xffff  }
0x140: {  	v51 =	vld.idx.msk [tilespmem:v8+s1+$0x0], $0xffff;
	_ =	sdelay $0x4  }
0x141: {  	v52 =	vsub.f32 v7, v50;
	v15 =	vsub.f32 v51, v7;
	_ =	sdelay $0x1  }
0x142: {  	vm1 =	vle.f32 v52, v15  }
0x143: {  	vm2 =	vmneg vm1;
	v14 =	vsel vm1, $0xFFFFFFFF, v2  }
0x144: {  	v9 =	vadd.s32 v14, v9;
	v53 =	vsel vm2, $0x1, v2  }
0x145: {  	v8 =	vadd.s32 v53, v8;
	_ =	sdelay $0x3  }
0x146: {  	v54 =	vld.idx.msk [tilespmem:v9+s1+$0x0], $0xffff  }
0x147: {  	v55 =	vld.idx.msk [tilespmem:v8+s1+$0x0], $0xffff;
	_ =	sdelay $0x4  }
0x148: {  	v16 =	vsub.f32 v7, v54;
	v17 =	vsub.f32 v55, v7;
	_ =	sdelay $0x1  }
0x149: {  	vm12 =	vle.f32 v16, v17  }
0x14a: {  	vm3 =	vmneg vm12;
	v16 =	vsel vm12, $0xFFFFFFFF, v2  }
0x14b: {  	v9 =	vadd.s32 v16, v9;
	v56 =	vsel vm3, $0x1, v2  }
0x14c: {  	v8 =	vadd.s32 v56, v8;
	_ =	sdelay $0x3  }
0x14d: {  	v57 =	vld.idx.msk [tilespmem:v9+s1+$0x0], $0xffff  }
0x14e: {  	v58 =	vld.idx.msk [tilespmem:v8+s1+$0x0], $0xffff;
	_ =	sdelay $0x4  }
0x14f: {  	v18 =	vsub.f32 v7, v57;
	v19 =	vsub.f32 v58, v7;
	_ =	sdelay $0x1  }
0x150: {  	vm13 =	vle.f32 v18, v19  }
0x151: {  	vm4 =	vmneg vm13;
	v18 =	vsel vm13, $0xFFFFFFFF, v2  }
0x152: {  	v59 =	vsel vm4, $0x1, v2;
	v9 =	vadd.s32 v18, v9  }
0x153: {  	v8 =	vadd.s32 v59, v8;
	_ =	sdelay $0x3  }
0x154: {  	v11 =	vsel vm11, v11, v12;
	v9 =	vld.idx.msk [tilespmem:v9+s1+$0x0], $0xffff  }
0x155: {  	v11 =	vadd.f32 $0.0e+00, v11;
	v8 =	vld.idx.msk [tilespmem:v8+s1+$0x0], $0xffff  }
0x156: {  	v10 =	vsel vm1, v50, v51  }
0x157: {  	v10 =	vadd.f32 v10, v11  }
0x158: {  	v60 =	vsel vm12, v54, v55  }
0x159: {  	v10 =	vadd.f32 v60, v10  }
0x15a: {  	v61 =	vsub.f32 v7, v9;
	v7 =	vsub.f32 v8, v7  }
0x15b: {  	v62 =	vor.u32 s16, v0;
	v63 =	vsel vm13, v57, v58  }
0x15c: {  	vm14 =	vlt.s32 v62, v5;
	v10 =	vadd.f32 v63, v10;
	vm15 =	vle.f32 v61, v7  }
0x15d: {  	p0 =	seq.s32 s15, $0x1;
	v7 =	vsel vm15, v9, v8  }
.Ltmp5:
0x15e: {  	v7 =	vadd.f32 v7, v10;
	(pc) =	sbr.rel @!p0 .LBB2_7-.Ltmp5, $3  }
0x15f: {  	_ = 	snop  }
0x160: {  	v7 =	vmul.f32 v7, v1;
	_ =	sdelay $0x1  }
0x161: {  	s17 =	sadd.s32 $0x10, s17;
	s16 =	sadd.s32 $0x10, s16;
	s15 =	sadd.s32 $0xFFFFFFFF, s15;
	[tilespmem:v6+s12+$0x0] =	vst.idx.msk vm14, v7  }
.Ltmp6:
0x162: {  	_ = 	snop;
	(pc) =	sbr.rel .LBB2_9-.Ltmp6, $1  }
0x163: {  	_ =	sdelay $0x3  }
.LBB2_10:
0x164: {  	_ =	sfence.sel $0x180000  }
0x165: {  	[bflag:$0x0] =	sbarrier.arrive $0xFFFF  }
0x166: {  	p0 =	sne.s32 s2, $0x0;
	_ =	strace $0x90000047  }
0x167: {  	s0 =	sadd.s32 @!p0 $0x100000, s0;
	[bflag:$0x2] =	sbarrier.arrive $0xFFFF  }
0x168: {  	[sflag:s0] =	ssyncadd.tile.s32 @!p0 $0x1;
	_ =	shalt  }
.Lfunc_end2:
_tile_overlayer_lowered:
.L_overlay_start_2:
0x169: {  	(tag) =	ssettag $0x2  }
0x16a: {  	s0 =	rddreg [dreg:$0x0];
	s2 =	stileid.u32  }
0x16b: {  	s1 =	rddreg [dreg:$0x1];
	p0 =	sne.s32 s2, $0x0  }
0x16c: {  	s3 =	rddreg [dreg:$0x2];
	[bflag:$0x3] =	sbarrier.arrive $0xFFFF;
	s2 =	simm.s32 @!p0 $0x1C02  }
0x16d: {  	[timem:s3], [sflag:s2] =	dma.local @!p0 [hbm:s0], s1  }
0x16e: {  	s0 =	simm.s32 @!p0 $0x2  }
0x16f: {  	_ =	swait.ge @!p0 [sflag:s0], s1  }
0x170: {  	s1 =	ssub.s32 @!p0 $0x0, s1;
	[sflag:s0] =	ssyncset.done @!p0 $0x0  }
0x171: {  	[sflag:s0] =	ssyncadd.s32 @!p0 s1  }
0x172: {  	[bflag:$0x3] =	sbarrier.arrive $0xFFFF  }
0x173: {  	_ =	shalt  }

</sc_bundles>
